<compile_context>
chip_gen: v7x
topology: tpu7x:2x2x1
jax: 0.10.2.dev20260603
libtpu: 0.0.44.dev20260713+nightly
codegen_flags: <defaults>
</compile_context>

<pallas_src>
import jax
import jax.numpy as jnp
from jax import lax
from jax.experimental import pallas as pl
from jax.experimental.pallas import tpu as pltpu
from jax.experimental.pallas import tpu_sc as plsc

_N = 10000
_E = 160000
_D = 256
_H = 256
_C = 64

_NC, _NS = 2, 16
_BLK = 128
_NPAD = 10240
_RPT = _NPAD // _NS
_EPAD = 163840
_NB32 = _EPAD // (_NC * _NS * _BLK)

_MB = 256
_GRID = _NPAD // _MB

_sc_mesh = plsc.VectorSubcoreMesh(core_axis_name="c", subcore_axis_name="s")


def _fill_const(ref, rows, cols, value):
    @pl.loop(0, rows)
    def _(i):
        for cc in range(cols // 16):
            ref[i, pl.ds(cc * 16, 16)] = jnp.full((16,), value, jnp.float32)


def _deg_body(dst_hbm, degp_hbm, idx_v, ones_v, zero_v, acc_sh):
    cid = lax.axis_index("c")
    sid = lax.axis_index("s")
    _fill_const(ones_v, _BLK, 16, 1.0)
    _fill_const(zero_v, _BLK, 16, 0.0)

    @pl.loop(0, _RPT // _BLK)
    def _(k):
        pltpu.sync_copy(zero_v, acc_sh.at[pl.ds(sid * _RPT + k * _BLK, _BLK)])

    plsc.subcore_barrier()
    w = sid * _NC + cid
    pltpu.sync_copy(dst_hbm.at[w], idx_v)

    @pl.loop(0, _NB32)
    def _(j):
        pltpu.sync_copy(ones_v, acc_sh.at[idx_v.at[j]], add=True)

    plsc.subcore_barrier()
    pltpu.sync_copy(acc_sh.at[pl.ds(sid * _RPT, _RPT)],
                    degp_hbm.at[cid].at[pl.ds(sid * _RPT, _RPT)])


_deg_kernel = pl.kernel(
    _deg_body,
    out_type=jax.ShapeDtypeStruct((_NC, _NPAD, 16), jnp.float32),
    mesh=_sc_mesh,
    scratch_types=[
        pltpu.VMEM((_NB32, _BLK), jnp.int32),
        pltpu.VMEM((_BLK, 16), jnp.float32),
        pltpu.VMEM((_BLK, 16), jnp.float32),
        pltpu.VMEM_SHARED((_NPAD, 16), jnp.float32),
    ],
    compiler_params=pltpu.CompilerParams(use_tc_tiling_on_sc=False),
)


def _make_agg(cols, blk, ring, look):
    nblocks = _EPAD // (_NS * blk)
    nbt = nblocks // ring

    def body(g0_hbm, g1_hbm, src_hbm, dst_hbm, out_hbm,
             isrc_v, idst_v, zero_v, *rest):
        gbufs = rest[:ring]
        sems = rest[ring:2 * ring]
        acc_sh = rest[2 * ring]
        cid = lax.axis_index("c")
        sid = lax.axis_index("s")
        _fill_const(zero_v, 16, cols, 0.0)

        @pl.loop(0, _RPT // 16)
        def _(k):
            pltpu.sync_copy(zero_v, acc_sh.at[pl.ds(sid * _RPT + k * 16, 16)])

        plsc.subcore_barrier()
        pltpu.sync_copy(src_hbm.at[sid], isrc_v)
        pltpu.sync_copy(dst_hbm.at[sid], idst_v)

        def start_gather(j, b):
            @pl.when(cid == 0)
            def _():
                pltpu.async_copy(g0_hbm.at[isrc_v.at[j]], gbufs[b], sems[b])

            @pl.when(cid == 1)
            def _():
                pltpu.async_copy(g1_hbm.at[isrc_v.at[j]], gbufs[b], sems[b])

        def drain(b):
            pltpu.make_async_copy(g0_hbm.at[pl.ds(0, blk)],
                                  gbufs[b], sems[b]).wait()

        for b in range(look):
            start_gather(b, b)

        @pl.loop(0, nbt)
        def _(t):
            for r in range(ring):
                j = ring * t + r
                drain(r)
                pltpu.async_copy(gbufs[r], acc_sh.at[idst_v.at[j]],
                                 sems[r], add=True)
                b2 = (r + look) % ring
                if r < ring - look:
                    @pl.when(t >= 1)
                    def _():
                        drain(b2)

                    start_gather(j + look, b2)
                else:
                    drain(b2)

                    @pl.when(t < nbt - 1)
                    def _():
                        start_gather(j + look, b2)

        for b in range(look, ring):
            drain(b)
        plsc.subcore_barrier()
        pltpu.sync_copy(acc_sh.at[pl.ds(sid * _RPT, _RPT)],
                        out_hbm.at[cid].at[pl.ds(sid * _RPT, _RPT)])

    return pl.kernel(
        body,
        out_type=jax.ShapeDtypeStruct((_NC, _NPAD, cols), jnp.float32),
        mesh=_sc_mesh,
        scratch_types=(
            [pltpu.VMEM((nblocks, blk), jnp.int32),
             pltpu.VMEM((nblocks, blk), jnp.int32),
             pltpu.VMEM((16, cols), jnp.float32)]
            + [pltpu.VMEM((blk, cols), jnp.float32) for _ in range(ring)]
            + [pltpu.SemaphoreType.DMA for _ in range(ring)]
            + [pltpu.VMEM_SHARED((_NPAD, cols), jnp.float32)]
        ),
        compiler_params=pltpu.CompilerParams(use_tc_tiling_on_sc=False),
    )


_ABLK = 128
_agg64_kernel = _make_agg(64, _ABLK, ring=8, look=4)
_agg32_kernel = _make_agg(_C // 2, _ABLK, ring=8, look=4)


def _dis_of(degp_ref):
    deg = degp_ref[0, :, 0] + degp_ref[1, :, 0] + 1.0
    return lax.rsqrt(deg)


def _k2_body(x_ref, degp_ref, w1_ref, q0_ref, q1_ref, q2_ref, q3_ref):
    dis = _dis_of(degp_ref)
    h = jnp.dot(x_ref[...], w1_ref[...], preferred_element_type=jnp.float32)
    g = h * dis[:, None]
    q0_ref[...] = g[:, 0:64]
    q1_ref[...] = g[:, 64:128]
    q2_ref[...] = g[:, 128:192]
    q3_ref[...] = g[:, 192:256]


def _k4_body(acca_ref, accb_ref, q0_ref, q1_ref, q2_ref, q3_ref, degp_ref,
             b1_ref, w2_ref, g2lo_ref, g2hi_ref):
    dis = _dis_of(degp_ref)
    s = jnp.concatenate(
        [acca_ref[0] + q0_ref[...], accb_ref[0] + q1_ref[...],
         acca_ref[1] + q2_ref[...], accb_ref[1] + q3_ref[...]], axis=1)
    x1 = jnp.maximum(s * dis[:, None] + b1_ref[...], 0.0)
    g2 = jnp.dot(x1, w2_ref[...], preferred_element_type=jnp.float32)
    g2 = g2 * dis[:, None]
    g2lo_ref[...] = g2[:, :_C // 2]
    g2hi_ref[...] = g2[:, _C // 2:]


def _k6_body(acc_ref, g2lo_ref, g2hi_ref, degp_ref, b2_ref, out_ref):
    dis = _dis_of(degp_ref)
    lo = acc_ref[0] + g2lo_ref[...]
    hi = acc_ref[1] + g2hi_ref[...]
    z = jnp.concatenate([lo, hi], axis=1) * dis[:, None] + b2_ref[...]
    m = jnp.max(z, axis=1, keepdims=True)
    lse = jnp.log(jnp.sum(jnp.exp(z - m), axis=1, keepdims=True)) + m
    out_ref[...] = z - lse


_degp_spec = pl.BlockSpec((_NC, _MB, 16), lambda i: (0, i, 0))

_q_spec = pl.BlockSpec((_MB, 64), lambda i: (i, 0))
_q_shape = jax.ShapeDtypeStruct((_NPAD, 64), jnp.float32)

_k2_call = pl.pallas_call(
    _k2_body,
    grid=(_GRID,),
    in_specs=[
        pl.BlockSpec((_MB, _D), lambda i: (i, 0)),
        _degp_spec,
        pl.BlockSpec((_D, _H), lambda i: (0, 0)),
    ],
    out_specs=[_q_spec, _q_spec, _q_spec, _q_spec],
    out_shape=[_q_shape, _q_shape, _q_shape, _q_shape],
)

_k4_call = pl.pallas_call(
    _k4_body,
    grid=(_GRID,),
    in_specs=[
        pl.BlockSpec((_NC, _MB, 64), lambda i: (0, i, 0)),
        pl.BlockSpec((_NC, _MB, 64), lambda i: (0, i, 0)),
        _q_spec,
        _q_spec,
        _q_spec,
        _q_spec,
        _degp_spec,
        pl.BlockSpec((1, _H), lambda i: (0, 0)),
        pl.BlockSpec((_H, _C), lambda i: (0, 0)),
    ],
    out_specs=[
        pl.BlockSpec((_MB, _C // 2), lambda i: (i, 0)),
        pl.BlockSpec((_MB, _C // 2), lambda i: (i, 0)),
    ],
    out_shape=[
        jax.ShapeDtypeStruct((_NPAD, _C // 2), jnp.float32),
        jax.ShapeDtypeStruct((_NPAD, _C // 2), jnp.float32),
    ],
)

_k6_call = pl.pallas_call(
    _k6_body,
    grid=(_GRID,),
    in_specs=[
        pl.BlockSpec((_NC, _MB, _C // 2), lambda i: (0, i, 0)),
        pl.BlockSpec((_MB, _C // 2), lambda i: (i, 0)),
        pl.BlockSpec((_MB, _C // 2), lambda i: (i, 0)),
        _degp_spec,
        pl.BlockSpec((1, _C), lambda i: (0, 0)),
    ],
    out_specs=pl.BlockSpec((_MB, _C), lambda i: (i, 0)),
    out_shape=jax.ShapeDtypeStruct((_NPAD, _C), jnp.float32),
)


def kernel(features, edge_index, train_mask, W1, b1, W2, b2):
    src = edge_index[0]
    dst = edge_index[1]
    pad = _EPAD - src.shape[0]
    fill = jnp.full((pad,), _N, jnp.int32)
    srcp = jnp.concatenate([src.astype(jnp.int32), fill])
    dstp = jnp.concatenate([dst.astype(jnp.int32), fill])
    src16 = srcp.reshape(_NS, -1, _ABLK)
    dst16 = dstp.reshape(_NS, -1, _ABLK)
    src32 = srcp.reshape(_NC * _NS, _NB32, _BLK)
    dst32 = dstp.reshape(_NC * _NS, _NB32, _BLK)
    xp = jnp.pad(features, ((0, _NPAD - _N), (0, 0)))

    degp = _deg_kernel(dst32)
    q0, q1, q2, q3 = _k2_call(xp, degp, W1)
    acca = _agg64_kernel(q0, q2, src16, dst16)
    accb = _agg64_kernel(q1, q3, src16, dst16)
    g2lo, g2hi = _k4_call(acca, accb, q0, q1, q2, q3, degp,
                          b1.reshape(1, _H), W2)
    acc2 = _agg32_kernel(g2lo, g2hi, src16, dst16)
    out = _k6_call(acc2, g2lo, g2hi, degp,
                   b2.reshape(1, _C))
    return out[:_N]

# --- scband reference (transcript-rebuilt; emitter-appended) ---
"""Pipeline reference for scband-net-53111565582845 (READ-ONLY COPY).

The authoritative reference and input builder live on the scoring server;
editing this copy changes nothing except your own understanding.
"""

import jax, jax.numpy as jnp
import numpy as np

N = 10000
E = 160000
D = 256
H = 256
C = 64


def setup_inputs(seed: int = 0) -> dict:
    key = jax.random.key(seed)
    k1, k2, k3, k4 = jax.random.split(key, 4)
    features = jax.random.normal(k1, (N, D), dtype=jnp.float32)
    edge_index = jax.random.randint(k2, (2, E), 0, N, dtype=jnp.int32)
    train_mask = jnp.zeros((N,), dtype=bool)
    # GCNConv parameters (glorot weights, zero bias)
    W1 = jax.random.normal(k3, (D, H), dtype=jnp.float32) * (1.0 / np.sqrt(D))
    b1 = jnp.zeros((H,), dtype=jnp.float32)
    W2 = jax.random.normal(k4, (H, C), dtype=jnp.float32) * (1.0 / np.sqrt(H))
    b2 = jnp.zeros((C,), dtype=jnp.float32)
    return {"features": features, "edge_index": edge_index, "train_mask": train_mask,
            "W1": W1, "b1": b1, "W2": W2, "b2": b2}


def _gcn_conv(x, edge_index, W, b):
    # Faithful GCNConv: add self-loops, symmetric normalization D^-1/2 A D^-1/2,
    # linear transform, scatter-add aggregation, bias.
    n = x.shape[0]
    src = edge_index[0]
    dst = edge_index[1]
    loop = jnp.arange(n, dtype=src.dtype)
    src = jnp.concatenate([src, loop])
    dst = jnp.concatenate([dst, loop])
    deg = jnp.zeros((n,), dtype=x.dtype).at[dst].add(1.0)
    dis = jnp.where(deg > 0, 1.0 / jnp.sqrt(deg), 0.0)
    norm = dis[src] * dis[dst]
    h = x @ W
    msg = jnp.take(h, src, axis=0) * norm[:, None]
    out = jnp.zeros((n, W.shape[1]), dtype=x.dtype).at[dst].add(msg)
    return out + b


def reference(features, edge_index, train_mask, W1, b1, W2, b2):
    # CRD: GCNConv -> relu -> dropout (eval mode: identity)
    x = _gcn_conv(features, edge_index, W1, b1)
    x = jax.nn.relu(x)
    # CLS: GCNConv -> log_softmax
    x = _gcn_conv(x, edge_index, W2, b2)
    x = jax.nn.log_softmax(x, axis=1)
    return x

if __name__ == "__main__":
    import jax
    _d = setup_inputs()
    print(jax.jit(kernel)(*tuple(_d.values())))

</pallas_src>

<mosaic_0001>
#map = affine_map<(d0, d1) -> (0, 0)>
#map1 = affine_map<(d0, d1) -> (0, 0, 0)>
module attributes {stable_mosaic.version = 14 : i64} {
  func.func @body(%arg0: i32, %arg1: i32, %arg2: memref<10240x64xf32, #tpu.memory_space<hbm>>, %arg3: memref<10240x64xf32, #tpu.memory_space<hbm>>, %arg4: memref<16x80x128xi32, #tpu.memory_space<hbm>>, %arg5: memref<16x80x128xi32, #tpu.memory_space<hbm>>, %arg6: memref<2x10240x64xf32, #tpu.memory_space<hbm>>, %arg7: memref<80x128xi32, #tpu.memory_space<vmem>>, %arg8: memref<80x128xi32, #tpu.memory_space<vmem>>, %arg9: memref<16x64xf32, #tpu.memory_space<vmem>>, %arg10: memref<128x64xf32, #tpu.memory_space<vmem>>, %arg11: memref<128x64xf32, #tpu.memory_space<vmem>>, %arg12: memref<128x64xf32, #tpu.memory_space<vmem>>, %arg13: memref<128x64xf32, #tpu.memory_space<vmem>>, %arg14: memref<128x64xf32, #tpu.memory_space<vmem>>, %arg15: memref<128x64xf32, #tpu.memory_space<vmem>>, %arg16: memref<128x64xf32, #tpu.memory_space<vmem>>, %arg17: memref<128x64xf32, #tpu.memory_space<vmem>>, %arg18: memref<!tpu.dma_semaphore, #tpu.memory_space<semaphore_mem>>, %arg19: memref<!tpu.dma_semaphore, #tpu.memory_space<semaphore_mem>>, %arg20: memref<!tpu.dma_semaphore, #tpu.memory_space<semaphore_mem>>, %arg21: memref<!tpu.dma_semaphore, #tpu.memory_space<semaphore_mem>>, %arg22: memref<!tpu.dma_semaphore, #tpu.memory_space<semaphore_mem>>, %arg23: memref<!tpu.dma_semaphore, #tpu.memory_space<semaphore_mem>>, %arg24: memref<!tpu.dma_semaphore, #tpu.memory_space<semaphore_mem>>, %arg25: memref<!tpu.dma_semaphore, #tpu.memory_space<semaphore_mem>>, %arg26: memref<10240x64xf32, #tpu.memory_space<vmem_shared>>) attributes {dimension_semantics = [#tpu.dimension_semantics<core_parallel>, #tpu.dimension_semantics<subcore_parallel>], iteration_bounds = array<i64: 2, 16>, scalar_prefetch = 0 : i64, scratch_operands = 20 : i64, tpu.core_type = #tpu.core_type<sc_vector_subcore>, window_params = [{transform_indices = #map}, {transform_indices = #map}, {transform_indices = #map1}, {transform_indices = #map1}, {transform_indices = #map1}]} {
    %scan3A = arith.constant 0 : i32
    %scan3A_0 = arith.constant 16 : i32
    %scan3A_1 = arith.addi %scan3A, %scan3A_0 : i32
    %scan3A_2 = arith.constant 1 : i32
    scf.for %scan3A_78 = %scan3A to %scan3A_1 step %scan3A_2  : i32 {
      %mul3A_79 = arith.constant 1 : i32
      %mul3A_80 = arith.muli %scan3A_78, %mul3A_79 : i32
      %add3A = arith.constant 0 : i32
      %add3A_81 = arith.addi %add3A, %mul3A_80 : i32
      %broadcast_in_dim3A = arith.constant 0.000000e+00 : f32
      %broadcast_in_dim3A_82 = vector.broadcast %broadcast_in_dim3A : f32 to vector<16xf32>
      %swap3A = arith.index_cast %add3A_81 : i32 to index
      %swap3A_83 = arith.constant 0 : index
      %swap3A_84 = tpu.vector_load %arg9[%swap3A, %swap3A_83] {strides = array<i32>} : memref<16x64xf32, #tpu.memory_space<vmem>>, vector<1x16xf32>,
      %swap3A_85 = vector.shape_cast %swap3A_84 : vector<1x16xf32> to vector<16xf32>
      %swap3A_86 = vector.shape_cast %broadcast_in_dim3A_82 : vector<16xf32> to vector<1x16xf32>
      tpu.vector_store %arg9[%swap3A, %swap3A_83], %swap3A_86 {strides = array<i32>} : memref<16x64xf32, #tpu.memory_space<vmem>>, vector<1x16xf32>,
      %broadcast_in_dim3A_87 = arith.constant 0.000000e+00 : f32
      %broadcast_in_dim3A_88 = vector.broadcast %broadcast_in_dim3A_87 : f32 to vector<16xf32>
      %swap3A_89 = arith.index_cast %add3A_81 : i32 to index
      %swap3A_90 = arith.constant 16 : index
      %swap3A_91 = tpu.vector_load %arg9[%swap3A_89, %swap3A_90] {strides = array<i32>} : memref<16x64xf32, #tpu.memory_space<vmem>>, vector<1x16xf32>,
      %swap3A_92 = vector.shape_cast %swap3A_91 : vector<1x16xf32> to vector<16xf32>
      %swap3A_93 = vector.shape_cast %broadcast_in_dim3A_88 : vector<16xf32> to vector<1x16xf32>
      tpu.vector_store %arg9[%swap3A_89, %swap3A_90], %swap3A_93 {strides = array<i32>} : memref<16x64xf32, #tpu.memory_space<vmem>>, vector<1x16xf32>,
      %broadcast_in_dim3A_94 = arith.constant 0.000000e+00 : f32
      %broadcast_in_dim3A_95 = vector.broadcast %broadcast_in_dim3A_94 : f32 to vector<16xf32>
      %swap3A_96 = arith.index_cast %add3A_81 : i32 to index
      %swap3A_97 = arith.constant 32 : index
      %swap3A_98 = tpu.vector_load %arg9[%swap3A_96, %swap3A_97] {strides = array<i32>} : memref<16x64xf32, #tpu.memory_space<vmem>>, vector<1x16xf32>,
      %swap3A_99 = vector.shape_cast %swap3A_98 : vector<1x16xf32> to vector<16xf32>
      %swap3A_100 = vector.shape_cast %broadcast_in_dim3A_95 : vector<16xf32> to vector<1x16xf32>
      tpu.vector_store %arg9[%swap3A_96, %swap3A_97], %swap3A_100 {strides = array<i32>} : memref<16x64xf32, #tpu.memory_space<vmem>>, vector<1x16xf32>,
      %broadcast_in_dim3A_101 = arith.constant 0.000000e+00 : f32
      %broadcast_in_dim3A_102 = vector.broadcast %broadcast_in_dim3A_101 : f32 to vector<16xf32>
      %swap3A_103 = arith.index_cast %add3A_81 : i32 to index
      %swap3A_104 = arith.constant 48 : index
      %swap3A_105 = tpu.vector_load %arg9[%swap3A_103, %swap3A_104] {strides = array<i32>} : memref<16x64xf32, #tpu.memory_space<vmem>>, vector<1x16xf32>,
      %swap3A_106 = vector.shape_cast %swap3A_105 : vector<1x16xf32> to vector<16xf32>
      %swap3A_107 = vector.shape_cast %broadcast_in_dim3A_102 : vector<16xf32> to vector<1x16xf32>
      tpu.vector_store %arg9[%swap3A_103, %swap3A_104], %swap3A_107 {strides = array<i32>} : memref<16x64xf32, #tpu.memory_space<vmem>>, vector<1x16xf32>,
    }
    %scan3A_3 = arith.constant 16 : i32
    %scan3A_4 = arith.constant 0 : i32
    %scan3A_5 = arith.constant 40 : i32
    %scan3A_6 = arith.addi %scan3A_4, %scan3A_5 : i32
    %scan3A_7 = arith.constant 1 : i32
    scf.for %scan3A_78 = %scan3A_4 to %scan3A_6 step %scan3A_7  : i32 {
      %mul3A_79 = arith.constant 1 : i32
      %mul3A_80 = arith.muli %scan3A_78, %mul3A_79 : i32
      %add3A = arith.constant 0 : i32
      %add3A_81 = arith.addi %add3A, %mul3A_80 : i32
      %mul3A_82 = arith.constant 640 : i32
      %mul3A_83 = arith.muli %arg1, %mul3A_82 : i32
      %mul3A_84 = arith.constant 16 : i32
      %mul3A_85 = arith.muli %add3A_81, %mul3A_84 : i32
      %add3A_86 = arith.addi %mul3A_83, %mul3A_85 : i32
      "tpu.region"() ({
        %run_scoped3A = tpu.sem_alloc : memref<!tpu.dma_semaphore, #tpu.memory_space<semaphore_mem>>
        %dma_start3A = arith.constant 0 : i32
        %dma_start3A_87 = tpu.memref_slice %arg26[%add3A_86, %dma_start3A] : memref<10240x64xf32, #tpu.memory_space<vmem_shared>> -> memref<16x64xf32, #tpu.memory_space<vmem_shared>>
        %dma_start3A_88 = arith.constant 0 : i32
        %dma_start3A_89 = tpu.memref_slice %arg26[%add3A_86, %dma_start3A_88] : memref<10240x64xf32, #tpu.memory_space<vmem_shared>> -> memref<16x64xf32, #tpu.memory_space<vmem_shared>>
        tpu.enqueue_dma source(%arg9 : memref<16x64xf32, #tpu.memory_space<vmem>>) target(%dma_start3A_89 : memref<16x64xf32, #tpu.memory_space<vmem_shared>>) target_semaphore(%run_scoped3A : memref<!tpu.dma_semaphore, #tpu.memory_space<semaphore_mem>>)
        %dma_wait3A_90 = arith.constant 0 : i32
        %dma_wait3A_91 = tpu.memref_slice %arg26[%add3A_86, %dma_wait3A_90] : memref<10240x64xf32, #tpu.memory_space<vmem_shared>> -> memref<16x64xf32, #tpu.memory_space<vmem_shared>>
        %dma_wait3A_92 = arith.constant 0 : i32
        %dma_wait3A_93 = tpu.memref_slice %arg26[%add3A_86, %dma_wait3A_92] : memref<10240x64xf32, #tpu.memory_space<vmem_shared>> -> memref<16x64xf32, #tpu.memory_space<vmem_shared>>
        tpu.wait_dma2 semaphore(%run_scoped3A : memref<!tpu.dma_semaphore, #tpu.memory_space<semaphore_mem>>) src(%arg9 : memref<16x64xf32, #tpu.memory_space<vmem>>) dst(%dma_wait3A_93 : memref<16x64xf32, #tpu.memory_space<vmem_shared>>)
        tpu.yield
      }) : () -> ()
    }
    %scan3A_8 = arith.constant 40 : i32
    %barrier3A = arith.constant 0 : index
    tpu.barrier barrier_id(%barrier3A)
    "tpu.region"() ({
      %run_scoped3A = tpu.sem_alloc : memref<!tpu.dma_semaphore, #tpu.memory_space<semaphore_mem>>
      %dma_start3A = arith.constant 0 : i32
      %dma_start3A_78 = arith.constant 0 : i32
      %dma_start3A_79 = tpu.memref_slice %arg4[%arg1, %dma_start3A, %dma_start3A_78] : memref<16x80x128xi32, #tpu.memory_space<hbm>> -> memref<1x80x128xi32, #tpu.memory_space<hbm>>
      %dma_start3A_80 = tpu.memref_squeeze %dma_start3A_79 : memref<1x80x128xi32, #tpu.memory_space<hbm>> -> memref<80x128xi32, #tpu.memory_space<hbm>>
      %dma_start3A_81 = arith.constant 0 : i32
      %dma_start3A_82 = arith.constant 0 : i32
      %dma_start3A_83 = tpu.memref_slice %arg4[%arg1, %dma_start3A_81, %dma_start3A_82] : memref<16x80x128xi32, #tpu.memory_space<hbm>> -> memref<1x80x128xi32, #tpu.memory_space<hbm>>
      %dma_start3A_84 = tpu.memref_squeeze %dma_start3A_83 : memref<1x80x128xi32, #tpu.memory_space<hbm>> -> memref<80x128xi32, #tpu.memory_space<hbm>>
      tpu.enqueue_dma source(%dma_start3A_84 : memref<80x128xi32, #tpu.memory_space<hbm>>) target(%arg7 : memref<80x128xi32, #tpu.memory_space<vmem>>) target_semaphore(%run_scoped3A : memref<!tpu.dma_semaphore, #tpu.memory_space<semaphore_mem>>)
      %dma_wait3A_85 = arith.constant 0 : i32
      %dma_wait3A_86 = arith.constant 0 : i32
      %dma_wait3A_87 = tpu.memref_slice %arg4[%arg1, %dma_wait3A_85, %dma_wait3A_86] : memref<16x80x128xi32, #tpu.memory_space<hbm>> -> memref<1x80x128xi32, #tpu.memory_space<hbm>>
      %dma_wait3A_88 = tpu.memref_squeeze %dma_wait3A_87 : memref<1x80x128xi32, #tpu.memory_space<hbm>> -> memref<80x128xi32, #tpu.memory_space<hbm>>
      %dma_wait3A_89 = arith.constant 0 : i32
      %dma_wait3A_90 = arith.constant 0 : i32
      %dma_wait3A_91 = tpu.memref_slice %arg4[%arg1, %dma_wait3A_89, %dma_wait3A_90] : memref<16x80x128xi32, #tpu.memory_space<hbm>> -> memref<1x80x128xi32, #tpu.memory_space<hbm>>
      %dma_wait3A_92 = tpu.memref_squeeze %dma_wait3A_91 : memref<1x80x128xi32, #tpu.memory_space<hbm>> -> memref<80x128xi32, #tpu.memory_space<hbm>>
      tpu.wait_dma2 semaphore(%run_scoped3A : memref<!tpu.dma_semaphore, #tpu.memory_space<semaphore_mem>>) src(%dma_wait3A_92 : memref<80x128xi32, #tpu.memory_space<hbm>>) dst(%arg7 : memref<80x128xi32, #tpu.memory_space<vmem>>)
      tpu.yield
    }) : () -> ()
    "tpu.region"() ({
      %run_scoped3A = tpu.sem_alloc : memref<!tpu.dma_semaphore, #tpu.memory_space<semaphore_mem>>
      %dma_start3A = arith.constant 0 : i32
      %dma_start3A_78 = arith.constant 0 : i32
      %dma_start3A_79 = tpu.memref_slice %arg5[%arg1, %dma_start3A, %dma_start3A_78] : memref<16x80x128xi32, #tpu.memory_space<hbm>> -> memref<1x80x128xi32, #tpu.memory_space<hbm>>
      %dma_start3A_80 = tpu.memref_squeeze %dma_start3A_79 : memref<1x80x128xi32, #tpu.memory_space<hbm>> -> memref<80x128xi32, #tpu.memory_space<hbm>>
      %dma_start3A_81 = arith.constant 0 : i32
      %dma_start3A_82 = arith.constant 0 : i32
      %dma_start3A_83 = tpu.memref_slice %arg5[%arg1, %dma_start3A_81, %dma_start3A_82] : memref<16x80x128xi32, #tpu.memory_space<hbm>> -> memref<1x80x128xi32, #tpu.memory_space<hbm>>
      %dma_start3A_84 = tpu.memref_squeeze %dma_start3A_83 : memref<1x80x128xi32, #tpu.memory_space<hbm>> -> memref<80x128xi32, #tpu.memory_space<hbm>>
      tpu.enqueue_dma source(%dma_start3A_84 : memref<80x128xi32, #tpu.memory_space<hbm>>) target(%arg8 : memref<80x128xi32, #tpu.memory_space<vmem>>) target_semaphore(%run_scoped3A : memref<!tpu.dma_semaphore, #tpu.memory_space<semaphore_mem>>)
      %dma_wait3A_85 = arith.constant 0 : i32
      %dma_wait3A_86 = arith.constant 0 : i32
      %dma_wait3A_87 = tpu.memref_slice %arg5[%arg1, %dma_wait3A_85, %dma_wait3A_86] : memref<16x80x128xi32, #tpu.memory_space<hbm>> -> memref<1x80x128xi32, #tpu.memory_space<hbm>>
      %dma_wait3A_88 = tpu.memref_squeeze %dma_wait3A_87 : memref<1x80x128xi32, #tpu.memory_space<hbm>> -> memref<80x128xi32, #tpu.memory_space<hbm>>
      %dma_wait3A_89 = arith.constant 0 : i32
      %dma_wait3A_90 = arith.constant 0 : i32
      %dma_wait3A_91 = tpu.memref_slice %arg5[%arg1, %dma_wait3A_89, %dma_wait3A_90] : memref<16x80x128xi32, #tpu.memory_space<hbm>> -> memref<1x80x128xi32, #tpu.memory_space<hbm>>
      %dma_wait3A_92 = tpu.memref_squeeze %dma_wait3A_91 : memref<1x80x128xi32, #tpu.memory_space<hbm>> -> memref<80x128xi32, #tpu.memory_space<hbm>>
      tpu.wait_dma2 semaphore(%run_scoped3A : memref<!tpu.dma_semaphore, #tpu.memory_space<semaphore_mem>>) src(%dma_wait3A_92 : memref<80x128xi32, #tpu.memory_space<hbm>>) dst(%arg8 : memref<80x128xi32, #tpu.memory_space<vmem>>)
      tpu.yield
    }) : () -> ()
    %eq3A = arith.constant 0 : i32
    %eq3A_9 = arith.cmpi eq, %arg0, %eq3A : i32
    %convert_element_type3A = arith.extui %eq3A_9 : i1 to i32
    %cond3A = arith.constant 0 : i32
    %cond3A_10 = arith.cmpi ne, %convert_element_type3A, %cond3A : i32
    scf.if %cond3A_10 {
      %dma_start3A = arith.constant 0 : i32
      %dma_start3A_78 = arith.constant 0 : i32
      %dma_start3A_79 = tpu.memref_slice %arg7[%dma_start3A, %dma_start3A_78] : memref<80x128xi32, #tpu.memory_space<vmem>> -> memref<1x128xi32, #tpu.memory_space<vmem>>
      %dma_start3A_80 = tpu.memref_squeeze %dma_start3A_79 : memref<1x128xi32, #tpu.memory_space<vmem>> -> memref<128xi32, #tpu.memory_space<vmem>>
      %dma_start3A_81 = arith.constant 0 : i32
      %dma_start3A_82 = arith.constant 0 : i32
      %dma_start3A_83 = tpu.memref_slice %arg2[%dma_start3A_81, %dma_start3A_82] : memref<10240x64xf32, #tpu.memory_space<hbm>> -> memref<10240x64xf32, #tpu.memory_space<hbm>>
      tpu.enqueue_indirect_dma source(%dma_start3A_83 : memref<10240x64xf32, #tpu.memory_space<hbm>>) target(%arg10 : memref<128x64xf32, #tpu.memory_space<vmem>>) offsets(%dma_start3A_80 : memref<128xi32, #tpu.memory_space<vmem>>) semaphore(%arg18 : memref<!tpu.dma_semaphore, #tpu.memory_space<semaphore_mem>>)
    } else {
    }
    %eq3A_11 = arith.constant 1 : i32
    %eq3A_12 = arith.cmpi eq, %arg0, %eq3A_11 : i32
    %convert_element_type3A_13 = arith.extui %eq3A_12 : i1 to i32
    %cond3A_14 = arith.constant 0 : i32
    %cond3A_15 = arith.cmpi ne, %convert_element_type3A_13, %cond3A_14 : i32
    scf.if %cond3A_15 {
      %dma_start3A = arith.constant 0 : i32
      %dma_start3A_78 = arith.constant 0 : i32
      %dma_start3A_79 = tpu.memref_slice %arg7[%dma_start3A, %dma_start3A_78] : memref<80x128xi32, #tpu.memory_space<vmem>> -> memref<1x128xi32, #tpu.memory_space<vmem>>
      %dma_start3A_80 = tpu.memref_squeeze %dma_start3A_79 : memref<1x128xi32, #tpu.memory_space<vmem>> -> memref<128xi32, #tpu.memory_space<vmem>>
      %dma_start3A_81 = arith.constant 0 : i32
      %dma_start3A_82 = arith.constant 0 : i32
      %dma_start3A_83 = tpu.memref_slice %arg3[%dma_start3A_81, %dma_start3A_82] : memref<10240x64xf32, #tpu.memory_space<hbm>> -> memref<10240x64xf32, #tpu.memory_space<hbm>>
      tpu.enqueue_indirect_dma source(%dma_start3A_83 : memref<10240x64xf32, #tpu.memory_space<hbm>>) target(%arg10 : memref<128x64xf32, #tpu.memory_space<vmem>>) offsets(%dma_start3A_80 : memref<128xi32, #tpu.memory_space<vmem>>) semaphore(%arg18 : memref<!tpu.dma_semaphore, #tpu.memory_space<semaphore_mem>>)
    } else {
    }
    %eq3A_16 = arith.constant 0 : i32
    %eq3A_17 = arith.cmpi eq, %arg0, %eq3A_16 : i32
    %convert_element_type3A_18 = arith.extui %eq3A_17 : i1 to i32
    %cond3A_19 = arith.constant 0 : i32
    %cond3A_20 = arith.cmpi ne, %convert_element_type3A_18, %cond3A_19 : i32
    scf.if %cond3A_20 {
      %dma_start3A = arith.constant 1 : i32
      %dma_start3A_78 = arith.constant 0 : i32
      %dma_start3A_79 = tpu.memref_slice %arg7[%dma_start3A, %dma_start3A_78] : memref<80x128xi32, #tpu.memory_space<vmem>> -> memref<1x128xi32, #tpu.memory_space<vmem>>
      %dma_start3A_80 = tpu.memref_squeeze %dma_start3A_79 : memref<1x128xi32, #tpu.memory_space<vmem>> -> memref<128xi32, #tpu.memory_space<vmem>>
      %dma_start3A_81 = arith.constant 0 : i32
      %dma_start3A_82 = arith.constant 0 : i32
      %dma_start3A_83 = tpu.memref_slice %arg2[%dma_start3A_81, %dma_start3A_82] : memref<10240x64xf32, #tpu.memory_space<hbm>> -> memref<10240x64xf32, #tpu.memory_space<hbm>>
      tpu.enqueue_indirect_dma source(%dma_start3A_83 : memref<10240x64xf32, #tpu.memory_space<hbm>>) target(%arg11 : memref<128x64xf32, #tpu.memory_space<vmem>>) offsets(%dma_start3A_80 : memref<128xi32, #tpu.memory_space<vmem>>) semaphore(%arg19 : memref<!tpu.dma_semaphore, #tpu.memory_space<semaphore_mem>>)
    } else {
    }
    %eq3A_21 = arith.constant 1 : i32
    %eq3A_22 = arith.cmpi eq, %arg0, %eq3A_21 : i32
    %convert_element_type3A_23 = arith.extui %eq3A_22 : i1 to i32
    %cond3A_24 = arith.constant 0 : i32
    %cond3A_25 = arith.cmpi ne, %convert_element_type3A_23, %cond3A_24 : i32
    scf.if %cond3A_25 {
      %dma_start3A = arith.constant 1 : i32
      %dma_start3A_78 = arith.constant 0 : i32
      %dma_start3A_79 = tpu.memref_slice %arg7[%dma_start3A, %dma_start3A_78] : memref<80x128xi32, #tpu.memory_space<vmem>> -> memref<1x128xi32, #tpu.memory_space<vmem>>
      %dma_start3A_80 = tpu.memref_squeeze %dma_start3A_79 : memref<1x128xi32, #tpu.memory_space<vmem>> -> memref<128xi32, #tpu.memory_space<vmem>>
      %dma_start3A_81 = arith.constant 0 : i32
      %dma_start3A_82 = arith.constant 0 : i32
      %dma_start3A_83 = tpu.memref_slice %arg3[%dma_start3A_81, %dma_start3A_82] : memref<10240x64xf32, #tpu.memory_space<hbm>> -> memref<10240x64xf32, #tpu.memory_space<hbm>>
      tpu.enqueue_indirect_dma source(%dma_start3A_83 : memref<10240x64xf32, #tpu.memory_space<hbm>>) target(%arg11 : memref<128x64xf32, #tpu.memory_space<vmem>>) offsets(%dma_start3A_80 : memref<128xi32, #tpu.memory_space<vmem>>) semaphore(%arg19 : memref<!tpu.dma_semaphore, #tpu.memory_space<semaphore_mem>>)
    } else {
    }
    %eq3A_26 = arith.constant 0 : i32
    %eq3A_27 = arith.cmpi eq, %arg0, %eq3A_26 : i32
    %convert_element_type3A_28 = arith.extui %eq3A_27 : i1 to i32
    %cond3A_29 = arith.constant 0 : i32
    %cond3A_30 = arith.cmpi ne, %convert_element_type3A_28, %cond3A_29 : i32
    scf.if %cond3A_30 {
      %dma_start3A = arith.constant 2 : i32
      %dma_start3A_78 = arith.constant 0 : i32
      %dma_start3A_79 = tpu.memref_slice %arg7[%dma_start3A, %dma_start3A_78] : memref<80x128xi32, #tpu.memory_space<vmem>> -> memref<1x128xi32, #tpu.memory_space<vmem>>
      %dma_start3A_80 = tpu.memref_squeeze %dma_start3A_79 : memref<1x128xi32, #tpu.memory_space<vmem>> -> memref<128xi32, #tpu.memory_space<vmem>>
      %dma_start3A_81 = arith.constant 0 : i32
      %dma_start3A_82 = arith.constant 0 : i32
      %dma_start3A_83 = tpu.memref_slice %arg2[%dma_start3A_81, %dma_start3A_82] : memref<10240x64xf32, #tpu.memory_space<hbm>> -> memref<10240x64xf32, #tpu.memory_space<hbm>>
      tpu.enqueue_indirect_dma source(%dma_start3A_83 : memref<10240x64xf32, #tpu.memory_space<hbm>>) target(%arg12 : memref<128x64xf32, #tpu.memory_space<vmem>>) offsets(%dma_start3A_80 : memref<128xi32, #tpu.memory_space<vmem>>) semaphore(%arg20 : memref<!tpu.dma_semaphore, #tpu.memory_space<semaphore_mem>>)
    } else {
    }
    %eq3A_31 = arith.constant 1 : i32
    %eq3A_32 = arith.cmpi eq, %arg0, %eq3A_31 : i32
    %convert_element_type3A_33 = arith.extui %eq3A_32 : i1 to i32
    %cond3A_34 = arith.constant 0 : i32
    %cond3A_35 = arith.cmpi ne, %convert_element_type3A_33, %cond3A_34 : i32
    scf.if %cond3A_35 {
      %dma_start3A = arith.constant 2 : i32
      %dma_start3A_78 = arith.constant 0 : i32
      %dma_start3A_79 = tpu.memref_slice %arg7[%dma_start3A, %dma_start3A_78] : memref<80x128xi32, #tpu.memory_space<vmem>> -> memref<1x128xi32, #tpu.memory_space<vmem>>
      %dma_start3A_80 = tpu.memref_squeeze %dma_start3A_79 : memref<1x128xi32, #tpu.memory_space<vmem>> -> memref<128xi32, #tpu.memory_space<vmem>>
      %dma_start3A_81 = arith.constant 0 : i32
      %dma_start3A_82 = arith.constant 0 : i32
      %dma_start3A_83 = tpu.memref_slice %arg3[%dma_start3A_81, %dma_start3A_82] : memref<10240x64xf32, #tpu.memory_space<hbm>> -> memref<10240x64xf32, #tpu.memory_space<hbm>>
      tpu.enqueue_indirect_dma source(%dma_start3A_83 : memref<10240x64xf32, #tpu.memory_space<hbm>>) target(%arg12 : memref<128x64xf32, #tpu.memory_space<vmem>>) offsets(%dma_start3A_80 : memref<128xi32, #tpu.memory_space<vmem>>) semaphore(%arg20 : memref<!tpu.dma_semaphore, #tpu.memory_space<semaphore_mem>>)
    } else {
    }
    %eq3A_36 = arith.constant 0 : i32
    %eq3A_37 = arith.cmpi eq, %arg0, %eq3A_36 : i32
    %convert_element_type3A_38 = arith.extui %eq3A_37 : i1 to i32
    %cond3A_39 = arith.constant 0 : i32
    %cond3A_40 = arith.cmpi ne, %convert_element_type3A_38, %cond3A_39 : i32
    scf.if %cond3A_40 {
      %dma_start3A = arith.constant 3 : i32
      %dma_start3A_78 = arith.constant 0 : i32
      %dma_start3A_79 = tpu.memref_slice %arg7[%dma_start3A, %dma_start3A_78] : memref<80x128xi32, #tpu.memory_space<vmem>> -> memref<1x128xi32, #tpu.memory_space<vmem>>
      %dma_start3A_80 = tpu.memref_squeeze %dma_start3A_79 : memref<1x128xi32, #tpu.memory_space<vmem>> -> memref<128xi32, #tpu.memory_space<vmem>>
      %dma_start3A_81 = arith.constant 0 : i32
      %dma_start3A_82 = arith.constant 0 : i32
      %dma_start3A_83 = tpu.memref_slice %arg2[%dma_start3A_81, %dma_start3A_82] : memref<10240x64xf32, #tpu.memory_space<hbm>> -> memref<10240x64xf32, #tpu.memory_space<hbm>>
      tpu.enqueue_indirect_dma source(%dma_start3A_83 : memref<10240x64xf32, #tpu.memory_space<hbm>>) target(%arg13 : memref<128x64xf32, #tpu.memory_space<vmem>>) offsets(%dma_start3A_80 : memref<128xi32, #tpu.memory_space<vmem>>) semaphore(%arg21 : memref<!tpu.dma_semaphore, #tpu.memory_space<semaphore_mem>>)
    } else {
    }
    %eq3A_41 = arith.constant 1 : i32
    %eq3A_42 = arith.cmpi eq, %arg0, %eq3A_41 : i32
    %convert_element_type3A_43 = arith.extui %eq3A_42 : i1 to i32
    %cond3A_44 = arith.constant 0 : i32
    %cond3A_45 = arith.cmpi ne, %convert_element_type3A_43, %cond3A_44 : i32
    scf.if %cond3A_45 {
      %dma_start3A = arith.constant 3 : i32
      %dma_start3A_78 = arith.constant 0 : i32
      %dma_start3A_79 = tpu.memref_slice %arg7[%dma_start3A, %dma_start3A_78] : memref<80x128xi32, #tpu.memory_space<vmem>> -> memref<1x128xi32, #tpu.memory_space<vmem>>
      %dma_start3A_80 = tpu.memref_squeeze %dma_start3A_79 : memref<1x128xi32, #tpu.memory_space<vmem>> -> memref<128xi32, #tpu.memory_space<vmem>>
      %dma_start3A_81 = arith.constant 0 : i32
      %dma_start3A_82 = arith.constant 0 : i32
      %dma_start3A_83 = tpu.memref_slice %arg3[%dma_start3A_81, %dma_start3A_82] : memref<10240x64xf32, #tpu.memory_space<hbm>> -> memref<10240x64xf32, #tpu.memory_space<hbm>>
      tpu.enqueue_indirect_dma source(%dma_start3A_83 : memref<10240x64xf32, #tpu.memory_space<hbm>>) target(%arg13 : memref<128x64xf32, #tpu.memory_space<vmem>>) offsets(%dma_start3A_80 : memref<128xi32, #tpu.memory_space<vmem>>) semaphore(%arg21 : memref<!tpu.dma_semaphore, #tpu.memory_space<semaphore_mem>>)
    } else {
    }
    %scan3A_46 = arith.constant 0 : i32
    %scan3A_47 = arith.constant 10 : i32
    %scan3A_48 = arith.addi %scan3A_46, %scan3A_47 : i32
    %scan3A_49 = arith.constant 1 : i32
    scf.for %scan3A_78 = %scan3A_46 to %scan3A_48 step %scan3A_49  : i32 {
      %mul3A_79 = arith.constant 1 : i32
      %mul3A_80 = arith.muli %scan3A_78, %mul3A_79 : i32
      %add3A = arith.constant 0 : i32
      %add3A_81 = arith.addi %add3A, %mul3A_80 : i32
      %mul3A_82 = arith.constant 8 : i32
      %mul3A_83 = arith.muli %mul3A_82, %add3A_81 : i32
      %add3A_84 = arith.constant 0 : i32
      %add3A_85 = arith.addi %mul3A_83, %add3A_84 : i32
      %dma_wait3A_86 = arith.constant 0 : i32
      %dma_wait3A_87 = arith.constant 0 : i32
      %dma_wait3A_88 = tpu.memref_slice %arg2[%dma_wait3A_86, %dma_wait3A_87] : memref<10240x64xf32, #tpu.memory_space<hbm>> -> memref<128x64xf32, #tpu.memory_space<hbm>>
      %dma_wait3A_89 = arith.constant 0 : i32
      %dma_wait3A_90 = arith.constant 0 : i32
      %dma_wait3A_91 = tpu.memref_slice %arg2[%dma_wait3A_89, %dma_wait3A_90] : memref<10240x64xf32, #tpu.memory_space<hbm>> -> memref<128x64xf32, #tpu.memory_space<hbm>>
      tpu.wait_dma2 semaphore(%arg18 : memref<!tpu.dma_semaphore, #tpu.memory_space<semaphore_mem>>) src(%dma_wait3A_91 : memref<128x64xf32, #tpu.memory_space<hbm>>) dst(%arg10 : memref<128x64xf32, #tpu.memory_space<vmem>>)
      %dma_start3A = arith.constant 0 : i32
      %dma_start3A_92 = tpu.memref_slice %arg8[%add3A_85, %dma_start3A] : memref<80x128xi32, #tpu.memory_space<vmem>> -> memref<1x128xi32, #tpu.memory_space<vmem>>
      %dma_start3A_93 = tpu.memref_squeeze %dma_start3A_92 : memref<1x128xi32, #tpu.memory_space<vmem>> -> memref<128xi32, #tpu.memory_space<vmem>>
      %dma_start3A_94 = arith.constant 0 : i32
      %dma_start3A_95 = arith.constant 0 : i32
      %dma_start3A_96 = tpu.memref_slice %arg26[%dma_start3A_94, %dma_start3A_95] : memref<10240x64xf32, #tpu.memory_space<vmem_shared>> -> memref<10240x64xf32, #tpu.memory_space<vmem_shared>>
      tpu.enqueue_indirect_dma source(%arg10 : memref<128x64xf32, #tpu.memory_space<vmem>>) target(%dma_start3A_96 : memref<10240x64xf32, #tpu.memory_space<vmem_shared>>) offsets(%dma_start3A_93 : memref<128xi32, #tpu.memory_space<vmem>>) semaphore(%arg18 : memref<!tpu.dma_semaphore, #tpu.memory_space<semaphore_mem>>) {add = true}
      %ge3A = arith.constant 1 : i32
      %ge3A_97 = arith.cmpi sge, %add3A_81, %ge3A : i32
      %convert_element_type3A_98 = arith.extui %ge3A_97 : i1 to i32
      %cond3A_99 = arith.constant 0 : i32
      %cond3A_100 = arith.cmpi ne, %convert_element_type3A_98, %cond3A_99 : i32
      scf.if %cond3A_100 {
        %dma_wait3A_319 = arith.constant 0 : i32
        %dma_wait3A_320 = arith.constant 0 : i32
        %dma_wait3A_321 = tpu.memref_slice %arg2[%dma_wait3A_319, %dma_wait3A_320] : memref<10240x64xf32, #tpu.memory_space<hbm>> -> memref<128x64xf32, #tpu.memory_space<hbm>>
        %dma_wait3A_322 = arith.constant 0 : i32
        %dma_wait3A_323 = arith.constant 0 : i32
        %dma_wait3A_324 = tpu.memref_slice %arg2[%dma_wait3A_322, %dma_wait3A_323] : memref<10240x64xf32, #tpu.memory_space<hbm>> -> memref<128x64xf32, #tpu.memory_space<hbm>>
        tpu.wait_dma2 semaphore(%arg22 : memref<!tpu.dma_semaphore, #tpu.memory_space<semaphore_mem>>) src(%dma_wait3A_324 : memref<128x64xf32, #tpu.memory_space<hbm>>) dst(%arg14 : memref<128x64xf32, #tpu.memory_space<vmem>>)
      } else {
      }
      %add3A_101 = arith.constant 4 : i32
      %add3A_102 = arith.addi %add3A_85, %add3A_101 : i32
      %eq3A_103 = arith.constant 0 : i32
      %eq3A_104 = arith.cmpi eq, %arg0, %eq3A_103 : i32
      %convert_element_type3A_105 = arith.extui %eq3A_104 : i1 to i32
      %cond3A_106 = arith.constant 0 : i32
      %cond3A_107 = arith.cmpi ne, %convert_element_type3A_105, %cond3A_106 : i32
      scf.if %cond3A_107 {
        %dma_start3A_319 = arith.constant 0 : i32
        %dma_start3A_320 = tpu.memref_slice %arg7[%add3A_102, %dma_start3A_319] : memref<80x128xi32, #tpu.memory_space<vmem>> -> memref<1x128xi32, #tpu.memory_space<vmem>>
        %dma_start3A_321 = tpu.memref_squeeze %dma_start3A_320 : memref<1x128xi32, #tpu.memory_space<vmem>> -> memref<128xi32, #tpu.memory_space<vmem>>
        %dma_start3A_322 = arith.constant 0 : i32
        %dma_start3A_323 = arith.constant 0 : i32
        %dma_start3A_324 = tpu.memref_slice %arg2[%dma_start3A_322, %dma_start3A_323] : memref<10240x64xf32, #tpu.memory_space<hbm>> -> memref<10240x64xf32, #tpu.memory_space<hbm>>
        tpu.enqueue_indirect_dma source(%dma_start3A_324 : memref<10240x64xf32, #tpu.memory_space<hbm>>) target(%arg14 : memref<128x64xf32, #tpu.memory_space<vmem>>) offsets(%dma_start3A_321 : memref<128xi32, #tpu.memory_space<vmem>>) semaphore(%arg22 : memref<!tpu.dma_semaphore, #tpu.memory_space<semaphore_mem>>)
      } else {
      }
      %eq3A_108 = arith.constant 1 : i32
      %eq3A_109 = arith.cmpi eq, %arg0, %eq3A_108 : i32
      %convert_element_type3A_110 = arith.extui %eq3A_109 : i1 to i32
      %cond3A_111 = arith.constant 0 : i32
      %cond3A_112 = arith.cmpi ne, %convert_element_type3A_110, %cond3A_111 : i32
      scf.if %cond3A_112 {
        %dma_start3A_319 = arith.constant 0 : i32
        %dma_start3A_320 = tpu.memref_slice %arg7[%add3A_102, %dma_start3A_319] : memref<80x128xi32, #tpu.memory_space<vmem>> -> memref<1x128xi32, #tpu.memory_space<vmem>>
        %dma_start3A_321 = tpu.memref_squeeze %dma_start3A_320 : memref<1x128xi32, #tpu.memory_space<vmem>> -> memref<128xi32, #tpu.memory_space<vmem>>
        %dma_start3A_322 = arith.constant 0 : i32
        %dma_start3A_323 = arith.constant 0 : i32
        %dma_start3A_324 = tpu.memref_slice %arg3[%dma_start3A_322, %dma_start3A_323] : memref<10240x64xf32, #tpu.memory_space<hbm>> -> memref<10240x64xf32, #tpu.memory_space<hbm>>
        tpu.enqueue_indirect_dma source(%dma_start3A_324 : memref<10240x64xf32, #tpu.memory_space<hbm>>) target(%arg14 : memref<128x64xf32, #tpu.memory_space<vmem>>) offsets(%dma_start3A_321 : memref<128xi32, #tpu.memory_space<vmem>>) semaphore(%arg22 : memref<!tpu.dma_semaphore, #tpu.memory_space<semaphore_mem>>)
      } else {
      }
      %mul3A_113 = arith.constant 8 : i32
      %mul3A_114 = arith.muli %mul3A_113, %add3A_81 : i32
      %add3A_115 = arith.constant 1 : i32
      %add3A_116 = arith.addi %mul3A_114, %add3A_115 : i32
      %dma_wait3A_117 = arith.constant 0 : i32
      %dma_wait3A_118 = arith.constant 0 : i32
      %dma_wait3A_119 = tpu.memref_slice %arg2[%dma_wait3A_117, %dma_wait3A_118] : memref<10240x64xf32, #tpu.memory_space<hbm>> -> memref<128x64xf32, #tpu.memory_space<hbm>>
      %dma_wait3A_120 = arith.constant 0 : i32
      %dma_wait3A_121 = arith.constant 0 : i32
      %dma_wait3A_122 = tpu.memref_slice %arg2[%dma_wait3A_120, %dma_wait3A_121] : memref<10240x64xf32, #tpu.memory_space<hbm>> -> memref<128x64xf32, #tpu.memory_space<hbm>>
      tpu.wait_dma2 semaphore(%arg19 : memref<!tpu.dma_semaphore, #tpu.memory_space<semaphore_mem>>) src(%dma_wait3A_122 : memref<128x64xf32, #tpu.memory_space<hbm>>) dst(%arg11 : memref<128x64xf32, #tpu.memory_space<vmem>>)
      %dma_start3A_123 = arith.constant 0 : i32
      %dma_start3A_124 = tpu.memref_slice %arg8[%add3A_116, %dma_start3A_123] : memref<80x128xi32, #tpu.memory_space<vmem>> -> memref<1x128xi32, #tpu.memory_space<vmem>>
      %dma_start3A_125 = tpu.memref_squeeze %dma_start3A_124 : memref<1x128xi32, #tpu.memory_space<vmem>> -> memref<128xi32, #tpu.memory_space<vmem>>
      %dma_start3A_126 = arith.constant 0 : i32
      %dma_start3A_127 = arith.constant 0 : i32
      %dma_start3A_128 = tpu.memref_slice %arg26[%dma_start3A_126, %dma_start3A_127] : memref<10240x64xf32, #tpu.memory_space<vmem_shared>> -> memref<10240x64xf32, #tpu.memory_space<vmem_shared>>
      tpu.enqueue_indirect_dma source(%arg11 : memref<128x64xf32, #tpu.memory_space<vmem>>) target(%dma_start3A_128 : memref<10240x64xf32, #tpu.memory_space<vmem_shared>>) offsets(%dma_start3A_125 : memref<128xi32, #tpu.memory_space<vmem>>) semaphore(%arg19 : memref<!tpu.dma_semaphore, #tpu.memory_space<semaphore_mem>>) {add = true}
      %ge3A_129 = arith.constant 1 : i32
      %ge3A_130 = arith.cmpi sge, %add3A_81, %ge3A_129 : i32
      %convert_element_type3A_131 = arith.extui %ge3A_130 : i1 to i32
      %cond3A_132 = arith.constant 0 : i32
      %cond3A_133 = arith.cmpi ne, %convert_element_type3A_131, %cond3A_132 : i32
      scf.if %cond3A_133 {
        %dma_wait3A_319 = arith.constant 0 : i32
        %dma_wait3A_320 = arith.constant 0 : i32
        %dma_wait3A_321 = tpu.memref_slice %arg2[%dma_wait3A_319, %dma_wait3A_320] : memref<10240x64xf32, #tpu.memory_space<hbm>> -> memref<128x64xf32, #tpu.memory_space<hbm>>
        %dma_wait3A_322 = arith.constant 0 : i32
        %dma_wait3A_323 = arith.constant 0 : i32
        %dma_wait3A_324 = tpu.memref_slice %arg2[%dma_wait3A_322, %dma_wait3A_323] : memref<10240x64xf32, #tpu.memory_space<hbm>> -> memref<128x64xf32, #tpu.memory_space<hbm>>
        tpu.wait_dma2 semaphore(%arg23 : memref<!tpu.dma_semaphore, #tpu.memory_space<semaphore_mem>>) src(%dma_wait3A_324 : memref<128x64xf32, #tpu.memory_space<hbm>>) dst(%arg15 : memref<128x64xf32, #tpu.memory_space<vmem>>)
      } else {
      }
      %add3A_134 = arith.constant 4 : i32
      %add3A_135 = arith.addi %add3A_116, %add3A_134 : i32
      %eq3A_136 = arith.constant 0 : i32
      %eq3A_137 = arith.cmpi eq, %arg0, %eq3A_136 : i32
      %convert_element_type3A_138 = arith.extui %eq3A_137 : i1 to i32
      %cond3A_139 = arith.constant 0 : i32
      %cond3A_140 = arith.cmpi ne, %convert_element_type3A_138, %cond3A_139 : i32
      scf.if %cond3A_140 {
        %dma_start3A_319 = arith.constant 0 : i32
        %dma_start3A_320 = tpu.memref_slice %arg7[%add3A_135, %dma_start3A_319] : memref<80x128xi32, #tpu.memory_space<vmem>> -> memref<1x128xi32, #tpu.memory_space<vmem>>
        %dma_start3A_321 = tpu.memref_squeeze %dma_start3A_320 : memref<1x128xi32, #tpu.memory_space<vmem>> -> memref<128xi32, #tpu.memory_space<vmem>>
        %dma_start3A_322 = arith.constant 0 : i32
        %dma_start3A_323 = arith.constant 0 : i32
        %dma_start3A_324 = tpu.memref_slice %arg2[%dma_start3A_322, %dma_start3A_323] : memref<10240x64xf32, #tpu.memory_space<hbm>> -> memref<10240x64xf32, #tpu.memory_space<hbm>>
        tpu.enqueue_indirect_dma source(%dma_start3A_324 : memref<10240x64xf32, #tpu.memory_space<hbm>>) target(%arg15 : memref<128x64xf32, #tpu.memory_space<vmem>>) offsets(%dma_start3A_321 : memref<128xi32, #tpu.memory_space<vmem>>) semaphore(%arg23 : memref<!tpu.dma_semaphore, #tpu.memory_space<semaphore_mem>>)
      } else {
      }
      %eq3A_141 = arith.constant 1 : i32
      %eq3A_142 = arith.cmpi eq, %arg0, %eq3A_141 : i32
      %convert_element_type3A_143 = arith.extui %eq3A_142 : i1 to i32
      %cond3A_144 = arith.constant 0 : i32
      %cond3A_145 = arith.cmpi ne, %convert_element_type3A_143, %cond3A_144 : i32
      scf.if %cond3A_145 {
        %dma_start3A_319 = arith.constant 0 : i32
        %dma_start3A_320 = tpu.memref_slice %arg7[%add3A_135, %dma_start3A_319] : memref<80x128xi32, #tpu.memory_space<vmem>> -> memref<1x128xi32, #tpu.memory_space<vmem>>
        %dma_start3A_321 = tpu.memref_squeeze %dma_start3A_320 : memref<1x128xi32, #tpu.memory_space<vmem>> -> memref<128xi32, #tpu.memory_space<vmem>>
        %dma_start3A_322 = arith.constant 0 : i32
        %dma_start3A_323 = arith.constant 0 : i32
        %dma_start3A_324 = tpu.memref_slice %arg3[%dma_start3A_322, %dma_start3A_323] : memref<10240x64xf32, #tpu.memory_space<hbm>> -> memref<10240x64xf32, #tpu.memory_space<hbm>>
        tpu.enqueue_indirect_dma source(%dma_start3A_324 : memref<10240x64xf32, #tpu.memory_space<hbm>>) target(%arg15 : memref<128x64xf32, #tpu.memory_space<vmem>>) offsets(%dma_start3A_321 : memref<128xi32, #tpu.memory_space<vmem>>) semaphore(%arg23 : memref<!tpu.dma_semaphore, #tpu.memory_space<semaphore_mem>>)
      } else {
      }
      %mul3A_146 = arith.constant 8 : i32
      %mul3A_147 = arith.muli %mul3A_146, %add3A_81 : i32
      %add3A_148 = arith.constant 2 : i32
      %add3A_149 = arith.addi %mul3A_147, %add3A_148 : i32
      %dma_wait3A_150 = arith.constant 0 : i32
      %dma_wait3A_151 = arith.constant 0 : i32
      %dma_wait3A_152 = tpu.memref_slice %arg2[%dma_wait3A_150, %dma_wait3A_151] : memref<10240x64xf32, #tpu.memory_space<hbm>> -> memref<128x64xf32, #tpu.memory_space<hbm>>
      %dma_wait3A_153 = arith.constant 0 : i32
      %dma_wait3A_154 = arith.constant 0 : i32
      %dma_wait3A_155 = tpu.memref_slice %arg2[%dma_wait3A_153, %dma_wait3A_154] : memref<10240x64xf32, #tpu.memory_space<hbm>> -> memref<128x64xf32, #tpu.memory_space<hbm>>
      tpu.wait_dma2 semaphore(%arg20 : memref<!tpu.dma_semaphore, #tpu.memory_space<semaphore_mem>>) src(%dma_wait3A_155 : memref<128x64xf32, #tpu.memory_space<hbm>>) dst(%arg12 : memref<128x64xf32, #tpu.memory_space<vmem>>)
      %dma_start3A_156 = arith.constant 0 : i32
      %dma_start3A_157 = tpu.memref_slice %arg8[%add3A_149, %dma_start3A_156] : memref<80x128xi32, #tpu.memory_space<vmem>> -> memref<1x128xi32, #tpu.memory_space<vmem>>
      %dma_start3A_158 = tpu.memref_squeeze %dma_start3A_157 : memref<1x128xi32, #tpu.memory_space<vmem>> -> memref<128xi32, #tpu.memory_space<vmem>>
      %dma_start3A_159 = arith.constant 0 : i32
      %dma_start3A_160 = arith.constant 0 : i32
      %dma_start3A_161 = tpu.memref_slice %arg26[%dma_start3A_159, %dma_start3A_160] : memref<10240x64xf32, #tpu.memory_space<vmem_shared>> -> memref<10240x64xf32, #tpu.memory_space<vmem_shared>>
      tpu.enqueue_indirect_dma source(%arg12 : memref<128x64xf32, #tpu.memory_space<vmem>>) target(%dma_start3A_161 : memref<10240x64xf32, #tpu.memory_space<vmem_shared>>) offsets(%dma_start3A_158 : memref<128xi32, #tpu.memory_space<vmem>>) semaphore(%arg20 : memref<!tpu.dma_semaphore, #tpu.memory_space<semaphore_mem>>) {add = true}
      %ge3A_162 = arith.constant 1 : i32
      %ge3A_163 = arith.cmpi sge, %add3A_81, %ge3A_162 : i32
      %convert_element_type3A_164 = arith.extui %ge3A_163 : i1 to i32
      %cond3A_165 = arith.constant 0 : i32
      %cond3A_166 = arith.cmpi ne, %convert_element_type3A_164, %cond3A_165 : i32
      scf.if %cond3A_166 {
        %dma_wait3A_319 = arith.constant 0 : i32
        %dma_wait3A_320 = arith.constant 0 : i32
        %dma_wait3A_321 = tpu.memref_slice %arg2[%dma_wait3A_319, %dma_wait3A_320] : memref<10240x64xf32, #tpu.memory_space<hbm>> -> memref<128x64xf32, #tpu.memory_space<hbm>>
        %dma_wait3A_322 = arith.constant 0 : i32
        %dma_wait3A_323 = arith.constant 0 : i32
        %dma_wait3A_324 = tpu.memref_slice %arg2[%dma_wait3A_322, %dma_wait3A_323] : memref<10240x64xf32, #tpu.memory_space<hbm>> -> memref<128x64xf32, #tpu.memory_space<hbm>>
        tpu.wait_dma2 semaphore(%arg24 : memref<!tpu.dma_semaphore, #tpu.memory_space<semaphore_mem>>) src(%dma_wait3A_324 : memref<128x64xf32, #tpu.memory_space<hbm>>) dst(%arg16 : memref<128x64xf32, #tpu.memory_space<vmem>>)
      } else {
      }
      %add3A_167 = arith.constant 4 : i32
      %add3A_168 = arith.addi %add3A_149, %add3A_167 : i32
      %eq3A_169 = arith.constant 0 : i32
      %eq3A_170 = arith.cmpi eq, %arg0, %eq3A_169 : i32
      %convert_element_type3A_171 = arith.extui %eq3A_170 : i1 to i32
      %cond3A_172 = arith.constant 0 : i32
      %cond3A_173 = arith.cmpi ne, %convert_element_type3A_171, %cond3A_172 : i32
      scf.if %cond3A_173 {
        %dma_start3A_319 = arith.constant 0 : i32
        %dma_start3A_320 = tpu.memref_slice %arg7[%add3A_168, %dma_start3A_319] : memref<80x128xi32, #tpu.memory_space<vmem>> -> memref<1x128xi32, #tpu.memory_space<vmem>>
        %dma_start3A_321 = tpu.memref_squeeze %dma_start3A_320 : memref<1x128xi32, #tpu.memory_space<vmem>> -> memref<128xi32, #tpu.memory_space<vmem>>
        %dma_start3A_322 = arith.constant 0 : i32
        %dma_start3A_323 = arith.constant 0 : i32
        %dma_start3A_324 = tpu.memref_slice %arg2[%dma_start3A_322, %dma_start3A_323] : memref<10240x64xf32, #tpu.memory_space<hbm>> -> memref<10240x64xf32, #tpu.memory_space<hbm>>
        tpu.enqueue_indirect_dma source(%dma_start3A_324 : memref<10240x64xf32, #tpu.memory_space<hbm>>) target(%arg16 : memref<128x64xf32, #tpu.memory_space<vmem>>) offsets(%dma_start3A_321 : memref<128xi32, #tpu.memory_space<vmem>>) semaphore(%arg24 : memref<!tpu.dma_semaphore, #tpu.memory_space<semaphore_mem>>)
      } else {
      }
      %eq3A_174 = arith.constant 1 : i32
      %eq3A_175 = arith.cmpi eq, %arg0, %eq3A_174 : i32
      %convert_element_type3A_176 = arith.extui %eq3A_175 : i1 to i32
      %cond3A_177 = arith.constant 0 : i32
      %cond3A_178 = arith.cmpi ne, %convert_element_type3A_176, %cond3A_177 : i32
      scf.if %cond3A_178 {
        %dma_start3A_319 = arith.constant 0 : i32
        %dma_start3A_320 = tpu.memref_slice %arg7[%add3A_168, %dma_start3A_319] : memref<80x128xi32, #tpu.memory_space<vmem>> -> memref<1x128xi32, #tpu.memory_space<vmem>>
        %dma_start3A_321 = tpu.memref_squeeze %dma_start3A_320 : memref<1x128xi32, #tpu.memory_space<vmem>> -> memref<128xi32, #tpu.memory_space<vmem>>
        %dma_start3A_322 = arith.constant 0 : i32
        %dma_start3A_323 = arith.constant 0 : i32
        %dma_start3A_324 = tpu.memref_slice %arg3[%dma_start3A_322, %dma_start3A_323] : memref<10240x64xf32, #tpu.memory_space<hbm>> -> memref<10240x64xf32, #tpu.memory_space<hbm>>
        tpu.enqueue_indirect_dma source(%dma_start3A_324 : memref<10240x64xf32, #tpu.memory_space<hbm>>) target(%arg16 : memref<128x64xf32, #tpu.memory_space<vmem>>) offsets(%dma_start3A_321 : memref<128xi32, #tpu.memory_space<vmem>>) semaphore(%arg24 : memref<!tpu.dma_semaphore, #tpu.memory_space<semaphore_mem>>)
      } else {
      }
      %mul3A_179 = arith.constant 8 : i32
      %mul3A_180 = arith.muli %mul3A_179, %add3A_81 : i32
      %add3A_181 = arith.constant 3 : i32
      %add3A_182 = arith.addi %mul3A_180, %add3A_181 : i32
      %dma_wait3A_183 = arith.constant 0 : i32
      %dma_wait3A_184 = arith.constant 0 : i32
      %dma_wait3A_185 = tpu.memref_slice %arg2[%dma_wait3A_183, %dma_wait3A_184] : memref<10240x64xf32, #tpu.memory_space<hbm>> -> memref<128x64xf32, #tpu.memory_space<hbm>>
      %dma_wait3A_186 = arith.constant 0 : i32
      %dma_wait3A_187 = arith.constant 0 : i32
      %dma_wait3A_188 = tpu.memref_slice %arg2[%dma_wait3A_186, %dma_wait3A_187] : memref<10240x64xf32, #tpu.memory_space<hbm>> -> memref<128x64xf32, #tpu.memory_space<hbm>>
      tpu.wait_dma2 semaphore(%arg21 : memref<!tpu.dma_semaphore, #tpu.memory_space<semaphore_mem>>) src(%dma_wait3A_188 : memref<128x64xf32, #tpu.memory_space<hbm>>) dst(%arg13 : memref<128x64xf32, #tpu.memory_space<vmem>>)
      %dma_start3A_189 = arith.constant 0 : i32
      %dma_start3A_190 = tpu.memref_slice %arg8[%add3A_182, %dma_start3A_189] : memref<80x128xi32, #tpu.memory_space<vmem>> -> memref<1x128xi32, #tpu.memory_space<vmem>>
      %dma_start3A_191 = tpu.memref_squeeze %dma_start3A_190 : memref<1x128xi32, #tpu.memory_space<vmem>> -> memref<128xi32, #tpu.memory_space<vmem>>
      %dma_start3A_192 = arith.constant 0 : i32
      %dma_start3A_193 = arith.constant 0 : i32
      %dma_start3A_194 = tpu.memref_slice %arg26[%dma_start3A_192, %dma_start3A_193] : memref<10240x64xf32, #tpu.memory_space<vmem_shared>> -> memref<10240x64xf32, #tpu.memory_space<vmem_shared>>
      tpu.enqueue_indirect_dma source(%arg13 : memref<128x64xf32, #tpu.memory_space<vmem>>) target(%dma_start3A_194 : memref<10240x64xf32, #tpu.memory_space<vmem_shared>>) offsets(%dma_start3A_191 : memref<128xi32, #tpu.memory_space<vmem>>) semaphore(%arg21 : memref<!tpu.dma_semaphore, #tpu.memory_space<semaphore_mem>>) {add = true}
      %ge3A_195 = arith.constant 1 : i32
      %ge3A_196 = arith.cmpi sge, %add3A_81, %ge3A_195 : i32
      %convert_element_type3A_197 = arith.extui %ge3A_196 : i1 to i32
      %cond3A_198 = arith.constant 0 : i32
      %cond3A_199 = arith.cmpi ne, %convert_element_type3A_197, %cond3A_198 : i32
      scf.if %cond3A_199 {
        %dma_wait3A_319 = arith.constant 0 : i32
        %dma_wait3A_320 = arith.constant 0 : i32
        %dma_wait3A_321 = tpu.memref_slice %arg2[%dma_wait3A_319, %dma_wait3A_320] : memref<10240x64xf32, #tpu.memory_space<hbm>> -> memref<128x64xf32, #tpu.memory_space<hbm>>
        %dma_wait3A_322 = arith.constant 0 : i32
        %dma_wait3A_323 = arith.constant 0 : i32
        %dma_wait3A_324 = tpu.memref_slice %arg2[%dma_wait3A_322, %dma_wait3A_323] : memref<10240x64xf32, #tpu.memory_space<hbm>> -> memref<128x64xf32, #tpu.memory_space<hbm>>
        tpu.wait_dma2 semaphore(%arg25 : memref<!tpu.dma_semaphore, #tpu.memory_space<semaphore_mem>>) src(%dma_wait3A_324 : memref<128x64xf32, #tpu.memory_space<hbm>>) dst(%arg17 : memref<128x64xf32, #tpu.memory_space<vmem>>)
      } else {
      }
      %add3A_200 = arith.constant 4 : i32
      %add3A_201 = arith.addi %add3A_182, %add3A_200 : i32
      %eq3A_202 = arith.constant 0 : i32
      %eq3A_203 = arith.cmpi eq, %arg0, %eq3A_202 : i32
      %convert_element_type3A_204 = arith.extui %eq3A_203 : i1 to i32
      %cond3A_205 = arith.constant 0 : i32
      %cond3A_206 = arith.cmpi ne, %convert_element_type3A_204, %cond3A_205 : i32
      scf.if %cond3A_206 {
        %dma_start3A_319 = arith.constant 0 : i32
        %dma_start3A_320 = tpu.memref_slice %arg7[%add3A_201, %dma_start3A_319] : memref<80x128xi32, #tpu.memory_space<vmem>> -> memref<1x128xi32, #tpu.memory_space<vmem>>
        %dma_start3A_321 = tpu.memref_squeeze %dma_start3A_320 : memref<1x128xi32, #tpu.memory_space<vmem>> -> memref<128xi32, #tpu.memory_space<vmem>>
        %dma_start3A_322 = arith.constant 0 : i32
        %dma_start3A_323 = arith.constant 0 : i32
        %dma_start3A_324 = tpu.memref_slice %arg2[%dma_start3A_322, %dma_start3A_323] : memref<10240x64xf32, #tpu.memory_space<hbm>> -> memref<10240x64xf32, #tpu.memory_space<hbm>>
        tpu.enqueue_indirect_dma source(%dma_start3A_324 : memref<10240x64xf32, #tpu.memory_space<hbm>>) target(%arg17 : memref<128x64xf32, #tpu.memory_space<vmem>>) offsets(%dma_start3A_321 : memref<128xi32, #tpu.memory_space<vmem>>) semaphore(%arg25 : memref<!tpu.dma_semaphore, #tpu.memory_space<semaphore_mem>>)
      } else {
      }
      %eq3A_207 = arith.constant 1 : i32
      %eq3A_208 = arith.cmpi eq, %arg0, %eq3A_207 : i32
      %convert_element_type3A_209 = arith.extui %eq3A_208 : i1 to i32
      %cond3A_210 = arith.constant 0 : i32
      %cond3A_211 = arith.cmpi ne, %convert_element_type3A_209, %cond3A_210 : i32
      scf.if %cond3A_211 {
        %dma_start3A_319 = arith.constant 0 : i32
        %dma_start3A_320 = tpu.memref_slice %arg7[%add3A_201, %dma_start3A_319] : memref<80x128xi32, #tpu.memory_space<vmem>> -> memref<1x128xi32, #tpu.memory_space<vmem>>
        %dma_start3A_321 = tpu.memref_squeeze %dma_start3A_320 : memref<1x128xi32, #tpu.memory_space<vmem>> -> memref<128xi32, #tpu.memory_space<vmem>>
        %dma_start3A_322 = arith.constant 0 : i32
        %dma_start3A_323 = arith.constant 0 : i32
        %dma_start3A_324 = tpu.memref_slice %arg3[%dma_start3A_322, %dma_start3A_323] : memref<10240x64xf32, #tpu.memory_space<hbm>> -> memref<10240x64xf32, #tpu.memory_space<hbm>>
        tpu.enqueue_indirect_dma source(%dma_start3A_324 : memref<10240x64xf32, #tpu.memory_space<hbm>>) target(%arg17 : memref<128x64xf32, #tpu.memory_space<vmem>>) offsets(%dma_start3A_321 : memref<128xi32, #tpu.memory_space<vmem>>) semaphore(%arg25 : memref<!tpu.dma_semaphore, #tpu.memory_space<semaphore_mem>>)
      } else {
      }
      %mul3A_212 = arith.constant 8 : i32
      %mul3A_213 = arith.muli %mul3A_212, %add3A_81 : i32
      %add3A_214 = arith.constant 4 : i32
      %add3A_215 = arith.addi %mul3A_213, %add3A_214 : i32
      %dma_wait3A_216 = arith.constant 0 : i32
      %dma_wait3A_217 = arith.constant 0 : i32
      %dma_wait3A_218 = tpu.memref_slice %arg2[%dma_wait3A_216, %dma_wait3A_217] : memref<10240x64xf32, #tpu.memory_space<hbm>> -> memref<128x64xf32, #tpu.memory_space<hbm>>
      %dma_wait3A_219 = arith.constant 0 : i32
      %dma_wait3A_220 = arith.constant 0 : i32
      %dma_wait3A_221 = tpu.memref_slice %arg2[%dma_wait3A_219, %dma_wait3A_220] : memref<10240x64xf32, #tpu.memory_space<hbm>> -> memref<128x64xf32, #tpu.memory_space<hbm>>
      tpu.wait_dma2 semaphore(%arg22 : memref<!tpu.dma_semaphore, #tpu.memory_space<semaphore_mem>>) src(%dma_wait3A_221 : memref<128x64xf32, #tpu.memory_space<hbm>>) dst(%arg14 : memref<128x64xf32, #tpu.memory_space<vmem>>)
      %dma_start3A_222 = arith.constant 0 : i32
      %dma_start3A_223 = tpu.memref_slice %arg8[%add3A_215, %dma_start3A_222] : memref<80x128xi32, #tpu.memory_space<vmem>> -> memref<1x128xi32, #tpu.memory_space<vmem>>
      %dma_start3A_224 = tpu.memref_squeeze %dma_start3A_223 : memref<1x128xi32, #tpu.memory_space<vmem>> -> memref<128xi32, #tpu.memory_space<vmem>>
      %dma_start3A_225 = arith.constant 0 : i32
      %dma_start3A_226 = arith.constant 0 : i32
      %dma_start3A_227 = tpu.memref_slice %arg26[%dma_start3A_225, %dma_start3A_226] : memref<10240x64xf32, #tpu.memory_space<vmem_shared>> -> memref<10240x64xf32, #tpu.memory_space<vmem_shared>>
      tpu.enqueue_indirect_dma source(%arg14 : memref<128x64xf32, #tpu.memory_space<vmem>>) target(%dma_start3A_227 : memref<10240x64xf32, #tpu.memory_space<vmem_shared>>) offsets(%dma_start3A_224 : memref<128xi32, #tpu.memory_space<vmem>>) semaphore(%arg22 : memref<!tpu.dma_semaphore, #tpu.memory_space<semaphore_mem>>) {add = true}
      %dma_wait3A_228 = arith.constant 0 : i32
      %dma_wait3A_229 = arith.constant 0 : i32
      %dma_wait3A_230 = tpu.memref_slice %arg2[%dma_wait3A_228, %dma_wait3A_229] : memref<10240x64xf32, #tpu.memory_space<hbm>> -> memref<128x64xf32, #tpu.memory_space<hbm>>
      %dma_wait3A_231 = arith.constant 0 : i32
      %dma_wait3A_232 = arith.constant 0 : i32
      %dma_wait3A_233 = tpu.memref_slice %arg2[%dma_wait3A_231, %dma_wait3A_232] : memref<10240x64xf32, #tpu.memory_space<hbm>> -> memref<128x64xf32, #tpu.memory_space<hbm>>
      tpu.wait_dma2 semaphore(%arg18 : memref<!tpu.dma_semaphore, #tpu.memory_space<semaphore_mem>>) src(%dma_wait3A_233 : memref<128x64xf32, #tpu.memory_space<hbm>>) dst(%arg10 : memref<128x64xf32, #tpu.memory_space<vmem>>)
      %lt3A = arith.constant 9 : i32
      %lt3A_234 = arith.cmpi slt, %add3A_81, %lt3A : i32
      %convert_element_type3A_235 = arith.extui %lt3A_234 : i1 to i32
      %cond3A_236 = arith.constant 0 : i32
      %cond3A_237 = arith.cmpi ne, %convert_element_type3A_235, %cond3A_236 : i32
      scf.if %cond3A_237 {
        %add3A_319 = arith.constant 4 : i32
        %add3A_320 = arith.addi %add3A_215, %add3A_319 : i32
        %eq3A_321 = arith.constant 0 : i32
        %eq3A_322 = arith.cmpi eq, %arg0, %eq3A_321 : i32
        %convert_element_type3A_323 = arith.extui %eq3A_322 : i1 to i32
        %cond3A_324 = arith.constant 0 : i32
        %cond3A_325 = arith.cmpi ne, %convert_element_type3A_323, %cond3A_324 : i32
        scf.if %cond3A_325 {
          %dma_start3A_331 = arith.constant 0 : i32
          %dma_start3A_332 = tpu.memref_slice %arg7[%add3A_320, %dma_start3A_331] : memref<80x128xi32, #tpu.memory_space<vmem>> -> memref<1x128xi32, #tpu.memory_space<vmem>>
          %dma_start3A_333 = tpu.memref_squeeze %dma_start3A_332 : memref<1x128xi32, #tpu.memory_space<vmem>> -> memref<128xi32, #tpu.memory_space<vmem>>
          %dma_start3A_334 = arith.constant 0 : i32
          %dma_start3A_335 = arith.constant 0 : i32
          %dma_start3A_336 = tpu.memref_slice %arg2[%dma_start3A_334, %dma_start3A_335] : memref<10240x64xf32, #tpu.memory_space<hbm>> -> memref<10240x64xf32, #tpu.memory_space<hbm>>
          tpu.enqueue_indirect_dma source(%dma_start3A_336 : memref<10240x64xf32, #tpu.memory_space<hbm>>) target(%arg10 : memref<128x64xf32, #tpu.memory_space<vmem>>) offsets(%dma_start3A_333 : memref<128xi32, #tpu.memory_space<vmem>>) semaphore(%arg18 : memref<!tpu.dma_semaphore, #tpu.memory_space<semaphore_mem>>)
        } else {
        }
        %eq3A_326 = arith.constant 1 : i32
        %eq3A_327 = arith.cmpi eq, %arg0, %eq3A_326 : i32
        %convert_element_type3A_328 = arith.extui %eq3A_327 : i1 to i32
        %cond3A_329 = arith.constant 0 : i32
        %cond3A_330 = arith.cmpi ne, %convert_element_type3A_328, %cond3A_329 : i32
        scf.if %cond3A_330 {
          %dma_start3A_331 = arith.constant 0 : i32
          %dma_start3A_332 = tpu.memref_slice %arg7[%add3A_320, %dma_start3A_331] : memref<80x128xi32, #tpu.memory_space<vmem>> -> memref<1x128xi32, #tpu.memory_space<vmem>>
          %dma_start3A_333 = tpu.memref_squeeze %dma_start3A_332 : memref<1x128xi32, #tpu.memory_space<vmem>> -> memref<128xi32, #tpu.memory_space<vmem>>
          %dma_start3A_334 = arith.constant 0 : i32
          %dma_start3A_335 = arith.constant 0 : i32
          %dma_start3A_336 = tpu.memref_slice %arg3[%dma_start3A_334, %dma_start3A_335] : memref<10240x64xf32, #tpu.memory_space<hbm>> -> memref<10240x64xf32, #tpu.memory_space<hbm>>
          tpu.enqueue_indirect_dma source(%dma_start3A_336 : memref<10240x64xf32, #tpu.memory_space<hbm>>) target(%arg10 : memref<128x64xf32, #tpu.memory_space<vmem>>) offsets(%dma_start3A_333 : memref<128xi32, #tpu.memory_space<vmem>>) semaphore(%arg18 : memref<!tpu.dma_semaphore, #tpu.memory_space<semaphore_mem>>)
        } else {
        }
      } else {
      }
      %mul3A_238 = arith.constant 8 : i32
      %mul3A_239 = arith.muli %mul3A_238, %add3A_81 : i32
      %add3A_240 = arith.constant 5 : i32
      %add3A_241 = arith.addi %mul3A_239, %add3A_240 : i32
      %dma_wait3A_242 = arith.constant 0 : i32
      %dma_wait3A_243 = arith.constant 0 : i32
      %dma_wait3A_244 = tpu.memref_slice %arg2[%dma_wait3A_242, %dma_wait3A_243] : memref<10240x64xf32, #tpu.memory_space<hbm>> -> memref<128x64xf32, #tpu.memory_space<hbm>>
      %dma_wait3A_245 = arith.constant 0 : i32
      %dma_wait3A_246 = arith.constant 0 : i32
      %dma_wait3A_247 = tpu.memref_slice %arg2[%dma_wait3A_245, %dma_wait3A_246] : memref<10240x64xf32, #tpu.memory_space<hbm>> -> memref<128x64xf32, #tpu.memory_space<hbm>>
      tpu.wait_dma2 semaphore(%arg23 : memref<!tpu.dma_semaphore, #tpu.memory_space<semaphore_mem>>) src(%dma_wait3A_247 : memref<128x64xf32, #tpu.memory_space<hbm>>) dst(%arg15 : memref<128x64xf32, #tpu.memory_space<vmem>>)
      %dma_start3A_248 = arith.constant 0 : i32
      %dma_start3A_249 = tpu.memref_slice %arg8[%add3A_241, %dma_start3A_248] : memref<80x128xi32, #tpu.memory_space<vmem>> -> memref<1x128xi32, #tpu.memory_space<vmem>>
      %dma_start3A_250 = tpu.memref_squeeze %dma_start3A_249 : memref<1x128xi32, #tpu.memory_space<vmem>> -> memref<128xi32, #tpu.memory_space<vmem>>
      %dma_start3A_251 = arith.constant 0 : i32
      %dma_start3A_252 = arith.constant 0 : i32
      %dma_start3A_253 = tpu.memref_slice %arg26[%dma_start3A_251, %dma_start3A_252] : memref<10240x64xf32, #tpu.memory_space<vmem_shared>> -> memref<10240x64xf32, #tpu.memory_space<vmem_shared>>
      tpu.enqueue_indirect_dma source(%arg15 : memref<128x64xf32, #tpu.memory_space<vmem>>) target(%dma_start3A_253 : memref<10240x64xf32, #tpu.memory_space<vmem_shared>>) offsets(%dma_start3A_250 : memref<128xi32, #tpu.memory_space<vmem>>) semaphore(%arg23 : memref<!tpu.dma_semaphore, #tpu.memory_space<semaphore_mem>>) {add = true}
      %dma_wait3A_254 = arith.constant 0 : i32
      %dma_wait3A_255 = arith.constant 0 : i32
      %dma_wait3A_256 = tpu.memref_slice %arg2[%dma_wait3A_254, %dma_wait3A_255] : memref<10240x64xf32, #tpu.memory_space<hbm>> -> memref<128x64xf32, #tpu.memory_space<hbm>>
      %dma_wait3A_257 = arith.constant 0 : i32
      %dma_wait3A_258 = arith.constant 0 : i32
      %dma_wait3A_259 = tpu.memref_slice %arg2[%dma_wait3A_257, %dma_wait3A_258] : memref<10240x64xf32, #tpu.memory_space<hbm>> -> memref<128x64xf32, #tpu.memory_space<hbm>>
      tpu.wait_dma2 semaphore(%arg19 : memref<!tpu.dma_semaphore, #tpu.memory_space<semaphore_mem>>) src(%dma_wait3A_259 : memref<128x64xf32, #tpu.memory_space<hbm>>) dst(%arg11 : memref<128x64xf32, #tpu.memory_space<vmem>>)
      %lt3A_260 = arith.constant 9 : i32
      %lt3A_261 = arith.cmpi slt, %add3A_81, %lt3A_260 : i32
      %convert_element_type3A_262 = arith.extui %lt3A_261 : i1 to i32
      %cond3A_263 = arith.constant 0 : i32
      %cond3A_264 = arith.cmpi ne, %convert_element_type3A_262, %cond3A_263 : i32
      scf.if %cond3A_264 {
        %add3A_319 = arith.constant 4 : i32
        %add3A_320 = arith.addi %add3A_241, %add3A_319 : i32
        %eq3A_321 = arith.constant 0 : i32
        %eq3A_322 = arith.cmpi eq, %arg0, %eq3A_321 : i32
        %convert_element_type3A_323 = arith.extui %eq3A_322 : i1 to i32
        %cond3A_324 = arith.constant 0 : i32
        %cond3A_325 = arith.cmpi ne, %convert_element_type3A_323, %cond3A_324 : i32
        scf.if %cond3A_325 {
          %dma_start3A_331 = arith.constant 0 : i32
          %dma_start3A_332 = tpu.memref_slice %arg7[%add3A_320, %dma_start3A_331] : memref<80x128xi32, #tpu.memory_space<vmem>> -> memref<1x128xi32, #tpu.memory_space<vmem>>
          %dma_start3A_333 = tpu.memref_squeeze %dma_start3A_332 : memref<1x128xi32, #tpu.memory_space<vmem>> -> memref<128xi32, #tpu.memory_space<vmem>>
          %dma_start3A_334 = arith.constant 0 : i32
          %dma_start3A_335 = arith.constant 0 : i32
          %dma_start3A_336 = tpu.memref_slice %arg2[%dma_start3A_334, %dma_start3A_335] : memref<10240x64xf32, #tpu.memory_space<hbm>> -> memref<10240x64xf32, #tpu.memory_space<hbm>>
          tpu.enqueue_indirect_dma source(%dma_start3A_336 : memref<10240x64xf32, #tpu.memory_space<hbm>>) target(%arg11 : memref<128x64xf32, #tpu.memory_space<vmem>>) offsets(%dma_start3A_333 : memref<128xi32, #tpu.memory_space<vmem>>) semaphore(%arg19 : memref<!tpu.dma_semaphore, #tpu.memory_space<semaphore_mem>>)
        } else {
        }
        %eq3A_326 = arith.constant 1 : i32
        %eq3A_327 = arith.cmpi eq, %arg0, %eq3A_326 : i32
        %convert_element_type3A_328 = arith.extui %eq3A_327 : i1 to i32
        %cond3A_329 = arith.constant 0 : i32
        %cond3A_330 = arith.cmpi ne, %convert_element_type3A_328, %cond3A_329 : i32
        scf.if %cond3A_330 {
          %dma_start3A_331 = arith.constant 0 : i32
          %dma_start3A_332 = tpu.memref_slice %arg7[%add3A_320, %dma_start3A_331] : memref<80x128xi32, #tpu.memory_space<vmem>> -> memref<1x128xi32, #tpu.memory_space<vmem>>
          %dma_start3A_333 = tpu.memref_squeeze %dma_start3A_332 : memref<1x128xi32, #tpu.memory_space<vmem>> -> memref<128xi32, #tpu.memory_space<vmem>>
          %dma_start3A_334 = arith.constant 0 : i32
          %dma_start3A_335 = arith.constant 0 : i32
          %dma_start3A_336 = tpu.memref_slice %arg3[%dma_start3A_334, %dma_start3A_335] : memref<10240x64xf32, #tpu.memory_space<hbm>> -> memref<10240x64xf32, #tpu.memory_space<hbm>>
          tpu.enqueue_indirect_dma source(%dma_start3A_336 : memref<10240x64xf32, #tpu.memory_space<hbm>>) target(%arg11 : memref<128x64xf32, #tpu.memory_space<vmem>>) offsets(%dma_start3A_333 : memref<128xi32, #tpu.memory_space<vmem>>) semaphore(%arg19 : memref<!tpu.dma_semaphore, #tpu.memory_space<semaphore_mem>>)
        } else {
        }
      } else {
      }
      %mul3A_265 = arith.constant 8 : i32
      %mul3A_266 = arith.muli %mul3A_265, %add3A_81 : i32
      %add3A_267 = arith.constant 6 : i32
      %add3A_268 = arith.addi %mul3A_266, %add3A_267 : i32
      %dma_wait3A_269 = arith.constant 0 : i32
      %dma_wait3A_270 = arith.constant 0 : i32
      %dma_wait3A_271 = tpu.memref_slice %arg2[%dma_wait3A_269, %dma_wait3A_270] : memref<10240x64xf32, #tpu.memory_space<hbm>> -> memref<128x64xf32, #tpu.memory_space<hbm>>
      %dma_wait3A_272 = arith.constant 0 : i32
      %dma_wait3A_273 = arith.constant 0 : i32
      %dma_wait3A_274 = tpu.memref_slice %arg2[%dma_wait3A_272, %dma_wait3A_273] : memref<10240x64xf32, #tpu.memory_space<hbm>> -> memref<128x64xf32, #tpu.memory_space<hbm>>
      tpu.wait_dma2 semaphore(%arg24 : memref<!tpu.dma_semaphore, #tpu.memory_space<semaphore_mem>>) src(%dma_wait3A_274 : memref<128x64xf32, #tpu.memory_space<hbm>>) dst(%arg16 : memref<128x64xf32, #tpu.memory_space<vmem>>)
      %dma_start3A_275 = arith.constant 0 : i32
      %dma_start3A_276 = tpu.memref_slice %arg8[%add3A_268, %dma_start3A_275] : memref<80x128xi32, #tpu.memory_space<vmem>> -> memref<1x128xi32, #tpu.memory_space<vmem>>
      %dma_start3A_277 = tpu.memref_squeeze %dma_start3A_276 : memref<1x128xi32, #tpu.memory_space<vmem>> -> memref<128xi32, #tpu.memory_space<vmem>>
      %dma_start3A_278 = arith.constant 0 : i32
      %dma_start3A_279 = arith.constant 0 : i32
      %dma_start3A_280 = tpu.memref_slice %arg26[%dma_start3A_278, %dma_start3A_279] : memref<10240x64xf32, #tpu.memory_space<vmem_shared>> -> memref<10240x64xf32, #tpu.memory_space<vmem_shared>>
      tpu.enqueue_indirect_dma source(%arg16 : memref<128x64xf32, #tpu.memory_space<vmem>>) target(%dma_start3A_280 : memref<10240x64xf32, #tpu.memory_space<vmem_shared>>) offsets(%dma_start3A_277 : memref<128xi32, #tpu.memory_space<vmem>>) semaphore(%arg24 : memref<!tpu.dma_semaphore, #tpu.memory_space<semaphore_mem>>) {add = true}
      %dma_wait3A_281 = arith.constant 0 : i32
      %dma_wait3A_282 = arith.constant 0 : i32
      %dma_wait3A_283 = tpu.memref_slice %arg2[%dma_wait3A_281, %dma_wait3A_282] : memref<10240x64xf32, #tpu.memory_space<hbm>> -> memref<128x64xf32, #tpu.memory_space<hbm>>
      %dma_wait3A_284 = arith.constant 0 : i32
      %dma_wait3A_285 = arith.constant 0 : i32
      %dma_wait3A_286 = tpu.memref_slice %arg2[%dma_wait3A_284, %dma_wait3A_285] : memref<10240x64xf32, #tpu.memory_space<hbm>> -> memref<128x64xf32, #tpu.memory_space<hbm>>
      tpu.wait_dma2 semaphore(%arg20 : memref<!tpu.dma_semaphore, #tpu.memory_space<semaphore_mem>>) src(%dma_wait3A_286 : memref<128x64xf32, #tpu.memory_space<hbm>>) dst(%arg12 : memref<128x64xf32, #tpu.memory_space<vmem>>)
      %lt3A_287 = arith.constant 9 : i32
      %lt3A_288 = arith.cmpi slt, %add3A_81, %lt3A_287 : i32
      %convert_element_type3A_289 = arith.extui %lt3A_288 : i1 to i32
      %cond3A_290 = arith.constant 0 : i32
      %cond3A_291 = arith.cmpi ne, %convert_element_type3A_289, %cond3A_290 : i32
      scf.if %cond3A_291 {
        %add3A_319 = arith.constant 4 : i32
        %add3A_320 = arith.addi %add3A_268, %add3A_319 : i32
        %eq3A_321 = arith.constant 0 : i32
        %eq3A_322 = arith.cmpi eq, %arg0, %eq3A_321 : i32
        %convert_element_type3A_323 = arith.extui %eq3A_322 : i1 to i32
        %cond3A_324 = arith.constant 0 : i32
        %cond3A_325 = arith.cmpi ne, %convert_element_type3A_323, %cond3A_324 : i32
        scf.if %cond3A_325 {
          %dma_start3A_331 = arith.constant 0 : i32
          %dma_start3A_332 = tpu.memref_slice %arg7[%add3A_320, %dma_start3A_331] : memref<80x128xi32, #tpu.memory_space<vmem>> -> memref<1x128xi32, #tpu.memory_space<vmem>>
          %dma_start3A_333 = tpu.memref_squeeze %dma_start3A_332 : memref<1x128xi32, #tpu.memory_space<vmem>> -> memref<128xi32, #tpu.memory_space<vmem>>
          %dma_start3A_334 = arith.constant 0 : i32
          %dma_start3A_335 = arith.constant 0 : i32
          %dma_start3A_336 = tpu.memref_slice %arg2[%dma_start3A_334, %dma_start3A_335] : memref<10240x64xf32, #tpu.memory_space<hbm>> -> memref<10240x64xf32, #tpu.memory_space<hbm>>
          tpu.enqueue_indirect_dma source(%dma_start3A_336 : memref<10240x64xf32, #tpu.memory_space<hbm>>) target(%arg12 : memref<128x64xf32, #tpu.memory_space<vmem>>) offsets(%dma_start3A_333 : memref<128xi32, #tpu.memory_space<vmem>>) semaphore(%arg20 : memref<!tpu.dma_semaphore, #tpu.memory_space<semaphore_mem>>)
        } else {
        }
        %eq3A_326 = arith.constant 1 : i32
        %eq3A_327 = arith.cmpi eq, %arg0, %eq3A_326 : i32
        %convert_element_type3A_328 = arith.extui %eq3A_327 : i1 to i32
        %cond3A_329 = arith.constant 0 : i32
        %cond3A_330 = arith.cmpi ne, %convert_element_type3A_328, %cond3A_329 : i32
        scf.if %cond3A_330 {
          %dma_start3A_331 = arith.constant 0 : i32
          %dma_start3A_332 = tpu.memref_slice %arg7[%add3A_320, %dma_start3A_331] : memref<80x128xi32, #tpu.memory_space<vmem>> -> memref<1x128xi32, #tpu.memory_space<vmem>>
          %dma_start3A_333 = tpu.memref_squeeze %dma_start3A_332 : memref<1x128xi32, #tpu.memory_space<vmem>> -> memref<128xi32, #tpu.memory_space<vmem>>
          %dma_start3A_334 = arith.constant 0 : i32
          %dma_start3A_335 = arith.constant 0 : i32
          %dma_start3A_336 = tpu.memref_slice %arg3[%dma_start3A_334, %dma_start3A_335] : memref<10240x64xf32, #tpu.memory_space<hbm>> -> memref<10240x64xf32, #tpu.memory_space<hbm>>
          tpu.enqueue_indirect_dma source(%dma_start3A_336 : memref<10240x64xf32, #tpu.memory_space<hbm>>) target(%arg12 : memref<128x64xf32, #tpu.memory_space<vmem>>) offsets(%dma_start3A_333 : memref<128xi32, #tpu.memory_space<vmem>>) semaphore(%arg20 : memref<!tpu.dma_semaphore, #tpu.memory_space<semaphore_mem>>)
        } else {
        }
      } else {
      }
      %mul3A_292 = arith.constant 8 : i32
      %mul3A_293 = arith.muli %mul3A_292, %add3A_81 : i32
      %add3A_294 = arith.constant 7 : i32
      %add3A_295 = arith.addi %mul3A_293, %add3A_294 : i32
      %dma_wait3A_296 = arith.constant 0 : i32
      %dma_wait3A_297 = arith.constant 0 : i32
      %dma_wait3A_298 = tpu.memref_slice %arg2[%dma_wait3A_296, %dma_wait3A_297] : memref<10240x64xf32, #tpu.memory_space<hbm>> -> memref<128x64xf32, #tpu.memory_space<hbm>>
      %dma_wait3A_299 = arith.constant 0 : i32
      %dma_wait3A_300 = arith.constant 0 : i32
      %dma_wait3A_301 = tpu.memref_slice %arg2[%dma_wait3A_299, %dma_wait3A_300] : memref<10240x64xf32, #tpu.memory_space<hbm>> -> memref<128x64xf32, #tpu.memory_space<hbm>>
      tpu.wait_dma2 semaphore(%arg25 : memref<!tpu.dma_semaphore, #tpu.memory_space<semaphore_mem>>) src(%dma_wait3A_301 : memref<128x64xf32, #tpu.memory_space<hbm>>) dst(%arg17 : memref<128x64xf32, #tpu.memory_space<vmem>>)
      %dma_start3A_302 = arith.constant 0 : i32
      %dma_start3A_303 = tpu.memref_slice %arg8[%add3A_295, %dma_start3A_302] : memref<80x128xi32, #tpu.memory_space<vmem>> -> memref<1x128xi32, #tpu.memory_space<vmem>>
      %dma_start3A_304 = tpu.memref_squeeze %dma_start3A_303 : memref<1x128xi32, #tpu.memory_space<vmem>> -> memref<128xi32, #tpu.memory_space<vmem>>
      %dma_start3A_305 = arith.constant 0 : i32
      %dma_start3A_306 = arith.constant 0 : i32
      %dma_start3A_307 = tpu.memref_slice %arg26[%dma_start3A_305, %dma_start3A_306] : memref<10240x64xf32, #tpu.memory_space<vmem_shared>> -> memref<10240x64xf32, #tpu.memory_space<vmem_shared>>
      tpu.enqueue_indirect_dma source(%arg17 : memref<128x64xf32, #tpu.memory_space<vmem>>) target(%dma_start3A_307 : memref<10240x64xf32, #tpu.memory_space<vmem_shared>>) offsets(%dma_start3A_304 : memref<128xi32, #tpu.memory_space<vmem>>) semaphore(%arg25 : memref<!tpu.dma_semaphore, #tpu.memory_space<semaphore_mem>>) {add = true}
      %dma_wait3A_308 = arith.constant 0 : i32
      %dma_wait3A_309 = arith.constant 0 : i32
      %dma_wait3A_310 = tpu.memref_slice %arg2[%dma_wait3A_308, %dma_wait3A_309] : memref<10240x64xf32, #tpu.memory_space<hbm>> -> memref<128x64xf32, #tpu.memory_space<hbm>>
      %dma_wait3A_311 = arith.constant 0 : i32
      %dma_wait3A_312 = arith.constant 0 : i32
      %dma_wait3A_313 = tpu.memref_slice %arg2[%dma_wait3A_311, %dma_wait3A_312] : memref<10240x64xf32, #tpu.memory_space<hbm>> -> memref<128x64xf32, #tpu.memory_space<hbm>>
      tpu.wait_dma2 semaphore(%arg21 : memref<!tpu.dma_semaphore, #tpu.memory_space<semaphore_mem>>) src(%dma_wait3A_313 : memref<128x64xf32, #tpu.memory_space<hbm>>) dst(%arg13 : memref<128x64xf32, #tpu.memory_space<vmem>>)
      %lt3A_314 = arith.constant 9 : i32
      %lt3A_315 = arith.cmpi slt, %add3A_81, %lt3A_314 : i32
      %convert_element_type3A_316 = arith.extui %lt3A_315 : i1 to i32
      %cond3A_317 = arith.constant 0 : i32
      %cond3A_318 = arith.cmpi ne, %convert_element_type3A_316, %cond3A_317 : i32
      scf.if %cond3A_318 {
        %add3A_319 = arith.constant 4 : i32
        %add3A_320 = arith.addi %add3A_295, %add3A_319 : i32
        %eq3A_321 = arith.constant 0 : i32
        %eq3A_322 = arith.cmpi eq, %arg0, %eq3A_321 : i32
        %convert_element_type3A_323 = arith.extui %eq3A_322 : i1 to i32
        %cond3A_324 = arith.constant 0 : i32
        %cond3A_325 = arith.cmpi ne, %convert_element_type3A_323, %cond3A_324 : i32
        scf.if %cond3A_325 {
          %dma_start3A_331 = arith.constant 0 : i32
          %dma_start3A_332 = tpu.memref_slice %arg7[%add3A_320, %dma_start3A_331] : memref<80x128xi32, #tpu.memory_space<vmem>> -> memref<1x128xi32, #tpu.memory_space<vmem>>
          %dma_start3A_333 = tpu.memref_squeeze %dma_start3A_332 : memref<1x128xi32, #tpu.memory_space<vmem>> -> memref<128xi32, #tpu.memory_space<vmem>>
          %dma_start3A_334 = arith.constant 0 : i32
          %dma_start3A_335 = arith.constant 0 : i32
          %dma_start3A_336 = tpu.memref_slice %arg2[%dma_start3A_334, %dma_start3A_335] : memref<10240x64xf32, #tpu.memory_space<hbm>> -> memref<10240x64xf32, #tpu.memory_space<hbm>>
          tpu.enqueue_indirect_dma source(%dma_start3A_336 : memref<10240x64xf32, #tpu.memory_space<hbm>>) target(%arg13 : memref<128x64xf32, #tpu.memory_space<vmem>>) offsets(%dma_start3A_333 : memref<128xi32, #tpu.memory_space<vmem>>) semaphore(%arg21 : memref<!tpu.dma_semaphore, #tpu.memory_space<semaphore_mem>>)
        } else {
        }
        %eq3A_326 = arith.constant 1 : i32
        %eq3A_327 = arith.cmpi eq, %arg0, %eq3A_326 : i32
        %convert_element_type3A_328 = arith.extui %eq3A_327 : i1 to i32
        %cond3A_329 = arith.constant 0 : i32
        %cond3A_330 = arith.cmpi ne, %convert_element_type3A_328, %cond3A_329 : i32
        scf.if %cond3A_330 {
          %dma_start3A_331 = arith.constant 0 : i32
          %dma_start3A_332 = tpu.memref_slice %arg7[%add3A_320, %dma_start3A_331] : memref<80x128xi32, #tpu.memory_space<vmem>> -> memref<1x128xi32, #tpu.memory_space<vmem>>
          %dma_start3A_333 = tpu.memref_squeeze %dma_start3A_332 : memref<1x128xi32, #tpu.memory_space<vmem>> -> memref<128xi32, #tpu.memory_space<vmem>>
          %dma_start3A_334 = arith.constant 0 : i32
          %dma_start3A_335 = arith.constant 0 : i32
          %dma_start3A_336 = tpu.memref_slice %arg3[%dma_start3A_334, %dma_start3A_335] : memref<10240x64xf32, #tpu.memory_space<hbm>> -> memref<10240x64xf32, #tpu.memory_space<hbm>>
          tpu.enqueue_indirect_dma source(%dma_start3A_336 : memref<10240x64xf32, #tpu.memory_space<hbm>>) target(%arg13 : memref<128x64xf32, #tpu.memory_space<vmem>>) offsets(%dma_start3A_333 : memref<128xi32, #tpu.memory_space<vmem>>) semaphore(%arg21 : memref<!tpu.dma_semaphore, #tpu.memory_space<semaphore_mem>>)
        } else {
        }
      } else {
      }
    }
    %scan3A_50 = arith.constant 10 : i32
    %dma_wait3A = arith.constant 0 : i32
    %dma_wait3A_51 = arith.constant 0 : i32
    %dma_wait3A_52 = tpu.memref_slice %arg2[%dma_wait3A, %dma_wait3A_51] : memref<10240x64xf32, #tpu.memory_space<hbm>> -> memref<128x64xf32, #tpu.memory_space<hbm>>
    %dma_wait3A_53 = arith.constant 0 : i32
    %dma_wait3A_54 = arith.constant 0 : i32
    %dma_wait3A_55 = tpu.memref_slice %arg2[%dma_wait3A_53, %dma_wait3A_54] : memref<10240x64xf32, #tpu.memory_space<hbm>> -> memref<128x64xf32, #tpu.memory_space<hbm>>
    tpu.wait_dma2 semaphore(%arg22 : memref<!tpu.dma_semaphore, #tpu.memory_space<semaphore_mem>>) src(%dma_wait3A_55 : memref<128x64xf32, #tpu.memory_space<hbm>>) dst(%arg14 : memref<128x64xf32, #tpu.memory_space<vmem>>)
    %dma_wait3A_56 = arith.constant 0 : i32
    %dma_wait3A_57 = arith.constant 0 : i32
    %dma_wait3A_58 = tpu.memref_slice %arg2[%dma_wait3A_56, %dma_wait3A_57] : memref<10240x64xf32, #tpu.memory_space<hbm>> -> memref<128x64xf32, #tpu.memory_space<hbm>>
    %dma_wait3A_59 = arith.constant 0 : i32
    %dma_wait3A_60 = arith.constant 0 : i32
    %dma_wait3A_61 = tpu.memref_slice %arg2[%dma_wait3A_59, %dma_wait3A_60] : memref<10240x64xf32, #tpu.memory_space<hbm>> -> memref<128x64xf32, #tpu.memory_space<hbm>>
    tpu.wait_dma2 semaphore(%arg23 : memref<!tpu.dma_semaphore, #tpu.memory_space<semaphore_mem>>) src(%dma_wait3A_61 : memref<128x64xf32, #tpu.memory_space<hbm>>) dst(%arg15 : memref<128x64xf32, #tpu.memory_space<vmem>>)
    %dma_wait3A_62 = arith.constant 0 : i32
    %dma_wait3A_63 = arith.constant 0 : i32
    %dma_wait3A_64 = tpu.memref_slice %arg2[%dma_wait3A_62, %dma_wait3A_63] : memref<10240x64xf32, #tpu.memory_space<hbm>> -> memref<128x64xf32, #tpu.memory_space<hbm>>
    %dma_wait3A_65 = arith.constant 0 : i32
    %dma_wait3A_66 = arith.constant 0 : i32
    %dma_wait3A_67 = tpu.memref_slice %arg2[%dma_wait3A_65, %dma_wait3A_66] : memref<10240x64xf32, #tpu.memory_space<hbm>> -> memref<128x64xf32, #tpu.memory_space<hbm>>
    tpu.wait_dma2 semaphore(%arg24 : memref<!tpu.dma_semaphore, #tpu.memory_space<semaphore_mem>>) src(%dma_wait3A_67 : memref<128x64xf32, #tpu.memory_space<hbm>>) dst(%arg16 : memref<128x64xf32, #tpu.memory_space<vmem>>)
    %dma_wait3A_68 = arith.constant 0 : i32
    %dma_wait3A_69 = arith.constant 0 : i32
    %dma_wait3A_70 = tpu.memref_slice %arg2[%dma_wait3A_68, %dma_wait3A_69] : memref<10240x64xf32, #tpu.memory_space<hbm>> -> memref<128x64xf32, #tpu.memory_space<hbm>>
    %dma_wait3A_71 = arith.constant 0 : i32
    %dma_wait3A_72 = arith.constant 0 : i32
    %dma_wait3A_73 = tpu.memref_slice %arg2[%dma_wait3A_71, %dma_wait3A_72] : memref<10240x64xf32, #tpu.memory_space<hbm>> -> memref<128x64xf32, #tpu.memory_space<hbm>>
    tpu.wait_dma2 semaphore(%arg25 : memref<!tpu.dma_semaphore, #tpu.memory_space<semaphore_mem>>) src(%dma_wait3A_73 : memref<128x64xf32, #tpu.memory_space<hbm>>) dst(%arg17 : memref<128x64xf32, #tpu.memory_space<vmem>>)
    %barrier3A_74 = arith.constant 0 : index
    tpu.barrier barrier_id(%barrier3A_74)
    %mul3A = arith.constant 640 : i32
    %mul3A_75 = arith.muli %arg1, %mul3A : i32
    %mul3A_76 = arith.constant 640 : i32
    %mul3A_77 = arith.muli %arg1, %mul3A_76 : i32
    "tpu.region"() ({
      %run_scoped3A = tpu.sem_alloc : memref<!tpu.dma_semaphore, #tpu.memory_space<semaphore_mem>>
      %dma_start3A = arith.constant 0 : i32
      %dma_start3A_78 = arith.constant 0 : i32
      %dma_start3A_79 = tpu.memref_slice %arg6[%arg0, %dma_start3A, %dma_start3A_78] : memref<2x10240x64xf32, #tpu.memory_space<hbm>> -> memref<1x10240x64xf32, #tpu.memory_space<hbm>>
      %dma_start3A_80 = tpu.memref_squeeze %dma_start3A_79 : memref<1x10240x64xf32, #tpu.memory_space<hbm>> -> memref<10240x64xf32, #tpu.memory_space<hbm>>
      %dma_start3A_81 = arith.constant 0 : i32
      %dma_start3A_82 = tpu.memref_slice %dma_start3A_80[%mul3A_77, %dma_start3A_81] : memref<10240x64xf32, #tpu.memory_space<hbm>> -> memref<640x64xf32, #tpu.memory_space<hbm>>
      %dma_start3A_83 = arith.constant 0 : i32
      %dma_start3A_84 = tpu.memref_slice %arg26[%mul3A_75, %dma_start3A_83] : memref<10240x64xf32, #tpu.memory_space<vmem_shared>> -> memref<640x64xf32, #tpu.memory_space<vmem_shared>>
      tpu.enqueue_dma source(%dma_start3A_84 : memref<640x64xf32, #tpu.memory_space<vmem_shared>>) target(%dma_start3A_82 : memref<640x64xf32, #tpu.memory_space<hbm>>) target_semaphore(%run_scoped3A : memref<!tpu.dma_semaphore, #tpu.memory_space<semaphore_mem>>)
      %dma_wait3A_85 = arith.constant 0 : i32
      %dma_wait3A_86 = arith.constant 0 : i32
      %dma_wait3A_87 = tpu.memref_slice %arg6[%arg0, %dma_wait3A_85, %dma_wait3A_86] : memref<2x10240x64xf32, #tpu.memory_space<hbm>> -> memref<1x10240x64xf32, #tpu.memory_space<hbm>>
      %dma_wait3A_88 = tpu.memref_squeeze %dma_wait3A_87 : memref<1x10240x64xf32, #tpu.memory_space<hbm>> -> memref<10240x64xf32, #tpu.memory_space<hbm>>
      %dma_wait3A_89 = arith.constant 0 : i32
      %dma_wait3A_90 = tpu.memref_slice %dma_wait3A_88[%mul3A_77, %dma_wait3A_89] : memref<10240x64xf32, #tpu.memory_space<hbm>> -> memref<640x64xf32, #tpu.memory_space<hbm>>
      %dma_wait3A_91 = arith.constant 0 : i32
      %dma_wait3A_92 = tpu.memref_slice %arg26[%mul3A_75, %dma_wait3A_91] : memref<10240x64xf32, #tpu.memory_space<vmem_shared>> -> memref<640x64xf32, #tpu.memory_space<vmem_shared>>
      tpu.wait_dma2 semaphore(%run_scoped3A : memref<!tpu.dma_semaphore, #tpu.memory_space<semaphore_mem>>) src(%dma_wait3A_92 : memref<640x64xf32, #tpu.memory_space<vmem_shared>>) dst(%dma_wait3A_90 : memref<640x64xf32, #tpu.memory_space<hbm>>)
      tpu.yield
    }) : () -> ()
    return
  }
}

#map = affine_map<(d0, d1) -> (0, 0, 0)>
module attributes {stable_mosaic.version = 14 : i64} {
  func.func @_deg_body(%arg0: i32, %arg1: i32, %arg2: memref<32x40x128xi32, #tpu.memory_space<hbm>>, %arg3: memref<2x10240x16xf32, #tpu.memory_space<hbm>>, %arg4: memref<40x128xi32, #tpu.memory_space<vmem>>, %arg5: memref<128x16xf32, #tpu.memory_space<vmem>>, %arg6: memref<128x16xf32, #tpu.memory_space<vmem>>, %arg7: memref<10240x16xf32, #tpu.memory_space<vmem_shared>>) attributes {dimension_semantics = [#tpu.dimension_semantics<core_parallel>, #tpu.dimension_semantics<subcore_parallel>], iteration_bounds = array<i64: 2, 16>, scalar_prefetch = 0 : i64, scratch_operands = 4 : i64, tpu.core_type = #tpu.core_type<sc_vector_subcore>, window_params = [{transform_indices = #map}, {transform_indices = #map}]} {
    %scan3A = arith.constant 0 : i32
    %scan3A_0 = arith.constant 128 : i32
    %scan3A_1 = arith.addi %scan3A, %scan3A_0 : i32
    %scan3A_2 = arith.constant 1 : i32
    scf.for %scan3A_25 = %scan3A to %scan3A_1 step %scan3A_2  : i32 {
      %mul3A_26 = arith.constant 1 : i32
      %mul3A_27 = arith.muli %scan3A_25, %mul3A_26 : i32
      %add3A_28 = arith.constant 0 : i32
      %add3A_29 = arith.addi %add3A_28, %mul3A_27 : i32
      %broadcast_in_dim3A = arith.constant 1.000000e+00 : f32
      %broadcast_in_dim3A_30 = vector.broadcast %broadcast_in_dim3A : f32 to vector<16xf32>
      %swap3A = arith.index_cast %add3A_29 : i32 to index
      %swap3A_31 = arith.constant 0 : index
      %swap3A_32 = tpu.vector_load %arg5[%swap3A, %swap3A_31] {strides = array<i32>} : memref<128x16xf32, #tpu.memory_space<vmem>>, vector<1x16xf32>,
      %swap3A_33 = vector.shape_cast %swap3A_32 : vector<1x16xf32> to vector<16xf32>
      %swap3A_34 = vector.shape_cast %broadcast_in_dim3A_30 : vector<16xf32> to vector<1x16xf32>
      tpu.vector_store %arg5[%swap3A, %swap3A_31], %swap3A_34 {strides = array<i32>} : memref<128x16xf32, #tpu.memory_space<vmem>>, vector<1x16xf32>,
    }
    %scan3A_3 = arith.constant 128 : i32
    %scan3A_4 = arith.constant 0 : i32
    %scan3A_5 = arith.constant 128 : i32
    %scan3A_6 = arith.addi %scan3A_4, %scan3A_5 : i32
    %scan3A_7 = arith.constant 1 : i32
    scf.for %scan3A_25 = %scan3A_4 to %scan3A_6 step %scan3A_7  : i32 {
      %mul3A_26 = arith.constant 1 : i32
      %mul3A_27 = arith.muli %scan3A_25, %mul3A_26 : i32
      %add3A_28 = arith.constant 0 : i32
      %add3A_29 = arith.addi %add3A_28, %mul3A_27 : i32
      %broadcast_in_dim3A = arith.constant 0.000000e+00 : f32
      %broadcast_in_dim3A_30 = vector.broadcast %broadcast_in_dim3A : f32 to vector<16xf32>
      %swap3A = arith.index_cast %add3A_29 : i32 to index
      %swap3A_31 = arith.constant 0 : index
      %swap3A_32 = tpu.vector_load %arg6[%swap3A, %swap3A_31] {strides = array<i32>} : memref<128x16xf32, #tpu.memory_space<vmem>>, vector<1x16xf32>,
      %swap3A_33 = vector.shape_cast %swap3A_32 : vector<1x16xf32> to vector<16xf32>
      %swap3A_34 = vector.shape_cast %broadcast_in_dim3A_30 : vector<16xf32> to vector<1x16xf32>
      tpu.vector_store %arg6[%swap3A, %swap3A_31], %swap3A_34 {strides = array<i32>} : memref<128x16xf32, #tpu.memory_space<vmem>>, vector<1x16xf32>,
    }
    %scan3A_8 = arith.constant 128 : i32
    %scan3A_9 = arith.constant 0 : i32
    %scan3A_10 = arith.constant 5 : i32
    %scan3A_11 = arith.addi %scan3A_9, %scan3A_10 : i32
    %scan3A_12 = arith.constant 1 : i32
    scf.for %scan3A_25 = %scan3A_9 to %scan3A_11 step %scan3A_12  : i32 {
      %mul3A_26 = arith.constant 1 : i32
      %mul3A_27 = arith.muli %scan3A_25, %mul3A_26 : i32
      %add3A_28 = arith.constant 0 : i32
      %add3A_29 = arith.addi %add3A_28, %mul3A_27 : i32
      %mul3A_30 = arith.constant 640 : i32
      %mul3A_31 = arith.muli %arg1, %mul3A_30 : i32
      %mul3A_32 = arith.constant 128 : i32
      %mul3A_33 = arith.muli %add3A_29, %mul3A_32 : i32
      %add3A_34 = arith.addi %mul3A_31, %mul3A_33 : i32
      "tpu.region"() ({
        %run_scoped3A = tpu.sem_alloc : memref<!tpu.dma_semaphore, #tpu.memory_space<semaphore_mem>>
        %dma_start3A = arith.constant 0 : i32
        %dma_start3A_35 = tpu.memref_slice %arg7[%add3A_34, %dma_start3A] : memref<10240x16xf32, #tpu.memory_space<vmem_shared>> -> memref<128x16xf32, #tpu.memory_space<vmem_shared>>
        %dma_start3A_36 = arith.constant 0 : i32
        %dma_start3A_37 = tpu.memref_slice %arg7[%add3A_34, %dma_start3A_36] : memref<10240x16xf32, #tpu.memory_space<vmem_shared>> -> memref<128x16xf32, #tpu.memory_space<vmem_shared>>
        tpu.enqueue_dma source(%arg6 : memref<128x16xf32, #tpu.memory_space<vmem>>) target(%dma_start3A_37 : memref<128x16xf32, #tpu.memory_space<vmem_shared>>) target_semaphore(%run_scoped3A : memref<!tpu.dma_semaphore, #tpu.memory_space<semaphore_mem>>)
        %dma_wait3A = arith.constant 0 : i32
        %dma_wait3A_38 = tpu.memref_slice %arg7[%add3A_34, %dma_wait3A] : memref<10240x16xf32, #tpu.memory_space<vmem_shared>> -> memref<128x16xf32, #tpu.memory_space<vmem_shared>>
        %dma_wait3A_39 = arith.constant 0 : i32
        %dma_wait3A_40 = tpu.memref_slice %arg7[%add3A_34, %dma_wait3A_39] : memref<10240x16xf32, #tpu.memory_space<vmem_shared>> -> memref<128x16xf32, #tpu.memory_space<vmem_shared>>
        tpu.wait_dma2 semaphore(%run_scoped3A : memref<!tpu.dma_semaphore, #tpu.memory_space<semaphore_mem>>) src(%arg6 : memref<128x16xf32, #tpu.memory_space<vmem>>) dst(%dma_wait3A_40 : memref<128x16xf32, #tpu.memory_space<vmem_shared>>)
        tpu.yield
      }) : () -> ()
    }
    %scan3A_13 = arith.constant 5 : i32
    %barrier3A = arith.constant 0 : index
    tpu.barrier barrier_id(%barrier3A)
    %mul3A = arith.constant 2 : i32
    %mul3A_14 = arith.muli %arg1, %mul3A : i32
    %add3A = arith.addi %mul3A_14, %arg0 : i32
    "tpu.region"() ({
      %run_scoped3A = tpu.sem_alloc : memref<!tpu.dma_semaphore, #tpu.memory_space<semaphore_mem>>
      %dma_start3A = arith.constant 0 : i32
      %dma_start3A_25 = arith.constant 0 : i32
      %dma_start3A_26 = tpu.memref_slice %arg2[%add3A, %dma_start3A, %dma_start3A_25] : memref<32x40x128xi32, #tpu.memory_space<hbm>> -> memref<1x40x128xi32, #tpu.memory_space<hbm>>
      %dma_start3A_27 = tpu.memref_squeeze %dma_start3A_26 : memref<1x40x128xi32, #tpu.memory_space<hbm>> -> memref<40x128xi32, #tpu.memory_space<hbm>>
      %dma_start3A_28 = arith.constant 0 : i32
      %dma_start3A_29 = arith.constant 0 : i32
      %dma_start3A_30 = tpu.memref_slice %arg2[%add3A, %dma_start3A_28, %dma_start3A_29] : memref<32x40x128xi32, #tpu.memory_space<hbm>> -> memref<1x40x128xi32, #tpu.memory_space<hbm>>
      %dma_start3A_31 = tpu.memref_squeeze %dma_start3A_30 : memref<1x40x128xi32, #tpu.memory_space<hbm>> -> memref<40x128xi32, #tpu.memory_space<hbm>>
      tpu.enqueue_dma source(%dma_start3A_31 : memref<40x128xi32, #tpu.memory_space<hbm>>) target(%arg4 : memref<40x128xi32, #tpu.memory_space<vmem>>) target_semaphore(%run_scoped3A : memref<!tpu.dma_semaphore, #tpu.memory_space<semaphore_mem>>)
      %dma_wait3A = arith.constant 0 : i32
      %dma_wait3A_32 = arith.constant 0 : i32
      %dma_wait3A_33 = tpu.memref_slice %arg2[%add3A, %dma_wait3A, %dma_wait3A_32] : memref<32x40x128xi32, #tpu.memory_space<hbm>> -> memref<1x40x128xi32, #tpu.memory_space<hbm>>
      %dma_wait3A_34 = tpu.memref_squeeze %dma_wait3A_33 : memref<1x40x128xi32, #tpu.memory_space<hbm>> -> memref<40x128xi32, #tpu.memory_space<hbm>>
      %dma_wait3A_35 = arith.constant 0 : i32
      %dma_wait3A_36 = arith.constant 0 : i32
      %dma_wait3A_37 = tpu.memref_slice %arg2[%add3A, %dma_wait3A_35, %dma_wait3A_36] : memref<32x40x128xi32, #tpu.memory_space<hbm>> -> memref<1x40x128xi32, #tpu.memory_space<hbm>>
      %dma_wait3A_38 = tpu.memref_squeeze %dma_wait3A_37 : memref<1x40x128xi32, #tpu.memory_space<hbm>> -> memref<40x128xi32, #tpu.memory_space<hbm>>
      tpu.wait_dma2 semaphore(%run_scoped3A : memref<!tpu.dma_semaphore, #tpu.memory_space<semaphore_mem>>) src(%dma_wait3A_38 : memref<40x128xi32, #tpu.memory_space<hbm>>) dst(%arg4 : memref<40x128xi32, #tpu.memory_space<vmem>>)
      tpu.yield
    }) : () -> ()
    %scan3A_15 = arith.constant 0 : i32
    %scan3A_16 = arith.constant 40 : i32
    %scan3A_17 = arith.addi %scan3A_15, %scan3A_16 : i32
    %scan3A_18 = arith.constant 1 : i32
    scf.for %scan3A_25 = %scan3A_15 to %scan3A_17 step %scan3A_18  : i32 {
      %mul3A_26 = arith.constant 1 : i32
      %mul3A_27 = arith.muli %scan3A_25, %mul3A_26 : i32
      %add3A_28 = arith.constant 0 : i32
      %add3A_29 = arith.addi %add3A_28, %mul3A_27 : i32
      "tpu.region"() ({
        %run_scoped3A = tpu.sem_alloc : memref<!tpu.dma_semaphore, #tpu.memory_space<semaphore_mem>>
        %dma_start3A = arith.constant 0 : i32
        %dma_start3A_30 = tpu.memref_slice %arg4[%add3A_29, %dma_start3A] : memref<40x128xi32, #tpu.memory_space<vmem>> -> memref<1x128xi32, #tpu.memory_space<vmem>>
        %dma_start3A_31 = tpu.memref_squeeze %dma_start3A_30 : memref<1x128xi32, #tpu.memory_space<vmem>> -> memref<128xi32, #tpu.memory_space<vmem>>
        %dma_start3A_32 = arith.constant 0 : i32
        %dma_start3A_33 = arith.constant 0 : i32
        %dma_start3A_34 = tpu.memref_slice %arg7[%dma_start3A_32, %dma_start3A_33] : memref<10240x16xf32, #tpu.memory_space<vmem_shared>> -> memref<10240x16xf32, #tpu.memory_space<vmem_shared>>
        tpu.enqueue_indirect_dma source(%arg5 : memref<128x16xf32, #tpu.memory_space<vmem>>) target(%dma_start3A_34 : memref<10240x16xf32, #tpu.memory_space<vmem_shared>>) offsets(%dma_start3A_31 : memref<128xi32, #tpu.memory_space<vmem>>) semaphore(%run_scoped3A : memref<!tpu.dma_semaphore, #tpu.memory_space<semaphore_mem>>) {add = true}
        %dma_wait3A = arith.constant 0 : i32
        %dma_wait3A_35 = tpu.memref_slice %arg4[%add3A_29, %dma_wait3A] : memref<40x128xi32, #tpu.memory_space<vmem>> -> memref<1x128xi32, #tpu.memory_space<vmem>>
        %dma_wait3A_36 = tpu.memref_squeeze %dma_wait3A_35 : memref<1x128xi32, #tpu.memory_space<vmem>> -> memref<128xi32, #tpu.memory_space<vmem>>
        %dma_wait3A_37 = arith.constant 0 : i32
        %dma_wait3A_38 = arith.constant 0 : i32
        %dma_wait3A_39 = tpu.memref_slice %arg7[%dma_wait3A_37, %dma_wait3A_38] : memref<10240x16xf32, #tpu.memory_space<vmem_shared>> -> memref<10240x16xf32, #tpu.memory_space<vmem_shared>>
        tpu.wait_indirect_dma semaphore(%run_scoped3A : memref<!tpu.dma_semaphore, #tpu.memory_space<semaphore_mem>>) src(%arg5 : memref<128x16xf32, #tpu.memory_space<vmem>>) dst(%dma_wait3A_39 : memref<10240x16xf32, #tpu.memory_space<vmem_shared>>)
        tpu.yield
      }) : () -> ()
    }
    %scan3A_19 = arith.constant 40 : i32
    %barrier3A_20 = arith.constant 0 : index
    tpu.barrier barrier_id(%barrier3A_20)
    %mul3A_21 = arith.constant 640 : i32
    %mul3A_22 = arith.muli %arg1, %mul3A_21 : i32
    %mul3A_23 = arith.constant 640 : i32
    %mul3A_24 = arith.muli %arg1, %mul3A_23 : i32
    "tpu.region"() ({
      %run_scoped3A = tpu.sem_alloc : memref<!tpu.dma_semaphore, #tpu.memory_space<semaphore_mem>>
      %dma_start3A = arith.constant 0 : i32
      %dma_start3A_25 = arith.constant 0 : i32
      %dma_start3A_26 = tpu.memref_slice %arg3[%arg0, %dma_start3A, %dma_start3A_25] : memref<2x10240x16xf32, #tpu.memory_space<hbm>> -> memref<1x10240x16xf32, #tpu.memory_space<hbm>>
      %dma_start3A_27 = tpu.memref_squeeze %dma_start3A_26 : memref<1x10240x16xf32, #tpu.memory_space<hbm>> -> memref<10240x16xf32, #tpu.memory_space<hbm>>
      %dma_start3A_28 = arith.constant 0 : i32
      %dma_start3A_29 = tpu.memref_slice %dma_start3A_27[%mul3A_24, %dma_start3A_28] : memref<10240x16xf32, #tpu.memory_space<hbm>> -> memref<640x16xf32, #tpu.memory_space<hbm>>
      %dma_start3A_30 = arith.constant 0 : i32
      %dma_start3A_31 = tpu.memref_slice %arg7[%mul3A_22, %dma_start3A_30] : memref<10240x16xf32, #tpu.memory_space<vmem_shared>> -> memref<640x16xf32, #tpu.memory_space<vmem_shared>>
      tpu.enqueue_dma source(%dma_start3A_31 : memref<640x16xf32, #tpu.memory_space<vmem_shared>>) target(%dma_start3A_29 : memref<640x16xf32, #tpu.memory_space<hbm>>) target_semaphore(%run_scoped3A : memref<!tpu.dma_semaphore, #tpu.memory_space<semaphore_mem>>)
      %dma_wait3A = arith.constant 0 : i32
      %dma_wait3A_32 = arith.constant 0 : i32
      %dma_wait3A_33 = tpu.memref_slice %arg3[%arg0, %dma_wait3A, %dma_wait3A_32] : memref<2x10240x16xf32, #tpu.memory_space<hbm>> -> memref<1x10240x16xf32, #tpu.memory_space<hbm>>
      %dma_wait3A_34 = tpu.memref_squeeze %dma_wait3A_33 : memref<1x10240x16xf32, #tpu.memory_space<hbm>> -> memref<10240x16xf32, #tpu.memory_space<hbm>>
      %dma_wait3A_35 = arith.constant 0 : i32
      %dma_wait3A_36 = tpu.memref_slice %dma_wait3A_34[%mul3A_24, %dma_wait3A_35] : memref<10240x16xf32, #tpu.memory_space<hbm>> -> memref<640x16xf32, #tpu.memory_space<hbm>>
      %dma_wait3A_37 = arith.constant 0 : i32
      %dma_wait3A_38 = tpu.memref_slice %arg7[%mul3A_22, %dma_wait3A_37] : memref<10240x16xf32, #tpu.memory_space<vmem_shared>> -> memref<640x16xf32, #tpu.memory_space<vmem_shared>>
      tpu.wait_dma2 semaphore(%run_scoped3A : memref<!tpu.dma_semaphore, #tpu.memory_space<semaphore_mem>>) src(%dma_wait3A_38 : memref<640x16xf32, #tpu.memory_space<vmem_shared>>) dst(%dma_wait3A_36 : memref<640x16xf32, #tpu.memory_space<hbm>>)
      tpu.yield
    }) : () -> ()
    return
  }
}

#map = affine_map<(d0, d1) -> (0, 0)>
#map1 = affine_map<(d0, d1) -> (0, 0, 0)>
module attributes {stable_mosaic.version = 14 : i64} {
  func.func @body(%arg0: i32, %arg1: i32, %arg2: memref<10240x32xf32, #tpu.memory_space<hbm>>, %arg3: memref<10240x32xf32, #tpu.memory_space<hbm>>, %arg4: memref<16x80x128xi32, #tpu.memory_space<hbm>>, %arg5: memref<16x80x128xi32, #tpu.memory_space<hbm>>, %arg6: memref<2x10240x32xf32, #tpu.memory_space<hbm>>, %arg7: memref<80x128xi32, #tpu.memory_space<vmem>>, %arg8: memref<80x128xi32, #tpu.memory_space<vmem>>, %arg9: memref<16x32xf32, #tpu.memory_space<vmem>>, %arg10: memref<128x32xf32, #tpu.memory_space<vmem>>, %arg11: memref<128x32xf32, #tpu.memory_space<vmem>>, %arg12: memref<128x32xf32, #tpu.memory_space<vmem>>, %arg13: memref<128x32xf32, #tpu.memory_space<vmem>>, %arg14: memref<128x32xf32, #tpu.memory_space<vmem>>, %arg15: memref<128x32xf32, #tpu.memory_space<vmem>>, %arg16: memref<128x32xf32, #tpu.memory_space<vmem>>, %arg17: memref<128x32xf32, #tpu.memory_space<vmem>>, %arg18: memref<!tpu.dma_semaphore, #tpu.memory_space<semaphore_mem>>, %arg19: memref<!tpu.dma_semaphore, #tpu.memory_space<semaphore_mem>>, %arg20: memref<!tpu.dma_semaphore, #tpu.memory_space<semaphore_mem>>, %arg21: memref<!tpu.dma_semaphore, #tpu.memory_space<semaphore_mem>>, %arg22: memref<!tpu.dma_semaphore, #tpu.memory_space<semaphore_mem>>, %arg23: memref<!tpu.dma_semaphore, #tpu.memory_space<semaphore_mem>>, %arg24: memref<!tpu.dma_semaphore, #tpu.memory_space<semaphore_mem>>, %arg25: memref<!tpu.dma_semaphore, #tpu.memory_space<semaphore_mem>>, %arg26: memref<10240x32xf32, #tpu.memory_space<vmem_shared>>) attributes {dimension_semantics = [#tpu.dimension_semantics<core_parallel>, #tpu.dimension_semantics<subcore_parallel>], iteration_bounds = array<i64: 2, 16>, scalar_prefetch = 0 : i64, scratch_operands = 20 : i64, tpu.core_type = #tpu.core_type<sc_vector_subcore>, window_params = [{transform_indices = #map}, {transform_indices = #map}, {transform_indices = #map1}, {transform_indices = #map1}, {transform_indices = #map1}]} {
    %scan3A = arith.constant 0 : i32
    %scan3A_0 = arith.constant 16 : i32
    %scan3A_1 = arith.addi %scan3A, %scan3A_0 : i32
    %scan3A_2 = arith.constant 1 : i32
    scf.for %scan3A_78 = %scan3A to %scan3A_1 step %scan3A_2  : i32 {
      %mul3A_79 = arith.constant 1 : i32
      %mul3A_80 = arith.muli %scan3A_78, %mul3A_79 : i32
      %add3A = arith.constant 0 : i32
      %add3A_81 = arith.addi %add3A, %mul3A_80 : i32
      %broadcast_in_dim3A = arith.constant 0.000000e+00 : f32
      %broadcast_in_dim3A_82 = vector.broadcast %broadcast_in_dim3A : f32 to vector<16xf32>
      %swap3A = arith.index_cast %add3A_81 : i32 to index
      %swap3A_83 = arith.constant 0 : index
      %swap3A_84 = tpu.vector_load %arg9[%swap3A, %swap3A_83] {strides = array<i32>} : memref<16x32xf32, #tpu.memory_space<vmem>>, vector<1x16xf32>,
      %swap3A_85 = vector.shape_cast %swap3A_84 : vector<1x16xf32> to vector<16xf32>
      %swap3A_86 = vector.shape_cast %broadcast_in_dim3A_82 : vector<16xf32> to vector<1x16xf32>
      tpu.vector_store %arg9[%swap3A, %swap3A_83], %swap3A_86 {strides = array<i32>} : memref<16x32xf32, #tpu.memory_space<vmem>>, vector<1x16xf32>,
      %broadcast_in_dim3A_87 = arith.constant 0.000000e+00 : f32
      %broadcast_in_dim3A_88 = vector.broadcast %broadcast_in_dim3A_87 : f32 to vector<16xf32>
      %swap3A_89 = arith.index_cast %add3A_81 : i32 to index
      %swap3A_90 = arith.constant 16 : index
      %swap3A_91 = tpu.vector_load %arg9[%swap3A_89, %swap3A_90] {strides = array<i32>} : memref<16x32xf32, #tpu.memory_space<vmem>>, vector<1x16xf32>,
      %swap3A_92 = vector.shape_cast %swap3A_91 : vector<1x16xf32> to vector<16xf32>
      %swap3A_93 = vector.shape_cast %broadcast_in_dim3A_88 : vector<16xf32> to vector<1x16xf32>
      tpu.vector_store %arg9[%swap3A_89, %swap3A_90], %swap3A_93 {strides = array<i32>} : memref<16x32xf32, #tpu.memory_space<vmem>>, vector<1x16xf32>,
    }
    %scan3A_3 = arith.constant 16 : i32
    %scan3A_4 = arith.constant 0 : i32
    %scan3A_5 = arith.constant 40 : i32
    %scan3A_6 = arith.addi %scan3A_4, %scan3A_5 : i32
    %scan3A_7 = arith.constant 1 : i32
    scf.for %scan3A_78 = %scan3A_4 to %scan3A_6 step %scan3A_7  : i32 {
      %mul3A_79 = arith.constant 1 : i32
      %mul3A_80 = arith.muli %scan3A_78, %mul3A_79 : i32
      %add3A = arith.constant 0 : i32
      %add3A_81 = arith.addi %add3A, %mul3A_80 : i32
      %mul3A_82 = arith.constant 640 : i32
      %mul3A_83 = arith.muli %arg1, %mul3A_82 : i32
      %mul3A_84 = arith.constant 16 : i32
      %mul3A_85 = arith.muli %add3A_81, %mul3A_84 : i32
      %add3A_86 = arith.addi %mul3A_83, %mul3A_85 : i32
      "tpu.region"() ({
        %run_scoped3A = tpu.sem_alloc : memref<!tpu.dma_semaphore, #tpu.memory_space<semaphore_mem>>
        %dma_start3A = arith.constant 0 : i32
        %dma_start3A_87 = tpu.memref_slice %arg26[%add3A_86, %dma_start3A] : memref<10240x32xf32, #tpu.memory_space<vmem_shared>> -> memref<16x32xf32, #tpu.memory_space<vmem_shared>>
        %dma_start3A_88 = arith.constant 0 : i32
        %dma_start3A_89 = tpu.memref_slice %arg26[%add3A_86, %dma_start3A_88] : memref<10240x32xf32, #tpu.memory_space<vmem_shared>> -> memref<16x32xf32, #tpu.memory_space<vmem_shared>>
        tpu.enqueue_dma source(%arg9 : memref<16x32xf32, #tpu.memory_space<vmem>>) target(%dma_start3A_89 : memref<16x32xf32, #tpu.memory_space<vmem_shared>>) target_semaphore(%run_scoped3A : memref<!tpu.dma_semaphore, #tpu.memory_space<semaphore_mem>>)
        %dma_wait3A_90 = arith.constant 0 : i32
        %dma_wait3A_91 = tpu.memref_slice %arg26[%add3A_86, %dma_wait3A_90] : memref<10240x32xf32, #tpu.memory_space<vmem_shared>> -> memref<16x32xf32, #tpu.memory_space<vmem_shared>>
        %dma_wait3A_92 = arith.constant 0 : i32
        %dma_wait3A_93 = tpu.memref_slice %arg26[%add3A_86, %dma_wait3A_92] : memref<10240x32xf32, #tpu.memory_space<vmem_shared>> -> memref<16x32xf32, #tpu.memory_space<vmem_shared>>
        tpu.wait_dma2 semaphore(%run_scoped3A : memref<!tpu.dma_semaphore, #tpu.memory_space<semaphore_mem>>) src(%arg9 : memref<16x32xf32, #tpu.memory_space<vmem>>) dst(%dma_wait3A_93 : memref<16x32xf32, #tpu.memory_space<vmem_shared>>)
        tpu.yield
      }) : () -> ()
    }
    %scan3A_8 = arith.constant 40 : i32
    %barrier3A = arith.constant 0 : index
    tpu.barrier barrier_id(%barrier3A)
    "tpu.region"() ({
      %run_scoped3A = tpu.sem_alloc : memref<!tpu.dma_semaphore, #tpu.memory_space<semaphore_mem>>
      %dma_start3A = arith.constant 0 : i32
      %dma_start3A_78 = arith.constant 0 : i32
      %dma_start3A_79 = tpu.memref_slice %arg4[%arg1, %dma_start3A, %dma_start3A_78] : memref<16x80x128xi32, #tpu.memory_space<hbm>> -> memref<1x80x128xi32, #tpu.memory_space<hbm>>
      %dma_start3A_80 = tpu.memref_squeeze %dma_start3A_79 : memref<1x80x128xi32, #tpu.memory_space<hbm>> -> memref<80x128xi32, #tpu.memory_space<hbm>>
      %dma_start3A_81 = arith.constant 0 : i32
      %dma_start3A_82 = arith.constant 0 : i32
      %dma_start3A_83 = tpu.memref_slice %arg4[%arg1, %dma_start3A_81, %dma_start3A_82] : memref<16x80x128xi32, #tpu.memory_space<hbm>> -> memref<1x80x128xi32, #tpu.memory_space<hbm>>
      %dma_start3A_84 = tpu.memref_squeeze %dma_start3A_83 : memref<1x80x128xi32, #tpu.memory_space<hbm>> -> memref<80x128xi32, #tpu.memory_space<hbm>>
      tpu.enqueue_dma source(%dma_start3A_84 : memref<80x128xi32, #tpu.memory_space<hbm>>) target(%arg7 : memref<80x128xi32, #tpu.memory_space<vmem>>) target_semaphore(%run_scoped3A : memref<!tpu.dma_semaphore, #tpu.memory_space<semaphore_mem>>)
      %dma_wait3A_85 = arith.constant 0 : i32
      %dma_wait3A_86 = arith.constant 0 : i32
      %dma_wait3A_87 = tpu.memref_slice %arg4[%arg1, %dma_wait3A_85, %dma_wait3A_86] : memref<16x80x128xi32, #tpu.memory_space<hbm>> -> memref<1x80x128xi32, #tpu.memory_space<hbm>>
      %dma_wait3A_88 = tpu.memref_squeeze %dma_wait3A_87 : memref<1x80x128xi32, #tpu.memory_space<hbm>> -> memref<80x128xi32, #tpu.memory_space<hbm>>
      %dma_wait3A_89 = arith.constant 0 : i32
      %dma_wait3A_90 = arith.constant 0 : i32
      %dma_wait3A_91 = tpu.memref_slice %arg4[%arg1, %dma_wait3A_89, %dma_wait3A_90] : memref<16x80x128xi32, #tpu.memory_space<hbm>> -> memref<1x80x128xi32, #tpu.memory_space<hbm>>
      %dma_wait3A_92 = tpu.memref_squeeze %dma_wait3A_91 : memref<1x80x128xi32, #tpu.memory_space<hbm>> -> memref<80x128xi32, #tpu.memory_space<hbm>>
      tpu.wait_dma2 semaphore(%run_scoped3A : memref<!tpu.dma_semaphore, #tpu.memory_space<semaphore_mem>>) src(%dma_wait3A_92 : memref<80x128xi32, #tpu.memory_space<hbm>>) dst(%arg7 : memref<80x128xi32, #tpu.memory_space<vmem>>)
      tpu.yield
    }) : () -> ()
    "tpu.region"() ({
      %run_scoped3A = tpu.sem_alloc : memref<!tpu.dma_semaphore, #tpu.memory_space<semaphore_mem>>
      %dma_start3A = arith.constant 0 : i32
      %dma_start3A_78 = arith.constant 0 : i32
      %dma_start3A_79 = tpu.memref_slice %arg5[%arg1, %dma_start3A, %dma_start3A_78] : memref<16x80x128xi32, #tpu.memory_space<hbm>> -> memref<1x80x128xi32, #tpu.memory_space<hbm>>
      %dma_start3A_80 = tpu.memref_squeeze %dma_start3A_79 : memref<1x80x128xi32, #tpu.memory_space<hbm>> -> memref<80x128xi32, #tpu.memory_space<hbm>>
      %dma_start3A_81 = arith.constant 0 : i32
      %dma_start3A_82 = arith.constant 0 : i32
      %dma_start3A_83 = tpu.memref_slice %arg5[%arg1, %dma_start3A_81, %dma_start3A_82] : memref<16x80x128xi32, #tpu.memory_space<hbm>> -> memref<1x80x128xi32, #tpu.memory_space<hbm>>
      %dma_start3A_84 = tpu.memref_squeeze %dma_start3A_83 : memref<1x80x128xi32, #tpu.memory_space<hbm>> -> memref<80x128xi32, #tpu.memory_space<hbm>>
      tpu.enqueue_dma source(%dma_start3A_84 : memref<80x128xi32, #tpu.memory_space<hbm>>) target(%arg8 : memref<80x128xi32, #tpu.memory_space<vmem>>) target_semaphore(%run_scoped3A : memref<!tpu.dma_semaphore, #tpu.memory_space<semaphore_mem>>)
      %dma_wait3A_85 = arith.constant 0 : i32
      %dma_wait3A_86 = arith.constant 0 : i32
      %dma_wait3A_87 = tpu.memref_slice %arg5[%arg1, %dma_wait3A_85, %dma_wait3A_86] : memref<16x80x128xi32, #tpu.memory_space<hbm>> -> memref<1x80x128xi32, #tpu.memory_space<hbm>>
      %dma_wait3A_88 = tpu.memref_squeeze %dma_wait3A_87 : memref<1x80x128xi32, #tpu.memory_space<hbm>> -> memref<80x128xi32, #tpu.memory_space<hbm>>
      %dma_wait3A_89 = arith.constant 0 : i32
      %dma_wait3A_90 = arith.constant 0 : i32
      %dma_wait3A_91 = tpu.memref_slice %arg5[%arg1, %dma_wait3A_89, %dma_wait3A_90] : memref<16x80x128xi32, #tpu.memory_space<hbm>> -> memref<1x80x128xi32, #tpu.memory_space<hbm>>
      %dma_wait3A_92 = tpu.memref_squeeze %dma_wait3A_91 : memref<1x80x128xi32, #tpu.memory_space<hbm>> -> memref<80x128xi32, #tpu.memory_space<hbm>>
      tpu.wait_dma2 semaphore(%run_scoped3A : memref<!tpu.dma_semaphore, #tpu.memory_space<semaphore_mem>>) src(%dma_wait3A_92 : memref<80x128xi32, #tpu.memory_space<hbm>>) dst(%arg8 : memref<80x128xi32, #tpu.memory_space<vmem>>)
      tpu.yield
    }) : () -> ()
    %eq3A = arith.constant 0 : i32
    %eq3A_9 = arith.cmpi eq, %arg0, %eq3A : i32
    %convert_element_type3A = arith.extui %eq3A_9 : i1 to i32
    %cond3A = arith.constant 0 : i32
    %cond3A_10 = arith.cmpi ne, %convert_element_type3A, %cond3A : i32
    scf.if %cond3A_10 {
      %dma_start3A = arith.constant 0 : i32
      %dma_start3A_78 = arith.constant 0 : i32
      %dma_start3A_79 = tpu.memref_slice %arg7[%dma_start3A, %dma_start3A_78] : memref<80x128xi32, #tpu.memory_space<vmem>> -> memref<1x128xi32, #tpu.memory_space<vmem>>
      %dma_start3A_80 = tpu.memref_squeeze %dma_start3A_79 : memref<1x128xi32, #tpu.memory_space<vmem>> -> memref<128xi32, #tpu.memory_space<vmem>>
      %dma_start3A_81 = arith.constant 0 : i32
      %dma_start3A_82 = arith.constant 0 : i32
      %dma_start3A_83 = tpu.memref_slice %arg2[%dma_start3A_81, %dma_start3A_82] : memref<10240x32xf32, #tpu.memory_space<hbm>> -> memref<10240x32xf32, #tpu.memory_space<hbm>>
      tpu.enqueue_indirect_dma source(%dma_start3A_83 : memref<10240x32xf32, #tpu.memory_space<hbm>>) target(%arg10 : memref<128x32xf32, #tpu.memory_space<vmem>>) offsets(%dma_start3A_80 : memref<128xi32, #tpu.memory_space<vmem>>) semaphore(%arg18 : memref<!tpu.dma_semaphore, #tpu.memory_space<semaphore_mem>>)
    } else {
    }
    %eq3A_11 = arith.constant 1 : i32
    %eq3A_12 = arith.cmpi eq, %arg0, %eq3A_11 : i32
    %convert_element_type3A_13 = arith.extui %eq3A_12 : i1 to i32
    %cond3A_14 = arith.constant 0 : i32
    %cond3A_15 = arith.cmpi ne, %convert_element_type3A_13, %cond3A_14 : i32
    scf.if %cond3A_15 {
      %dma_start3A = arith.constant 0 : i32
      %dma_start3A_78 = arith.constant 0 : i32
      %dma_start3A_79 = tpu.memref_slice %arg7[%dma_start3A, %dma_start3A_78] : memref<80x128xi32, #tpu.memory_space<vmem>> -> memref<1x128xi32, #tpu.memory_space<vmem>>
      %dma_start3A_80 = tpu.memref_squeeze %dma_start3A_79 : memref<1x128xi32, #tpu.memory_space<vmem>> -> memref<128xi32, #tpu.memory_space<vmem>>
      %dma_start3A_81 = arith.constant 0 : i32
      %dma_start3A_82 = arith.constant 0 : i32
      %dma_start3A_83 = tpu.memref_slice %arg3[%dma_start3A_81, %dma_start3A_82] : memref<10240x32xf32, #tpu.memory_space<hbm>> -> memref<10240x32xf32, #tpu.memory_space<hbm>>
      tpu.enqueue_indirect_dma source(%dma_start3A_83 : memref<10240x32xf32, #tpu.memory_space<hbm>>) target(%arg10 : memref<128x32xf32, #tpu.memory_space<vmem>>) offsets(%dma_start3A_80 : memref<128xi32, #tpu.memory_space<vmem>>) semaphore(%arg18 : memref<!tpu.dma_semaphore, #tpu.memory_space<semaphore_mem>>)
    } else {
    }
    %eq3A_16 = arith.constant 0 : i32
    %eq3A_17 = arith.cmpi eq, %arg0, %eq3A_16 : i32
    %convert_element_type3A_18 = arith.extui %eq3A_17 : i1 to i32
    %cond3A_19 = arith.constant 0 : i32
    %cond3A_20 = arith.cmpi ne, %convert_element_type3A_18, %cond3A_19 : i32
    scf.if %cond3A_20 {
      %dma_start3A = arith.constant 1 : i32
      %dma_start3A_78 = arith.constant 0 : i32
      %dma_start3A_79 = tpu.memref_slice %arg7[%dma_start3A, %dma_start3A_78] : memref<80x128xi32, #tpu.memory_space<vmem>> -> memref<1x128xi32, #tpu.memory_space<vmem>>
      %dma_start3A_80 = tpu.memref_squeeze %dma_start3A_79 : memref<1x128xi32, #tpu.memory_space<vmem>> -> memref<128xi32, #tpu.memory_space<vmem>>
      %dma_start3A_81 = arith.constant 0 : i32
      %dma_start3A_82 = arith.constant 0 : i32
      %dma_start3A_83 = tpu.memref_slice %arg2[%dma_start3A_81, %dma_start3A_82] : memref<10240x32xf32, #tpu.memory_space<hbm>> -> memref<10240x32xf32, #tpu.memory_space<hbm>>
      tpu.enqueue_indirect_dma source(%dma_start3A_83 : memref<10240x32xf32, #tpu.memory_space<hbm>>) target(%arg11 : memref<128x32xf32, #tpu.memory_space<vmem>>) offsets(%dma_start3A_80 : memref<128xi32, #tpu.memory_space<vmem>>) semaphore(%arg19 : memref<!tpu.dma_semaphore, #tpu.memory_space<semaphore_mem>>)
    } else {
    }
    %eq3A_21 = arith.constant 1 : i32
    %eq3A_22 = arith.cmpi eq, %arg0, %eq3A_21 : i32
    %convert_element_type3A_23 = arith.extui %eq3A_22 : i1 to i32
    %cond3A_24 = arith.constant 0 : i32
    %cond3A_25 = arith.cmpi ne, %convert_element_type3A_23, %cond3A_24 : i32
    scf.if %cond3A_25 {
      %dma_start3A = arith.constant 1 : i32
      %dma_start3A_78 = arith.constant 0 : i32
      %dma_start3A_79 = tpu.memref_slice %arg7[%dma_start3A, %dma_start3A_78] : memref<80x128xi32, #tpu.memory_space<vmem>> -> memref<1x128xi32, #tpu.memory_space<vmem>>
      %dma_start3A_80 = tpu.memref_squeeze %dma_start3A_79 : memref<1x128xi32, #tpu.memory_space<vmem>> -> memref<128xi32, #tpu.memory_space<vmem>>
      %dma_start3A_81 = arith.constant 0 : i32
      %dma_start3A_82 = arith.constant 0 : i32
      %dma_start3A_83 = tpu.memref_slice %arg3[%dma_start3A_81, %dma_start3A_82] : memref<10240x32xf32, #tpu.memory_space<hbm>> -> memref<10240x32xf32, #tpu.memory_space<hbm>>
      tpu.enqueue_indirect_dma source(%dma_start3A_83 : memref<10240x32xf32, #tpu.memory_space<hbm>>) target(%arg11 : memref<128x32xf32, #tpu.memory_space<vmem>>) offsets(%dma_start3A_80 : memref<128xi32, #tpu.memory_space<vmem>>) semaphore(%arg19 : memref<!tpu.dma_semaphore, #tpu.memory_space<semaphore_mem>>)
    } else {
    }
    %eq3A_26 = arith.constant 0 : i32
    %eq3A_27 = arith.cmpi eq, %arg0, %eq3A_26 : i32
    %convert_element_type3A_28 = arith.extui %eq3A_27 : i1 to i32
    %cond3A_29 = arith.constant 0 : i32
    %cond3A_30 = arith.cmpi ne, %convert_element_type3A_28, %cond3A_29 : i32
    scf.if %cond3A_30 {
      %dma_start3A = arith.constant 2 : i32
      %dma_start3A_78 = arith.constant 0 : i32
      %dma_start3A_79 = tpu.memref_slice %arg7[%dma_start3A, %dma_start3A_78] : memref<80x128xi32, #tpu.memory_space<vmem>> -> memref<1x128xi32, #tpu.memory_space<vmem>>
      %dma_start3A_80 = tpu.memref_squeeze %dma_start3A_79 : memref<1x128xi32, #tpu.memory_space<vmem>> -> memref<128xi32, #tpu.memory_space<vmem>>
      %dma_start3A_81 = arith.constant 0 : i32
      %dma_start3A_82 = arith.constant 0 : i32
      %dma_start3A_83 = tpu.memref_slice %arg2[%dma_start3A_81, %dma_start3A_82] : memref<10240x32xf32, #tpu.memory_space<hbm>> -> memref<10240x32xf32, #tpu.memory_space<hbm>>
      tpu.enqueue_indirect_dma source(%dma_start3A_83 : memref<10240x32xf32, #tpu.memory_space<hbm>>) target(%arg12 : memref<128x32xf32, #tpu.memory_space<vmem>>) offsets(%dma_start3A_80 : memref<128xi32, #tpu.memory_space<vmem>>) semaphore(%arg20 : memref<!tpu.dma_semaphore, #tpu.memory_space<semaphore_mem>>)
    } else {
    }
    %eq3A_31 = arith.constant 1 : i32
    %eq3A_32 = arith.cmpi eq, %arg0, %eq3A_31 : i32
    %convert_element_type3A_33 = arith.extui %eq3A_32 : i1 to i32
    %cond3A_34 = arith.constant 0 : i32
    %cond3A_35 = arith.cmpi ne, %convert_element_type3A_33, %cond3A_34 : i32
    scf.if %cond3A_35 {
      %dma_start3A = arith.constant 2 : i32
      %dma_start3A_78 = arith.constant 0 : i32
      %dma_start3A_79 = tpu.memref_slice %arg7[%dma_start3A, %dma_start3A_78] : memref<80x128xi32, #tpu.memory_space<vmem>> -> memref<1x128xi32, #tpu.memory_space<vmem>>
      %dma_start3A_80 = tpu.memref_squeeze %dma_start3A_79 : memref<1x128xi32, #tpu.memory_space<vmem>> -> memref<128xi32, #tpu.memory_space<vmem>>
      %dma_start3A_81 = arith.constant 0 : i32
      %dma_start3A_82 = arith.constant 0 : i32
      %dma_start3A_83 = tpu.memref_slice %arg3[%dma_start3A_81, %dma_start3A_82] : memref<10240x32xf32, #tpu.memory_space<hbm>> -> memref<10240x32xf32, #tpu.memory_space<hbm>>
      tpu.enqueue_indirect_dma source(%dma_start3A_83 : memref<10240x32xf32, #tpu.memory_space<hbm>>) target(%arg12 : memref<128x32xf32, #tpu.memory_space<vmem>>) offsets(%dma_start3A_80 : memref<128xi32, #tpu.memory_space<vmem>>) semaphore(%arg20 : memref<!tpu.dma_semaphore, #tpu.memory_space<semaphore_mem>>)
    } else {
    }
    %eq3A_36 = arith.constant 0 : i32
    %eq3A_37 = arith.cmpi eq, %arg0, %eq3A_36 : i32
    %convert_element_type3A_38 = arith.extui %eq3A_37 : i1 to i32
    %cond3A_39 = arith.constant 0 : i32
    %cond3A_40 = arith.cmpi ne, %convert_element_type3A_38, %cond3A_39 : i32
    scf.if %cond3A_40 {
      %dma_start3A = arith.constant 3 : i32
      %dma_start3A_78 = arith.constant 0 : i32
      %dma_start3A_79 = tpu.memref_slice %arg7[%dma_start3A, %dma_start3A_78] : memref<80x128xi32, #tpu.memory_space<vmem>> -> memref<1x128xi32, #tpu.memory_space<vmem>>
      %dma_start3A_80 = tpu.memref_squeeze %dma_start3A_79 : memref<1x128xi32, #tpu.memory_space<vmem>> -> memref<128xi32, #tpu.memory_space<vmem>>
      %dma_start3A_81 = arith.constant 0 : i32
      %dma_start3A_82 = arith.constant 0 : i32
      %dma_start3A_83 = tpu.memref_slice %arg2[%dma_start3A_81, %dma_start3A_82] : memref<10240x32xf32, #tpu.memory_space<hbm>> -> memref<10240x32xf32, #tpu.memory_space<hbm>>
      tpu.enqueue_indirect_dma source(%dma_start3A_83 : memref<10240x32xf32, #tpu.memory_space<hbm>>) target(%arg13 : memref<128x32xf32, #tpu.memory_space<vmem>>) offsets(%dma_start3A_80 : memref<128xi32, #tpu.memory_space<vmem>>) semaphore(%arg21 : memref<!tpu.dma_semaphore, #tpu.memory_space<semaphore_mem>>)
    } else {
    }
    %eq3A_41 = arith.constant 1 : i32
    %eq3A_42 = arith.cmpi eq, %arg0, %eq3A_41 : i32
    %convert_element_type3A_43 = arith.extui %eq3A_42 : i1 to i32
    %cond3A_44 = arith.constant 0 : i32
    %cond3A_45 = arith.cmpi ne, %convert_element_type3A_43, %cond3A_44 : i32
    scf.if %cond3A_45 {
      %dma_start3A = arith.constant 3 : i32
      %dma_start3A_78 = arith.constant 0 : i32
      %dma_start3A_79 = tpu.memref_slice %arg7[%dma_start3A, %dma_start3A_78] : memref<80x128xi32, #tpu.memory_space<vmem>> -> memref<1x128xi32, #tpu.memory_space<vmem>>
      %dma_start3A_80 = tpu.memref_squeeze %dma_start3A_79 : memref<1x128xi32, #tpu.memory_space<vmem>> -> memref<128xi32, #tpu.memory_space<vmem>>
      %dma_start3A_81 = arith.constant 0 : i32
      %dma_start3A_82 = arith.constant 0 : i32
      %dma_start3A_83 = tpu.memref_slice %arg3[%dma_start3A_81, %dma_start3A_82] : memref<10240x32xf32, #tpu.memory_space<hbm>> -> memref<10240x32xf32, #tpu.memory_space<hbm>>
      tpu.enqueue_indirect_dma source(%dma_start3A_83 : memref<10240x32xf32, #tpu.memory_space<hbm>>) target(%arg13 : memref<128x32xf32, #tpu.memory_space<vmem>>) offsets(%dma_start3A_80 : memref<128xi32, #tpu.memory_space<vmem>>) semaphore(%arg21 : memref<!tpu.dma_semaphore, #tpu.memory_space<semaphore_mem>>)
    } else {
    }
    %scan3A_46 = arith.constant 0 : i32
    %scan3A_47 = arith.constant 10 : i32
    %scan3A_48 = arith.addi %scan3A_46, %scan3A_47 : i32
    %scan3A_49 = arith.constant 1 : i32
    scf.for %scan3A_78 = %scan3A_46 to %scan3A_48 step %scan3A_49  : i32 {
      %mul3A_79 = arith.constant 1 : i32
      %mul3A_80 = arith.muli %scan3A_78, %mul3A_79 : i32
      %add3A = arith.constant 0 : i32
      %add3A_81 = arith.addi %add3A, %mul3A_80 : i32
      %mul3A_82 = arith.constant 8 : i32
      %mul3A_83 = arith.muli %mul3A_82, %add3A_81 : i32
      %add3A_84 = arith.constant 0 : i32
      %add3A_85 = arith.addi %mul3A_83, %add3A_84 : i32
      %dma_wait3A_86 = arith.constant 0 : i32
      %dma_wait3A_87 = arith.constant 0 : i32
      %dma_wait3A_88 = tpu.memref_slice %arg2[%dma_wait3A_86, %dma_wait3A_87] : memref<10240x32xf32, #tpu.memory_space<hbm>> -> memref<128x32xf32, #tpu.memory_space<hbm>>
      %dma_wait3A_89 = arith.constant 0 : i32
      %dma_wait3A_90 = arith.constant 0 : i32
      %dma_wait3A_91 = tpu.memref_slice %arg2[%dma_wait3A_89, %dma_wait3A_90] : memref<10240x32xf32, #tpu.memory_space<hbm>> -> memref<128x32xf32, #tpu.memory_space<hbm>>
      tpu.wait_dma2 semaphore(%arg18 : memref<!tpu.dma_semaphore, #tpu.memory_space<semaphore_mem>>) src(%dma_wait3A_91 : memref<128x32xf32, #tpu.memory_space<hbm>>) dst(%arg10 : memref<128x32xf32, #tpu.memory_space<vmem>>)
      %dma_start3A = arith.constant 0 : i32
      %dma_start3A_92 = tpu.memref_slice %arg8[%add3A_85, %dma_start3A] : memref<80x128xi32, #tpu.memory_space<vmem>> -> memref<1x128xi32, #tpu.memory_space<vmem>>
      %dma_start3A_93 = tpu.memref_squeeze %dma_start3A_92 : memref<1x128xi32, #tpu.memory_space<vmem>> -> memref<128xi32, #tpu.memory_space<vmem>>
      %dma_start3A_94 = arith.constant 0 : i32
      %dma_start3A_95 = arith.constant 0 : i32
      %dma_start3A_96 = tpu.memref_slice %arg26[%dma_start3A_94, %dma_start3A_95] : memref<10240x32xf32, #tpu.memory_space<vmem_shared>> -> memref<10240x32xf32, #tpu.memory_space<vmem_shared>>
      tpu.enqueue_indirect_dma source(%arg10 : memref<128x32xf32, #tpu.memory_space<vmem>>) target(%dma_start3A_96 : memref<10240x32xf32, #tpu.memory_space<vmem_shared>>) offsets(%dma_start3A_93 : memref<128xi32, #tpu.memory_space<vmem>>) semaphore(%arg18 : memref<!tpu.dma_semaphore, #tpu.memory_space<semaphore_mem>>) {add = true}
      %ge3A = arith.constant 1 : i32
      %ge3A_97 = arith.cmpi sge, %add3A_81, %ge3A : i32
      %convert_element_type3A_98 = arith.extui %ge3A_97 : i1 to i32
      %cond3A_99 = arith.constant 0 : i32
      %cond3A_100 = arith.cmpi ne, %convert_element_type3A_98, %cond3A_99 : i32
      scf.if %cond3A_100 {
        %dma_wait3A_319 = arith.constant 0 : i32
        %dma_wait3A_320 = arith.constant 0 : i32
        %dma_wait3A_321 = tpu.memref_slice %arg2[%dma_wait3A_319, %dma_wait3A_320] : memref<10240x32xf32, #tpu.memory_space<hbm>> -> memref<128x32xf32, #tpu.memory_space<hbm>>
        %dma_wait3A_322 = arith.constant 0 : i32
        %dma_wait3A_323 = arith.constant 0 : i32
        %dma_wait3A_324 = tpu.memref_slice %arg2[%dma_wait3A_322, %dma_wait3A_323] : memref<10240x32xf32, #tpu.memory_space<hbm>> -> memref<128x32xf32, #tpu.memory_space<hbm>>
        tpu.wait_dma2 semaphore(%arg22 : memref<!tpu.dma_semaphore, #tpu.memory_space<semaphore_mem>>) src(%dma_wait3A_324 : memref<128x32xf32, #tpu.memory_space<hbm>>) dst(%arg14 : memref<128x32xf32, #tpu.memory_space<vmem>>)
      } else {
      }
      %add3A_101 = arith.constant 4 : i32
      %add3A_102 = arith.addi %add3A_85, %add3A_101 : i32
      %eq3A_103 = arith.constant 0 : i32
      %eq3A_104 = arith.cmpi eq, %arg0, %eq3A_103 : i32
      %convert_element_type3A_105 = arith.extui %eq3A_104 : i1 to i32
      %cond3A_106 = arith.constant 0 : i32
      %cond3A_107 = arith.cmpi ne, %convert_element_type3A_105, %cond3A_106 : i32
      scf.if %cond3A_107 {
        %dma_start3A_319 = arith.constant 0 : i32
        %dma_start3A_320 = tpu.memref_slice %arg7[%add3A_102, %dma_start3A_319] : memref<80x128xi32, #tpu.memory_space<vmem>> -> memref<1x128xi32, #tpu.memory_space<vmem>>
        %dma_start3A_321 = tpu.memref_squeeze %dma_start3A_320 : memref<1x128xi32, #tpu.memory_space<vmem>> -> memref<128xi32, #tpu.memory_space<vmem>>
        %dma_start3A_322 = arith.constant 0 : i32
        %dma_start3A_323 = arith.constant 0 : i32
        %dma_start3A_324 = tpu.memref_slice %arg2[%dma_start3A_322, %dma_start3A_323] : memref<10240x32xf32, #tpu.memory_space<hbm>> -> memref<10240x32xf32, #tpu.memory_space<hbm>>
        tpu.enqueue_indirect_dma source(%dma_start3A_324 : memref<10240x32xf32, #tpu.memory_space<hbm>>) target(%arg14 : memref<128x32xf32, #tpu.memory_space<vmem>>) offsets(%dma_start3A_321 : memref<128xi32, #tpu.memory_space<vmem>>) semaphore(%arg22 : memref<!tpu.dma_semaphore, #tpu.memory_space<semaphore_mem>>)
      } else {
      }
      %eq3A_108 = arith.constant 1 : i32
      %eq3A_109 = arith.cmpi eq, %arg0, %eq3A_108 : i32
      %convert_element_type3A_110 = arith.extui %eq3A_109 : i1 to i32
      %cond3A_111 = arith.constant 0 : i32
      %cond3A_112 = arith.cmpi ne, %convert_element_type3A_110, %cond3A_111 : i32
      scf.if %cond3A_112 {
        %dma_start3A_319 = arith.constant 0 : i32
        %dma_start3A_320 = tpu.memref_slice %arg7[%add3A_102, %dma_start3A_319] : memref<80x128xi32, #tpu.memory_space<vmem>> -> memref<1x128xi32, #tpu.memory_space<vmem>>
        %dma_start3A_321 = tpu.memref_squeeze %dma_start3A_320 : memref<1x128xi32, #tpu.memory_space<vmem>> -> memref<128xi32, #tpu.memory_space<vmem>>
        %dma_start3A_322 = arith.constant 0 : i32
        %dma_start3A_323 = arith.constant 0 : i32
        %dma_start3A_324 = tpu.memref_slice %arg3[%dma_start3A_322, %dma_start3A_323] : memref<10240x32xf32, #tpu.memory_space<hbm>> -> memref<10240x32xf32, #tpu.memory_space<hbm>>
        tpu.enqueue_indirect_dma source(%dma_start3A_324 : memref<10240x32xf32, #tpu.memory_space<hbm>>) target(%arg14 : memref<128x32xf32, #tpu.memory_space<vmem>>) offsets(%dma_start3A_321 : memref<128xi32, #tpu.memory_space<vmem>>) semaphore(%arg22 : memref<!tpu.dma_semaphore, #tpu.memory_space<semaphore_mem>>)
      } else {
      }
      %mul3A_113 = arith.constant 8 : i32
      %mul3A_114 = arith.muli %mul3A_113, %add3A_81 : i32
      %add3A_115 = arith.constant 1 : i32
      %add3A_116 = arith.addi %mul3A_114, %add3A_115 : i32
      %dma_wait3A_117 = arith.constant 0 : i32
      %dma_wait3A_118 = arith.constant 0 : i32
      %dma_wait3A_119 = tpu.memref_slice %arg2[%dma_wait3A_117, %dma_wait3A_118] : memref<10240x32xf32, #tpu.memory_space<hbm>> -> memref<128x32xf32, #tpu.memory_space<hbm>>
      %dma_wait3A_120 = arith.constant 0 : i32
      %dma_wait3A_121 = arith.constant 0 : i32
      %dma_wait3A_122 = tpu.memref_slice %arg2[%dma_wait3A_120, %dma_wait3A_121] : memref<10240x32xf32, #tpu.memory_space<hbm>> -> memref<128x32xf32, #tpu.memory_space<hbm>>
      tpu.wait_dma2 semaphore(%arg19 : memref<!tpu.dma_semaphore, #tpu.memory_space<semaphore_mem>>) src(%dma_wait3A_122 : memref<128x32xf32, #tpu.memory_space<hbm>>) dst(%arg11 : memref<128x32xf32, #tpu.memory_space<vmem>>)
      %dma_start3A_123 = arith.constant 0 : i32
      %dma_start3A_124 = tpu.memref_slice %arg8[%add3A_116, %dma_start3A_123] : memref<80x128xi32, #tpu.memory_space<vmem>> -> memref<1x128xi32, #tpu.memory_space<vmem>>
      %dma_start3A_125 = tpu.memref_squeeze %dma_start3A_124 : memref<1x128xi32, #tpu.memory_space<vmem>> -> memref<128xi32, #tpu.memory_space<vmem>>
      %dma_start3A_126 = arith.constant 0 : i32
      %dma_start3A_127 = arith.constant 0 : i32
      %dma_start3A_128 = tpu.memref_slice %arg26[%dma_start3A_126, %dma_start3A_127] : memref<10240x32xf32, #tpu.memory_space<vmem_shared>> -> memref<10240x32xf32, #tpu.memory_space<vmem_shared>>
      tpu.enqueue_indirect_dma source(%arg11 : memref<128x32xf32, #tpu.memory_space<vmem>>) target(%dma_start3A_128 : memref<10240x32xf32, #tpu.memory_space<vmem_shared>>) offsets(%dma_start3A_125 : memref<128xi32, #tpu.memory_space<vmem>>) semaphore(%arg19 : memref<!tpu.dma_semaphore, #tpu.memory_space<semaphore_mem>>) {add = true}
      %ge3A_129 = arith.constant 1 : i32
      %ge3A_130 = arith.cmpi sge, %add3A_81, %ge3A_129 : i32
      %convert_element_type3A_131 = arith.extui %ge3A_130 : i1 to i32
      %cond3A_132 = arith.constant 0 : i32
      %cond3A_133 = arith.cmpi ne, %convert_element_type3A_131, %cond3A_132 : i32
      scf.if %cond3A_133 {
        %dma_wait3A_319 = arith.constant 0 : i32
        %dma_wait3A_320 = arith.constant 0 : i32
        %dma_wait3A_321 = tpu.memref_slice %arg2[%dma_wait3A_319, %dma_wait3A_320] : memref<10240x32xf32, #tpu.memory_space<hbm>> -> memref<128x32xf32, #tpu.memory_space<hbm>>
        %dma_wait3A_322 = arith.constant 0 : i32
        %dma_wait3A_323 = arith.constant 0 : i32
        %dma_wait3A_324 = tpu.memref_slice %arg2[%dma_wait3A_322, %dma_wait3A_323] : memref<10240x32xf32, #tpu.memory_space<hbm>> -> memref<128x32xf32, #tpu.memory_space<hbm>>
        tpu.wait_dma2 semaphore(%arg23 : memref<!tpu.dma_semaphore, #tpu.memory_space<semaphore_mem>>) src(%dma_wait3A_324 : memref<128x32xf32, #tpu.memory_space<hbm>>) dst(%arg15 : memref<128x32xf32, #tpu.memory_space<vmem>>)
      } else {
      }
      %add3A_134 = arith.constant 4 : i32
      %add3A_135 = arith.addi %add3A_116, %add3A_134 : i32
      %eq3A_136 = arith.constant 0 : i32
      %eq3A_137 = arith.cmpi eq, %arg0, %eq3A_136 : i32
      %convert_element_type3A_138 = arith.extui %eq3A_137 : i1 to i32
      %cond3A_139 = arith.constant 0 : i32
      %cond3A_140 = arith.cmpi ne, %convert_element_type3A_138, %cond3A_139 : i32
      scf.if %cond3A_140 {
        %dma_start3A_319 = arith.constant 0 : i32
        %dma_start3A_320 = tpu.memref_slice %arg7[%add3A_135, %dma_start3A_319] : memref<80x128xi32, #tpu.memory_space<vmem>> -> memref<1x128xi32, #tpu.memory_space<vmem>>
        %dma_start3A_321 = tpu.memref_squeeze %dma_start3A_320 : memref<1x128xi32, #tpu.memory_space<vmem>> -> memref<128xi32, #tpu.memory_space<vmem>>
        %dma_start3A_322 = arith.constant 0 : i32
        %dma_start3A_323 = arith.constant 0 : i32
        %dma_start3A_324 = tpu.memref_slice %arg2[%dma_start3A_322, %dma_start3A_323] : memref<10240x32xf32, #tpu.memory_space<hbm>> -> memref<10240x32xf32, #tpu.memory_space<hbm>>
        tpu.enqueue_indirect_dma source(%dma_start3A_324 : memref<10240x32xf32, #tpu.memory_space<hbm>>) target(%arg15 : memref<128x32xf32, #tpu.memory_space<vmem>>) offsets(%dma_start3A_321 : memref<128xi32, #tpu.memory_space<vmem>>) semaphore(%arg23 : memref<!tpu.dma_semaphore, #tpu.memory_space<semaphore_mem>>)
      } else {
      }
      %eq3A_141 = arith.constant 1 : i32
      %eq3A_142 = arith.cmpi eq, %arg0, %eq3A_141 : i32
      %convert_element_type3A_143 = arith.extui %eq3A_142 : i1 to i32
      %cond3A_144 = arith.constant 0 : i32
      %cond3A_145 = arith.cmpi ne, %convert_element_type3A_143, %cond3A_144 : i32
      scf.if %cond3A_145 {
        %dma_start3A_319 = arith.constant 0 : i32
        %dma_start3A_320 = tpu.memref_slice %arg7[%add3A_135, %dma_start3A_319] : memref<80x128xi32, #tpu.memory_space<vmem>> -> memref<1x128xi32, #tpu.memory_space<vmem>>
        %dma_start3A_321 = tpu.memref_squeeze %dma_start3A_320 : memref<1x128xi32, #tpu.memory_space<vmem>> -> memref<128xi32, #tpu.memory_space<vmem>>
        %dma_start3A_322 = arith.constant 0 : i32
        %dma_start3A_323 = arith.constant 0 : i32
        %dma_start3A_324 = tpu.memref_slice %arg3[%dma_start3A_322, %dma_start3A_323] : memref<10240x32xf32, #tpu.memory_space<hbm>> -> memref<10240x32xf32, #tpu.memory_space<hbm>>
        tpu.enqueue_indirect_dma source(%dma_start3A_324 : memref<10240x32xf32, #tpu.memory_space<hbm>>) target(%arg15 : memref<128x32xf32, #tpu.memory_space<vmem>>) offsets(%dma_start3A_321 : memref<128xi32, #tpu.memory_space<vmem>>) semaphore(%arg23 : memref<!tpu.dma_semaphore, #tpu.memory_space<semaphore_mem>>)
      } else {
      }
      %mul3A_146 = arith.constant 8 : i32
      %mul3A_147 = arith.muli %mul3A_146, %add3A_81 : i32
      %add3A_148 = arith.constant 2 : i32
      %add3A_149 = arith.addi %mul3A_147, %add3A_148 : i32
      %dma_wait3A_150 = arith.constant 0 : i32
      %dma_wait3A_151 = arith.constant 0 : i32
      %dma_wait3A_152 = tpu.memref_slice %arg2[%dma_wait3A_150, %dma_wait3A_151] : memref<10240x32xf32, #tpu.memory_space<hbm>> -> memref<128x32xf32, #tpu.memory_space<hbm>>
      %dma_wait3A_153 = arith.constant 0 : i32
      %dma_wait3A_154 = arith.constant 0 : i32
      %dma_wait3A_155 = tpu.memref_slice %arg2[%dma_wait3A_153, %dma_wait3A_154] : memref<10240x32xf32, #tpu.memory_space<hbm>> -> memref<128x32xf32, #tpu.memory_space<hbm>>
      tpu.wait_dma2 semaphore(%arg20 : memref<!tpu.dma_semaphore, #tpu.memory_space<semaphore_mem>>) src(%dma_wait3A_155 : memref<128x32xf32, #tpu.memory_space<hbm>>) dst(%arg12 : memref<128x32xf32, #tpu.memory_space<vmem>>)
      %dma_start3A_156 = arith.constant 0 : i32
      %dma_start3A_157 = tpu.memref_slice %arg8[%add3A_149, %dma_start3A_156] : memref<80x128xi32, #tpu.memory_space<vmem>> -> memref<1x128xi32, #tpu.memory_space<vmem>>
      %dma_start3A_158 = tpu.memref_squeeze %dma_start3A_157 : memref<1x128xi32, #tpu.memory_space<vmem>> -> memref<128xi32, #tpu.memory_space<vmem>>
      %dma_start3A_159 = arith.constant 0 : i32
      %dma_start3A_160 = arith.constant 0 : i32
      %dma_start3A_161 = tpu.memref_slice %arg26[%dma_start3A_159, %dma_start3A_160] : memref<10240x32xf32, #tpu.memory_space<vmem_shared>> -> memref<10240x32xf32, #tpu.memory_space<vmem_shared>>
      tpu.enqueue_indirect_dma source(%arg12 : memref<128x32xf32, #tpu.memory_space<vmem>>) target(%dma_start3A_161 : memref<10240x32xf32, #tpu.memory_space<vmem_shared>>) offsets(%dma_start3A_158 : memref<128xi32, #tpu.memory_space<vmem>>) semaphore(%arg20 : memref<!tpu.dma_semaphore, #tpu.memory_space<semaphore_mem>>) {add = true}
      %ge3A_162 = arith.constant 1 : i32
      %ge3A_163 = arith.cmpi sge, %add3A_81, %ge3A_162 : i32
      %convert_element_type3A_164 = arith.extui %ge3A_163 : i1 to i32
      %cond3A_165 = arith.constant 0 : i32
      %cond3A_166 = arith.cmpi ne, %convert_element_type3A_164, %cond3A_165 : i32
      scf.if %cond3A_166 {
        %dma_wait3A_319 = arith.constant 0 : i32
        %dma_wait3A_320 = arith.constant 0 : i32
        %dma_wait3A_321 = tpu.memref_slice %arg2[%dma_wait3A_319, %dma_wait3A_320] : memref<10240x32xf32, #tpu.memory_space<hbm>> -> memref<128x32xf32, #tpu.memory_space<hbm>>
        %dma_wait3A_322 = arith.constant 0 : i32
        %dma_wait3A_323 = arith.constant 0 : i32
        %dma_wait3A_324 = tpu.memref_slice %arg2[%dma_wait3A_322, %dma_wait3A_323] : memref<10240x32xf32, #tpu.memory_space<hbm>> -> memref<128x32xf32, #tpu.memory_space<hbm>>
        tpu.wait_dma2 semaphore(%arg24 : memref<!tpu.dma_semaphore, #tpu.memory_space<semaphore_mem>>) src(%dma_wait3A_324 : memref<128x32xf32, #tpu.memory_space<hbm>>) dst(%arg16 : memref<128x32xf32, #tpu.memory_space<vmem>>)
      } else {
      }
      %add3A_167 = arith.constant 4 : i32
      %add3A_168 = arith.addi %add3A_149, %add3A_167 : i32
      %eq3A_169 = arith.constant 0 : i32
      %eq3A_170 = arith.cmpi eq, %arg0, %eq3A_169 : i32
      %convert_element_type3A_171 = arith.extui %eq3A_170 : i1 to i32
      %cond3A_172 = arith.constant 0 : i32
      %cond3A_173 = arith.cmpi ne, %convert_element_type3A_171, %cond3A_172 : i32
      scf.if %cond3A_173 {
        %dma_start3A_319 = arith.constant 0 : i32
        %dma_start3A_320 = tpu.memref_slice %arg7[%add3A_168, %dma_start3A_319] : memref<80x128xi32, #tpu.memory_space<vmem>> -> memref<1x128xi32, #tpu.memory_space<vmem>>
        %dma_start3A_321 = tpu.memref_squeeze %dma_start3A_320 : memref<1x128xi32, #tpu.memory_space<vmem>> -> memref<128xi32, #tpu.memory_space<vmem>>
        %dma_start3A_322 = arith.constant 0 : i32
        %dma_start3A_323 = arith.constant 0 : i32
        %dma_start3A_324 = tpu.memref_slice %arg2[%dma_start3A_322, %dma_start3A_323] : memref<10240x32xf32, #tpu.memory_space<hbm>> -> memref<10240x32xf32, #tpu.memory_space<hbm>>
        tpu.enqueue_indirect_dma source(%dma_start3A_324 : memref<10240x32xf32, #tpu.memory_space<hbm>>) target(%arg16 : memref<128x32xf32, #tpu.memory_space<vmem>>) offsets(%dma_start3A_321 : memref<128xi32, #tpu.memory_space<vmem>>) semaphore(%arg24 : memref<!tpu.dma_semaphore, #tpu.memory_space<semaphore_mem>>)
      } else {
      }
      %eq3A_174 = arith.constant 1 : i32
      %eq3A_175 = arith.cmpi eq, %arg0, %eq3A_174 : i32
      %convert_element_type3A_176 = arith.extui %eq3A_175 : i1 to i32
      %cond3A_177 = arith.constant 0 : i32
      %cond3A_178 = arith.cmpi ne, %convert_element_type3A_176, %cond3A_177 : i32
      scf.if %cond3A_178 {
        %dma_start3A_319 = arith.constant 0 : i32
        %dma_start3A_320 = tpu.memref_slice %arg7[%add3A_168, %dma_start3A_319] : memref<80x128xi32, #tpu.memory_space<vmem>> -> memref<1x128xi32, #tpu.memory_space<vmem>>
        %dma_start3A_321 = tpu.memref_squeeze %dma_start3A_320 : memref<1x128xi32, #tpu.memory_space<vmem>> -> memref<128xi32, #tpu.memory_space<vmem>>
        %dma_start3A_322 = arith.constant 0 : i32
        %dma_start3A_323 = arith.constant 0 : i32
        %dma_start3A_324 = tpu.memref_slice %arg3[%dma_start3A_322, %dma_start3A_323] : memref<10240x32xf32, #tpu.memory_space<hbm>> -> memref<10240x32xf32, #tpu.memory_space<hbm>>
        tpu.enqueue_indirect_dma source(%dma_start3A_324 : memref<10240x32xf32, #tpu.memory_space<hbm>>) target(%arg16 : memref<128x32xf32, #tpu.memory_space<vmem>>) offsets(%dma_start3A_321 : memref<128xi32, #tpu.memory_space<vmem>>) semaphore(%arg24 : memref<!tpu.dma_semaphore, #tpu.memory_space<semaphore_mem>>)
      } else {
      }
      %mul3A_179 = arith.constant 8 : i32
      %mul3A_180 = arith.muli %mul3A_179, %add3A_81 : i32
      %add3A_181 = arith.constant 3 : i32
      %add3A_182 = arith.addi %mul3A_180, %add3A_181 : i32
      %dma_wait3A_183 = arith.constant 0 : i32
      %dma_wait3A_184 = arith.constant 0 : i32
      %dma_wait3A_185 = tpu.memref_slice %arg2[%dma_wait3A_183, %dma_wait3A_184] : memref<10240x32xf32, #tpu.memory_space<hbm>> -> memref<128x32xf32, #tpu.memory_space<hbm>>
      %dma_wait3A_186 = arith.constant 0 : i32
      %dma_wait3A_187 = arith.constant 0 : i32
      %dma_wait3A_188 = tpu.memref_slice %arg2[%dma_wait3A_186, %dma_wait3A_187] : memref<10240x32xf32, #tpu.memory_space<hbm>> -> memref<128x32xf32, #tpu.memory_space<hbm>>
      tpu.wait_dma2 semaphore(%arg21 : memref<!tpu.dma_semaphore, #tpu.memory_space<semaphore_mem>>) src(%dma_wait3A_188 : memref<128x32xf32, #tpu.memory_space<hbm>>) dst(%arg13 : memref<128x32xf32, #tpu.memory_space<vmem>>)
      %dma_start3A_189 = arith.constant 0 : i32
      %dma_start3A_190 = tpu.memref_slice %arg8[%add3A_182, %dma_start3A_189] : memref<80x128xi32, #tpu.memory_space<vmem>> -> memref<1x128xi32, #tpu.memory_space<vmem>>
      %dma_start3A_191 = tpu.memref_squeeze %dma_start3A_190 : memref<1x128xi32, #tpu.memory_space<vmem>> -> memref<128xi32, #tpu.memory_space<vmem>>
      %dma_start3A_192 = arith.constant 0 : i32
      %dma_start3A_193 = arith.constant 0 : i32
      %dma_start3A_194 = tpu.memref_slice %arg26[%dma_start3A_192, %dma_start3A_193] : memref<10240x32xf32, #tpu.memory_space<vmem_shared>> -> memref<10240x32xf32, #tpu.memory_space<vmem_shared>>
      tpu.enqueue_indirect_dma source(%arg13 : memref<128x32xf32, #tpu.memory_space<vmem>>) target(%dma_start3A_194 : memref<10240x32xf32, #tpu.memory_space<vmem_shared>>) offsets(%dma_start3A_191 : memref<128xi32, #tpu.memory_space<vmem>>) semaphore(%arg21 : memref<!tpu.dma_semaphore, #tpu.memory_space<semaphore_mem>>) {add = true}
      %ge3A_195 = arith.constant 1 : i32
      %ge3A_196 = arith.cmpi sge, %add3A_81, %ge3A_195 : i32
      %convert_element_type3A_197 = arith.extui %ge3A_196 : i1 to i32
      %cond3A_198 = arith.constant 0 : i32
      %cond3A_199 = arith.cmpi ne, %convert_element_type3A_197, %cond3A_198 : i32
      scf.if %cond3A_199 {
        %dma_wait3A_319 = arith.constant 0 : i32
        %dma_wait3A_320 = arith.constant 0 : i32
        %dma_wait3A_321 = tpu.memref_slice %arg2[%dma_wait3A_319, %dma_wait3A_320] : memref<10240x32xf32, #tpu.memory_space<hbm>> -> memref<128x32xf32, #tpu.memory_space<hbm>>
        %dma_wait3A_322 = arith.constant 0 : i32
        %dma_wait3A_323 = arith.constant 0 : i32
        %dma_wait3A_324 = tpu.memref_slice %arg2[%dma_wait3A_322, %dma_wait3A_323] : memref<10240x32xf32, #tpu.memory_space<hbm>> -> memref<128x32xf32, #tpu.memory_space<hbm>>
        tpu.wait_dma2 semaphore(%arg25 : memref<!tpu.dma_semaphore, #tpu.memory_space<semaphore_mem>>) src(%dma_wait3A_324 : memref<128x32xf32, #tpu.memory_space<hbm>>) dst(%arg17 : memref<128x32xf32, #tpu.memory_space<vmem>>)
      } else {
      }
      %add3A_200 = arith.constant 4 : i32
      %add3A_201 = arith.addi %add3A_182, %add3A_200 : i32
      %eq3A_202 = arith.constant 0 : i32
      %eq3A_203 = arith.cmpi eq, %arg0, %eq3A_202 : i32
      %convert_element_type3A_204 = arith.extui %eq3A_203 : i1 to i32
      %cond3A_205 = arith.constant 0 : i32
      %cond3A_206 = arith.cmpi ne, %convert_element_type3A_204, %cond3A_205 : i32
      scf.if %cond3A_206 {
        %dma_start3A_319 = arith.constant 0 : i32
        %dma_start3A_320 = tpu.memref_slice %arg7[%add3A_201, %dma_start3A_319] : memref<80x128xi32, #tpu.memory_space<vmem>> -> memref<1x128xi32, #tpu.memory_space<vmem>>
        %dma_start3A_321 = tpu.memref_squeeze %dma_start3A_320 : memref<1x128xi32, #tpu.memory_space<vmem>> -> memref<128xi32, #tpu.memory_space<vmem>>
        %dma_start3A_322 = arith.constant 0 : i32
        %dma_start3A_323 = arith.constant 0 : i32
        %dma_start3A_324 = tpu.memref_slice %arg2[%dma_start3A_322, %dma_start3A_323] : memref<10240x32xf32, #tpu.memory_space<hbm>> -> memref<10240x32xf32, #tpu.memory_space<hbm>>
        tpu.enqueue_indirect_dma source(%dma_start3A_324 : memref<10240x32xf32, #tpu.memory_space<hbm>>) target(%arg17 : memref<128x32xf32, #tpu.memory_space<vmem>>) offsets(%dma_start3A_321 : memref<128xi32, #tpu.memory_space<vmem>>) semaphore(%arg25 : memref<!tpu.dma_semaphore, #tpu.memory_space<semaphore_mem>>)
      } else {
      }
      %eq3A_207 = arith.constant 1 : i32
      %eq3A_208 = arith.cmpi eq, %arg0, %eq3A_207 : i32
      %convert_element_type3A_209 = arith.extui %eq3A_208 : i1 to i32
      %cond3A_210 = arith.constant 0 : i32
      %cond3A_211 = arith.cmpi ne, %convert_element_type3A_209, %cond3A_210 : i32
      scf.if %cond3A_211 {
        %dma_start3A_319 = arith.constant 0 : i32
        %dma_start3A_320 = tpu.memref_slice %arg7[%add3A_201, %dma_start3A_319] : memref<80x128xi32, #tpu.memory_space<vmem>> -> memref<1x128xi32, #tpu.memory_space<vmem>>
        %dma_start3A_321 = tpu.memref_squeeze %dma_start3A_320 : memref<1x128xi32, #tpu.memory_space<vmem>> -> memref<128xi32, #tpu.memory_space<vmem>>
        %dma_start3A_322 = arith.constant 0 : i32
        %dma_start3A_323 = arith.constant 0 : i32
        %dma_start3A_324 = tpu.memref_slice %arg3[%dma_start3A_322, %dma_start3A_323] : memref<10240x32xf32, #tpu.memory_space<hbm>> -> memref<10240x32xf32, #tpu.memory_space<hbm>>
        tpu.enqueue_indirect_dma source(%dma_start3A_324 : memref<10240x32xf32, #tpu.memory_space<hbm>>) target(%arg17 : memref<128x32xf32, #tpu.memory_space<vmem>>) offsets(%dma_start3A_321 : memref<128xi32, #tpu.memory_space<vmem>>) semaphore(%arg25 : memref<!tpu.dma_semaphore, #tpu.memory_space<semaphore_mem>>)
      } else {
      }
      %mul3A_212 = arith.constant 8 : i32
      %mul3A_213 = arith.muli %mul3A_212, %add3A_81 : i32
      %add3A_214 = arith.constant 4 : i32
      %add3A_215 = arith.addi %mul3A_213, %add3A_214 : i32
      %dma_wait3A_216 = arith.constant 0 : i32
      %dma_wait3A_217 = arith.constant 0 : i32
      %dma_wait3A_218 = tpu.memref_slice %arg2[%dma_wait3A_216, %dma_wait3A_217] : memref<10240x32xf32, #tpu.memory_space<hbm>> -> memref<128x32xf32, #tpu.memory_space<hbm>>
      %dma_wait3A_219 = arith.constant 0 : i32
      %dma_wait3A_220 = arith.constant 0 : i32
      %dma_wait3A_221 = tpu.memref_slice %arg2[%dma_wait3A_219, %dma_wait3A_220] : memref<10240x32xf32, #tpu.memory_space<hbm>> -> memref<128x32xf32, #tpu.memory_space<hbm>>
      tpu.wait_dma2 semaphore(%arg22 : memref<!tpu.dma_semaphore, #tpu.memory_space<semaphore_mem>>) src(%dma_wait3A_221 : memref<128x32xf32, #tpu.memory_space<hbm>>) dst(%arg14 : memref<128x32xf32, #tpu.memory_space<vmem>>)
      %dma_start3A_222 = arith.constant 0 : i32
      %dma_start3A_223 = tpu.memref_slice %arg8[%add3A_215, %dma_start3A_222] : memref<80x128xi32, #tpu.memory_space<vmem>> -> memref<1x128xi32, #tpu.memory_space<vmem>>
      %dma_start3A_224 = tpu.memref_squeeze %dma_start3A_223 : memref<1x128xi32, #tpu.memory_space<vmem>> -> memref<128xi32, #tpu.memory_space<vmem>>
      %dma_start3A_225 = arith.constant 0 : i32
      %dma_start3A_226 = arith.constant 0 : i32
      %dma_start3A_227 = tpu.memref_slice %arg26[%dma_start3A_225, %dma_start3A_226] : memref<10240x32xf32, #tpu.memory_space<vmem_shared>> -> memref<10240x32xf32, #tpu.memory_space<vmem_shared>>
      tpu.enqueue_indirect_dma source(%arg14 : memref<128x32xf32, #tpu.memory_space<vmem>>) target(%dma_start3A_227 : memref<10240x32xf32, #tpu.memory_space<vmem_shared>>) offsets(%dma_start3A_224 : memref<128xi32, #tpu.memory_space<vmem>>) semaphore(%arg22 : memref<!tpu.dma_semaphore, #tpu.memory_space<semaphore_mem>>) {add = true}
      %dma_wait3A_228 = arith.constant 0 : i32
      %dma_wait3A_229 = arith.constant 0 : i32
      %dma_wait3A_230 = tpu.memref_slice %arg2[%dma_wait3A_228, %dma_wait3A_229] : memref<10240x32xf32, #tpu.memory_space<hbm>> -> memref<128x32xf32, #tpu.memory_space<hbm>>
      %dma_wait3A_231 = arith.constant 0 : i32
      %dma_wait3A_232 = arith.constant 0 : i32
      %dma_wait3A_233 = tpu.memref_slice %arg2[%dma_wait3A_231, %dma_wait3A_232] : memref<10240x32xf32, #tpu.memory_space<hbm>> -> memref<128x32xf32, #tpu.memory_space<hbm>>
      tpu.wait_dma2 semaphore(%arg18 : memref<!tpu.dma_semaphore, #tpu.memory_space<semaphore_mem>>) src(%dma_wait3A_233 : memref<128x32xf32, #tpu.memory_space<hbm>>) dst(%arg10 : memref<128x32xf32, #tpu.memory_space<vmem>>)
      %lt3A = arith.constant 9 : i32
      %lt3A_234 = arith.cmpi slt, %add3A_81, %lt3A : i32
      %convert_element_type3A_235 = arith.extui %lt3A_234 : i1 to i32
      %cond3A_236 = arith.constant 0 : i32
      %cond3A_237 = arith.cmpi ne, %convert_element_type3A_235, %cond3A_236 : i32
      scf.if %cond3A_237 {
        %add3A_319 = arith.constant 4 : i32
        %add3A_320 = arith.addi %add3A_215, %add3A_319 : i32
        %eq3A_321 = arith.constant 0 : i32
        %eq3A_322 = arith.cmpi eq, %arg0, %eq3A_321 : i32
        %convert_element_type3A_323 = arith.extui %eq3A_322 : i1 to i32
        %cond3A_324 = arith.constant 0 : i32
        %cond3A_325 = arith.cmpi ne, %convert_element_type3A_323, %cond3A_324 : i32
        scf.if %cond3A_325 {
          %dma_start3A_331 = arith.constant 0 : i32
          %dma_start3A_332 = tpu.memref_slice %arg7[%add3A_320, %dma_start3A_331] : memref<80x128xi32, #tpu.memory_space<vmem>> -> memref<1x128xi32, #tpu.memory_space<vmem>>
          %dma_start3A_333 = tpu.memref_squeeze %dma_start3A_332 : memref<1x128xi32, #tpu.memory_space<vmem>> -> memref<128xi32, #tpu.memory_space<vmem>>
          %dma_start3A_334 = arith.constant 0 : i32
          %dma_start3A_335 = arith.constant 0 : i32
          %dma_start3A_336 = tpu.memref_slice %arg2[%dma_start3A_334, %dma_start3A_335] : memref<10240x32xf32, #tpu.memory_space<hbm>> -> memref<10240x32xf32, #tpu.memory_space<hbm>>
          tpu.enqueue_indirect_dma source(%dma_start3A_336 : memref<10240x32xf32, #tpu.memory_space<hbm>>) target(%arg10 : memref<128x32xf32, #tpu.memory_space<vmem>>) offsets(%dma_start3A_333 : memref<128xi32, #tpu.memory_space<vmem>>) semaphore(%arg18 : memref<!tpu.dma_semaphore, #tpu.memory_space<semaphore_mem>>)
        } else {
        }
        %eq3A_326 = arith.constant 1 : i32
        %eq3A_327 = arith.cmpi eq, %arg0, %eq3A_326 : i32
        %convert_element_type3A_328 = arith.extui %eq3A_327 : i1 to i32
        %cond3A_329 = arith.constant 0 : i32
        %cond3A_330 = arith.cmpi ne, %convert_element_type3A_328, %cond3A_329 : i32
        scf.if %cond3A_330 {
          %dma_start3A_331 = arith.constant 0 : i32
          %dma_start3A_332 = tpu.memref_slice %arg7[%add3A_320, %dma_start3A_331] : memref<80x128xi32, #tpu.memory_space<vmem>> -> memref<1x128xi32, #tpu.memory_space<vmem>>
          %dma_start3A_333 = tpu.memref_squeeze %dma_start3A_332 : memref<1x128xi32, #tpu.memory_space<vmem>> -> memref<128xi32, #tpu.memory_space<vmem>>
          %dma_start3A_334 = arith.constant 0 : i32
          %dma_start3A_335 = arith.constant 0 : i32
          %dma_start3A_336 = tpu.memref_slice %arg3[%dma_start3A_334, %dma_start3A_335] : memref<10240x32xf32, #tpu.memory_space<hbm>> -> memref<10240x32xf32, #tpu.memory_space<hbm>>
          tpu.enqueue_indirect_dma source(%dma_start3A_336 : memref<10240x32xf32, #tpu.memory_space<hbm>>) target(%arg10 : memref<128x32xf32, #tpu.memory_space<vmem>>) offsets(%dma_start3A_333 : memref<128xi32, #tpu.memory_space<vmem>>) semaphore(%arg18 : memref<!tpu.dma_semaphore, #tpu.memory_space<semaphore_mem>>)
        } else {
        }
      } else {
      }
      %mul3A_238 = arith.constant 8 : i32
      %mul3A_239 = arith.muli %mul3A_238, %add3A_81 : i32
      %add3A_240 = arith.constant 5 : i32
      %add3A_241 = arith.addi %mul3A_239, %add3A_240 : i32
      %dma_wait3A_242 = arith.constant 0 : i32
      %dma_wait3A_243 = arith.constant 0 : i32
      %dma_wait3A_244 = tpu.memref_slice %arg2[%dma_wait3A_242, %dma_wait3A_243] : memref<10240x32xf32, #tpu.memory_space<hbm>> -> memref<128x32xf32, #tpu.memory_space<hbm>>
      %dma_wait3A_245 = arith.constant 0 : i32
      %dma_wait3A_246 = arith.constant 0 : i32
      %dma_wait3A_247 = tpu.memref_slice %arg2[%dma_wait3A_245, %dma_wait3A_246] : memref<10240x32xf32, #tpu.memory_space<hbm>> -> memref<128x32xf32, #tpu.memory_space<hbm>>
      tpu.wait_dma2 semaphore(%arg23 : memref<!tpu.dma_semaphore, #tpu.memory_space<semaphore_mem>>) src(%dma_wait3A_247 : memref<128x32xf32, #tpu.memory_space<hbm>>) dst(%arg15 : memref<128x32xf32, #tpu.memory_space<vmem>>)
      %dma_start3A_248 = arith.constant 0 : i32
      %dma_start3A_249 = tpu.memref_slice %arg8[%add3A_241, %dma_start3A_248] : memref<80x128xi32, #tpu.memory_space<vmem>> -> memref<1x128xi32, #tpu.memory_space<vmem>>
      %dma_start3A_250 = tpu.memref_squeeze %dma_start3A_249 : memref<1x128xi32, #tpu.memory_space<vmem>> -> memref<128xi32, #tpu.memory_space<vmem>>
      %dma_start3A_251 = arith.constant 0 : i32
      %dma_start3A_252 = arith.constant 0 : i32
      %dma_start3A_253 = tpu.memref_slice %arg26[%dma_start3A_251, %dma_start3A_252] : memref<10240x32xf32, #tpu.memory_space<vmem_shared>> -> memref<10240x32xf32, #tpu.memory_space<vmem_shared>>
      tpu.enqueue_indirect_dma source(%arg15 : memref<128x32xf32, #tpu.memory_space<vmem>>) target(%dma_start3A_253 : memref<10240x32xf32, #tpu.memory_space<vmem_shared>>) offsets(%dma_start3A_250 : memref<128xi32, #tpu.memory_space<vmem>>) semaphore(%arg23 : memref<!tpu.dma_semaphore, #tpu.memory_space<semaphore_mem>>) {add = true}
      %dma_wait3A_254 = arith.constant 0 : i32
      %dma_wait3A_255 = arith.constant 0 : i32
      %dma_wait3A_256 = tpu.memref_slice %arg2[%dma_wait3A_254, %dma_wait3A_255] : memref<10240x32xf32, #tpu.memory_space<hbm>> -> memref<128x32xf32, #tpu.memory_space<hbm>>
      %dma_wait3A_257 = arith.constant 0 : i32
      %dma_wait3A_258 = arith.constant 0 : i32
      %dma_wait3A_259 = tpu.memref_slice %arg2[%dma_wait3A_257, %dma_wait3A_258] : memref<10240x32xf32, #tpu.memory_space<hbm>> -> memref<128x32xf32, #tpu.memory_space<hbm>>
      tpu.wait_dma2 semaphore(%arg19 : memref<!tpu.dma_semaphore, #tpu.memory_space<semaphore_mem>>) src(%dma_wait3A_259 : memref<128x32xf32, #tpu.memory_space<hbm>>) dst(%arg11 : memref<128x32xf32, #tpu.memory_space<vmem>>)
      %lt3A_260 = arith.constant 9 : i32
      %lt3A_261 = arith.cmpi slt, %add3A_81, %lt3A_260 : i32
      %convert_element_type3A_262 = arith.extui %lt3A_261 : i1 to i32
      %cond3A_263 = arith.constant 0 : i32
      %cond3A_264 = arith.cmpi ne, %convert_element_type3A_262, %cond3A_263 : i32
      scf.if %cond3A_264 {
        %add3A_319 = arith.constant 4 : i32
        %add3A_320 = arith.addi %add3A_241, %add3A_319 : i32
        %eq3A_321 = arith.constant 0 : i32
        %eq3A_322 = arith.cmpi eq, %arg0, %eq3A_321 : i32
        %convert_element_type3A_323 = arith.extui %eq3A_322 : i1 to i32
        %cond3A_324 = arith.constant 0 : i32
        %cond3A_325 = arith.cmpi ne, %convert_element_type3A_323, %cond3A_324 : i32
        scf.if %cond3A_325 {
          %dma_start3A_331 = arith.constant 0 : i32
          %dma_start3A_332 = tpu.memref_slice %arg7[%add3A_320, %dma_start3A_331] : memref<80x128xi32, #tpu.memory_space<vmem>> -> memref<1x128xi32, #tpu.memory_space<vmem>>
          %dma_start3A_333 = tpu.memref_squeeze %dma_start3A_332 : memref<1x128xi32, #tpu.memory_space<vmem>> -> memref<128xi32, #tpu.memory_space<vmem>>
          %dma_start3A_334 = arith.constant 0 : i32
          %dma_start3A_335 = arith.constant 0 : i32
          %dma_start3A_336 = tpu.memref_slice %arg2[%dma_start3A_334, %dma_start3A_335] : memref<10240x32xf32, #tpu.memory_space<hbm>> -> memref<10240x32xf32, #tpu.memory_space<hbm>>
          tpu.enqueue_indirect_dma source(%dma_start3A_336 : memref<10240x32xf32, #tpu.memory_space<hbm>>) target(%arg11 : memref<128x32xf32, #tpu.memory_space<vmem>>) offsets(%dma_start3A_333 : memref<128xi32, #tpu.memory_space<vmem>>) semaphore(%arg19 : memref<!tpu.dma_semaphore, #tpu.memory_space<semaphore_mem>>)
        } else {
        }
        %eq3A_326 = arith.constant 1 : i32
        %eq3A_327 = arith.cmpi eq, %arg0, %eq3A_326 : i32
        %convert_element_type3A_328 = arith.extui %eq3A_327 : i1 to i32
        %cond3A_329 = arith.constant 0 : i32
        %cond3A_330 = arith.cmpi ne, %convert_element_type3A_328, %cond3A_329 : i32
        scf.if %cond3A_330 {
          %dma_start3A_331 = arith.constant 0 : i32
          %dma_start3A_332 = tpu.memref_slice %arg7[%add3A_320, %dma_start3A_331] : memref<80x128xi32, #tpu.memory_space<vmem>> -> memref<1x128xi32, #tpu.memory_space<vmem>>
          %dma_start3A_333 = tpu.memref_squeeze %dma_start3A_332 : memref<1x128xi32, #tpu.memory_space<vmem>> -> memref<128xi32, #tpu.memory_space<vmem>>
          %dma_start3A_334 = arith.constant 0 : i32
          %dma_start3A_335 = arith.constant 0 : i32
          %dma_start3A_336 = tpu.memref_slice %arg3[%dma_start3A_334, %dma_start3A_335] : memref<10240x32xf32, #tpu.memory_space<hbm>> -> memref<10240x32xf32, #tpu.memory_space<hbm>>
          tpu.enqueue_indirect_dma source(%dma_start3A_336 : memref<10240x32xf32, #tpu.memory_space<hbm>>) target(%arg11 : memref<128x32xf32, #tpu.memory_space<vmem>>) offsets(%dma_start3A_333 : memref<128xi32, #tpu.memory_space<vmem>>) semaphore(%arg19 : memref<!tpu.dma_semaphore, #tpu.memory_space<semaphore_mem>>)
        } else {
        }
      } else {
      }
      %mul3A_265 = arith.constant 8 : i32
      %mul3A_266 = arith.muli %mul3A_265, %add3A_81 : i32
      %add3A_267 = arith.constant 6 : i32
      %add3A_268 = arith.addi %mul3A_266, %add3A_267 : i32
      %dma_wait3A_269 = arith.constant 0 : i32
      %dma_wait3A_270 = arith.constant 0 : i32
      %dma_wait3A_271 = tpu.memref_slice %arg2[%dma_wait3A_269, %dma_wait3A_270] : memref<10240x32xf32, #tpu.memory_space<hbm>> -> memref<128x32xf32, #tpu.memory_space<hbm>>
      %dma_wait3A_272 = arith.constant 0 : i32
      %dma_wait3A_273 = arith.constant 0 : i32
      %dma_wait3A_274 = tpu.memref_slice %arg2[%dma_wait3A_272, %dma_wait3A_273] : memref<10240x32xf32, #tpu.memory_space<hbm>> -> memref<128x32xf32, #tpu.memory_space<hbm>>
      tpu.wait_dma2 semaphore(%arg24 : memref<!tpu.dma_semaphore, #tpu.memory_space<semaphore_mem>>) src(%dma_wait3A_274 : memref<128x32xf32, #tpu.memory_space<hbm>>) dst(%arg16 : memref<128x32xf32, #tpu.memory_space<vmem>>)
      %dma_start3A_275 = arith.constant 0 : i32
      %dma_start3A_276 = tpu.memref_slice %arg8[%add3A_268, %dma_start3A_275] : memref<80x128xi32, #tpu.memory_space<vmem>> -> memref<1x128xi32, #tpu.memory_space<vmem>>
      %dma_start3A_277 = tpu.memref_squeeze %dma_start3A_276 : memref<1x128xi32, #tpu.memory_space<vmem>> -> memref<128xi32, #tpu.memory_space<vmem>>
      %dma_start3A_278 = arith.constant 0 : i32
      %dma_start3A_279 = arith.constant 0 : i32
      %dma_start3A_280 = tpu.memref_slice %arg26[%dma_start3A_278, %dma_start3A_279] : memref<10240x32xf32, #tpu.memory_space<vmem_shared>> -> memref<10240x32xf32, #tpu.memory_space<vmem_shared>>
      tpu.enqueue_indirect_dma source(%arg16 : memref<128x32xf32, #tpu.memory_space<vmem>>) target(%dma_start3A_280 : memref<10240x32xf32, #tpu.memory_space<vmem_shared>>) offsets(%dma_start3A_277 : memref<128xi32, #tpu.memory_space<vmem>>) semaphore(%arg24 : memref<!tpu.dma_semaphore, #tpu.memory_space<semaphore_mem>>) {add = true}
      %dma_wait3A_281 = arith.constant 0 : i32
      %dma_wait3A_282 = arith.constant 0 : i32
      %dma_wait3A_283 = tpu.memref_slice %arg2[%dma_wait3A_281, %dma_wait3A_282] : memref<10240x32xf32, #tpu.memory_space<hbm>> -> memref<128x32xf32, #tpu.memory_space<hbm>>
      %dma_wait3A_284 = arith.constant 0 : i32
      %dma_wait3A_285 = arith.constant 0 : i32
      %dma_wait3A_286 = tpu.memref_slice %arg2[%dma_wait3A_284, %dma_wait3A_285] : memref<10240x32xf32, #tpu.memory_space<hbm>> -> memref<128x32xf32, #tpu.memory_space<hbm>>
      tpu.wait_dma2 semaphore(%arg20 : memref<!tpu.dma_semaphore, #tpu.memory_space<semaphore_mem>>) src(%dma_wait3A_286 : memref<128x32xf32, #tpu.memory_space<hbm>>) dst(%arg12 : memref<128x32xf32, #tpu.memory_space<vmem>>)
      %lt3A_287 = arith.constant 9 : i32
      %lt3A_288 = arith.cmpi slt, %add3A_81, %lt3A_287 : i32
      %convert_element_type3A_289 = arith.extui %lt3A_288 : i1 to i32
      %cond3A_290 = arith.constant 0 : i32
      %cond3A_291 = arith.cmpi ne, %convert_element_type3A_289, %cond3A_290 : i32
      scf.if %cond3A_291 {
        %add3A_319 = arith.constant 4 : i32
        %add3A_320 = arith.addi %add3A_268, %add3A_319 : i32
        %eq3A_321 = arith.constant 0 : i32
        %eq3A_322 = arith.cmpi eq, %arg0, %eq3A_321 : i32
        %convert_element_type3A_323 = arith.extui %eq3A_322 : i1 to i32
        %cond3A_324 = arith.constant 0 : i32
        %cond3A_325 = arith.cmpi ne, %convert_element_type3A_323, %cond3A_324 : i32
        scf.if %cond3A_325 {
          %dma_start3A_331 = arith.constant 0 : i32
          %dma_start3A_332 = tpu.memref_slice %arg7[%add3A_320, %dma_start3A_331] : memref<80x128xi32, #tpu.memory_space<vmem>> -> memref<1x128xi32, #tpu.memory_space<vmem>>
          %dma_start3A_333 = tpu.memref_squeeze %dma_start3A_332 : memref<1x128xi32, #tpu.memory_space<vmem>> -> memref<128xi32, #tpu.memory_space<vmem>>
          %dma_start3A_334 = arith.constant 0 : i32
          %dma_start3A_335 = arith.constant 0 : i32
          %dma_start3A_336 = tpu.memref_slice %arg2[%dma_start3A_334, %dma_start3A_335] : memref<10240x32xf32, #tpu.memory_space<hbm>> -> memref<10240x32xf32, #tpu.memory_space<hbm>>
          tpu.enqueue_indirect_dma source(%dma_start3A_336 : memref<10240x32xf32, #tpu.memory_space<hbm>>) target(%arg12 : memref<128x32xf32, #tpu.memory_space<vmem>>) offsets(%dma_start3A_333 : memref<128xi32, #tpu.memory_space<vmem>>) semaphore(%arg20 : memref<!tpu.dma_semaphore, #tpu.memory_space<semaphore_mem>>)
        } else {
        }
        %eq3A_326 = arith.constant 1 : i32
        %eq3A_327 = arith.cmpi eq, %arg0, %eq3A_326 : i32
        %convert_element_type3A_328 = arith.extui %eq3A_327 : i1 to i32
        %cond3A_329 = arith.constant 0 : i32
        %cond3A_330 = arith.cmpi ne, %convert_element_type3A_328, %cond3A_329 : i32
        scf.if %cond3A_330 {
          %dma_start3A_331 = arith.constant 0 : i32
          %dma_start3A_332 = tpu.memref_slice %arg7[%add3A_320, %dma_start3A_331] : memref<80x128xi32, #tpu.memory_space<vmem>> -> memref<1x128xi32, #tpu.memory_space<vmem>>
          %dma_start3A_333 = tpu.memref_squeeze %dma_start3A_332 : memref<1x128xi32, #tpu.memory_space<vmem>> -> memref<128xi32, #tpu.memory_space<vmem>>
          %dma_start3A_334 = arith.constant 0 : i32
          %dma_start3A_335 = arith.constant 0 : i32
          %dma_start3A_336 = tpu.memref_slice %arg3[%dma_start3A_334, %dma_start3A_335] : memref<10240x32xf32, #tpu.memory_space<hbm>> -> memref<10240x32xf32, #tpu.memory_space<hbm>>
          tpu.enqueue_indirect_dma source(%dma_start3A_336 : memref<10240x32xf32, #tpu.memory_space<hbm>>) target(%arg12 : memref<128x32xf32, #tpu.memory_space<vmem>>) offsets(%dma_start3A_333 : memref<128xi32, #tpu.memory_space<vmem>>) semaphore(%arg20 : memref<!tpu.dma_semaphore, #tpu.memory_space<semaphore_mem>>)
        } else {
        }
      } else {
      }
      %mul3A_292 = arith.constant 8 : i32
      %mul3A_293 = arith.muli %mul3A_292, %add3A_81 : i32
      %add3A_294 = arith.constant 7 : i32
      %add3A_295 = arith.addi %mul3A_293, %add3A_294 : i32
      %dma_wait3A_296 = arith.constant 0 : i32
      %dma_wait3A_297 = arith.constant 0 : i32
      %dma_wait3A_298 = tpu.memref_slice %arg2[%dma_wait3A_296, %dma_wait3A_297] : memref<10240x32xf32, #tpu.memory_space<hbm>> -> memref<128x32xf32, #tpu.memory_space<hbm>>
      %dma_wait3A_299 = arith.constant 0 : i32
      %dma_wait3A_300 = arith.constant 0 : i32
      %dma_wait3A_301 = tpu.memref_slice %arg2[%dma_wait3A_299, %dma_wait3A_300] : memref<10240x32xf32, #tpu.memory_space<hbm>> -> memref<128x32xf32, #tpu.memory_space<hbm>>
      tpu.wait_dma2 semaphore(%arg25 : memref<!tpu.dma_semaphore, #tpu.memory_space<semaphore_mem>>) src(%dma_wait3A_301 : memref<128x32xf32, #tpu.memory_space<hbm>>) dst(%arg17 : memref<128x32xf32, #tpu.memory_space<vmem>>)
      %dma_start3A_302 = arith.constant 0 : i32
      %dma_start3A_303 = tpu.memref_slice %arg8[%add3A_295, %dma_start3A_302] : memref<80x128xi32, #tpu.memory_space<vmem>> -> memref<1x128xi32, #tpu.memory_space<vmem>>
      %dma_start3A_304 = tpu.memref_squeeze %dma_start3A_303 : memref<1x128xi32, #tpu.memory_space<vmem>> -> memref<128xi32, #tpu.memory_space<vmem>>
      %dma_start3A_305 = arith.constant 0 : i32
      %dma_start3A_306 = arith.constant 0 : i32
      %dma_start3A_307 = tpu.memref_slice %arg26[%dma_start3A_305, %dma_start3A_306] : memref<10240x32xf32, #tpu.memory_space<vmem_shared>> -> memref<10240x32xf32, #tpu.memory_space<vmem_shared>>
      tpu.enqueue_indirect_dma source(%arg17 : memref<128x32xf32, #tpu.memory_space<vmem>>) target(%dma_start3A_307 : memref<10240x32xf32, #tpu.memory_space<vmem_shared>>) offsets(%dma_start3A_304 : memref<128xi32, #tpu.memory_space<vmem>>) semaphore(%arg25 : memref<!tpu.dma_semaphore, #tpu.memory_space<semaphore_mem>>) {add = true}
      %dma_wait3A_308 = arith.constant 0 : i32
      %dma_wait3A_309 = arith.constant 0 : i32
      %dma_wait3A_310 = tpu.memref_slice %arg2[%dma_wait3A_308, %dma_wait3A_309] : memref<10240x32xf32, #tpu.memory_space<hbm>> -> memref<128x32xf32, #tpu.memory_space<hbm>>
      %dma_wait3A_311 = arith.constant 0 : i32
      %dma_wait3A_312 = arith.constant 0 : i32
      %dma_wait3A_313 = tpu.memref_slice %arg2[%dma_wait3A_311, %dma_wait3A_312] : memref<10240x32xf32, #tpu.memory_space<hbm>> -> memref<128x32xf32, #tpu.memory_space<hbm>>
      tpu.wait_dma2 semaphore(%arg21 : memref<!tpu.dma_semaphore, #tpu.memory_space<semaphore_mem>>) src(%dma_wait3A_313 : memref<128x32xf32, #tpu.memory_space<hbm>>) dst(%arg13 : memref<128x32xf32, #tpu.memory_space<vmem>>)
      %lt3A_314 = arith.constant 9 : i32
      %lt3A_315 = arith.cmpi slt, %add3A_81, %lt3A_314 : i32
      %convert_element_type3A_316 = arith.extui %lt3A_315 : i1 to i32
      %cond3A_317 = arith.constant 0 : i32
      %cond3A_318 = arith.cmpi ne, %convert_element_type3A_316, %cond3A_317 : i32
      scf.if %cond3A_318 {
        %add3A_319 = arith.constant 4 : i32
        %add3A_320 = arith.addi %add3A_295, %add3A_319 : i32
        %eq3A_321 = arith.constant 0 : i32
        %eq3A_322 = arith.cmpi eq, %arg0, %eq3A_321 : i32
        %convert_element_type3A_323 = arith.extui %eq3A_322 : i1 to i32
        %cond3A_324 = arith.constant 0 : i32
        %cond3A_325 = arith.cmpi ne, %convert_element_type3A_323, %cond3A_324 : i32
        scf.if %cond3A_325 {
          %dma_start3A_331 = arith.constant 0 : i32
          %dma_start3A_332 = tpu.memref_slice %arg7[%add3A_320, %dma_start3A_331] : memref<80x128xi32, #tpu.memory_space<vmem>> -> memref<1x128xi32, #tpu.memory_space<vmem>>
          %dma_start3A_333 = tpu.memref_squeeze %dma_start3A_332 : memref<1x128xi32, #tpu.memory_space<vmem>> -> memref<128xi32, #tpu.memory_space<vmem>>
          %dma_start3A_334 = arith.constant 0 : i32
          %dma_start3A_335 = arith.constant 0 : i32
          %dma_start3A_336 = tpu.memref_slice %arg2[%dma_start3A_334, %dma_start3A_335] : memref<10240x32xf32, #tpu.memory_space<hbm>> -> memref<10240x32xf32, #tpu.memory_space<hbm>>
          tpu.enqueue_indirect_dma source(%dma_start3A_336 : memref<10240x32xf32, #tpu.memory_space<hbm>>) target(%arg13 : memref<128x32xf32, #tpu.memory_space<vmem>>) offsets(%dma_start3A_333 : memref<128xi32, #tpu.memory_space<vmem>>) semaphore(%arg21 : memref<!tpu.dma_semaphore, #tpu.memory_space<semaphore_mem>>)
        } else {
        }
        %eq3A_326 = arith.constant 1 : i32
        %eq3A_327 = arith.cmpi eq, %arg0, %eq3A_326 : i32
        %convert_element_type3A_328 = arith.extui %eq3A_327 : i1 to i32
        %cond3A_329 = arith.constant 0 : i32
        %cond3A_330 = arith.cmpi ne, %convert_element_type3A_328, %cond3A_329 : i32
        scf.if %cond3A_330 {
          %dma_start3A_331 = arith.constant 0 : i32
          %dma_start3A_332 = tpu.memref_slice %arg7[%add3A_320, %dma_start3A_331] : memref<80x128xi32, #tpu.memory_space<vmem>> -> memref<1x128xi32, #tpu.memory_space<vmem>>
          %dma_start3A_333 = tpu.memref_squeeze %dma_start3A_332 : memref<1x128xi32, #tpu.memory_space<vmem>> -> memref<128xi32, #tpu.memory_space<vmem>>
          %dma_start3A_334 = arith.constant 0 : i32
          %dma_start3A_335 = arith.constant 0 : i32
          %dma_start3A_336 = tpu.memref_slice %arg3[%dma_start3A_334, %dma_start3A_335] : memref<10240x32xf32, #tpu.memory_space<hbm>> -> memref<10240x32xf32, #tpu.memory_space<hbm>>
          tpu.enqueue_indirect_dma source(%dma_start3A_336 : memref<10240x32xf32, #tpu.memory_space<hbm>>) target(%arg13 : memref<128x32xf32, #tpu.memory_space<vmem>>) offsets(%dma_start3A_333 : memref<128xi32, #tpu.memory_space<vmem>>) semaphore(%arg21 : memref<!tpu.dma_semaphore, #tpu.memory_space<semaphore_mem>>)
        } else {
        }
      } else {
      }
    }
    %scan3A_50 = arith.constant 10 : i32
    %dma_wait3A = arith.constant 0 : i32
    %dma_wait3A_51 = arith.constant 0 : i32
    %dma_wait3A_52 = tpu.memref_slice %arg2[%dma_wait3A, %dma_wait3A_51] : memref<10240x32xf32, #tpu.memory_space<hbm>> -> memref<128x32xf32, #tpu.memory_space<hbm>>
    %dma_wait3A_53 = arith.constant 0 : i32
    %dma_wait3A_54 = arith.constant 0 : i32
    %dma_wait3A_55 = tpu.memref_slice %arg2[%dma_wait3A_53, %dma_wait3A_54] : memref<10240x32xf32, #tpu.memory_space<hbm>> -> memref<128x32xf32, #tpu.memory_space<hbm>>
    tpu.wait_dma2 semaphore(%arg22 : memref<!tpu.dma_semaphore, #tpu.memory_space<semaphore_mem>>) src(%dma_wait3A_55 : memref<128x32xf32, #tpu.memory_space<hbm>>) dst(%arg14 : memref<128x32xf32, #tpu.memory_space<vmem>>)
    %dma_wait3A_56 = arith.constant 0 : i32
    %dma_wait3A_57 = arith.constant 0 : i32
    %dma_wait3A_58 = tpu.memref_slice %arg2[%dma_wait3A_56, %dma_wait3A_57] : memref<10240x32xf32, #tpu.memory_space<hbm>> -> memref<128x32xf32, #tpu.memory_space<hbm>>
    %dma_wait3A_59 = arith.constant 0 : i32
    %dma_wait3A_60 = arith.constant 0 : i32
    %dma_wait3A_61 = tpu.memref_slice %arg2[%dma_wait3A_59, %dma_wait3A_60] : memref<10240x32xf32, #tpu.memory_space<hbm>> -> memref<128x32xf32, #tpu.memory_space<hbm>>
    tpu.wait_dma2 semaphore(%arg23 : memref<!tpu.dma_semaphore, #tpu.memory_space<semaphore_mem>>) src(%dma_wait3A_61 : memref<128x32xf32, #tpu.memory_space<hbm>>) dst(%arg15 : memref<128x32xf32, #tpu.memory_space<vmem>>)
    %dma_wait3A_62 = arith.constant 0 : i32
    %dma_wait3A_63 = arith.constant 0 : i32
    %dma_wait3A_64 = tpu.memref_slice %arg2[%dma_wait3A_62, %dma_wait3A_63] : memref<10240x32xf32, #tpu.memory_space<hbm>> -> memref<128x32xf32, #tpu.memory_space<hbm>>
    %dma_wait3A_65 = arith.constant 0 : i32
    %dma_wait3A_66 = arith.constant 0 : i32
    %dma_wait3A_67 = tpu.memref_slice %arg2[%dma_wait3A_65, %dma_wait3A_66] : memref<10240x32xf32, #tpu.memory_space<hbm>> -> memref<128x32xf32, #tpu.memory_space<hbm>>
    tpu.wait_dma2 semaphore(%arg24 : memref<!tpu.dma_semaphore, #tpu.memory_space<semaphore_mem>>) src(%dma_wait3A_67 : memref<128x32xf32, #tpu.memory_space<hbm>>) dst(%arg16 : memref<128x32xf32, #tpu.memory_space<vmem>>)
    %dma_wait3A_68 = arith.constant 0 : i32
    %dma_wait3A_69 = arith.constant 0 : i32
    %dma_wait3A_70 = tpu.memref_slice %arg2[%dma_wait3A_68, %dma_wait3A_69] : memref<10240x32xf32, #tpu.memory_space<hbm>> -> memref<128x32xf32, #tpu.memory_space<hbm>>
    %dma_wait3A_71 = arith.constant 0 : i32
    %dma_wait3A_72 = arith.constant 0 : i32
    %dma_wait3A_73 = tpu.memref_slice %arg2[%dma_wait3A_71, %dma_wait3A_72] : memref<10240x32xf32, #tpu.memory_space<hbm>> -> memref<128x32xf32, #tpu.memory_space<hbm>>
    tpu.wait_dma2 semaphore(%arg25 : memref<!tpu.dma_semaphore, #tpu.memory_space<semaphore_mem>>) src(%dma_wait3A_73 : memref<128x32xf32, #tpu.memory_space<hbm>>) dst(%arg17 : memref<128x32xf32, #tpu.memory_space<vmem>>)
    %barrier3A_74 = arith.constant 0 : index
    tpu.barrier barrier_id(%barrier3A_74)
    %mul3A = arith.constant 640 : i32
    %mul3A_75 = arith.muli %arg1, %mul3A : i32
    %mul3A_76 = arith.constant 640 : i32
    %mul3A_77 = arith.muli %arg1, %mul3A_76 : i32
    "tpu.region"() ({
      %run_scoped3A = tpu.sem_alloc : memref<!tpu.dma_semaphore, #tpu.memory_space<semaphore_mem>>
      %dma_start3A = arith.constant 0 : i32
      %dma_start3A_78 = arith.constant 0 : i32
      %dma_start3A_79 = tpu.memref_slice %arg6[%arg0, %dma_start3A, %dma_start3A_78] : memref<2x10240x32xf32, #tpu.memory_space<hbm>> -> memref<1x10240x32xf32, #tpu.memory_space<hbm>>
      %dma_start3A_80 = tpu.memref_squeeze %dma_start3A_79 : memref<1x10240x32xf32, #tpu.memory_space<hbm>> -> memref<10240x32xf32, #tpu.memory_space<hbm>>
      %dma_start3A_81 = arith.constant 0 : i32
      %dma_start3A_82 = tpu.memref_slice %dma_start3A_80[%mul3A_77, %dma_start3A_81] : memref<10240x32xf32, #tpu.memory_space<hbm>> -> memref<640x32xf32, #tpu.memory_space<hbm>>
      %dma_start3A_83 = arith.constant 0 : i32
      %dma_start3A_84 = tpu.memref_slice %arg26[%mul3A_75, %dma_start3A_83] : memref<10240x32xf32, #tpu.memory_space<vmem_shared>> -> memref<640x32xf32, #tpu.memory_space<vmem_shared>>
      tpu.enqueue_dma source(%dma_start3A_84 : memref<640x32xf32, #tpu.memory_space<vmem_shared>>) target(%dma_start3A_82 : memref<640x32xf32, #tpu.memory_space<hbm>>) target_semaphore(%run_scoped3A : memref<!tpu.dma_semaphore, #tpu.memory_space<semaphore_mem>>)
      %dma_wait3A_85 = arith.constant 0 : i32
      %dma_wait3A_86 = arith.constant 0 : i32
      %dma_wait3A_87 = tpu.memref_slice %arg6[%arg0, %dma_wait3A_85, %dma_wait3A_86] : memref<2x10240x32xf32, #tpu.memory_space<hbm>> -> memref<1x10240x32xf32, #tpu.memory_space<hbm>>
      %dma_wait3A_88 = tpu.memref_squeeze %dma_wait3A_87 : memref<1x10240x32xf32, #tpu.memory_space<hbm>> -> memref<10240x32xf32, #tpu.memory_space<hbm>>
      %dma_wait3A_89 = arith.constant 0 : i32
      %dma_wait3A_90 = tpu.memref_slice %dma_wait3A_88[%mul3A_77, %dma_wait3A_89] : memref<10240x32xf32, #tpu.memory_space<hbm>> -> memref<640x32xf32, #tpu.memory_space<hbm>>
      %dma_wait3A_91 = arith.constant 0 : i32
      %dma_wait3A_92 = tpu.memref_slice %arg26[%mul3A_75, %dma_wait3A_91] : memref<10240x32xf32, #tpu.memory_space<vmem_shared>> -> memref<640x32xf32, #tpu.memory_space<vmem_shared>>
      tpu.wait_dma2 semaphore(%run_scoped3A : memref<!tpu.dma_semaphore, #tpu.memory_space<semaphore_mem>>) src(%dma_wait3A_92 : memref<640x32xf32, #tpu.memory_space<vmem_shared>>) dst(%dma_wait3A_90 : memref<640x32xf32, #tpu.memory_space<hbm>>)
      tpu.yield
    }) : () -> ()
    return
  }
}

#map = affine_map<(d0, d1) -> (0, 0)>
#map1 = affine_map<(d0, d1) -> (0, 0, 0)>
module attributes {stable_mosaic.version = 14 : i64} {
  func.func @body(%arg0: i32, %arg1: i32, %arg2: memref<10240x64xf32, #tpu.memory_space<hbm>>, %arg3: memref<10240x64xf32, #tpu.memory_space<hbm>>, %arg4: memref<16x80x128xi32, #tpu.memory_space<hbm>>, %arg5: memref<16x80x128xi32, #tpu.memory_space<hbm>>, %arg6: memref<2x10240x64xf32, #tpu.memory_space<hbm>>, %arg7: memref<80x128xi32, #tpu.memory_space<vmem>>, %arg8: memref<80x128xi32, #tpu.memory_space<vmem>>, %arg9: memref<16x64xf32, #tpu.memory_space<vmem>>, %arg10: memref<128x64xf32, #tpu.memory_space<vmem>>, %arg11: memref<128x64xf32, #tpu.memory_space<vmem>>, %arg12: memref<128x64xf32, #tpu.memory_space<vmem>>, %arg13: memref<128x64xf32, #tpu.memory_space<vmem>>, %arg14: memref<128x64xf32, #tpu.memory_space<vmem>>, %arg15: memref<128x64xf32, #tpu.memory_space<vmem>>, %arg16: memref<128x64xf32, #tpu.memory_space<vmem>>, %arg17: memref<128x64xf32, #tpu.memory_space<vmem>>, %arg18: memref<!tpu.dma_semaphore, #tpu.memory_space<semaphore_mem>>, %arg19: memref<!tpu.dma_semaphore, #tpu.memory_space<semaphore_mem>>, %arg20: memref<!tpu.dma_semaphore, #tpu.memory_space<semaphore_mem>>, %arg21: memref<!tpu.dma_semaphore, #tpu.memory_space<semaphore_mem>>, %arg22: memref<!tpu.dma_semaphore, #tpu.memory_space<semaphore_mem>>, %arg23: memref<!tpu.dma_semaphore, #tpu.memory_space<semaphore_mem>>, %arg24: memref<!tpu.dma_semaphore, #tpu.memory_space<semaphore_mem>>, %arg25: memref<!tpu.dma_semaphore, #tpu.memory_space<semaphore_mem>>, %arg26: memref<10240x64xf32, #tpu.memory_space<vmem_shared>>) attributes {dimension_semantics = [#tpu.dimension_semantics<core_parallel>, #tpu.dimension_semantics<subcore_parallel>], iteration_bounds = array<i64: 2, 16>, scalar_prefetch = 0 : i64, scratch_operands = 20 : i64, tpu.core_type = #tpu.core_type<sc_vector_subcore>, window_params = [{transform_indices = #map}, {transform_indices = #map}, {transform_indices = #map1}, {transform_indices = #map1}, {transform_indices = #map1}]} {
    %scan3A = arith.constant 0 : i32
    %scan3A_0 = arith.constant 16 : i32
    %scan3A_1 = arith.addi %scan3A, %scan3A_0 : i32
    %scan3A_2 = arith.constant 1 : i32
    scf.for %scan3A_78 = %scan3A to %scan3A_1 step %scan3A_2  : i32 {
      %mul3A_79 = arith.constant 1 : i32
      %mul3A_80 = arith.muli %scan3A_78, %mul3A_79 : i32
      %add3A = arith.constant 0 : i32
      %add3A_81 = arith.addi %add3A, %mul3A_80 : i32
      %broadcast_in_dim3A = arith.constant 0.000000e+00 : f32
      %broadcast_in_dim3A_82 = vector.broadcast %broadcast_in_dim3A : f32 to vector<16xf32>
      %swap3A = arith.index_cast %add3A_81 : i32 to index
      %swap3A_83 = arith.constant 0 : index
      %swap3A_84 = tpu.vector_load %arg9[%swap3A, %swap3A_83] {strides = array<i32>} : memref<16x64xf32, #tpu.memory_space<vmem>>, vector<1x16xf32>,
      %swap3A_85 = vector.shape_cast %swap3A_84 : vector<1x16xf32> to vector<16xf32>
      %swap3A_86 = vector.shape_cast %broadcast_in_dim3A_82 : vector<16xf32> to vector<1x16xf32>
      tpu.vector_store %arg9[%swap3A, %swap3A_83], %swap3A_86 {strides = array<i32>} : memref<16x64xf32, #tpu.memory_space<vmem>>, vector<1x16xf32>,
      %broadcast_in_dim3A_87 = arith.constant 0.000000e+00 : f32
      %broadcast_in_dim3A_88 = vector.broadcast %broadcast_in_dim3A_87 : f32 to vector<16xf32>
      %swap3A_89 = arith.index_cast %add3A_81 : i32 to index
      %swap3A_90 = arith.constant 16 : index
      %swap3A_91 = tpu.vector_load %arg9[%swap3A_89, %swap3A_90] {strides = array<i32>} : memref<16x64xf32, #tpu.memory_space<vmem>>, vector<1x16xf32>,
      %swap3A_92 = vector.shape_cast %swap3A_91 : vector<1x16xf32> to vector<16xf32>
      %swap3A_93 = vector.shape_cast %broadcast_in_dim3A_88 : vector<16xf32> to vector<1x16xf32>
      tpu.vector_store %arg9[%swap3A_89, %swap3A_90], %swap3A_93 {strides = array<i32>} : memref<16x64xf32, #tpu.memory_space<vmem>>, vector<1x16xf32>,
      %broadcast_in_dim3A_94 = arith.constant 0.000000e+00 : f32
      %broadcast_in_dim3A_95 = vector.broadcast %broadcast_in_dim3A_94 : f32 to vector<16xf32>
      %swap3A_96 = arith.index_cast %add3A_81 : i32 to index
      %swap3A_97 = arith.constant 32 : index
      %swap3A_98 = tpu.vector_load %arg9[%swap3A_96, %swap3A_97] {strides = array<i32>} : memref<16x64xf32, #tpu.memory_space<vmem>>, vector<1x16xf32>,
      %swap3A_99 = vector.shape_cast %swap3A_98 : vector<1x16xf32> to vector<16xf32>
      %swap3A_100 = vector.shape_cast %broadcast_in_dim3A_95 : vector<16xf32> to vector<1x16xf32>
      tpu.vector_store %arg9[%swap3A_96, %swap3A_97], %swap3A_100 {strides = array<i32>} : memref<16x64xf32, #tpu.memory_space<vmem>>, vector<1x16xf32>,
      %broadcast_in_dim3A_101 = arith.constant 0.000000e+00 : f32
      %broadcast_in_dim3A_102 = vector.broadcast %broadcast_in_dim3A_101 : f32 to vector<16xf32>
      %swap3A_103 = arith.index_cast %add3A_81 : i32 to index
      %swap3A_104 = arith.constant 48 : index
      %swap3A_105 = tpu.vector_load %arg9[%swap3A_103, %swap3A_104] {strides = array<i32>} : memref<16x64xf32, #tpu.memory_space<vmem>>, vector<1x16xf32>,
      %swap3A_106 = vector.shape_cast %swap3A_105 : vector<1x16xf32> to vector<16xf32>
      %swap3A_107 = vector.shape_cast %broadcast_in_dim3A_102 : vector<16xf32> to vector<1x16xf32>
      tpu.vector_store %arg9[%swap3A_103, %swap3A_104], %swap3A_107 {strides = array<i32>} : memref<16x64xf32, #tpu.memory_space<vmem>>, vector<1x16xf32>,
    }
    %scan3A_3 = arith.constant 16 : i32
    %scan3A_4 = arith.constant 0 : i32
    %scan3A_5 = arith.constant 40 : i32
    %scan3A_6 = arith.addi %scan3A_4, %scan3A_5 : i32
    %scan3A_7 = arith.constant 1 : i32
    scf.for %scan3A_78 = %scan3A_4 to %scan3A_6 step %scan3A_7  : i32 {
      %mul3A_79 = arith.constant 1 : i32
      %mul3A_80 = arith.muli %scan3A_78, %mul3A_79 : i32
      %add3A = arith.constant 0 : i32
      %add3A_81 = arith.addi %add3A, %mul3A_80 : i32
      %mul3A_82 = arith.constant 640 : i32
      %mul3A_83 = arith.muli %arg1, %mul3A_82 : i32
      %mul3A_84 = arith.constant 16 : i32
      %mul3A_85 = arith.muli %add3A_81, %mul3A_84 : i32
      %add3A_86 = arith.addi %mul3A_83, %mul3A_85 : i32
      "tpu.region"() ({
        %run_scoped3A = tpu.sem_alloc : memref<!tpu.dma_semaphore, #tpu.memory_space<semaphore_mem>>
        %dma_start3A = arith.constant 0 : i32
        %dma_start3A_87 = tpu.memref_slice %arg26[%add3A_86, %dma_start3A] : memref<10240x64xf32, #tpu.memory_space<vmem_shared>> -> memref<16x64xf32, #tpu.memory_space<vmem_shared>>
        %dma_start3A_88 = arith.constant 0 : i32
        %dma_start3A_89 = tpu.memref_slice %arg26[%add3A_86, %dma_start3A_88] : memref<10240x64xf32, #tpu.memory_space<vmem_shared>> -> memref<16x64xf32, #tpu.memory_space<vmem_shared>>
        tpu.enqueue_dma source(%arg9 : memref<16x64xf32, #tpu.memory_space<vmem>>) target(%dma_start3A_89 : memref<16x64xf32, #tpu.memory_space<vmem_shared>>) target_semaphore(%run_scoped3A : memref<!tpu.dma_semaphore, #tpu.memory_space<semaphore_mem>>)
        %dma_wait3A_90 = arith.constant 0 : i32
        %dma_wait3A_91 = tpu.memref_slice %arg26[%add3A_86, %dma_wait3A_90] : memref<10240x64xf32, #tpu.memory_space<vmem_shared>> -> memref<16x64xf32, #tpu.memory_space<vmem_shared>>
        %dma_wait3A_92 = arith.constant 0 : i32
        %dma_wait3A_93 = tpu.memref_slice %arg26[%add3A_86, %dma_wait3A_92] : memref<10240x64xf32, #tpu.memory_space<vmem_shared>> -> memref<16x64xf32, #tpu.memory_space<vmem_shared>>
        tpu.wait_dma2 semaphore(%run_scoped3A : memref<!tpu.dma_semaphore, #tpu.memory_space<semaphore_mem>>) src(%arg9 : memref<16x64xf32, #tpu.memory_space<vmem>>) dst(%dma_wait3A_93 : memref<16x64xf32, #tpu.memory_space<vmem_shared>>)
        tpu.yield
      }) : () -> ()
    }
    %scan3A_8 = arith.constant 40 : i32
    %barrier3A = arith.constant 0 : index
    tpu.barrier barrier_id(%barrier3A)
    "tpu.region"() ({
      %run_scoped3A = tpu.sem_alloc : memref<!tpu.dma_semaphore, #tpu.memory_space<semaphore_mem>>
      %dma_start3A = arith.constant 0 : i32
      %dma_start3A_78 = arith.constant 0 : i32
      %dma_start3A_79 = tpu.memref_slice %arg4[%arg1, %dma_start3A, %dma_start3A_78] : memref<16x80x128xi32, #tpu.memory_space<hbm>> -> memref<1x80x128xi32, #tpu.memory_space<hbm>>
      %dma_start3A_80 = tpu.memref_squeeze %dma_start3A_79 : memref<1x80x128xi32, #tpu.memory_space<hbm>> -> memref<80x128xi32, #tpu.memory_space<hbm>>
      %dma_start3A_81 = arith.constant 0 : i32
      %dma_start3A_82 = arith.constant 0 : i32
      %dma_start3A_83 = tpu.memref_slice %arg4[%arg1, %dma_start3A_81, %dma_start3A_82] : memref<16x80x128xi32, #tpu.memory_space<hbm>> -> memref<1x80x128xi32, #tpu.memory_space<hbm>>
      %dma_start3A_84 = tpu.memref_squeeze %dma_start3A_83 : memref<1x80x128xi32, #tpu.memory_space<hbm>> -> memref<80x128xi32, #tpu.memory_space<hbm>>
      tpu.enqueue_dma source(%dma_start3A_84 : memref<80x128xi32, #tpu.memory_space<hbm>>) target(%arg7 : memref<80x128xi32, #tpu.memory_space<vmem>>) target_semaphore(%run_scoped3A : memref<!tpu.dma_semaphore, #tpu.memory_space<semaphore_mem>>)
      %dma_wait3A_85 = arith.constant 0 : i32
      %dma_wait3A_86 = arith.constant 0 : i32
      %dma_wait3A_87 = tpu.memref_slice %arg4[%arg1, %dma_wait3A_85, %dma_wait3A_86] : memref<16x80x128xi32, #tpu.memory_space<hbm>> -> memref<1x80x128xi32, #tpu.memory_space<hbm>>
      %dma_wait3A_88 = tpu.memref_squeeze %dma_wait3A_87 : memref<1x80x128xi32, #tpu.memory_space<hbm>> -> memref<80x128xi32, #tpu.memory_space<hbm>>
      %dma_wait3A_89 = arith.constant 0 : i32
      %dma_wait3A_90 = arith.constant 0 : i32
      %dma_wait3A_91 = tpu.memref_slice %arg4[%arg1, %dma_wait3A_89, %dma_wait3A_90] : memref<16x80x128xi32, #tpu.memory_space<hbm>> -> memref<1x80x128xi32, #tpu.memory_space<hbm>>
      %dma_wait3A_92 = tpu.memref_squeeze %dma_wait3A_91 : memref<1x80x128xi32, #tpu.memory_space<hbm>> -> memref<80x128xi32, #tpu.memory_space<hbm>>
      tpu.wait_dma2 semaphore(%run_scoped3A : memref<!tpu.dma_semaphore, #tpu.memory_space<semaphore_mem>>) src(%dma_wait3A_92 : memref<80x128xi32, #tpu.memory_space<hbm>>) dst(%arg7 : memref<80x128xi32, #tpu.memory_space<vmem>>)
      tpu.yield
    }) : () -> ()
    "tpu.region"() ({
      %run_scoped3A = tpu.sem_alloc : memref<!tpu.dma_semaphore, #tpu.memory_space<semaphore_mem>>
      %dma_start3A = arith.constant 0 : i32
      %dma_start3A_78 = arith.constant 0 : i32
      %dma_start3A_79 = tpu.memref_slice %arg5[%arg1, %dma_start3A, %dma_start3A_78] : memref<16x80x128xi32, #tpu.memory_space<hbm>> -> memref<1x80x128xi32, #tpu.memory_space<hbm>>
      %dma_start3A_80 = tpu.memref_squeeze %dma_start3A_79 : memref<1x80x128xi32, #tpu.memory_space<hbm>> -> memref<80x128xi32, #tpu.memory_space<hbm>>
      %dma_start3A_81 = arith.constant 0 : i32
      %dma_start3A_82 = arith.constant 0 : i32
      %dma_start3A_83 = tpu.memref_slice %arg5[%arg1, %dma_start3A_81, %dma_start3A_82] : memref<16x80x128xi32, #tpu.memory_space<hbm>> -> memref<1x80x128xi32, #tpu.memory_space<hbm>>
      %dma_start3A_84 = tpu.memref_squeeze %dma_start3A_83 : memref<1x80x128xi32, #tpu.memory_space<hbm>> -> memref<80x128xi32, #tpu.memory_space<hbm>>
      tpu.enqueue_dma source(%dma_start3A_84 : memref<80x128xi32, #tpu.memory_space<hbm>>) target(%arg8 : memref<80x128xi32, #tpu.memory_space<vmem>>) target_semaphore(%run_scoped3A : memref<!tpu.dma_semaphore, #tpu.memory_space<semaphore_mem>>)
      %dma_wait3A_85 = arith.constant 0 : i32
      %dma_wait3A_86 = arith.constant 0 : i32
      %dma_wait3A_87 = tpu.memref_slice %arg5[%arg1, %dma_wait3A_85, %dma_wait3A_86] : memref<16x80x128xi32, #tpu.memory_space<hbm>> -> memref<1x80x128xi32, #tpu.memory_space<hbm>>
      %dma_wait3A_88 = tpu.memref_squeeze %dma_wait3A_87 : memref<1x80x128xi32, #tpu.memory_space<hbm>> -> memref<80x128xi32, #tpu.memory_space<hbm>>
      %dma_wait3A_89 = arith.constant 0 : i32
      %dma_wait3A_90 = arith.constant 0 : i32
      %dma_wait3A_91 = tpu.memref_slice %arg5[%arg1, %dma_wait3A_89, %dma_wait3A_90] : memref<16x80x128xi32, #tpu.memory_space<hbm>> -> memref<1x80x128xi32, #tpu.memory_space<hbm>>
      %dma_wait3A_92 = tpu.memref_squeeze %dma_wait3A_91 : memref<1x80x128xi32, #tpu.memory_space<hbm>> -> memref<80x128xi32, #tpu.memory_space<hbm>>
      tpu.wait_dma2 semaphore(%run_scoped3A : memref<!tpu.dma_semaphore, #tpu.memory_space<semaphore_mem>>) src(%dma_wait3A_92 : memref<80x128xi32, #tpu.memory_space<hbm>>) dst(%arg8 : memref<80x128xi32, #tpu.memory_space<vmem>>)
      tpu.yield
    }) : () -> ()
    %eq3A = arith.constant 0 : i32
    %eq3A_9 = arith.cmpi eq, %arg0, %eq3A : i32
    %convert_element_type3A = arith.extui %eq3A_9 : i1 to i32
    %cond3A = arith.constant 0 : i32
    %cond3A_10 = arith.cmpi ne, %convert_element_type3A, %cond3A : i32
    scf.if %cond3A_10 {
      %dma_start3A = arith.constant 0 : i32
      %dma_start3A_78 = arith.constant 0 : i32
      %dma_start3A_79 = tpu.memref_slice %arg7[%dma_start3A, %dma_start3A_78] : memref<80x128xi32, #tpu.memory_space<vmem>> -> memref<1x128xi32, #tpu.memory_space<vmem>>
      %dma_start3A_80 = tpu.memref_squeeze %dma_start3A_79 : memref<1x128xi32, #tpu.memory_space<vmem>> -> memref<128xi32, #tpu.memory_space<vmem>>
      %dma_start3A_81 = arith.constant 0 : i32
      %dma_start3A_82 = arith.constant 0 : i32
      %dma_start3A_83 = tpu.memref_slice %arg2[%dma_start3A_81, %dma_start3A_82] : memref<10240x64xf32, #tpu.memory_space<hbm>> -> memref<10240x64xf32, #tpu.memory_space<hbm>>
      tpu.enqueue_indirect_dma source(%dma_start3A_83 : memref<10240x64xf32, #tpu.memory_space<hbm>>) target(%arg10 : memref<128x64xf32, #tpu.memory_space<vmem>>) offsets(%dma_start3A_80 : memref<128xi32, #tpu.memory_space<vmem>>) semaphore(%arg18 : memref<!tpu.dma_semaphore, #tpu.memory_space<semaphore_mem>>)
    } else {
    }
    %eq3A_11 = arith.constant 1 : i32
    %eq3A_12 = arith.cmpi eq, %arg0, %eq3A_11 : i32
    %convert_element_type3A_13 = arith.extui %eq3A_12 : i1 to i32
    %cond3A_14 = arith.constant 0 : i32
    %cond3A_15 = arith.cmpi ne, %convert_element_type3A_13, %cond3A_14 : i32
    scf.if %cond3A_15 {
      %dma_start3A = arith.constant 0 : i32
      %dma_start3A_78 = arith.constant 0 : i32
      %dma_start3A_79 = tpu.memref_slice %arg7[%dma_start3A, %dma_start3A_78] : memref<80x128xi32, #tpu.memory_space<vmem>> -> memref<1x128xi32, #tpu.memory_space<vmem>>
      %dma_start3A_80 = tpu.memref_squeeze %dma_start3A_79 : memref<1x128xi32, #tpu.memory_space<vmem>> -> memref<128xi32, #tpu.memory_space<vmem>>
      %dma_start3A_81 = arith.constant 0 : i32
      %dma_start3A_82 = arith.constant 0 : i32
      %dma_start3A_83 = tpu.memref_slice %arg3[%dma_start3A_81, %dma_start3A_82] : memref<10240x64xf32, #tpu.memory_space<hbm>> -> memref<10240x64xf32, #tpu.memory_space<hbm>>
      tpu.enqueue_indirect_dma source(%dma_start3A_83 : memref<10240x64xf32, #tpu.memory_space<hbm>>) target(%arg10 : memref<128x64xf32, #tpu.memory_space<vmem>>) offsets(%dma_start3A_80 : memref<128xi32, #tpu.memory_space<vmem>>) semaphore(%arg18 : memref<!tpu.dma_semaphore, #tpu.memory_space<semaphore_mem>>)
    } else {
    }
    %eq3A_16 = arith.constant 0 : i32
    %eq3A_17 = arith.cmpi eq, %arg0, %eq3A_16 : i32
    %convert_element_type3A_18 = arith.extui %eq3A_17 : i1 to i32
    %cond3A_19 = arith.constant 0 : i32
    %cond3A_20 = arith.cmpi ne, %convert_element_type3A_18, %cond3A_19 : i32
    scf.if %cond3A_20 {
      %dma_start3A = arith.constant 1 : i32
      %dma_start3A_78 = arith.constant 0 : i32
      %dma_start3A_79 = tpu.memref_slice %arg7[%dma_start3A, %dma_start3A_78] : memref<80x128xi32, #tpu.memory_space<vmem>> -> memref<1x128xi32, #tpu.memory_space<vmem>>
      %dma_start3A_80 = tpu.memref_squeeze %dma_start3A_79 : memref<1x128xi32, #tpu.memory_space<vmem>> -> memref<128xi32, #tpu.memory_space<vmem>>
      %dma_start3A_81 = arith.constant 0 : i32
      %dma_start3A_82 = arith.constant 0 : i32
      %dma_start3A_83 = tpu.memref_slice %arg2[%dma_start3A_81, %dma_start3A_82] : memref<10240x64xf32, #tpu.memory_space<hbm>> -> memref<10240x64xf32, #tpu.memory_space<hbm>>
      tpu.enqueue_indirect_dma source(%dma_start3A_83 : memref<10240x64xf32, #tpu.memory_space<hbm>>) target(%arg11 : memref<128x64xf32, #tpu.memory_space<vmem>>) offsets(%dma_start3A_80 : memref<128xi32, #tpu.memory_space<vmem>>) semaphore(%arg19 : memref<!tpu.dma_semaphore, #tpu.memory_space<semaphore_mem>>)
    } else {
    }
    %eq3A_21 = arith.constant 1 : i32
    %eq3A_22 = arith.cmpi eq, %arg0, %eq3A_21 : i32
    %convert_element_type3A_23 = arith.extui %eq3A_22 : i1 to i32
    %cond3A_24 = arith.constant 0 : i32
    %cond3A_25 = arith.cmpi ne, %convert_element_type3A_23, %cond3A_24 : i32
    scf.if %cond3A_25 {
      %dma_start3A = arith.constant 1 : i32
      %dma_start3A_78 = arith.constant 0 : i32
      %dma_start3A_79 = tpu.memref_slice %arg7[%dma_start3A, %dma_start3A_78] : memref<80x128xi32, #tpu.memory_space<vmem>> -> memref<1x128xi32, #tpu.memory_space<vmem>>
      %dma_start3A_80 = tpu.memref_squeeze %dma_start3A_79 : memref<1x128xi32, #tpu.memory_space<vmem>> -> memref<128xi32, #tpu.memory_space<vmem>>
      %dma_start3A_81 = arith.constant 0 : i32
      %dma_start3A_82 = arith.constant 0 : i32
      %dma_start3A_83 = tpu.memref_slice %arg3[%dma_start3A_81, %dma_start3A_82] : memref<10240x64xf32, #tpu.memory_space<hbm>> -> memref<10240x64xf32, #tpu.memory_space<hbm>>
      tpu.enqueue_indirect_dma source(%dma_start3A_83 : memref<10240x64xf32, #tpu.memory_space<hbm>>) target(%arg11 : memref<128x64xf32, #tpu.memory_space<vmem>>) offsets(%dma_start3A_80 : memref<128xi32, #tpu.memory_space<vmem>>) semaphore(%arg19 : memref<!tpu.dma_semaphore, #tpu.memory_space<semaphore_mem>>)
    } else {
    }
    %eq3A_26 = arith.constant 0 : i32
    %eq3A_27 = arith.cmpi eq, %arg0, %eq3A_26 : i32
    %convert_element_type3A_28 = arith.extui %eq3A_27 : i1 to i32
    %cond3A_29 = arith.constant 0 : i32
    %cond3A_30 = arith.cmpi ne, %convert_element_type3A_28, %cond3A_29 : i32
    scf.if %cond3A_30 {
      %dma_start3A = arith.constant 2 : i32
      %dma_start3A_78 = arith.constant 0 : i32
      %dma_start3A_79 = tpu.memref_slice %arg7[%dma_start3A, %dma_start3A_78] : memref<80x128xi32, #tpu.memory_space<vmem>> -> memref<1x128xi32, #tpu.memory_space<vmem>>
      %dma_start3A_80 = tpu.memref_squeeze %dma_start3A_79 : memref<1x128xi32, #tpu.memory_space<vmem>> -> memref<128xi32, #tpu.memory_space<vmem>>
      %dma_start3A_81 = arith.constant 0 : i32
      %dma_start3A_82 = arith.constant 0 : i32
      %dma_start3A_83 = tpu.memref_slice %arg2[%dma_start3A_81, %dma_start3A_82] : memref<10240x64xf32, #tpu.memory_space<hbm>> -> memref<10240x64xf32, #tpu.memory_space<hbm>>
      tpu.enqueue_indirect_dma source(%dma_start3A_83 : memref<10240x64xf32, #tpu.memory_space<hbm>>) target(%arg12 : memref<128x64xf32, #tpu.memory_space<vmem>>) offsets(%dma_start3A_80 : memref<128xi32, #tpu.memory_space<vmem>>) semaphore(%arg20 : memref<!tpu.dma_semaphore, #tpu.memory_space<semaphore_mem>>)
    } else {
    }
    %eq3A_31 = arith.constant 1 : i32
    %eq3A_32 = arith.cmpi eq, %arg0, %eq3A_31 : i32
    %convert_element_type3A_33 = arith.extui %eq3A_32 : i1 to i32
    %cond3A_34 = arith.constant 0 : i32
    %cond3A_35 = arith.cmpi ne, %convert_element_type3A_33, %cond3A_34 : i32
    scf.if %cond3A_35 {
      %dma_start3A = arith.constant 2 : i32
      %dma_start3A_78 = arith.constant 0 : i32
      %dma_start3A_79 = tpu.memref_slice %arg7[%dma_start3A, %dma_start3A_78] : memref<80x128xi32, #tpu.memory_space<vmem>> -> memref<1x128xi32, #tpu.memory_space<vmem>>
      %dma_start3A_80 = tpu.memref_squeeze %dma_start3A_79 : memref<1x128xi32, #tpu.memory_space<vmem>> -> memref<128xi32, #tpu.memory_space<vmem>>
      %dma_start3A_81 = arith.constant 0 : i32
      %dma_start3A_82 = arith.constant 0 : i32
      %dma_start3A_83 = tpu.memref_slice %arg3[%dma_start3A_81, %dma_start3A_82] : memref<10240x64xf32, #tpu.memory_space<hbm>> -> memref<10240x64xf32, #tpu.memory_space<hbm>>
      tpu.enqueue_indirect_dma source(%dma_start3A_83 : memref<10240x64xf32, #tpu.memory_space<hbm>>) target(%arg12 : memref<128x64xf32, #tpu.memory_space<vmem>>) offsets(%dma_start3A_80 : memref<128xi32, #tpu.memory_space<vmem>>) semaphore(%arg20 : memref<!tpu.dma_semaphore, #tpu.memory_space<semaphore_mem>>)
    } else {
    }
    %eq3A_36 = arith.constant 0 : i32
    %eq3A_37 = arith.cmpi eq, %arg0, %eq3A_36 : i32
    %convert_element_type3A_38 = arith.extui %eq3A_37 : i1 to i32
    %cond3A_39 = arith.constant 0 : i32
    %cond3A_40 = arith.cmpi ne, %convert_element_type3A_38, %cond3A_39 : i32
    scf.if %cond3A_40 {
      %dma_start3A = arith.constant 3 : i32
      %dma_start3A_78 = arith.constant 0 : i32
      %dma_start3A_79 = tpu.memref_slice %arg7[%dma_start3A, %dma_start3A_78] : memref<80x128xi32, #tpu.memory_space<vmem>> -> memref<1x128xi32, #tpu.memory_space<vmem>>
      %dma_start3A_80 = tpu.memref_squeeze %dma_start3A_79 : memref<1x128xi32, #tpu.memory_space<vmem>> -> memref<128xi32, #tpu.memory_space<vmem>>
      %dma_start3A_81 = arith.constant 0 : i32
      %dma_start3A_82 = arith.constant 0 : i32
      %dma_start3A_83 = tpu.memref_slice %arg2[%dma_start3A_81, %dma_start3A_82] : memref<10240x64xf32, #tpu.memory_space<hbm>> -> memref<10240x64xf32, #tpu.memory_space<hbm>>
      tpu.enqueue_indirect_dma source(%dma_start3A_83 : memref<10240x64xf32, #tpu.memory_space<hbm>>) target(%arg13 : memref<128x64xf32, #tpu.memory_space<vmem>>) offsets(%dma_start3A_80 : memref<128xi32, #tpu.memory_space<vmem>>) semaphore(%arg21 : memref<!tpu.dma_semaphore, #tpu.memory_space<semaphore_mem>>)
    } else {
    }
    %eq3A_41 = arith.constant 1 : i32
    %eq3A_42 = arith.cmpi eq, %arg0, %eq3A_41 : i32
    %convert_element_type3A_43 = arith.extui %eq3A_42 : i1 to i32
    %cond3A_44 = arith.constant 0 : i32
    %cond3A_45 = arith.cmpi ne, %convert_element_type3A_43, %cond3A_44 : i32
    scf.if %cond3A_45 {
      %dma_start3A = arith.constant 3 : i32
      %dma_start3A_78 = arith.constant 0 : i32
      %dma_start3A_79 = tpu.memref_slice %arg7[%dma_start3A, %dma_start3A_78] : memref<80x128xi32, #tpu.memory_space<vmem>> -> memref<1x128xi32, #tpu.memory_space<vmem>>
      %dma_start3A_80 = tpu.memref_squeeze %dma_start3A_79 : memref<1x128xi32, #tpu.memory_space<vmem>> -> memref<128xi32, #tpu.memory_space<vmem>>
      %dma_start3A_81 = arith.constant 0 : i32
      %dma_start3A_82 = arith.constant 0 : i32
      %dma_start3A_83 = tpu.memref_slice %arg3[%dma_start3A_81, %dma_start3A_82] : memref<10240x64xf32, #tpu.memory_space<hbm>> -> memref<10240x64xf32, #tpu.memory_space<hbm>>
      tpu.enqueue_indirect_dma source(%dma_start3A_83 : memref<10240x64xf32, #tpu.memory_space<hbm>>) target(%arg13 : memref<128x64xf32, #tpu.memory_space<vmem>>) offsets(%dma_start3A_80 : memref<128xi32, #tpu.memory_space<vmem>>) semaphore(%arg21 : memref<!tpu.dma_semaphore, #tpu.memory_space<semaphore_mem>>)
    } else {
    }
    %scan3A_46 = arith.constant 0 : i32
    %scan3A_47 = arith.constant 10 : i32
    %scan3A_48 = arith.addi %scan3A_46, %scan3A_47 : i32
    %scan3A_49 = arith.constant 1 : i32
    scf.for %scan3A_78 = %scan3A_46 to %scan3A_48 step %scan3A_49  : i32 {
      %mul3A_79 = arith.constant 1 : i32
      %mul3A_80 = arith.muli %scan3A_78, %mul3A_79 : i32
      %add3A = arith.constant 0 : i32
      %add3A_81 = arith.addi %add3A, %mul3A_80 : i32
      %mul3A_82 = arith.constant 8 : i32
      %mul3A_83 = arith.muli %mul3A_82, %add3A_81 : i32
      %add3A_84 = arith.constant 0 : i32
      %add3A_85 = arith.addi %mul3A_83, %add3A_84 : i32
      %dma_wait3A_86 = arith.constant 0 : i32
      %dma_wait3A_87 = arith.constant 0 : i32
      %dma_wait3A_88 = tpu.memref_slice %arg2[%dma_wait3A_86, %dma_wait3A_87] : memref<10240x64xf32, #tpu.memory_space<hbm>> -> memref<128x64xf32, #tpu.memory_space<hbm>>
      %dma_wait3A_89 = arith.constant 0 : i32
      %dma_wait3A_90 = arith.constant 0 : i32
      %dma_wait3A_91 = tpu.memref_slice %arg2[%dma_wait3A_89, %dma_wait3A_90] : memref<10240x64xf32, #tpu.memory_space<hbm>> -> memref<128x64xf32, #tpu.memory_space<hbm>>
      tpu.wait_dma2 semaphore(%arg18 : memref<!tpu.dma_semaphore, #tpu.memory_space<semaphore_mem>>) src(%dma_wait3A_91 : memref<128x64xf32, #tpu.memory_space<hbm>>) dst(%arg10 : memref<128x64xf32, #tpu.memory_space<vmem>>)
      %dma_start3A = arith.constant 0 : i32
      %dma_start3A_92 = tpu.memref_slice %arg8[%add3A_85, %dma_start3A] : memref<80x128xi32, #tpu.memory_space<vmem>> -> memref<1x128xi32, #tpu.memory_space<vmem>>
      %dma_start3A_93 = tpu.memref_squeeze %dma_start3A_92 : memref<1x128xi32, #tpu.memory_space<vmem>> -> memref<128xi32, #tpu.memory_space<vmem>>
      %dma_start3A_94 = arith.constant 0 : i32
      %dma_start3A_95 = arith.constant 0 : i32
      %dma_start3A_96 = tpu.memref_slice %arg26[%dma_start3A_94, %dma_start3A_95] : memref<10240x64xf32, #tpu.memory_space<vmem_shared>> -> memref<10240x64xf32, #tpu.memory_space<vmem_shared>>
      tpu.enqueue_indirect_dma source(%arg10 : memref<128x64xf32, #tpu.memory_space<vmem>>) target(%dma_start3A_96 : memref<10240x64xf32, #tpu.memory_space<vmem_shared>>) offsets(%dma_start3A_93 : memref<128xi32, #tpu.memory_space<vmem>>) semaphore(%arg18 : memref<!tpu.dma_semaphore, #tpu.memory_space<semaphore_mem>>) {add = true}
      %ge3A = arith.constant 1 : i32
      %ge3A_97 = arith.cmpi sge, %add3A_81, %ge3A : i32
      %convert_element_type3A_98 = arith.extui %ge3A_97 : i1 to i32
      %cond3A_99 = arith.constant 0 : i32
      %cond3A_100 = arith.cmpi ne, %convert_element_type3A_98, %cond3A_99 : i32
      scf.if %cond3A_100 {
        %dma_wait3A_319 = arith.constant 0 : i32
        %dma_wait3A_320 = arith.constant 0 : i32
        %dma_wait3A_321 = tpu.memref_slice %arg2[%dma_wait3A_319, %dma_wait3A_320] : memref<10240x64xf32, #tpu.memory_space<hbm>> -> memref<128x64xf32, #tpu.memory_space<hbm>>
        %dma_wait3A_322 = arith.constant 0 : i32
        %dma_wait3A_323 = arith.constant 0 : i32
        %dma_wait3A_324 = tpu.memref_slice %arg2[%dma_wait3A_322, %dma_wait3A_323] : memref<10240x64xf32, #tpu.memory_space<hbm>> -> memref<128x64xf32, #tpu.memory_space<hbm>>
        tpu.wait_dma2 semaphore(%arg22 : memref<!tpu.dma_semaphore, #tpu.memory_space<semaphore_mem>>) src(%dma_wait3A_324 : memref<128x64xf32, #tpu.memory_space<hbm>>) dst(%arg14 : memref<128x64xf32, #tpu.memory_space<vmem>>)
      } else {
      }
      %add3A_101 = arith.constant 4 : i32
      %add3A_102 = arith.addi %add3A_85, %add3A_101 : i32
      %eq3A_103 = arith.constant 0 : i32
      %eq3A_104 = arith.cmpi eq, %arg0, %eq3A_103 : i32
      %convert_element_type3A_105 = arith.extui %eq3A_104 : i1 to i32
      %cond3A_106 = arith.constant 0 : i32
      %cond3A_107 = arith.cmpi ne, %convert_element_type3A_105, %cond3A_106 : i32
      scf.if %cond3A_107 {
        %dma_start3A_319 = arith.constant 0 : i32
        %dma_start3A_320 = tpu.memref_slice %arg7[%add3A_102, %dma_start3A_319] : memref<80x128xi32, #tpu.memory_space<vmem>> -> memref<1x128xi32, #tpu.memory_space<vmem>>
        %dma_start3A_321 = tpu.memref_squeeze %dma_start3A_320 : memref<1x128xi32, #tpu.memory_space<vmem>> -> memref<128xi32, #tpu.memory_space<vmem>>
        %dma_start3A_322 = arith.constant 0 : i32
        %dma_start3A_323 = arith.constant 0 : i32
        %dma_start3A_324 = tpu.memref_slice %arg2[%dma_start3A_322, %dma_start3A_323] : memref<10240x64xf32, #tpu.memory_space<hbm>> -> memref<10240x64xf32, #tpu.memory_space<hbm>>
        tpu.enqueue_indirect_dma source(%dma_start3A_324 : memref<10240x64xf32, #tpu.memory_space<hbm>>) target(%arg14 : memref<128x64xf32, #tpu.memory_space<vmem>>) offsets(%dma_start3A_321 : memref<128xi32, #tpu.memory_space<vmem>>) semaphore(%arg22 : memref<!tpu.dma_semaphore, #tpu.memory_space<semaphore_mem>>)
      } else {
      }
      %eq3A_108 = arith.constant 1 : i32
      %eq3A_109 = arith.cmpi eq, %arg0, %eq3A_108 : i32
      %convert_element_type3A_110 = arith.extui %eq3A_109 : i1 to i32
      %cond3A_111 = arith.constant 0 : i32
      %cond3A_112 = arith.cmpi ne, %convert_element_type3A_110, %cond3A_111 : i32
      scf.if %cond3A_112 {
        %dma_start3A_319 = arith.constant 0 : i32
        %dma_start3A_320 = tpu.memref_slice %arg7[%add3A_102, %dma_start3A_319] : memref<80x128xi32, #tpu.memory_space<vmem>> -> memref<1x128xi32, #tpu.memory_space<vmem>>
        %dma_start3A_321 = tpu.memref_squeeze %dma_start3A_320 : memref<1x128xi32, #tpu.memory_space<vmem>> -> memref<128xi32, #tpu.memory_space<vmem>>
        %dma_start3A_322 = arith.constant 0 : i32
        %dma_start3A_323 = arith.constant 0 : i32
        %dma_start3A_324 = tpu.memref_slice %arg3[%dma_start3A_322, %dma_start3A_323] : memref<10240x64xf32, #tpu.memory_space<hbm>> -> memref<10240x64xf32, #tpu.memory_space<hbm>>
        tpu.enqueue_indirect_dma source(%dma_start3A_324 : memref<10240x64xf32, #tpu.memory_space<hbm>>) target(%arg14 : memref<128x64xf32, #tpu.memory_space<vmem>>) offsets(%dma_start3A_321 : memref<128xi32, #tpu.memory_space<vmem>>) semaphore(%arg22 : memref<!tpu.dma_semaphore, #tpu.memory_space<semaphore_mem>>)
      } else {
      }
      %mul3A_113 = arith.constant 8 : i32
      %mul3A_114 = arith.muli %mul3A_113, %add3A_81 : i32
      %add3A_115 = arith.constant 1 : i32
      %add3A_116 = arith.addi %mul3A_114, %add3A_115 : i32
      %dma_wait3A_117 = arith.constant 0 : i32
      %dma_wait3A_118 = arith.constant 0 : i32
      %dma_wait3A_119 = tpu.memref_slice %arg2[%dma_wait3A_117, %dma_wait3A_118] : memref<10240x64xf32, #tpu.memory_space<hbm>> -> memref<128x64xf32, #tpu.memory_space<hbm>>
      %dma_wait3A_120 = arith.constant 0 : i32
      %dma_wait3A_121 = arith.constant 0 : i32
      %dma_wait3A_122 = tpu.memref_slice %arg2[%dma_wait3A_120, %dma_wait3A_121] : memref<10240x64xf32, #tpu.memory_space<hbm>> -> memref<128x64xf32, #tpu.memory_space<hbm>>
      tpu.wait_dma2 semaphore(%arg19 : memref<!tpu.dma_semaphore, #tpu.memory_space<semaphore_mem>>) src(%dma_wait3A_122 : memref<128x64xf32, #tpu.memory_space<hbm>>) dst(%arg11 : memref<128x64xf32, #tpu.memory_space<vmem>>)
      %dma_start3A_123 = arith.constant 0 : i32
      %dma_start3A_124 = tpu.memref_slice %arg8[%add3A_116, %dma_start3A_123] : memref<80x128xi32, #tpu.memory_space<vmem>> -> memref<1x128xi32, #tpu.memory_space<vmem>>
      %dma_start3A_125 = tpu.memref_squeeze %dma_start3A_124 : memref<1x128xi32, #tpu.memory_space<vmem>> -> memref<128xi32, #tpu.memory_space<vmem>>
      %dma_start3A_126 = arith.constant 0 : i32
      %dma_start3A_127 = arith.constant 0 : i32
      %dma_start3A_128 = tpu.memref_slice %arg26[%dma_start3A_126, %dma_start3A_127] : memref<10240x64xf32, #tpu.memory_space<vmem_shared>> -> memref<10240x64xf32, #tpu.memory_space<vmem_shared>>
      tpu.enqueue_indirect_dma source(%arg11 : memref<128x64xf32, #tpu.memory_space<vmem>>) target(%dma_start3A_128 : memref<10240x64xf32, #tpu.memory_space<vmem_shared>>) offsets(%dma_start3A_125 : memref<128xi32, #tpu.memory_space<vmem>>) semaphore(%arg19 : memref<!tpu.dma_semaphore, #tpu.memory_space<semaphore_mem>>) {add = true}
      %ge3A_129 = arith.constant 1 : i32
      %ge3A_130 = arith.cmpi sge, %add3A_81, %ge3A_129 : i32
      %convert_element_type3A_131 = arith.extui %ge3A_130 : i1 to i32
      %cond3A_132 = arith.constant 0 : i32
      %cond3A_133 = arith.cmpi ne, %convert_element_type3A_131, %cond3A_132 : i32
      scf.if %cond3A_133 {
        %dma_wait3A_319 = arith.constant 0 : i32
        %dma_wait3A_320 = arith.constant 0 : i32
        %dma_wait3A_321 = tpu.memref_slice %arg2[%dma_wait3A_319, %dma_wait3A_320] : memref<10240x64xf32, #tpu.memory_space<hbm>> -> memref<128x64xf32, #tpu.memory_space<hbm>>
        %dma_wait3A_322 = arith.constant 0 : i32
        %dma_wait3A_323 = arith.constant 0 : i32
        %dma_wait3A_324 = tpu.memref_slice %arg2[%dma_wait3A_322, %dma_wait3A_323] : memref<10240x64xf32, #tpu.memory_space<hbm>> -> memref<128x64xf32, #tpu.memory_space<hbm>>
        tpu.wait_dma2 semaphore(%arg23 : memref<!tpu.dma_semaphore, #tpu.memory_space<semaphore_mem>>) src(%dma_wait3A_324 : memref<128x64xf32, #tpu.memory_space<hbm>>) dst(%arg15 : memref<128x64xf32, #tpu.memory_space<vmem>>)
      } else {
      }
      %add3A_134 = arith.constant 4 : i32
      %add3A_135 = arith.addi %add3A_116, %add3A_134 : i32
      %eq3A_136 = arith.constant 0 : i32
      %eq3A_137 = arith.cmpi eq, %arg0, %eq3A_136 : i32
      %convert_element_type3A_138 = arith.extui %eq3A_137 : i1 to i32
      %cond3A_139 = arith.constant 0 : i32
      %cond3A_140 = arith.cmpi ne, %convert_element_type3A_138, %cond3A_139 : i32
      scf.if %cond3A_140 {
        %dma_start3A_319 = arith.constant 0 : i32
        %dma_start3A_320 = tpu.memref_slice %arg7[%add3A_135, %dma_start3A_319] : memref<80x128xi32, #tpu.memory_space<vmem>> -> memref<1x128xi32, #tpu.memory_space<vmem>>
        %dma_start3A_321 = tpu.memref_squeeze %dma_start3A_320 : memref<1x128xi32, #tpu.memory_space<vmem>> -> memref<128xi32, #tpu.memory_space<vmem>>
        %dma_start3A_322 = arith.constant 0 : i32
        %dma_start3A_323 = arith.constant 0 : i32
        %dma_start3A_324 = tpu.memref_slice %arg2[%dma_start3A_322, %dma_start3A_323] : memref<10240x64xf32, #tpu.memory_space<hbm>> -> memref<10240x64xf32, #tpu.memory_space<hbm>>
        tpu.enqueue_indirect_dma source(%dma_start3A_324 : memref<10240x64xf32, #tpu.memory_space<hbm>>) target(%arg15 : memref<128x64xf32, #tpu.memory_space<vmem>>) offsets(%dma_start3A_321 : memref<128xi32, #tpu.memory_space<vmem>>) semaphore(%arg23 : memref<!tpu.dma_semaphore, #tpu.memory_space<semaphore_mem>>)
      } else {
      }
      %eq3A_141 = arith.constant 1 : i32
      %eq3A_142 = arith.cmpi eq, %arg0, %eq3A_141 : i32
      %convert_element_type3A_143 = arith.extui %eq3A_142 : i1 to i32
      %cond3A_144 = arith.constant 0 : i32
      %cond3A_145 = arith.cmpi ne, %convert_element_type3A_143, %cond3A_144 : i32
      scf.if %cond3A_145 {
        %dma_start3A_319 = arith.constant 0 : i32
        %dma_start3A_320 = tpu.memref_slice %arg7[%add3A_135, %dma_start3A_319] : memref<80x128xi32, #tpu.memory_space<vmem>> -> memref<1x128xi32, #tpu.memory_space<vmem>>
        %dma_start3A_321 = tpu.memref_squeeze %dma_start3A_320 : memref<1x128xi32, #tpu.memory_space<vmem>> -> memref<128xi32, #tpu.memory_space<vmem>>
        %dma_start3A_322 = arith.constant 0 : i32
        %dma_start3A_323 = arith.constant 0 : i32
        %dma_start3A_324 = tpu.memref_slice %arg3[%dma_start3A_322, %dma_start3A_323] : memref<10240x64xf32, #tpu.memory_space<hbm>> -> memref<10240x64xf32, #tpu.memory_space<hbm>>
        tpu.enqueue_indirect_dma source(%dma_start3A_324 : memref<10240x64xf32, #tpu.memory_space<hbm>>) target(%arg15 : memref<128x64xf32, #tpu.memory_space<vmem>>) offsets(%dma_start3A_321 : memref<128xi32, #tpu.memory_space<vmem>>) semaphore(%arg23 : memref<!tpu.dma_semaphore, #tpu.memory_space<semaphore_mem>>)
      } else {
      }
      %mul3A_146 = arith.constant 8 : i32
      %mul3A_147 = arith.muli %mul3A_146, %add3A_81 : i32
      %add3A_148 = arith.constant 2 : i32
      %add3A_149 = arith.addi %mul3A_147, %add3A_148 : i32
      %dma_wait3A_150 = arith.constant 0 : i32
      %dma_wait3A_151 = arith.constant 0 : i32
      %dma_wait3A_152 = tpu.memref_slice %arg2[%dma_wait3A_150, %dma_wait3A_151] : memref<10240x64xf32, #tpu.memory_space<hbm>> -> memref<128x64xf32, #tpu.memory_space<hbm>>
      %dma_wait3A_153 = arith.constant 0 : i32
      %dma_wait3A_154 = arith.constant 0 : i32
      %dma_wait3A_155 = tpu.memref_slice %arg2[%dma_wait3A_153, %dma_wait3A_154] : memref<10240x64xf32, #tpu.memory_space<hbm>> -> memref<128x64xf32, #tpu.memory_space<hbm>>
      tpu.wait_dma2 semaphore(%arg20 : memref<!tpu.dma_semaphore, #tpu.memory_space<semaphore_mem>>) src(%dma_wait3A_155 : memref<128x64xf32, #tpu.memory_space<hbm>>) dst(%arg12 : memref<128x64xf32, #tpu.memory_space<vmem>>)
      %dma_start3A_156 = arith.constant 0 : i32
      %dma_start3A_157 = tpu.memref_slice %arg8[%add3A_149, %dma_start3A_156] : memref<80x128xi32, #tpu.memory_space<vmem>> -> memref<1x128xi32, #tpu.memory_space<vmem>>
      %dma_start3A_158 = tpu.memref_squeeze %dma_start3A_157 : memref<1x128xi32, #tpu.memory_space<vmem>> -> memref<128xi32, #tpu.memory_space<vmem>>
      %dma_start3A_159 = arith.constant 0 : i32
      %dma_start3A_160 = arith.constant 0 : i32
      %dma_start3A_161 = tpu.memref_slice %arg26[%dma_start3A_159, %dma_start3A_160] : memref<10240x64xf32, #tpu.memory_space<vmem_shared>> -> memref<10240x64xf32, #tpu.memory_space<vmem_shared>>
      tpu.enqueue_indirect_dma source(%arg12 : memref<128x64xf32, #tpu.memory_space<vmem>>) target(%dma_start3A_161 : memref<10240x64xf32, #tpu.memory_space<vmem_shared>>) offsets(%dma_start3A_158 : memref<128xi32, #tpu.memory_space<vmem>>) semaphore(%arg20 : memref<!tpu.dma_semaphore, #tpu.memory_space<semaphore_mem>>) {add = true}
      %ge3A_162 = arith.constant 1 : i32
      %ge3A_163 = arith.cmpi sge, %add3A_81, %ge3A_162 : i32
      %convert_element_type3A_164 = arith.extui %ge3A_163 : i1 to i32
      %cond3A_165 = arith.constant 0 : i32
      %cond3A_166 = arith.cmpi ne, %convert_element_type3A_164, %cond3A_165 : i32
      scf.if %cond3A_166 {
        %dma_wait3A_319 = arith.constant 0 : i32
        %dma_wait3A_320 = arith.constant 0 : i32
        %dma_wait3A_321 = tpu.memref_slice %arg2[%dma_wait3A_319, %dma_wait3A_320] : memref<10240x64xf32, #tpu.memory_space<hbm>> -> memref<128x64xf32, #tpu.memory_space<hbm>>
        %dma_wait3A_322 = arith.constant 0 : i32
        %dma_wait3A_323 = arith.constant 0 : i32
        %dma_wait3A_324 = tpu.memref_slice %arg2[%dma_wait3A_322, %dma_wait3A_323] : memref<10240x64xf32, #tpu.memory_space<hbm>> -> memref<128x64xf32, #tpu.memory_space<hbm>>
        tpu.wait_dma2 semaphore(%arg24 : memref<!tpu.dma_semaphore, #tpu.memory_space<semaphore_mem>>) src(%dma_wait3A_324 : memref<128x64xf32, #tpu.memory_space<hbm>>) dst(%arg16 : memref<128x64xf32, #tpu.memory_space<vmem>>)
      } else {
      }
      %add3A_167 = arith.constant 4 : i32
      %add3A_168 = arith.addi %add3A_149, %add3A_167 : i32
      %eq3A_169 = arith.constant 0 : i32
      %eq3A_170 = arith.cmpi eq, %arg0, %eq3A_169 : i32
      %convert_element_type3A_171 = arith.extui %eq3A_170 : i1 to i32
      %cond3A_172 = arith.constant 0 : i32
      %cond3A_173 = arith.cmpi ne, %convert_element_type3A_171, %cond3A_172 : i32
      scf.if %cond3A_173 {
        %dma_start3A_319 = arith.constant 0 : i32
        %dma_start3A_320 = tpu.memref_slice %arg7[%add3A_168, %dma_start3A_319] : memref<80x128xi32, #tpu.memory_space<vmem>> -> memref<1x128xi32, #tpu.memory_space<vmem>>
        %dma_start3A_321 = tpu.memref_squeeze %dma_start3A_320 : memref<1x128xi32, #tpu.memory_space<vmem>> -> memref<128xi32, #tpu.memory_space<vmem>>
        %dma_start3A_322 = arith.constant 0 : i32
        %dma_start3A_323 = arith.constant 0 : i32
        %dma_start3A_324 = tpu.memref_slice %arg2[%dma_start3A_322, %dma_start3A_323] : memref<10240x64xf32, #tpu.memory_space<hbm>> -> memref<10240x64xf32, #tpu.memory_space<hbm>>
        tpu.enqueue_indirect_dma source(%dma_start3A_324 : memref<10240x64xf32, #tpu.memory_space<hbm>>) target(%arg16 : memref<128x64xf32, #tpu.memory_space<vmem>>) offsets(%dma_start3A_321 : memref<128xi32, #tpu.memory_space<vmem>>) semaphore(%arg24 : memref<!tpu.dma_semaphore, #tpu.memory_space<semaphore_mem>>)
      } else {
      }
      %eq3A_174 = arith.constant 1 : i32
      %eq3A_175 = arith.cmpi eq, %arg0, %eq3A_174 : i32
      %convert_element_type3A_176 = arith.extui %eq3A_175 : i1 to i32
      %cond3A_177 = arith.constant 0 : i32
      %cond3A_178 = arith.cmpi ne, %convert_element_type3A_176, %cond3A_177 : i32
      scf.if %cond3A_178 {
        %dma_start3A_319 = arith.constant 0 : i32
        %dma_start3A_320 = tpu.memref_slice %arg7[%add3A_168, %dma_start3A_319] : memref<80x128xi32, #tpu.memory_space<vmem>> -> memref<1x128xi32, #tpu.memory_space<vmem>>
        %dma_start3A_321 = tpu.memref_squeeze %dma_start3A_320 : memref<1x128xi32, #tpu.memory_space<vmem>> -> memref<128xi32, #tpu.memory_space<vmem>>
        %dma_start3A_322 = arith.constant 0 : i32
        %dma_start3A_323 = arith.constant 0 : i32
        %dma_start3A_324 = tpu.memref_slice %arg3[%dma_start3A_322, %dma_start3A_323] : memref<10240x64xf32, #tpu.memory_space<hbm>> -> memref<10240x64xf32, #tpu.memory_space<hbm>>
        tpu.enqueue_indirect_dma source(%dma_start3A_324 : memref<10240x64xf32, #tpu.memory_space<hbm>>) target(%arg16 : memref<128x64xf32, #tpu.memory_space<vmem>>) offsets(%dma_start3A_321 : memref<128xi32, #tpu.memory_space<vmem>>) semaphore(%arg24 : memref<!tpu.dma_semaphore, #tpu.memory_space<semaphore_mem>>)
      } else {
      }
      %mul3A_179 = arith.constant 8 : i32
      %mul3A_180 = arith.muli %mul3A_179, %add3A_81 : i32
      %add3A_181 = arith.constant 3 : i32
      %add3A_182 = arith.addi %mul3A_180, %add3A_181 : i32
      %dma_wait3A_183 = arith.constant 0 : i32
      %dma_wait3A_184 = arith.constant 0 : i32
      %dma_wait3A_185 = tpu.memref_slice %arg2[%dma_wait3A_183, %dma_wait3A_184] : memref<10240x64xf32, #tpu.memory_space<hbm>> -> memref<128x64xf32, #tpu.memory_space<hbm>>
      %dma_wait3A_186 = arith.constant 0 : i32
      %dma_wait3A_187 = arith.constant 0 : i32
      %dma_wait3A_188 = tpu.memref_slice %arg2[%dma_wait3A_186, %dma_wait3A_187] : memref<10240x64xf32, #tpu.memory_space<hbm>> -> memref<128x64xf32, #tpu.memory_space<hbm>>
      tpu.wait_dma2 semaphore(%arg21 : memref<!tpu.dma_semaphore, #tpu.memory_space<semaphore_mem>>) src(%dma_wait3A_188 : memref<128x64xf32, #tpu.memory_space<hbm>>) dst(%arg13 : memref<128x64xf32, #tpu.memory_space<vmem>>)
      %dma_start3A_189 = arith.constant 0 : i32
      %dma_start3A_190 = tpu.memref_slice %arg8[%add3A_182, %dma_start3A_189] : memref<80x128xi32, #tpu.memory_space<vmem>> -> memref<1x128xi32, #tpu.memory_space<vmem>>
      %dma_start3A_191 = tpu.memref_squeeze %dma_start3A_190 : memref<1x128xi32, #tpu.memory_space<vmem>> -> memref<128xi32, #tpu.memory_space<vmem>>
      %dma_start3A_192 = arith.constant 0 : i32
      %dma_start3A_193 = arith.constant 0 : i32
      %dma_start3A_194 = tpu.memref_slice %arg26[%dma_start3A_192, %dma_start3A_193] : memref<10240x64xf32, #tpu.memory_space<vmem_shared>> -> memref<10240x64xf32, #tpu.memory_space<vmem_shared>>
      tpu.enqueue_indirect_dma source(%arg13 : memref<128x64xf32, #tpu.memory_space<vmem>>) target(%dma_start3A_194 : memref<10240x64xf32, #tpu.memory_space<vmem_shared>>) offsets(%dma_start3A_191 : memref<128xi32, #tpu.memory_space<vmem>>) semaphore(%arg21 : memref<!tpu.dma_semaphore, #tpu.memory_space<semaphore_mem>>) {add = true}
      %ge3A_195 = arith.constant 1 : i32
      %ge3A_196 = arith.cmpi sge, %add3A_81, %ge3A_195 : i32
      %convert_element_type3A_197 = arith.extui %ge3A_196 : i1 to i32
      %cond3A_198 = arith.constant 0 : i32
      %cond3A_199 = arith.cmpi ne, %convert_element_type3A_197, %cond3A_198 : i32
      scf.if %cond3A_199 {
        %dma_wait3A_319 = arith.constant 0 : i32
        %dma_wait3A_320 = arith.constant 0 : i32
        %dma_wait3A_321 = tpu.memref_slice %arg2[%dma_wait3A_319, %dma_wait3A_320] : memref<10240x64xf32, #tpu.memory_space<hbm>> -> memref<128x64xf32, #tpu.memory_space<hbm>>
        %dma_wait3A_322 = arith.constant 0 : i32
        %dma_wait3A_323 = arith.constant 0 : i32
        %dma_wait3A_324 = tpu.memref_slice %arg2[%dma_wait3A_322, %dma_wait3A_323] : memref<10240x64xf32, #tpu.memory_space<hbm>> -> memref<128x64xf32, #tpu.memory_space<hbm>>
        tpu.wait_dma2 semaphore(%arg25 : memref<!tpu.dma_semaphore, #tpu.memory_space<semaphore_mem>>) src(%dma_wait3A_324 : memref<128x64xf32, #tpu.memory_space<hbm>>) dst(%arg17 : memref<128x64xf32, #tpu.memory_space<vmem>>)
      } else {
      }
      %add3A_200 = arith.constant 4 : i32
      %add3A_201 = arith.addi %add3A_182, %add3A_200 : i32
      %eq3A_202 = arith.constant 0 : i32
      %eq3A_203 = arith.cmpi eq, %arg0, %eq3A_202 : i32
      %convert_element_type3A_204 = arith.extui %eq3A_203 : i1 to i32
      %cond3A_205 = arith.constant 0 : i32
      %cond3A_206 = arith.cmpi ne, %convert_element_type3A_204, %cond3A_205 : i32
      scf.if %cond3A_206 {
        %dma_start3A_319 = arith.constant 0 : i32
        %dma_start3A_320 = tpu.memref_slice %arg7[%add3A_201, %dma_start3A_319] : memref<80x128xi32, #tpu.memory_space<vmem>> -> memref<1x128xi32, #tpu.memory_space<vmem>>
        %dma_start3A_321 = tpu.memref_squeeze %dma_start3A_320 : memref<1x128xi32, #tpu.memory_space<vmem>> -> memref<128xi32, #tpu.memory_space<vmem>>
        %dma_start3A_322 = arith.constant 0 : i32
        %dma_start3A_323 = arith.constant 0 : i32
        %dma_start3A_324 = tpu.memref_slice %arg2[%dma_start3A_322, %dma_start3A_323] : memref<10240x64xf32, #tpu.memory_space<hbm>> -> memref<10240x64xf32, #tpu.memory_space<hbm>>
        tpu.enqueue_indirect_dma source(%dma_start3A_324 : memref<10240x64xf32, #tpu.memory_space<hbm>>) target(%arg17 : memref<128x64xf32, #tpu.memory_space<vmem>>) offsets(%dma_start3A_321 : memref<128xi32, #tpu.memory_space<vmem>>) semaphore(%arg25 : memref<!tpu.dma_semaphore, #tpu.memory_space<semaphore_mem>>)
      } else {
      }
      %eq3A_207 = arith.constant 1 : i32
      %eq3A_208 = arith.cmpi eq, %arg0, %eq3A_207 : i32
      %convert_element_type3A_209 = arith.extui %eq3A_208 : i1 to i32
      %cond3A_210 = arith.constant 0 : i32
      %cond3A_211 = arith.cmpi ne, %convert_element_type3A_209, %cond3A_210 : i32
      scf.if %cond3A_211 {
        %dma_start3A_319 = arith.constant 0 : i32
        %dma_start3A_320 = tpu.memref_slice %arg7[%add3A_201, %dma_start3A_319] : memref<80x128xi32, #tpu.memory_space<vmem>> -> memref<1x128xi32, #tpu.memory_space<vmem>>
        %dma_start3A_321 = tpu.memref_squeeze %dma_start3A_320 : memref<1x128xi32, #tpu.memory_space<vmem>> -> memref<128xi32, #tpu.memory_space<vmem>>
        %dma_start3A_322 = arith.constant 0 : i32
        %dma_start3A_323 = arith.constant 0 : i32
        %dma_start3A_324 = tpu.memref_slice %arg3[%dma_start3A_322, %dma_start3A_323] : memref<10240x64xf32, #tpu.memory_space<hbm>> -> memref<10240x64xf32, #tpu.memory_space<hbm>>
        tpu.enqueue_indirect_dma source(%dma_start3A_324 : memref<10240x64xf32, #tpu.memory_space<hbm>>) target(%arg17 : memref<128x64xf32, #tpu.memory_space<vmem>>) offsets(%dma_start3A_321 : memref<128xi32, #tpu.memory_space<vmem>>) semaphore(%arg25 : memref<!tpu.dma_semaphore, #tpu.memory_space<semaphore_mem>>)
      } else {
      }
      %mul3A_212 = arith.constant 8 : i32
      %mul3A_213 = arith.muli %mul3A_212, %add3A_81 : i32
      %add3A_214 = arith.constant 4 : i32
      %add3A_215 = arith.addi %mul3A_213, %add3A_214 : i32
      %dma_wait3A_216 = arith.constant 0 : i32
      %dma_wait3A_217 = arith.constant 0 : i32
      %dma_wait3A_218 = tpu.memref_slice %arg2[%dma_wait3A_216, %dma_wait3A_217] : memref<10240x64xf32, #tpu.memory_space<hbm>> -> memref<128x64xf32, #tpu.memory_space<hbm>>
      %dma_wait3A_219 = arith.constant 0 : i32
      %dma_wait3A_220 = arith.constant 0 : i32
      %dma_wait3A_221 = tpu.memref_slice %arg2[%dma_wait3A_219, %dma_wait3A_220] : memref<10240x64xf32, #tpu.memory_space<hbm>> -> memref<128x64xf32, #tpu.memory_space<hbm>>
      tpu.wait_dma2 semaphore(%arg22 : memref<!tpu.dma_semaphore, #tpu.memory_space<semaphore_mem>>) src(%dma_wait3A_221 : memref<128x64xf32, #tpu.memory_space<hbm>>) dst(%arg14 : memref<128x64xf32, #tpu.memory_space<vmem>>)
      %dma_start3A_222 = arith.constant 0 : i32
      %dma_start3A_223 = tpu.memref_slice %arg8[%add3A_215, %dma_start3A_222] : memref<80x128xi32, #tpu.memory_space<vmem>> -> memref<1x128xi32, #tpu.memory_space<vmem>>
      %dma_start3A_224 = tpu.memref_squeeze %dma_start3A_223 : memref<1x128xi32, #tpu.memory_space<vmem>> -> memref<128xi32, #tpu.memory_space<vmem>>
      %dma_start3A_225 = arith.constant 0 : i32
      %dma_start3A_226 = arith.constant 0 : i32
      %dma_start3A_227 = tpu.memref_slice %arg26[%dma_start3A_225, %dma_start3A_226] : memref<10240x64xf32, #tpu.memory_space<vmem_shared>> -> memref<10240x64xf32, #tpu.memory_space<vmem_shared>>
      tpu.enqueue_indirect_dma source(%arg14 : memref<128x64xf32, #tpu.memory_space<vmem>>) target(%dma_start3A_227 : memref<10240x64xf32, #tpu.memory_space<vmem_shared>>) offsets(%dma_start3A_224 : memref<128xi32, #tpu.memory_space<vmem>>) semaphore(%arg22 : memref<!tpu.dma_semaphore, #tpu.memory_space<semaphore_mem>>) {add = true}
      %dma_wait3A_228 = arith.constant 0 : i32
      %dma_wait3A_229 = arith.constant 0 : i32
      %dma_wait3A_230 = tpu.memref_slice %arg2[%dma_wait3A_228, %dma_wait3A_229] : memref<10240x64xf32, #tpu.memory_space<hbm>> -> memref<128x64xf32, #tpu.memory_space<hbm>>
      %dma_wait3A_231 = arith.constant 0 : i32
      %dma_wait3A_232 = arith.constant 0 : i32
      %dma_wait3A_233 = tpu.memref_slice %arg2[%dma_wait3A_231, %dma_wait3A_232] : memref<10240x64xf32, #tpu.memory_space<hbm>> -> memref<128x64xf32, #tpu.memory_space<hbm>>
      tpu.wait_dma2 semaphore(%arg18 : memref<!tpu.dma_semaphore, #tpu.memory_space<semaphore_mem>>) src(%dma_wait3A_233 : memref<128x64xf32, #tpu.memory_space<hbm>>) dst(%arg10 : memref<128x64xf32, #tpu.memory_space<vmem>>)
      %lt3A = arith.constant 9 : i32
      %lt3A_234 = arith.cmpi slt, %add3A_81, %lt3A : i32
      %convert_element_type3A_235 = arith.extui %lt3A_234 : i1 to i32
      %cond3A_236 = arith.constant 0 : i32
      %cond3A_237 = arith.cmpi ne, %convert_element_type3A_235, %cond3A_236 : i32
      scf.if %cond3A_237 {
        %add3A_319 = arith.constant 4 : i32
        %add3A_320 = arith.addi %add3A_215, %add3A_319 : i32
        %eq3A_321 = arith.constant 0 : i32
        %eq3A_322 = arith.cmpi eq, %arg0, %eq3A_321 : i32
        %convert_element_type3A_323 = arith.extui %eq3A_322 : i1 to i32
        %cond3A_324 = arith.constant 0 : i32
        %cond3A_325 = arith.cmpi ne, %convert_element_type3A_323, %cond3A_324 : i32
        scf.if %cond3A_325 {
          %dma_start3A_331 = arith.constant 0 : i32
          %dma_start3A_332 = tpu.memref_slice %arg7[%add3A_320, %dma_start3A_331] : memref<80x128xi32, #tpu.memory_space<vmem>> -> memref<1x128xi32, #tpu.memory_space<vmem>>
          %dma_start3A_333 = tpu.memref_squeeze %dma_start3A_332 : memref<1x128xi32, #tpu.memory_space<vmem>> -> memref<128xi32, #tpu.memory_space<vmem>>
          %dma_start3A_334 = arith.constant 0 : i32
          %dma_start3A_335 = arith.constant 0 : i32
          %dma_start3A_336 = tpu.memref_slice %arg2[%dma_start3A_334, %dma_start3A_335] : memref<10240x64xf32, #tpu.memory_space<hbm>> -> memref<10240x64xf32, #tpu.memory_space<hbm>>
          tpu.enqueue_indirect_dma source(%dma_start3A_336 : memref<10240x64xf32, #tpu.memory_space<hbm>>) target(%arg10 : memref<128x64xf32, #tpu.memory_space<vmem>>) offsets(%dma_start3A_333 : memref<128xi32, #tpu.memory_space<vmem>>) semaphore(%arg18 : memref<!tpu.dma_semaphore, #tpu.memory_space<semaphore_mem>>)
        } else {
        }
        %eq3A_326 = arith.constant 1 : i32
        %eq3A_327 = arith.cmpi eq, %arg0, %eq3A_326 : i32
        %convert_element_type3A_328 = arith.extui %eq3A_327 : i1 to i32
        %cond3A_329 = arith.constant 0 : i32
        %cond3A_330 = arith.cmpi ne, %convert_element_type3A_328, %cond3A_329 : i32
        scf.if %cond3A_330 {
          %dma_start3A_331 = arith.constant 0 : i32
          %dma_start3A_332 = tpu.memref_slice %arg7[%add3A_320, %dma_start3A_331] : memref<80x128xi32, #tpu.memory_space<vmem>> -> memref<1x128xi32, #tpu.memory_space<vmem>>
          %dma_start3A_333 = tpu.memref_squeeze %dma_start3A_332 : memref<1x128xi32, #tpu.memory_space<vmem>> -> memref<128xi32, #tpu.memory_space<vmem>>
          %dma_start3A_334 = arith.constant 0 : i32
          %dma_start3A_335 = arith.constant 0 : i32
          %dma_start3A_336 = tpu.memref_slice %arg3[%dma_start3A_334, %dma_start3A_335] : memref<10240x64xf32, #tpu.memory_space<hbm>> -> memref<10240x64xf32, #tpu.memory_space<hbm>>
          tpu.enqueue_indirect_dma source(%dma_start3A_336 : memref<10240x64xf32, #tpu.memory_space<hbm>>) target(%arg10 : memref<128x64xf32, #tpu.memory_space<vmem>>) offsets(%dma_start3A_333 : memref<128xi32, #tpu.memory_space<vmem>>) semaphore(%arg18 : memref<!tpu.dma_semaphore, #tpu.memory_space<semaphore_mem>>)
        } else {
        }
      } else {
      }
      %mul3A_238 = arith.constant 8 : i32
      %mul3A_239 = arith.muli %mul3A_238, %add3A_81 : i32
      %add3A_240 = arith.constant 5 : i32
      %add3A_241 = arith.addi %mul3A_239, %add3A_240 : i32
      %dma_wait3A_242 = arith.constant 0 : i32
      %dma_wait3A_243 = arith.constant 0 : i32
      %dma_wait3A_244 = tpu.memref_slice %arg2[%dma_wait3A_242, %dma_wait3A_243] : memref<10240x64xf32, #tpu.memory_space<hbm>> -> memref<128x64xf32, #tpu.memory_space<hbm>>
      %dma_wait3A_245 = arith.constant 0 : i32
      %dma_wait3A_246 = arith.constant 0 : i32
      %dma_wait3A_247 = tpu.memref_slice %arg2[%dma_wait3A_245, %dma_wait3A_246] : memref<10240x64xf32, #tpu.memory_space<hbm>> -> memref<128x64xf32, #tpu.memory_space<hbm>>
      tpu.wait_dma2 semaphore(%arg23 : memref<!tpu.dma_semaphore, #tpu.memory_space<semaphore_mem>>) src(%dma_wait3A_247 : memref<128x64xf32, #tpu.memory_space<hbm>>) dst(%arg15 : memref<128x64xf32, #tpu.memory_space<vmem>>)
      %dma_start3A_248 = arith.constant 0 : i32
      %dma_start3A_249 = tpu.memref_slice %arg8[%add3A_241, %dma_start3A_248] : memref<80x128xi32, #tpu.memory_space<vmem>> -> memref<1x128xi32, #tpu.memory_space<vmem>>
      %dma_start3A_250 = tpu.memref_squeeze %dma_start3A_249 : memref<1x128xi32, #tpu.memory_space<vmem>> -> memref<128xi32, #tpu.memory_space<vmem>>
      %dma_start3A_251 = arith.constant 0 : i32
      %dma_start3A_252 = arith.constant 0 : i32
      %dma_start3A_253 = tpu.memref_slice %arg26[%dma_start3A_251, %dma_start3A_252] : memref<10240x64xf32, #tpu.memory_space<vmem_shared>> -> memref<10240x64xf32, #tpu.memory_space<vmem_shared>>
      tpu.enqueue_indirect_dma source(%arg15 : memref<128x64xf32, #tpu.memory_space<vmem>>) target(%dma_start3A_253 : memref<10240x64xf32, #tpu.memory_space<vmem_shared>>) offsets(%dma_start3A_250 : memref<128xi32, #tpu.memory_space<vmem>>) semaphore(%arg23 : memref<!tpu.dma_semaphore, #tpu.memory_space<semaphore_mem>>) {add = true}
      %dma_wait3A_254 = arith.constant 0 : i32
      %dma_wait3A_255 = arith.constant 0 : i32
      %dma_wait3A_256 = tpu.memref_slice %arg2[%dma_wait3A_254, %dma_wait3A_255] : memref<10240x64xf32, #tpu.memory_space<hbm>> -> memref<128x64xf32, #tpu.memory_space<hbm>>
      %dma_wait3A_257 = arith.constant 0 : i32
      %dma_wait3A_258 = arith.constant 0 : i32
      %dma_wait3A_259 = tpu.memref_slice %arg2[%dma_wait3A_257, %dma_wait3A_258] : memref<10240x64xf32, #tpu.memory_space<hbm>> -> memref<128x64xf32, #tpu.memory_space<hbm>>
      tpu.wait_dma2 semaphore(%arg19 : memref<!tpu.dma_semaphore, #tpu.memory_space<semaphore_mem>>) src(%dma_wait3A_259 : memref<128x64xf32, #tpu.memory_space<hbm>>) dst(%arg11 : memref<128x64xf32, #tpu.memory_space<vmem>>)
      %lt3A_260 = arith.constant 9 : i32
      %lt3A_261 = arith.cmpi slt, %add3A_81, %lt3A_260 : i32
      %convert_element_type3A_262 = arith.extui %lt3A_261 : i1 to i32
      %cond3A_263 = arith.constant 0 : i32
      %cond3A_264 = arith.cmpi ne, %convert_element_type3A_262, %cond3A_263 : i32
      scf.if %cond3A_264 {
        %add3A_319 = arith.constant 4 : i32
        %add3A_320 = arith.addi %add3A_241, %add3A_319 : i32
        %eq3A_321 = arith.constant 0 : i32
        %eq3A_322 = arith.cmpi eq, %arg0, %eq3A_321 : i32
        %convert_element_type3A_323 = arith.extui %eq3A_322 : i1 to i32
        %cond3A_324 = arith.constant 0 : i32
        %cond3A_325 = arith.cmpi ne, %convert_element_type3A_323, %cond3A_324 : i32
        scf.if %cond3A_325 {
          %dma_start3A_331 = arith.constant 0 : i32
          %dma_start3A_332 = tpu.memref_slice %arg7[%add3A_320, %dma_start3A_331] : memref<80x128xi32, #tpu.memory_space<vmem>> -> memref<1x128xi32, #tpu.memory_space<vmem>>
          %dma_start3A_333 = tpu.memref_squeeze %dma_start3A_332 : memref<1x128xi32, #tpu.memory_space<vmem>> -> memref<128xi32, #tpu.memory_space<vmem>>
          %dma_start3A_334 = arith.constant 0 : i32
          %dma_start3A_335 = arith.constant 0 : i32
          %dma_start3A_336 = tpu.memref_slice %arg2[%dma_start3A_334, %dma_start3A_335] : memref<10240x64xf32, #tpu.memory_space<hbm>> -> memref<10240x64xf32, #tpu.memory_space<hbm>>
          tpu.enqueue_indirect_dma source(%dma_start3A_336 : memref<10240x64xf32, #tpu.memory_space<hbm>>) target(%arg11 : memref<128x64xf32, #tpu.memory_space<vmem>>) offsets(%dma_start3A_333 : memref<128xi32, #tpu.memory_space<vmem>>) semaphore(%arg19 : memref<!tpu.dma_semaphore, #tpu.memory_space<semaphore_mem>>)
        } else {
        }
        %eq3A_326 = arith.constant 1 : i32
        %eq3A_327 = arith.cmpi eq, %arg0, %eq3A_326 : i32
        %convert_element_type3A_328 = arith.extui %eq3A_327 : i1 to i32
        %cond3A_329 = arith.constant 0 : i32
        %cond3A_330 = arith.cmpi ne, %convert_element_type3A_328, %cond3A_329 : i32
        scf.if %cond3A_330 {
          %dma_start3A_331 = arith.constant 0 : i32
          %dma_start3A_332 = tpu.memref_slice %arg7[%add3A_320, %dma_start3A_331] : memref<80x128xi32, #tpu.memory_space<vmem>> -> memref<1x128xi32, #tpu.memory_space<vmem>>
          %dma_start3A_333 = tpu.memref_squeeze %dma_start3A_332 : memref<1x128xi32, #tpu.memory_space<vmem>> -> memref<128xi32, #tpu.memory_space<vmem>>
          %dma_start3A_334 = arith.constant 0 : i32
          %dma_start3A_335 = arith.constant 0 : i32
          %dma_start3A_336 = tpu.memref_slice %arg3[%dma_start3A_334, %dma_start3A_335] : memref<10240x64xf32, #tpu.memory_space<hbm>> -> memref<10240x64xf32, #tpu.memory_space<hbm>>
          tpu.enqueue_indirect_dma source(%dma_start3A_336 : memref<10240x64xf32, #tpu.memory_space<hbm>>) target(%arg11 : memref<128x64xf32, #tpu.memory_space<vmem>>) offsets(%dma_start3A_333 : memref<128xi32, #tpu.memory_space<vmem>>) semaphore(%arg19 : memref<!tpu.dma_semaphore, #tpu.memory_space<semaphore_mem>>)
        } else {
        }
      } else {
      }
      %mul3A_265 = arith.constant 8 : i32
      %mul3A_266 = arith.muli %mul3A_265, %add3A_81 : i32
      %add3A_267 = arith.constant 6 : i32
      %add3A_268 = arith.addi %mul3A_266, %add3A_267 : i32
      %dma_wait3A_269 = arith.constant 0 : i32
      %dma_wait3A_270 = arith.constant 0 : i32
      %dma_wait3A_271 = tpu.memref_slice %arg2[%dma_wait3A_269, %dma_wait3A_270] : memref<10240x64xf32, #tpu.memory_space<hbm>> -> memref<128x64xf32, #tpu.memory_space<hbm>>
      %dma_wait3A_272 = arith.constant 0 : i32
      %dma_wait3A_273 = arith.constant 0 : i32
      %dma_wait3A_274 = tpu.memref_slice %arg2[%dma_wait3A_272, %dma_wait3A_273] : memref<10240x64xf32, #tpu.memory_space<hbm>> -> memref<128x64xf32, #tpu.memory_space<hbm>>
      tpu.wait_dma2 semaphore(%arg24 : memref<!tpu.dma_semaphore, #tpu.memory_space<semaphore_mem>>) src(%dma_wait3A_274 : memref<128x64xf32, #tpu.memory_space<hbm>>) dst(%arg16 : memref<128x64xf32, #tpu.memory_space<vmem>>)
      %dma_start3A_275 = arith.constant 0 : i32
      %dma_start3A_276 = tpu.memref_slice %arg8[%add3A_268, %dma_start3A_275] : memref<80x128xi32, #tpu.memory_space<vmem>> -> memref<1x128xi32, #tpu.memory_space<vmem>>
      %dma_start3A_277 = tpu.memref_squeeze %dma_start3A_276 : memref<1x128xi32, #tpu.memory_space<vmem>> -> memref<128xi32, #tpu.memory_space<vmem>>
      %dma_start3A_278 = arith.constant 0 : i32
      %dma_start3A_279 = arith.constant 0 : i32
      %dma_start3A_280 = tpu.memref_slice %arg26[%dma_start3A_278, %dma_start3A_279] : memref<10240x64xf32, #tpu.memory_space<vmem_shared>> -> memref<10240x64xf32, #tpu.memory_space<vmem_shared>>
      tpu.enqueue_indirect_dma source(%arg16 : memref<128x64xf32, #tpu.memory_space<vmem>>) target(%dma_start3A_280 : memref<10240x64xf32, #tpu.memory_space<vmem_shared>>) offsets(%dma_start3A_277 : memref<128xi32, #tpu.memory_space<vmem>>) semaphore(%arg24 : memref<!tpu.dma_semaphore, #tpu.memory_space<semaphore_mem>>) {add = true}
      %dma_wait3A_281 = arith.constant 0 : i32
      %dma_wait3A_282 = arith.constant 0 : i32
      %dma_wait3A_283 = tpu.memref_slice %arg2[%dma_wait3A_281, %dma_wait3A_282] : memref<10240x64xf32, #tpu.memory_space<hbm>> -> memref<128x64xf32, #tpu.memory_space<hbm>>
      %dma_wait3A_284 = arith.constant 0 : i32
      %dma_wait3A_285 = arith.constant 0 : i32
      %dma_wait3A_286 = tpu.memref_slice %arg2[%dma_wait3A_284, %dma_wait3A_285] : memref<10240x64xf32, #tpu.memory_space<hbm>> -> memref<128x64xf32, #tpu.memory_space<hbm>>
      tpu.wait_dma2 semaphore(%arg20 : memref<!tpu.dma_semaphore, #tpu.memory_space<semaphore_mem>>) src(%dma_wait3A_286 : memref<128x64xf32, #tpu.memory_space<hbm>>) dst(%arg12 : memref<128x64xf32, #tpu.memory_space<vmem>>)
      %lt3A_287 = arith.constant 9 : i32
      %lt3A_288 = arith.cmpi slt, %add3A_81, %lt3A_287 : i32
      %convert_element_type3A_289 = arith.extui %lt3A_288 : i1 to i32
      %cond3A_290 = arith.constant 0 : i32
      %cond3A_291 = arith.cmpi ne, %convert_element_type3A_289, %cond3A_290 : i32
      scf.if %cond3A_291 {
        %add3A_319 = arith.constant 4 : i32
        %add3A_320 = arith.addi %add3A_268, %add3A_319 : i32
        %eq3A_321 = arith.constant 0 : i32
        %eq3A_322 = arith.cmpi eq, %arg0, %eq3A_321 : i32
        %convert_element_type3A_323 = arith.extui %eq3A_322 : i1 to i32
        %cond3A_324 = arith.constant 0 : i32
        %cond3A_325 = arith.cmpi ne, %convert_element_type3A_323, %cond3A_324 : i32
        scf.if %cond3A_325 {
          %dma_start3A_331 = arith.constant 0 : i32
          %dma_start3A_332 = tpu.memref_slice %arg7[%add3A_320, %dma_start3A_331] : memref<80x128xi32, #tpu.memory_space<vmem>> -> memref<1x128xi32, #tpu.memory_space<vmem>>
          %dma_start3A_333 = tpu.memref_squeeze %dma_start3A_332 : memref<1x128xi32, #tpu.memory_space<vmem>> -> memref<128xi32, #tpu.memory_space<vmem>>
          %dma_start3A_334 = arith.constant 0 : i32
          %dma_start3A_335 = arith.constant 0 : i32
          %dma_start3A_336 = tpu.memref_slice %arg2[%dma_start3A_334, %dma_start3A_335] : memref<10240x64xf32, #tpu.memory_space<hbm>> -> memref<10240x64xf32, #tpu.memory_space<hbm>>
          tpu.enqueue_indirect_dma source(%dma_start3A_336 : memref<10240x64xf32, #tpu.memory_space<hbm>>) target(%arg12 : memref<128x64xf32, #tpu.memory_space<vmem>>) offsets(%dma_start3A_333 : memref<128xi32, #tpu.memory_space<vmem>>) semaphore(%arg20 : memref<!tpu.dma_semaphore, #tpu.memory_space<semaphore_mem>>)
        } else {
        }
        %eq3A_326 = arith.constant 1 : i32
        %eq3A_327 = arith.cmpi eq, %arg0, %eq3A_326 : i32
        %convert_element_type3A_328 = arith.extui %eq3A_327 : i1 to i32
        %cond3A_329 = arith.constant 0 : i32
        %cond3A_330 = arith.cmpi ne, %convert_element_type3A_328, %cond3A_329 : i32
        scf.if %cond3A_330 {
          %dma_start3A_331 = arith.constant 0 : i32
          %dma_start3A_332 = tpu.memref_slice %arg7[%add3A_320, %dma_start3A_331] : memref<80x128xi32, #tpu.memory_space<vmem>> -> memref<1x128xi32, #tpu.memory_space<vmem>>
          %dma_start3A_333 = tpu.memref_squeeze %dma_start3A_332 : memref<1x128xi32, #tpu.memory_space<vmem>> -> memref<128xi32, #tpu.memory_space<vmem>>
          %dma_start3A_334 = arith.constant 0 : i32
          %dma_start3A_335 = arith.constant 0 : i32
          %dma_start3A_336 = tpu.memref_slice %arg3[%dma_start3A_334, %dma_start3A_335] : memref<10240x64xf32, #tpu.memory_space<hbm>> -> memref<10240x64xf32, #tpu.memory_space<hbm>>
          tpu.enqueue_indirect_dma source(%dma_start3A_336 : memref<10240x64xf32, #tpu.memory_space<hbm>>) target(%arg12 : memref<128x64xf32, #tpu.memory_space<vmem>>) offsets(%dma_start3A_333 : memref<128xi32, #tpu.memory_space<vmem>>) semaphore(%arg20 : memref<!tpu.dma_semaphore, #tpu.memory_space<semaphore_mem>>)
        } else {
        }
      } else {
      }
      %mul3A_292 = arith.constant 8 : i32
      %mul3A_293 = arith.muli %mul3A_292, %add3A_81 : i32
      %add3A_294 = arith.constant 7 : i32
      %add3A_295 = arith.addi %mul3A_293, %add3A_294 : i32
      %dma_wait3A_296 = arith.constant 0 : i32
      %dma_wait3A_297 = arith.constant 0 : i32
      %dma_wait3A_298 = tpu.memref_slice %arg2[%dma_wait3A_296, %dma_wait3A_297] : memref<10240x64xf32, #tpu.memory_space<hbm>> -> memref<128x64xf32, #tpu.memory_space<hbm>>
      %dma_wait3A_299 = arith.constant 0 : i32
      %dma_wait3A_300 = arith.constant 0 : i32
      %dma_wait3A_301 = tpu.memref_slice %arg2[%dma_wait3A_299, %dma_wait3A_300] : memref<10240x64xf32, #tpu.memory_space<hbm>> -> memref<128x64xf32, #tpu.memory_space<hbm>>
      tpu.wait_dma2 semaphore(%arg25 : memref<!tpu.dma_semaphore, #tpu.memory_space<semaphore_mem>>) src(%dma_wait3A_301 : memref<128x64xf32, #tpu.memory_space<hbm>>) dst(%arg17 : memref<128x64xf32, #tpu.memory_space<vmem>>)
      %dma_start3A_302 = arith.constant 0 : i32
      %dma_start3A_303 = tpu.memref_slice %arg8[%add3A_295, %dma_start3A_302] : memref<80x128xi32, #tpu.memory_space<vmem>> -> memref<1x128xi32, #tpu.memory_space<vmem>>
      %dma_start3A_304 = tpu.memref_squeeze %dma_start3A_303 : memref<1x128xi32, #tpu.memory_space<vmem>> -> memref<128xi32, #tpu.memory_space<vmem>>
      %dma_start3A_305 = arith.constant 0 : i32
      %dma_start3A_306 = arith.constant 0 : i32
      %dma_start3A_307 = tpu.memref_slice %arg26[%dma_start3A_305, %dma_start3A_306] : memref<10240x64xf32, #tpu.memory_space<vmem_shared>> -> memref<10240x64xf32, #tpu.memory_space<vmem_shared>>
      tpu.enqueue_indirect_dma source(%arg17 : memref<128x64xf32, #tpu.memory_space<vmem>>) target(%dma_start3A_307 : memref<10240x64xf32, #tpu.memory_space<vmem_shared>>) offsets(%dma_start3A_304 : memref<128xi32, #tpu.memory_space<vmem>>) semaphore(%arg25 : memref<!tpu.dma_semaphore, #tpu.memory_space<semaphore_mem>>) {add = true}
      %dma_wait3A_308 = arith.constant 0 : i32
      %dma_wait3A_309 = arith.constant 0 : i32
      %dma_wait3A_310 = tpu.memref_slice %arg2[%dma_wait3A_308, %dma_wait3A_309] : memref<10240x64xf32, #tpu.memory_space<hbm>> -> memref<128x64xf32, #tpu.memory_space<hbm>>
      %dma_wait3A_311 = arith.constant 0 : i32
      %dma_wait3A_312 = arith.constant 0 : i32
      %dma_wait3A_313 = tpu.memref_slice %arg2[%dma_wait3A_311, %dma_wait3A_312] : memref<10240x64xf32, #tpu.memory_space<hbm>> -> memref<128x64xf32, #tpu.memory_space<hbm>>
      tpu.wait_dma2 semaphore(%arg21 : memref<!tpu.dma_semaphore, #tpu.memory_space<semaphore_mem>>) src(%dma_wait3A_313 : memref<128x64xf32, #tpu.memory_space<hbm>>) dst(%arg13 : memref<128x64xf32, #tpu.memory_space<vmem>>)
      %lt3A_314 = arith.constant 9 : i32
      %lt3A_315 = arith.cmpi slt, %add3A_81, %lt3A_314 : i32
      %convert_element_type3A_316 = arith.extui %lt3A_315 : i1 to i32
      %cond3A_317 = arith.constant 0 : i32
      %cond3A_318 = arith.cmpi ne, %convert_element_type3A_316, %cond3A_317 : i32
      scf.if %cond3A_318 {
        %add3A_319 = arith.constant 4 : i32
        %add3A_320 = arith.addi %add3A_295, %add3A_319 : i32
        %eq3A_321 = arith.constant 0 : i32
        %eq3A_322 = arith.cmpi eq, %arg0, %eq3A_321 : i32
        %convert_element_type3A_323 = arith.extui %eq3A_322 : i1 to i32
        %cond3A_324 = arith.constant 0 : i32
        %cond3A_325 = arith.cmpi ne, %convert_element_type3A_323, %cond3A_324 : i32
        scf.if %cond3A_325 {
          %dma_start3A_331 = arith.constant 0 : i32
          %dma_start3A_332 = tpu.memref_slice %arg7[%add3A_320, %dma_start3A_331] : memref<80x128xi32, #tpu.memory_space<vmem>> -> memref<1x128xi32, #tpu.memory_space<vmem>>
          %dma_start3A_333 = tpu.memref_squeeze %dma_start3A_332 : memref<1x128xi32, #tpu.memory_space<vmem>> -> memref<128xi32, #tpu.memory_space<vmem>>
          %dma_start3A_334 = arith.constant 0 : i32
          %dma_start3A_335 = arith.constant 0 : i32
          %dma_start3A_336 = tpu.memref_slice %arg2[%dma_start3A_334, %dma_start3A_335] : memref<10240x64xf32, #tpu.memory_space<hbm>> -> memref<10240x64xf32, #tpu.memory_space<hbm>>
          tpu.enqueue_indirect_dma source(%dma_start3A_336 : memref<10240x64xf32, #tpu.memory_space<hbm>>) target(%arg13 : memref<128x64xf32, #tpu.memory_space<vmem>>) offsets(%dma_start3A_333 : memref<128xi32, #tpu.memory_space<vmem>>) semaphore(%arg21 : memref<!tpu.dma_semaphore, #tpu.memory_space<semaphore_mem>>)
        } else {
        }
        %eq3A_326 = arith.constant 1 : i32
        %eq3A_327 = arith.cmpi eq, %arg0, %eq3A_326 : i32
        %convert_element_type3A_328 = arith.extui %eq3A_327 : i1 to i32
        %cond3A_329 = arith.constant 0 : i32
        %cond3A_330 = arith.cmpi ne, %convert_element_type3A_328, %cond3A_329 : i32
        scf.if %cond3A_330 {
          %dma_start3A_331 = arith.constant 0 : i32
          %dma_start3A_332 = tpu.memref_slice %arg7[%add3A_320, %dma_start3A_331] : memref<80x128xi32, #tpu.memory_space<vmem>> -> memref<1x128xi32, #tpu.memory_space<vmem>>
          %dma_start3A_333 = tpu.memref_squeeze %dma_start3A_332 : memref<1x128xi32, #tpu.memory_space<vmem>> -> memref<128xi32, #tpu.memory_space<vmem>>
          %dma_start3A_334 = arith.constant 0 : i32
          %dma_start3A_335 = arith.constant 0 : i32
          %dma_start3A_336 = tpu.memref_slice %arg3[%dma_start3A_334, %dma_start3A_335] : memref<10240x64xf32, #tpu.memory_space<hbm>> -> memref<10240x64xf32, #tpu.memory_space<hbm>>
          tpu.enqueue_indirect_dma source(%dma_start3A_336 : memref<10240x64xf32, #tpu.memory_space<hbm>>) target(%arg13 : memref<128x64xf32, #tpu.memory_space<vmem>>) offsets(%dma_start3A_333 : memref<128xi32, #tpu.memory_space<vmem>>) semaphore(%arg21 : memref<!tpu.dma_semaphore, #tpu.memory_space<semaphore_mem>>)
        } else {
        }
      } else {
      }
    }
    %scan3A_50 = arith.constant 10 : i32
    %dma_wait3A = arith.constant 0 : i32
    %dma_wait3A_51 = arith.constant 0 : i32
    %dma_wait3A_52 = tpu.memref_slice %arg2[%dma_wait3A, %dma_wait3A_51] : memref<10240x64xf32, #tpu.memory_space<hbm>> -> memref<128x64xf32, #tpu.memory_space<hbm>>
    %dma_wait3A_53 = arith.constant 0 : i32
    %dma_wait3A_54 = arith.constant 0 : i32
    %dma_wait3A_55 = tpu.memref_slice %arg2[%dma_wait3A_53, %dma_wait3A_54] : memref<10240x64xf32, #tpu.memory_space<hbm>> -> memref<128x64xf32, #tpu.memory_space<hbm>>
    tpu.wait_dma2 semaphore(%arg22 : memref<!tpu.dma_semaphore, #tpu.memory_space<semaphore_mem>>) src(%dma_wait3A_55 : memref<128x64xf32, #tpu.memory_space<hbm>>) dst(%arg14 : memref<128x64xf32, #tpu.memory_space<vmem>>)
    %dma_wait3A_56 = arith.constant 0 : i32
    %dma_wait3A_57 = arith.constant 0 : i32
    %dma_wait3A_58 = tpu.memref_slice %arg2[%dma_wait3A_56, %dma_wait3A_57] : memref<10240x64xf32, #tpu.memory_space<hbm>> -> memref<128x64xf32, #tpu.memory_space<hbm>>
    %dma_wait3A_59 = arith.constant 0 : i32
    %dma_wait3A_60 = arith.constant 0 : i32
    %dma_wait3A_61 = tpu.memref_slice %arg2[%dma_wait3A_59, %dma_wait3A_60] : memref<10240x64xf32, #tpu.memory_space<hbm>> -> memref<128x64xf32, #tpu.memory_space<hbm>>
    tpu.wait_dma2 semaphore(%arg23 : memref<!tpu.dma_semaphore, #tpu.memory_space<semaphore_mem>>) src(%dma_wait3A_61 : memref<128x64xf32, #tpu.memory_space<hbm>>) dst(%arg15 : memref<128x64xf32, #tpu.memory_space<vmem>>)
    %dma_wait3A_62 = arith.constant 0 : i32
    %dma_wait3A_63 = arith.constant 0 : i32
    %dma_wait3A_64 = tpu.memref_slice %arg2[%dma_wait3A_62, %dma_wait3A_63] : memref<10240x64xf32, #tpu.memory_space<hbm>> -> memref<128x64xf32, #tpu.memory_space<hbm>>
    %dma_wait3A_65 = arith.constant 0 : i32
    %dma_wait3A_66 = arith.constant 0 : i32
    %dma_wait3A_67 = tpu.memref_slice %arg2[%dma_wait3A_65, %dma_wait3A_66] : memref<10240x64xf32, #tpu.memory_space<hbm>> -> memref<128x64xf32, #tpu.memory_space<hbm>>
    tpu.wait_dma2 semaphore(%arg24 : memref<!tpu.dma_semaphore, #tpu.memory_space<semaphore_mem>>) src(%dma_wait3A_67 : memref<128x64xf32, #tpu.memory_space<hbm>>) dst(%arg16 : memref<128x64xf32, #tpu.memory_space<vmem>>)
    %dma_wait3A_68 = arith.constant 0 : i32
    %dma_wait3A_69 = arith.constant 0 : i32
    %dma_wait3A_70 = tpu.memref_slice %arg2[%dma_wait3A_68, %dma_wait3A_69] : memref<10240x64xf32, #tpu.memory_space<hbm>> -> memref<128x64xf32, #tpu.memory_space<hbm>>
    %dma_wait3A_71 = arith.constant 0 : i32
    %dma_wait3A_72 = arith.constant 0 : i32
    %dma_wait3A_73 = tpu.memref_slice %arg2[%dma_wait3A_71, %dma_wait3A_72] : memref<10240x64xf32, #tpu.memory_space<hbm>> -> memref<128x64xf32, #tpu.memory_space<hbm>>
    tpu.wait_dma2 semaphore(%arg25 : memref<!tpu.dma_semaphore, #tpu.memory_space<semaphore_mem>>) src(%dma_wait3A_73 : memref<128x64xf32, #tpu.memory_space<hbm>>) dst(%arg17 : memref<128x64xf32, #tpu.memory_space<vmem>>)
    %barrier3A_74 = arith.constant 0 : index
    tpu.barrier barrier_id(%barrier3A_74)
    %mul3A = arith.constant 640 : i32
    %mul3A_75 = arith.muli %arg1, %mul3A : i32
    %mul3A_76 = arith.constant 640 : i32
    %mul3A_77 = arith.muli %arg1, %mul3A_76 : i32
    "tpu.region"() ({
      %run_scoped3A = tpu.sem_alloc : memref<!tpu.dma_semaphore, #tpu.memory_space<semaphore_mem>>
      %dma_start3A = arith.constant 0 : i32
      %dma_start3A_78 = arith.constant 0 : i32
      %dma_start3A_79 = tpu.memref_slice %arg6[%arg0, %dma_start3A, %dma_start3A_78] : memref<2x10240x64xf32, #tpu.memory_space<hbm>> -> memref<1x10240x64xf32, #tpu.memory_space<hbm>>
      %dma_start3A_80 = tpu.memref_squeeze %dma_start3A_79 : memref<1x10240x64xf32, #tpu.memory_space<hbm>> -> memref<10240x64xf32, #tpu.memory_space<hbm>>
      %dma_start3A_81 = arith.constant 0 : i32
      %dma_start3A_82 = tpu.memref_slice %dma_start3A_80[%mul3A_77, %dma_start3A_81] : memref<10240x64xf32, #tpu.memory_space<hbm>> -> memref<640x64xf32, #tpu.memory_space<hbm>>
      %dma_start3A_83 = arith.constant 0 : i32
      %dma_start3A_84 = tpu.memref_slice %arg26[%mul3A_75, %dma_start3A_83] : memref<10240x64xf32, #tpu.memory_space<vmem_shared>> -> memref<640x64xf32, #tpu.memory_space<vmem_shared>>
      tpu.enqueue_dma source(%dma_start3A_84 : memref<640x64xf32, #tpu.memory_space<vmem_shared>>) target(%dma_start3A_82 : memref<640x64xf32, #tpu.memory_space<hbm>>) target_semaphore(%run_scoped3A : memref<!tpu.dma_semaphore, #tpu.memory_space<semaphore_mem>>)
      %dma_wait3A_85 = arith.constant 0 : i32
      %dma_wait3A_86 = arith.constant 0 : i32
      %dma_wait3A_87 = tpu.memref_slice %arg6[%arg0, %dma_wait3A_85, %dma_wait3A_86] : memref<2x10240x64xf32, #tpu.memory_space<hbm>> -> memref<1x10240x64xf32, #tpu.memory_space<hbm>>
      %dma_wait3A_88 = tpu.memref_squeeze %dma_wait3A_87 : memref<1x10240x64xf32, #tpu.memory_space<hbm>> -> memref<10240x64xf32, #tpu.memory_space<hbm>>
      %dma_wait3A_89 = arith.constant 0 : i32
      %dma_wait3A_90 = tpu.memref_slice %dma_wait3A_88[%mul3A_77, %dma_wait3A_89] : memref<10240x64xf32, #tpu.memory_space<hbm>> -> memref<640x64xf32, #tpu.memory_space<hbm>>
      %dma_wait3A_91 = arith.constant 0 : i32
      %dma_wait3A_92 = tpu.memref_slice %arg26[%mul3A_75, %dma_wait3A_91] : memref<10240x64xf32, #tpu.memory_space<vmem_shared>> -> memref<640x64xf32, #tpu.memory_space<vmem_shared>>
      tpu.wait_dma2 semaphore(%run_scoped3A : memref<!tpu.dma_semaphore, #tpu.memory_space<semaphore_mem>>) src(%dma_wait3A_92 : memref<640x64xf32, #tpu.memory_space<vmem_shared>>) dst(%dma_wait3A_90 : memref<640x64xf32, #tpu.memory_space<hbm>>)
      tpu.yield
    }) : () -> ()
    return
  }
}

module attributes {stable_mosaic.version = 14 : i64} {
  func.func @_k2_body(%arg0: i32, %arg1: memref<256x256xf32, #tpu.memory_space<vmem>>, %arg2: memref<2x256x16xf32, #tpu.memory_space<vmem>>, %arg3: memref<256x256xf32, #tpu.memory_space<vmem>>, %arg4: memref<256x64xf32, #tpu.memory_space<vmem>>, %arg5: memref<256x64xf32, #tpu.memory_space<vmem>>, %arg6: memref<256x64xf32, #tpu.memory_space<vmem>>, %arg7: memref<256x64xf32, #tpu.memory_space<vmem>>) attributes {dimension_semantics = [#tpu.dimension_semantics<arbitrary>], iteration_bounds = array<i64: 40>, scalar_prefetch = 0 : i64, scratch_operands = 0 : i64, tpu.core_type = #tpu.core_type<tc>, window_params = [{transform_indices = @transform_0, window_bounds = array<i64: 256, 256>}, {transform_indices = @transform_1, window_bounds = array<i64: 2, 256, 16>}, {pipeline_mode = #tpu.pipeline_mode<synchronous>, transform_indices = @transform_2, window_bounds = array<i64: 256, 256>}, {transform_indices = @transform_3, window_bounds = array<i64: 256, 64>}, {transform_indices = @transform_4, window_bounds = array<i64: 256, 64>}, {transform_indices = @transform_5, window_bounds = array<i64: 256, 64>}, {transform_indices = @transform_6, window_bounds = array<i64: 256, 64>}]} {
    %get3A = arith.constant 0 : index
    %get3A_0 = arith.constant 0 : index
    %get3A_1 = arith.constant 0 : index
    %get3A_2 = vector.load %arg2[%get3A, %get3A_0, %get3A_1] : memref<2x256x16xf32, #tpu.memory_space<vmem>>, vector<1x256x1xf32>
    %get3A_3 = vector.shape_cast %get3A_2 : vector<1x256x1xf32> to vector<256xf32>
    %get3A_4 = arith.constant 1 : index
    %get3A_5 = arith.constant 0 : index
    %get3A_6 = arith.constant 0 : index
    %get3A_7 = vector.load %arg2[%get3A_4, %get3A_5, %get3A_6] : memref<2x256x16xf32, #tpu.memory_space<vmem>>, vector<1x256x1xf32>
    %get3A_8 = vector.shape_cast %get3A_7 : vector<1x256x1xf32> to vector<256xf32>
    %add3A = arith.addf %get3A_3, %get3A_8 : vector<256xf32>
    %add3A_9 = arith.constant 1.000000e+00 : f32
    %add3A_10 = vector.broadcast %add3A_9 : f32 to vector<256xf32>
    %add3A_11 = arith.addf %add3A, %add3A_10 : vector<256xf32>
    %rsqrt3A = math.rsqrt %add3A_11 : vector<256xf32>
    %get3A_12 = arith.constant 0 : index
    %get3A_13 = arith.constant 0 : index
    %get3A_14 = vector.load %arg1[%get3A_12, %get3A_13] : memref<256x256xf32, #tpu.memory_space<vmem>>, vector<256x256xf32>
    %get3A_15 = arith.constant 0 : index
    %get3A_16 = arith.constant 0 : index
    %get3A_17 = vector.load %arg3[%get3A_15, %get3A_16] : memref<256x256xf32, #tpu.memory_space<vmem>>, vector<256x256xf32>
    %dot_general3A = arith.constant dense<0.000000e+00> : vector<256x256xf32>
    %dot_general3A_18 = tpu.matmul %get3A_14, %get3A_17, %dot_general3A {dimension_numbers = #tpu.dot_dimension_numbers<[1], [0], [0], [1], [0, 0, 1, 1], [], []>, transpose_lhs_hint = false} : vector<256x256xf32>, vector<256x256xf32>, vector<256x256xf32> -> vector<256x256xf32>
    %broadcast_in_dim3A = vector.shape_cast %rsqrt3A : vector<256xf32> to vector<256x1xf32>
    %mul3A = vector.broadcast %broadcast_in_dim3A : vector<256x1xf32> to vector<256x256xf32>
    %mul3A_19 = arith.mulf %dot_general3A_18, %mul3A : vector<256x256xf32>
    %slice3A = vector.extract_strided_slice %mul3A_19 {offsets = [0, 0], sizes = [256, 64], strides = [1, 1]} : vector<256x256xf32> to vector<256x64xf32>
    %swap3A = arith.constant 0 : index
    %swap3A_20 = arith.constant 0 : index
    %swap3A_21 = vector.load %arg4[%swap3A, %swap3A_20] : memref<256x64xf32, #tpu.memory_space<vmem>>, vector<256x64xf32>
    tpu.vector_store %arg4[%swap3A, %swap3A_20], %slice3A {strides = array<i32>} : memref<256x64xf32, #tpu.memory_space<vmem>>, vector<256x64xf32>,
    %slice3A_22 = vector.extract_strided_slice %mul3A_19 {offsets = [0, 64], sizes = [256, 64], strides = [1, 1]} : vector<256x256xf32> to vector<256x64xf32>
    %swap3A_23 = arith.constant 0 : index
    %swap3A_24 = arith.constant 0 : index
    %swap3A_25 = vector.load %arg5[%swap3A_23, %swap3A_24] : memref<256x64xf32, #tpu.memory_space<vmem>>, vector<256x64xf32>
    tpu.vector_store %arg5[%swap3A_23, %swap3A_24], %slice3A_22 {strides = array<i32>} : memref<256x64xf32, #tpu.memory_space<vmem>>, vector<256x64xf32>,
    %slice3A_26 = vector.extract_strided_slice %mul3A_19 {offsets = [0, 128], sizes = [256, 64], strides = [1, 1]} : vector<256x256xf32> to vector<256x64xf32>
    %swap3A_27 = arith.constant 0 : index
    %swap3A_28 = arith.constant 0 : index
    %swap3A_29 = vector.load %arg6[%swap3A_27, %swap3A_28] : memref<256x64xf32, #tpu.memory_space<vmem>>, vector<256x64xf32>
    tpu.vector_store %arg6[%swap3A_27, %swap3A_28], %slice3A_26 {strides = array<i32>} : memref<256x64xf32, #tpu.memory_space<vmem>>, vector<256x64xf32>,
    %slice3A_30 = vector.extract_strided_slice %mul3A_19 {offsets = [0, 192], sizes = [256, 64], strides = [1, 1]} : vector<256x256xf32> to vector<256x64xf32>
    %swap3A_31 = arith.constant 0 : index
    %swap3A_32 = arith.constant 0 : index
    %swap3A_33 = vector.load %arg7[%swap3A_31, %swap3A_32] : memref<256x64xf32, #tpu.memory_space<vmem>>, vector<256x64xf32>
    tpu.vector_store %arg7[%swap3A_31, %swap3A_32], %slice3A_30 {strides = array<i32>} : memref<256x64xf32, #tpu.memory_space<vmem>>, vector<256x64xf32>,
    return
  }
  func.func @transform_0(%arg0: i32) -> (i32, i32) {
    %c0_i32 = arith.constant 0 : i32
    %c0_i32_0 = arith.constant 0 : i32
    return %arg0, %c0_i32 : i32, i32
  }
  func.func @transform_1(%arg0: i32) -> (i32, i32, i32) {
    %c0_i32 = arith.constant 0 : i32
    %c0_i32_0 = arith.constant 0 : i32
    %c0_i32_1 = arith.constant 0 : i32
    return %c0_i32, %arg0, %c0_i32_0 : i32, i32, i32
  }
  func.func @transform_2(%arg0: i32) -> (i32, i32) {
    %c0_i32 = arith.constant 0 : i32
    %c0_i32_0 = arith.constant 0 : i32
    %c0_i32_1 = arith.constant 0 : i32
    return %c0_i32, %c0_i32_0 : i32, i32
  }
  func.func @transform_3(%arg0: i32) -> (i32, i32) {
    %c0_i32 = arith.constant 0 : i32
    %c0_i32_0 = arith.constant 0 : i32
    return %arg0, %c0_i32 : i32, i32
  }
  func.func @transform_4(%arg0: i32) -> (i32, i32) {
    %c0_i32 = arith.constant 0 : i32
    %c0_i32_0 = arith.constant 0 : i32
    return %arg0, %c0_i32 : i32, i32
  }
  func.func @transform_5(%arg0: i32) -> (i32, i32) {
    %c0_i32 = arith.constant 0 : i32
    %c0_i32_0 = arith.constant 0 : i32
    return %arg0, %c0_i32 : i32, i32
  }
  func.func @transform_6(%arg0: i32) -> (i32, i32) {
    %c0_i32 = arith.constant 0 : i32
    %c0_i32_0 = arith.constant 0 : i32
    return %arg0, %c0_i32 : i32, i32
  }
}

module attributes {stable_mosaic.version = 14 : i64} {
  func.func @_k4_body(%arg0: i32, %arg1: memref<2x256x64xf32, #tpu.memory_space<vmem>>, %arg2: memref<2x256x64xf32, #tpu.memory_space<vmem>>, %arg3: memref<256x64xf32, #tpu.memory_space<vmem>>, %arg4: memref<256x64xf32, #tpu.memory_space<vmem>>, %arg5: memref<256x64xf32, #tpu.memory_space<vmem>>, %arg6: memref<256x64xf32, #tpu.memory_space<vmem>>, %arg7: memref<2x256x16xf32, #tpu.memory_space<vmem>>, %arg8: memref<1x256xf32, #tpu.memory_space<vmem>>, %arg9: memref<256x64xf32, #tpu.memory_space<vmem>>, %arg10: memref<256x32xf32, #tpu.memory_space<vmem>>, %arg11: memref<256x32xf32, #tpu.memory_space<vmem>>) attributes {dimension_semantics = [#tpu.dimension_semantics<arbitrary>], iteration_bounds = array<i64: 40>, scalar_prefetch = 0 : i64, scratch_operands = 0 : i64, tpu.core_type = #tpu.core_type<tc>, window_params = [{transform_indices = @transform_0, window_bounds = array<i64: 2, 256, 64>}, {transform_indices = @transform_1, window_bounds = array<i64: 2, 256, 64>}, {transform_indices = @transform_2, window_bounds = array<i64: 256, 64>}, {transform_indices = @transform_3, window_bounds = array<i64: 256, 64>}, {transform_indices = @transform_4, window_bounds = array<i64: 256, 64>}, {transform_indices = @transform_5, window_bounds = array<i64: 256, 64>}, {transform_indices = @transform_6, window_bounds = array<i64: 2, 256, 16>}, {pipeline_mode = #tpu.pipeline_mode<synchronous>, transform_indices = @transform_7, window_bounds = array<i64: 1, 256>}, {pipeline_mode = #tpu.pipeline_mode<synchronous>, transform_indices = @transform_8, window_bounds = array<i64: 256, 64>}, {transform_indices = @transform_9, window_bounds = array<i64: 256, 32>}, {transform_indices = @transform_10, window_bounds = array<i64: 256, 32>}]} {
    %get3A = arith.constant 0 : index
    %get3A_0 = arith.constant 0 : index
    %get3A_1 = arith.constant 0 : index
    %get3A_2 = vector.load %arg7[%get3A, %get3A_0, %get3A_1] : memref<2x256x16xf32, #tpu.memory_space<vmem>>, vector<1x256x1xf32>
    %get3A_3 = vector.shape_cast %get3A_2 : vector<1x256x1xf32> to vector<256xf32>
    %get3A_4 = arith.constant 1 : index
    %get3A_5 = arith.constant 0 : index
    %get3A_6 = arith.constant 0 : index
    %get3A_7 = vector.load %arg7[%get3A_4, %get3A_5, %get3A_6] : memref<2x256x16xf32, #tpu.memory_space<vmem>>, vector<1x256x1xf32>
    %get3A_8 = vector.shape_cast %get3A_7 : vector<1x256x1xf32> to vector<256xf32>
    %add3A = arith.addf %get3A_3, %get3A_8 : vector<256xf32>
    %add3A_9 = arith.constant 1.000000e+00 : f32
    %add3A_10 = vector.broadcast %add3A_9 : f32 to vector<256xf32>
    %add3A_11 = arith.addf %add3A, %add3A_10 : vector<256xf32>
    %rsqrt3A = math.rsqrt %add3A_11 : vector<256xf32>
    %get3A_12 = arith.constant 0 : index
    %get3A_13 = arith.constant 0 : index
    %get3A_14 = arith.constant 0 : index
    %get3A_15 = vector.load %arg1[%get3A_12, %get3A_13, %get3A_14] : memref<2x256x64xf32, #tpu.memory_space<vmem>>, vector<1x256x64xf32>
    %get3A_16 = vector.shape_cast %get3A_15 : vector<1x256x64xf32> to vector<256x64xf32>
    %get3A_17 = arith.constant 0 : index
    %get3A_18 = arith.constant 0 : index
    %get3A_19 = vector.load %arg3[%get3A_17, %get3A_18] : memref<256x64xf32, #tpu.memory_space<vmem>>, vector<256x64xf32>
    %add3A_20 = arith.addf %get3A_16, %get3A_19 : vector<256x64xf32>
    %get3A_21 = arith.constant 0 : index
    %get3A_22 = arith.constant 0 : index
    %get3A_23 = arith.constant 0 : index
    %get3A_24 = vector.load %arg2[%get3A_21, %get3A_22, %get3A_23] : memref<2x256x64xf32, #tpu.memory_space<vmem>>, vector<1x256x64xf32>
    %get3A_25 = vector.shape_cast %get3A_24 : vector<1x256x64xf32> to vector<256x64xf32>
    %get3A_26 = arith.constant 0 : index
    %get3A_27 = arith.constant 0 : index
    %get3A_28 = vector.load %arg4[%get3A_26, %get3A_27] : memref<256x64xf32, #tpu.memory_space<vmem>>, vector<256x64xf32>
    %add3A_29 = arith.addf %get3A_25, %get3A_28 : vector<256x64xf32>
    %get3A_30 = arith.constant 1 : index
    %get3A_31 = arith.constant 0 : index
    %get3A_32 = arith.constant 0 : index
    %get3A_33 = vector.load %arg1[%get3A_30, %get3A_31, %get3A_32] : memref<2x256x64xf32, #tpu.memory_space<vmem>>, vector<1x256x64xf32>
    %get3A_34 = vector.shape_cast %get3A_33 : vector<1x256x64xf32> to vector<256x64xf32>
    %get3A_35 = arith.constant 0 : index
    %get3A_36 = arith.constant 0 : index
    %get3A_37 = vector.load %arg5[%get3A_35, %get3A_36] : memref<256x64xf32, #tpu.memory_space<vmem>>, vector<256x64xf32>
    %add3A_38 = arith.addf %get3A_34, %get3A_37 : vector<256x64xf32>
    %get3A_39 = arith.constant 1 : index
    %get3A_40 = arith.constant 0 : index
    %get3A_41 = arith.constant 0 : index
    %get3A_42 = vector.load %arg2[%get3A_39, %get3A_40, %get3A_41] : memref<2x256x64xf32, #tpu.memory_space<vmem>>, vector<1x256x64xf32>
    %get3A_43 = vector.shape_cast %get3A_42 : vector<1x256x64xf32> to vector<256x64xf32>
    %get3A_44 = arith.constant 0 : index
    %get3A_45 = arith.constant 0 : index
    %get3A_46 = vector.load %arg6[%get3A_44, %get3A_45] : memref<256x64xf32, #tpu.memory_space<vmem>>, vector<256x64xf32>
    %add3A_47 = arith.addf %get3A_43, %get3A_46 : vector<256x64xf32>
    %concatenate3A = tpu.concatenate %add3A_20, %add3A_29, %add3A_38, %add3A_47 in 1 : vector<256x64xf32>, vector<256x64xf32>, vector<256x64xf32>, vector<256x64xf32> -> vector<256x256xf32>
    %broadcast_in_dim3A = vector.shape_cast %rsqrt3A : vector<256xf32> to vector<256x1xf32>
    %mul3A = vector.broadcast %broadcast_in_dim3A : vector<256x1xf32> to vector<256x256xf32>
    %mul3A_48 = arith.mulf %concatenate3A, %mul3A : vector<256x256xf32>
    %get3A_49 = arith.constant 0 : index
    %get3A_50 = arith.constant 0 : index
    %get3A_51 = vector.load %arg8[%get3A_49, %get3A_50] : memref<1x256xf32, #tpu.memory_space<vmem>>, vector<1x256xf32>
    %add3A_52 = vector.broadcast %get3A_51 : vector<1x256xf32> to vector<256x256xf32>
    %add3A_53 = arith.addf %mul3A_48, %add3A_52 : vector<256x256xf32>
    %max3A = arith.constant 0.000000e+00 : f32
    %max3A_54 = vector.broadcast %max3A : f32 to vector<256x256xf32>
    %max3A_55 = arith.maximumf %add3A_53, %max3A_54 : vector<256x256xf32>
    %get3A_56 = arith.constant 0 : index
    %get3A_57 = arith.constant 0 : index
    %get3A_58 = vector.load %arg9[%get3A_56, %get3A_57] : memref<256x64xf32, #tpu.memory_space<vmem>>, vector<256x64xf32>
    %dot_general3A = arith.constant dense<0.000000e+00> : vector<256x64xf32>
    %dot_general3A_59 = tpu.matmul %max3A_55, %get3A_58, %dot_general3A {dimension_numbers = #tpu.dot_dimension_numbers<[1], [0], [0], [1], [0, 0, 1, 1], [], []>, transpose_lhs_hint = false} : vector<256x256xf32>, vector<256x64xf32>, vector<256x64xf32> -> vector<256x64xf32>
    %broadcast_in_dim3A_60 = vector.shape_cast %rsqrt3A : vector<256xf32> to vector<256x1xf32>
    %mul3A_61 = vector.broadcast %broadcast_in_dim3A_60 : vector<256x1xf32> to vector<256x64xf32>
    %mul3A_62 = arith.mulf %dot_general3A_59, %mul3A_61 : vector<256x64xf32>
    %slice3A = vector.extract_strided_slice %mul3A_62 {offsets = [0, 0], sizes = [256, 32], strides = [1, 1]} : vector<256x64xf32> to vector<256x32xf32>
    %swap3A = arith.constant 0 : index
    %swap3A_63 = arith.constant 0 : index
    %swap3A_64 = vector.load %arg10[%swap3A, %swap3A_63] : memref<256x32xf32, #tpu.memory_space<vmem>>, vector<256x32xf32>
    tpu.vector_store %arg10[%swap3A, %swap3A_63], %slice3A {strides = array<i32>} : memref<256x32xf32, #tpu.memory_space<vmem>>, vector<256x32xf32>,
    %slice3A_65 = vector.extract_strided_slice %mul3A_62 {offsets = [0, 32], sizes = [256, 32], strides = [1, 1]} : vector<256x64xf32> to vector<256x32xf32>
    %swap3A_66 = arith.constant 0 : index
    %swap3A_67 = arith.constant 0 : index
    %swap3A_68 = vector.load %arg11[%swap3A_66, %swap3A_67] : memref<256x32xf32, #tpu.memory_space<vmem>>, vector<256x32xf32>
    tpu.vector_store %arg11[%swap3A_66, %swap3A_67], %slice3A_65 {strides = array<i32>} : memref<256x32xf32, #tpu.memory_space<vmem>>, vector<256x32xf32>,
    return
  }
  func.func @transform_0(%arg0: i32) -> (i32, i32, i32) {
    %c0_i32 = arith.constant 0 : i32
    %c0_i32_0 = arith.constant 0 : i32
    %c0_i32_1 = arith.constant 0 : i32
    return %c0_i32, %arg0, %c0_i32_0 : i32, i32, i32
  }
  func.func @transform_1(%arg0: i32) -> (i32, i32, i32) {
    %c0_i32 = arith.constant 0 : i32
    %c0_i32_0 = arith.constant 0 : i32
    %c0_i32_1 = arith.constant 0 : i32
    return %c0_i32, %arg0, %c0_i32_0 : i32, i32, i32
  }
  func.func @transform_2(%arg0: i32) -> (i32, i32) {
    %c0_i32 = arith.constant 0 : i32
    %c0_i32_0 = arith.constant 0 : i32
    return %arg0, %c0_i32 : i32, i32
  }
  func.func @transform_3(%arg0: i32) -> (i32, i32) {
    %c0_i32 = arith.constant 0 : i32
    %c0_i32_0 = arith.constant 0 : i32
    return %arg0, %c0_i32 : i32, i32
  }
  func.func @transform_4(%arg0: i32) -> (i32, i32) {
    %c0_i32 = arith.constant 0 : i32
    %c0_i32_0 = arith.constant 0 : i32
    return %arg0, %c0_i32 : i32, i32
  }
  func.func @transform_5(%arg0: i32) -> (i32, i32) {
    %c0_i32 = arith.constant 0 : i32
    %c0_i32_0 = arith.constant 0 : i32
    return %arg0, %c0_i32 : i32, i32
  }
  func.func @transform_6(%arg0: i32) -> (i32, i32, i32) {
    %c0_i32 = arith.constant 0 : i32
    %c0_i32_0 = arith.constant 0 : i32
    %c0_i32_1 = arith.constant 0 : i32
    return %c0_i32, %arg0, %c0_i32_0 : i32, i32, i32
  }
  func.func @transform_7(%arg0: i32) -> (i32, i32) {
    %c0_i32 = arith.constant 0 : i32
    %c0_i32_0 = arith.constant 0 : i32
    %c0_i32_1 = arith.constant 0 : i32
    return %c0_i32, %c0_i32_0 : i32, i32
  }
  func.func @transform_8(%arg0: i32) -> (i32, i32) {
    %c0_i32 = arith.constant 0 : i32
    %c0_i32_0 = arith.constant 0 : i32
    %c0_i32_1 = arith.constant 0 : i32
    return %c0_i32, %c0_i32_0 : i32, i32
  }
  func.func @transform_9(%arg0: i32) -> (i32, i32) {
    %c0_i32 = arith.constant 0 : i32
    %c0_i32_0 = arith.constant 0 : i32
    return %arg0, %c0_i32 : i32, i32
  }
  func.func @transform_10(%arg0: i32) -> (i32, i32) {
    %c0_i32 = arith.constant 0 : i32
    %c0_i32_0 = arith.constant 0 : i32
    return %arg0, %c0_i32 : i32, i32
  }
}

module attributes {stable_mosaic.version = 14 : i64} {
  func.func @_k6_body(%arg0: i32, %arg1: memref<2x256x32xf32, #tpu.memory_space<vmem>>, %arg2: memref<256x32xf32, #tpu.memory_space<vmem>>, %arg3: memref<256x32xf32, #tpu.memory_space<vmem>>, %arg4: memref<2x256x16xf32, #tpu.memory_space<vmem>>, %arg5: memref<1x64xf32, #tpu.memory_space<vmem>>, %arg6: memref<256x64xf32, #tpu.memory_space<vmem>>) attributes {dimension_semantics = [#tpu.dimension_semantics<arbitrary>], iteration_bounds = array<i64: 40>, scalar_prefetch = 0 : i64, scratch_operands = 0 : i64, tpu.core_type = #tpu.core_type<tc>, window_params = [{transform_indices = @transform_0, window_bounds = array<i64: 2, 256, 32>}, {transform_indices = @transform_1, window_bounds = array<i64: 256, 32>}, {transform_indices = @transform_2, window_bounds = array<i64: 256, 32>}, {transform_indices = @transform_3, window_bounds = array<i64: 2, 256, 16>}, {pipeline_mode = #tpu.pipeline_mode<synchronous>, transform_indices = @transform_4, window_bounds = array<i64: 1, 64>}, {transform_indices = @transform_5, window_bounds = array<i64: 256, 64>}]} {
    %get3A = arith.constant 0 : index
    %get3A_0 = arith.constant 0 : index
    %get3A_1 = arith.constant 0 : index
    %get3A_2 = vector.load %arg4[%get3A, %get3A_0, %get3A_1] : memref<2x256x16xf32, #tpu.memory_space<vmem>>, vector<1x256x1xf32>
    %get3A_3 = vector.shape_cast %get3A_2 : vector<1x256x1xf32> to vector<256xf32>
    %get3A_4 = arith.constant 1 : index
    %get3A_5 = arith.constant 0 : index
    %get3A_6 = arith.constant 0 : index
    %get3A_7 = vector.load %arg4[%get3A_4, %get3A_5, %get3A_6] : memref<2x256x16xf32, #tpu.memory_space<vmem>>, vector<1x256x1xf32>
    %get3A_8 = vector.shape_cast %get3A_7 : vector<1x256x1xf32> to vector<256xf32>
    %add3A = arith.addf %get3A_3, %get3A_8 : vector<256xf32>
    %add3A_9 = arith.constant 1.000000e+00 : f32
    %add3A_10 = vector.broadcast %add3A_9 : f32 to vector<256xf32>
    %add3A_11 = arith.addf %add3A, %add3A_10 : vector<256xf32>
    %rsqrt3A = math.rsqrt %add3A_11 : vector<256xf32>
    %get3A_12 = arith.constant 0 : index
    %get3A_13 = arith.constant 0 : index
    %get3A_14 = arith.constant 0 : index
    %get3A_15 = vector.load %arg1[%get3A_12, %get3A_13, %get3A_14] : memref<2x256x32xf32, #tpu.memory_space<vmem>>, vector<1x256x32xf32>
    %get3A_16 = vector.shape_cast %get3A_15 : vector<1x256x32xf32> to vector<256x32xf32>
    %get3A_17 = arith.constant 0 : index
    %get3A_18 = arith.constant 0 : index
    %get3A_19 = vector.load %arg2[%get3A_17, %get3A_18] : memref<256x32xf32, #tpu.memory_space<vmem>>, vector<256x32xf32>
    %add3A_20 = arith.addf %get3A_16, %get3A_19 : vector<256x32xf32>
    %get3A_21 = arith.constant 1 : index
    %get3A_22 = arith.constant 0 : index
    %get3A_23 = arith.constant 0 : index
    %get3A_24 = vector.load %arg1[%get3A_21, %get3A_22, %get3A_23] : memref<2x256x32xf32, #tpu.memory_space<vmem>>, vector<1x256x32xf32>
    %get3A_25 = vector.shape_cast %get3A_24 : vector<1x256x32xf32> to vector<256x32xf32>
    %get3A_26 = arith.constant 0 : index
    %get3A_27 = arith.constant 0 : index
    %get3A_28 = vector.load %arg3[%get3A_26, %get3A_27] : memref<256x32xf32, #tpu.memory_space<vmem>>, vector<256x32xf32>
    %add3A_29 = arith.addf %get3A_25, %get3A_28 : vector<256x32xf32>
    %concatenate3A = tpu.concatenate %add3A_20, %add3A_29 in 1 : vector<256x32xf32>, vector<256x32xf32> -> vector<256x64xf32>
    %broadcast_in_dim3A = vector.shape_cast %rsqrt3A : vector<256xf32> to vector<256x1xf32>
    %mul3A = vector.broadcast %broadcast_in_dim3A : vector<256x1xf32> to vector<256x64xf32>
    %mul3A_30 = arith.mulf %concatenate3A, %mul3A : vector<256x64xf32>
    %get3A_31 = arith.constant 0 : index
    %get3A_32 = arith.constant 0 : index
    %get3A_33 = vector.load %arg5[%get3A_31, %get3A_32] : memref<1x64xf32, #tpu.memory_space<vmem>>, vector<1x64xf32>
    %add3A_34 = vector.broadcast %get3A_33 : vector<1x64xf32> to vector<256x64xf32>
    %add3A_35 = arith.addf %mul3A_30, %add3A_34 : vector<256x64xf32>
    %reduce_max3A = arith.constant dense<0xFF800000> : vector<256xf32>
    %reduce_max3A_36 = vector.multi_reduction <maximumf>, %add3A_35, %reduce_max3A [1] : vector<256x64xf32> to vector<256xf32>
    %broadcast_in_dim3A_37 = vector.shape_cast %reduce_max3A_36 : vector<256xf32> to vector<256x1xf32>
    %sub3A = vector.broadcast %broadcast_in_dim3A_37 : vector<256x1xf32> to vector<256x64xf32>
    %sub3A_38 = arith.subf %add3A_35, %sub3A : vector<256x64xf32>
    %exp3A = math.exp %sub3A_38 : vector<256x64xf32>
    %reduce_sum3A = arith.constant dense<0.000000e+00> : vector<256xf32>
    %reduce_sum3A_39 = vector.multi_reduction <add>, %exp3A, %reduce_sum3A [1] : vector<256x64xf32> to vector<256xf32>
    %broadcast_in_dim3A_40 = vector.shape_cast %reduce_sum3A_39 : vector<256xf32> to vector<256x1xf32>
    %log3A = math.log %broadcast_in_dim3A_40 : vector<256x1xf32>
    %add3A_41 = arith.addf %log3A, %broadcast_in_dim3A_37 : vector<256x1xf32>
    %sub3A_42 = vector.broadcast %add3A_41 : vector<256x1xf32> to vector<256x64xf32>
    %sub3A_43 = arith.subf %add3A_35, %sub3A_42 : vector<256x64xf32>
    %swap3A = arith.constant 0 : index
    %swap3A_44 = arith.constant 0 : index
    %swap3A_45 = vector.load %arg6[%swap3A, %swap3A_44] : memref<256x64xf32, #tpu.memory_space<vmem>>, vector<256x64xf32>
    tpu.vector_store %arg6[%swap3A, %swap3A_44], %sub3A_43 {strides = array<i32>} : memref<256x64xf32, #tpu.memory_space<vmem>>, vector<256x64xf32>,
    return
  }
  func.func @transform_0(%arg0: i32) -> (i32, i32, i32) {
    %c0_i32 = arith.constant 0 : i32
    %c0_i32_0 = arith.constant 0 : i32
    %c0_i32_1 = arith.constant 0 : i32
    return %c0_i32, %arg0, %c0_i32_0 : i32, i32, i32
  }
  func.func @transform_1(%arg0: i32) -> (i32, i32) {
    %c0_i32 = arith.constant 0 : i32
    %c0_i32_0 = arith.constant 0 : i32
    return %arg0, %c0_i32 : i32, i32
  }
  func.func @transform_2(%arg0: i32) -> (i32, i32) {
    %c0_i32 = arith.constant 0 : i32
    %c0_i32_0 = arith.constant 0 : i32
    return %arg0, %c0_i32 : i32, i32
  }
  func.func @transform_3(%arg0: i32) -> (i32, i32, i32) {
    %c0_i32 = arith.constant 0 : i32
    %c0_i32_0 = arith.constant 0 : i32
    %c0_i32_1 = arith.constant 0 : i32
    return %c0_i32, %arg0, %c0_i32_0 : i32, i32, i32
  }
  func.func @transform_4(%arg0: i32) -> (i32, i32) {
    %c0_i32 = arith.constant 0 : i32
    %c0_i32_0 = arith.constant 0 : i32
    %c0_i32_1 = arith.constant 0 : i32
    return %c0_i32, %c0_i32_0 : i32, i32
  }
  func.func @transform_5(%arg0: i32) -> (i32, i32) {
    %c0_i32 = arith.constant 0 : i32
    %c0_i32_0 = arith.constant 0 : i32
    return %arg0, %c0_i32 : i32, i32
  }
}

</mosaic_0001>

<sc_bundles>
// kernel: kernel.12.cloned.1.call-start
scs
__scs_entry_jumppad:
0x0: {  	(pc) =	sbr.rel $0x88, $3  }
0x1: {  	(tag) =	ssettag $0x0;
	lr =	simm.s32 $0x1  }
0x2: {  	[smem:$0x3F9B] =	sst lr;
	_ =	strace $0xD0000000  }
0x3: {  	_ = 	snop  }
0x4: {  	_ = 	snop  }
0x5: {  	_ = 	snop  }
0x6: {  	_ = 	snop  }
0x7: {  	_ = 	snop  }
__scs_overlays_trampoline_lowered:
0x8: {  	[smem:$0x3FAA] =	sst s0  }
0x9: {  	[smem:$0x3FAB] =	sst s1  }
0xa: {  	[smem:$0x3FAC] =	sst s2  }
0xb: {  	[smem:$0x3FAD] =	sst s3  }
0xc: {  	[smem:$0x3FAE] =	sst s4  }
0xd: {  	[smem:$0x3FAF] =	sst s5  }
0xe: {  	[smem:$0x3FB0] =	sst s6  }
0xf: {  	[smem:$0x3FB1] =	sst s7  }
0x10: {  	[smem:$0x3FB2] =	sst s8  }
0x11: {  	[smem:$0x3FB3] =	sst s9;
	s0 =	simm.s32 @!p0 $0x0  }
0x12: {  	s1 =	sld [smem:$0x3F99];
	s0 =	simm.s32 @p0 $0x1  }
0x13: {  	[smem:$0x3FB4] =	sst s0;
	s0 =	simm.s32 @!p1 $0x0  }
0x14: {  	s2 =	sld [smem:$0x3F98];
	s0 =	simm.s32 @p1 $0x1  }
0x15: {  	[smem:$0x3FB5] =	sst s0;
	s0 =	simm.s32 @!p2 $0x0  }
0x16: {  	s3 =	sld [smem:$0x3FDB];
	s0 =	simm.s32 @p2 $0x1  }
0x17: {  	s4 =	simm.s32 $0x1BF5;
	[smem:$0x3FB7] =	sst s0  }
0x18: {  	s0 =	sld [smem:$0x3F9A];
	_ =	swait.ge [sflag:s4], $0x0  }
0x19: {  	s7 =	sld [smem:$0x3F9B]  }
0x1a: {  	s8 =	sadd.s32 $0xFFFFE003, lr  }
0x1b: {  	s9 =	sadd.s32 $0xFFFFFEF7, lr;
	s5 =	simm.s32 $0xFFFFFFFF;
	p2 =	slt.u32 s8, $0xFFFFF086  }
0x1c: {  	p1 =	slt.u32 s9, $0xF7A;
	s5 =	simm.s32 @!p2 $0x0  }
0x1d: {  	s5 =	simm.s32 @p1 $0x1;
	p0 =	seq.s32 s7, s2  }
0x1e: {  	s7 =	smul.u32 @!p0 $0xF7A, s2;
	p2 =	seq.s32 @!p0 s5, $0x0  }
0x1f: {  	s9 =	smul.u32 $0xF7A, s1;
	s8 =	simm.s32 @!p0 $0x1BF5;
	p2 =	por !p2, p0  }
0x20: {  	[sflag:s8] =	ssyncset.s32 @!p0 $0xFFFFF086;
	s6 =	sadd.s32 @!p0 s3, s7;
	s7 =	simm.s32 @!p0 $0x108  }
0x21: {  	s3 =	sadd.s32 s3, s9;
	s6 =	sadd.s32 @!p0 $0x88, s6;
	s7 =	simm.s32 @p2 $0x1082  }
0x22: {  	[simem:s7], [sflag:s8] =	dma.local @!p0 [hbm:s6], $0xF7A  }
0x23: {  	s9 =	sor.u32 $0xD0000000, s2;
	s6 =	simm.s32 $0x108;
	_ =	swait.ge @!p0 [sflag:s8], $0x0  }
0x24: {  	s3 =	sadd.s32 $0x88, s3;
	s6 =	simm.s32 @!p1 $0x1082;
	[sflag:s4] =	ssyncset.s32 $0xFFFFF086  }
0x25: {  	[simem:s6], [sflag:s4] =	dma.local [hbm:s3], $0xF7A  }
0x26: {  	[smem:$0x3F9B] =	sst s1;
	(tag) =	ssettag s2;
	_ =	strace s9  }
0x27: {  	s1 =	sld [smem:$0x3FAB]  }
0x28: {  	s2 =	sld [smem:$0x3FAC]  }
0x29: {  	s4 =	sld [smem:$0x3FAE]  }
0x2a: {  	p0 =	seq.s32 s5, $0x0;
	s5 =	sld [smem:$0x3FAF]  }
0x2b: {  	s6 =	sld [smem:$0x3FB0]  }
0x2c: {  	s7 =	sld [smem:$0x3FB1]  }
0x2d: {  	s3 =	simm.s32 $0x108;
	s8 =	sld [smem:$0x3FB2]  }
0x2e: {  	s3 =	simm.s32 @!p0 $0x1082;
	s9 =	sld [smem:$0x3FB3]  }
0x2f: {  	lr =	sadd.s32 s0, s3;
	s0 =	sld [smem:$0x3FAA]  }
0x30: {  	s3 =	sld [smem:$0x3FAD]  }
0x31: {  	[smem:$0x3FB6] =	sst s10  }
0x32: {  	s10 =	sld [smem:$0x3FB4];
	_ =	sdelay $0x3  }
0x33: {  	p0 =	seq.s32 s10, $0x1;
	s10 =	sld [smem:$0x3FB6];
	_ =	sdelay $0x3  }
0x34: {  	[smem:$0x3FB6] =	sst s10  }
0x35: {  	s10 =	sld [smem:$0x3FB5];
	_ =	sdelay $0x3  }
0x36: {  	p1 =	seq.s32 s10, $0x1;
	s10 =	sld [smem:$0x3FB6];
	_ =	sdelay $0x3  }
0x37: {  	[smem:$0x3FB6] =	sst s10  }
0x38: {  	s10 =	sld [smem:$0x3FB7]  }
0x39: {  	_ = 	snop;
	(pc) =	sbr.ind lr, $3  }
0x3a: {  	_ = 	snop  }
0x3b: {  	_ = 	snop  }
0x3c: {  	p2 =	seq.s32 s10, $0x1;
	s10 =	sld [smem:$0x3FB6]  }
0x3d: {  	_ =	shalt  }
0x3e: {  	_ =	shalt  }
0x3f: {  	_ =	shalt  }
0x40: {  	_ =	shalt  }
0x41: {  	_ =	shalt  }
0x42: {  	_ =	shalt  }
0x43: {  	_ =	shalt  }
0x44: {  	_ =	shalt  }
0x45: {  	_ =	shalt  }
0x46: {  	_ =	shalt  }
0x47: {  	_ =	shalt  }
0x48: {  	_ =	shalt  }
0x49: {  	_ =	shalt  }
0x4a: {  	_ =	shalt  }
0x4b: {  	_ =	shalt  }
0x4c: {  	_ =	shalt  }
0x4d: {  	_ =	shalt  }
0x4e: {  	_ =	shalt  }
0x4f: {  	_ =	shalt  }
0x50: {  	_ =	shalt  }
0x51: {  	_ =	shalt  }
0x52: {  	_ =	shalt  }
0x53: {  	_ =	shalt  }
0x54: {  	_ =	shalt  }
0x55: {  	_ =	shalt  }
0x56: {  	_ =	shalt  }
0x57: {  	_ =	shalt  }
0x58: {  	_ =	shalt  }
0x59: {  	_ =	shalt  }
0x5a: {  	_ =	shalt  }
0x5b: {  	_ =	shalt  }
0x5c: {  	_ =	shalt  }
0x5d: {  	_ =	shalt  }
0x5e: {  	_ =	shalt  }
0x5f: {  	_ =	shalt  }
0x60: {  	_ =	shalt  }
0x61: {  	_ =	shalt  }
0x62: {  	_ =	shalt  }
0x63: {  	_ =	shalt  }
0x64: {  	_ =	shalt  }
0x65: {  	_ =	shalt  }
0x66: {  	_ =	shalt  }
0x67: {  	_ =	shalt  }
0x68: {  	_ =	shalt  }
0x69: {  	_ =	shalt  }
0x6a: {  	_ =	shalt  }
0x6b: {  	_ =	shalt  }
0x6c: {  	_ =	shalt  }
0x6d: {  	_ =	shalt  }
0x6e: {  	_ =	shalt  }
0x6f: {  	_ =	shalt  }
0x70: {  	_ =	shalt  }
0x71: {  	_ =	shalt  }
0x72: {  	_ =	shalt  }
0x73: {  	_ =	shalt  }
0x74: {  	_ =	shalt  }
0x75: {  	_ =	shalt  }
0x76: {  	_ =	shalt  }
0x77: {  	_ =	shalt  }
0x78: {  	_ =	shalt  }
0x79: {  	_ =	shalt  }
0x7a: {  	_ =	shalt  }
0x7b: {  	_ =	shalt  }
0x7c: {  	_ =	shalt  }
0x7d: {  	_ =	shalt  }
0x7e: {  	_ =	shalt  }
0x7f: {  	_ =	shalt  }
0x80: {  	_ =	shalt  }
0x81: {  	_ =	shalt  }
0x82: {  	_ =	shalt  }
0x83: {  	_ =	shalt  }
0x84: {  	_ =	shalt  }
0x85: {  	_ =	shalt  }
0x86: {  	_ =	shalt  }
0x87: {  	_ =	shalt  }
.Lfunc_end0:
.L_simem_size_0:
called_computation.1_lowered:
.L_overlay_start_0:
0x88: {  	s2 =	sld [smem:$0x3FD9]  }
0x89: {  	s3 =	sld [smem:$0x3FFE];
	_ =	sdelay $0x1  }
0x8a: {  	s1 =	srdreg.scid  }
0x8b: {  	s0 =	sand.u32 $0x1, s1  }
0x8c: {  	s17 =	sshll.u32 s0, $0xA;
	s2 =	sadd.s32 s3, s2  }
0x8d: {  	s2 =	sadd.s32 s2, s17  }
0x8e: {  	[smem:$0x3FC2] =	sst s2  }
0x8f: {  	_ = 	snop  }
0x90: {  	(tm) =	ssettm $0x1  }
0x91: {  	s18 =	sld [smem:$0x3FFB];
	_ =	sdelay $0x3  }
0x92: {  	_ =	strace s18  }
0x93: {  	s2 =	sld [smem:$0x3FFC];
	_ =	sdelay $0x3  }
0x94: {  	_ =	strace s2  }
0x95: {  	s2 =	sld [smem:$0x3FFD];
	_ =	sdelay $0x3  }
0x96: {  	_ =	strace s2  }
0x97: {  	_ =	strace $0x8FFFFFFF  }
0x98: {  	s19 =	sld [smem:$0x3FDB];
	_ =	sdelay $0x1  }
0x99: {  	s20 =	simm.s32 $_scs_section_size  }
0x9a: {  	s4 =	simm.s32 $_size__tile_overlayer_lowered;
	s5 =	simm.s32 $_tile_overlayer_lowered  }
0x9b: {  	s6 =	simm.s32 $0x1BFF;
	s21 =	sshll.u32 s5, $0x1;
	s3 =	sadd.s32 s20, s19  }
0x9c: {  	s22 =	simm.s32 $0x0;
	s4 =	sshll.u32 s4, $0x1;
	s5 =	sadd.s32 s21, s3  }
0x9d: {  	[timem:s22], [sflag:s6] =	dma.local [hbm:s5], s4  }
0x9e: {  	_ =	swait.ge [sflag:s6], s4  }
0x9f: {  	s4 =	ssub.s32 $0x0, s4;
	[sflag:s6] =	ssyncset.done $0x0  }
0xa0: {  	[sflag:s6] =	ssyncadd.s32 s4;
	_ =	sdelay $0x1  }
0xa1: {  	s23 =	simm.s32 $0x1B8B  }
0xa2: {  	_ =	swait.ge [sflag:s23], $0x1  }
0xa3: {  	[sflag:s23] =	ssyncset.done $0x0  }
0xa4: {  	[sflag:s23] =	ssyncadd.s32 $0xFFFFFFFF  }
0xa5: {  	s4 =	sld [smem:$0x0]  }
0xa6: {  	s5 =	sand.u32 $0xFFFFFFFE, s1  }
0xa7: {  	p0 =	sne.s32 s1, s5  }
0xa8: {  	s5 =	sshll.u32 @p0 s5, $0xE  }
0xa9: {  	s5 =	sadd.s32 @p0 $0x11B8D, s5;
	s6 =	sshll.u32 @p0 s4, $0x11  }
0xaa: {  	s5 =	sor.u32 @p0 s6, s5  }
0xab: {  	[sflag:s5] =	ssyncadd.remote.s32 @p0 $0x1;
	_ =	sdelay $0x1  }
0xac: {  	s5 =	simm.s32 @p0 $0x1B8D  }
0xad: {  	_ =	swait.eq @p0 [sflag:s5], $0x1  }
0xae: {  	[sflag:s5] =	ssyncadd.s32 @p0 $0xFFFFFFFF  }
0xaf: {  	s6 =	sshll.u32 @!p0 s1, $0xE  }
0xb0: {  	s6 =	sor.u32 @!p0 $0x4000, s6;
	s5 =	simm.s32 @!p0 $0x1B8D  }
0xb1: {  	s4 =	sshll.u32 @!p0 s4, $0x11;
	s6 =	sadd.s32 @!p0 $0x11B8D, s6;
	_ =	swait.eq @!p0 [sflag:s5], $0x1  }
0xb2: {  	s4 =	sor.u32 @!p0 s4, s6;
	[sflag:s5] =	ssyncadd.s32 @!p0 $0xFFFFFFFF  }
0xb3: {  	s25 =	simm.s32 $0x1B8E;
	s24 =	sld [smem:$0x3FFE];
	[sflag:s4] =	ssyncadd.remote.s32 @!p0 $0x1  }
0xb4: {  	s26 =	simm.s32 $execute0_lowered;
	[smem:$0x3FD2] =	sst s25  }
0xb5: {  	s5 =	sshll.u32 s26, $0x1;
	_ =	strace $0x8000004C;
	[dreg:$0x1] =	wrdreg $0xFFFFFFFF  }
0xb6: {  	s28 =	simm.s32 $_size_execute0_lowered;
	s3 =	sadd.s32 s3, s5;
	[dreg:$0x0] =	wrdreg $0x0  }
0xb7: {  	s5 =	sshll.u32 s28, $0x1;
	[dreg:$0x2] =	wrdreg s3  }
0xb8: {  	[dreg:$0x3] =	wrdreg s5  }
0xb9: {  	[dreg:$0x4] =	wrdreg $0xC0  }
0xba: {  	_ =	task [dreg:s22], $0x5FFFF  }
0xbb: {  	[dreg:$0x1] =	wrdreg $0xFFFFFFFF  }
0xbc: {  	[dreg:$0x0] =	wrdreg $0x60  }
0xbd: {  	[dreg:$0x2] =	wrdreg s24  }
0xbe: {  	[dreg:$0x3] =	wrdreg $0x154000  }
0xbf: {  	[dreg:$0x4] =	wrdreg $0x9  }
0xc0: {  	_ =	task.clear_ibuf [dreg:s22], $0x5FFFF;
	_ =	strace $0x9000004C  }
0xc1: {  	s29 =	simm.s32 $0x9;
	_ =	strace $0x8000004E  }
0xc2: {  	_ =	swait.ge [sflag:s29], $0x1  }
0xc3: {  	[sflag:s29] =	ssyncadd.s32 $0xFFFFFFFF  }
0xc4: {  	_ =	strace $0x9000004E  }
0xc5: {  	_ =	sfence  }
0xc6: {  	s30 =	sld [smem:$0x0];
	_ =	sdelay $0x2  }
0xc7: {  	s31 =	sshll.u32 s1, $0xD;
	s1 =	sshrl.u32 s1, $0x2  }
0xc8: {  	s4 =	sand.u32 $0x4000, s31;
	s1 =	sadd.s32 s1, s30  }
0xc9: {  	s0 =	sor.u32 s4, s0;
	s1 =	sshll.u32 s1, $0x11  }
0xca: {  	s0 =	sor.u32 s1, s0  }
0xcb: {  	s0 =	sadd.s32 $0x8F2B, s0  }
0xcc: {  	[sflag:s0] =	ssyncadd.remote.s32 $0x1  }
0xcd: {  	_ =	sfence.sel $0xFFFF  }
0xce: {  	[dreg:$0x0] =	wrdreg $0xFFFFFFFF;
	(pc) =	sbr.abs _section_cstart, $3  }
0xcf: {  	[dreg:$0x1] =	wrdreg $0xFFFFFFFF  }
0xd0: {  	_ =	task.clear_ibuf [dreg:s22], $0x2FFFF;
	_ =	strace $0x9FFFFFFF  }
0xd1: {  	(tm) =	ssettm $0x7FFFFFFF  }
tec
execute0_lowered:
.L_overlay_start_1:
0x0: {  	(tag) =	ssettag $0x1  }
0x1: {  	s0 =	rddreg [dreg:$0x0]  }
0x2: {  	s2 =	rddreg [dreg:$0x1]  }
0x3: {  	s10 =	stileid.u32;
	s1 =	srdreg.scid;
	s3 =	simm.s32 $0x0  }
0x4: {  	s12 =	simm.s32 $0x5000;
	s13 =	simm.s32 $0x9;
	s15 =	simm.s32 $0x80  }
0x5: {  	s16 =	simm.s32 $0x5400;
	s17 =	simm.s32 $0x7400;
	s19 =	simm.s32 $0x9400  }
0x6: {  	s28 =	simm.s32 $0xF400;
	s29 =	simm.s32 $0x3;
	s30 =	simm.s32 $0x11400  }
0x7: {  	s31 =	simm.s32 $0x4;
	s14 =	simm.s32 $0x5;
	s7 =	smul.u32 $0x500, s10  }
0x8: {  	s18 =	simm.s32 $0x8;
	s4 =	sand.u32 $0x1, s1;
	s8 =	smul.u32 $0x28000, s10  }
0x9: {  	[smem:$0x7FF] =	sst s3;
	s6 =	sadd.s32 $0x10FA00, s0;
	s23 =	smul.u32 $0xA000, s10  }
0xa: {  	s5 =	sadd.s32 $0xFBA00, s0;
	s1 =	smul.u32 $0x14000, s4;
	_ =	strace $0x8000004D  }
0xb: {  	s21 =	ssub.s32 $0x2, s4;
	p0 =	seq.s32 s4, $0x0;
	s10 =	smov.u32 s6  }
0xc: {  	s9 =	sadd.s32 s7, s0;
	s22 =	sshrl.u32 s21, $0x1;
	s8 =	sshrl.u32 s8, $0x2  }
0xd: {  	s25 =	sshrl.u32 s23, $0x3;
	s10 =	smov.u32 @p0 s5;
	s0 =	sadd.s32 s1, s0  }
0xe: {  	s1 =	ssub.s32 s21, s22;
	s7 =	sadd.s32 s8, s2;
	s24 =	sadd.s32 $0x6A00, s9  }
0xf: {  	s9 =	sadd.s32 $0x1A00, s9;
	s8 =	sadd.s32 s23, s2;
	s21 =	simm.s32 $0xB400  }
.Ltmp0:
0x10: {  	s22 =	simm.s32 $0x1;
	[dreg:$0x3] =	wrdreg s24;
	(pc) =	sbr.rel .LBB2_1-.Ltmp0, $4  }
0x11: {  	[dreg:$0x4] =	wrdreg s9;
	s0 =	sadd.s32 $0x123A00, s0;
	s1 =	smax.u32 s1, $0x1  }
0x12: {  	s24 =	simm.s32 $0xD400;
	s26 =	sshrl.u32 s8, $0x3;
	[dreg:$0x5] =	wrdreg s1  }
0x13: {  	s0 =	sadd.s32 s25, s0;
	[dreg:$0x7] =	wrdreg s26;
	s26 =	simm.s32 $0x2  }
0x14: {  	v0 =	vimm.f32 $0.0e+00;
	s1 =	simm.s32 $0x7;
	[dreg:$0x6] =	wrdreg s0;
	s0 =	simm.s32 $0x13400  }
.LBB2_6:
0x15: {  	_ =	swait.ge [sflag:s18], $0x2000  }
0x16: {  	[sflag:s18] =	ssyncset.done $0x0  }
0x17: {  	s8 =	simm.s32 $0x4F80;
	[sflag:s18] =	ssyncadd.s32 $0xFFFFE000  }
0x18: {  	[spmem:s2] =	stream.indirect.scatter.add.f32 [tilespmem:s0], [sflag:$0x8], $0x40, s8, s15, $0xb8;
	[tilespmem:$0x1F400] =	vst v63  }
0x19: {  	_ =	swait.ge [sflag:s31], $0x2000  }
0x1a: {  	[sflag:s31] =	ssyncset.done $0x0  }
0x1b: {  	[sflag:s31] =	ssyncadd.s32 $0xFFFFE000  }
0x1c: {  	_ =	swait.ge [sflag:s14], $0x2000  }
0x1d: {  	[sflag:s14] =	ssyncset.done $0x0  }
0x1e: {  	s20 =	simm.s32 $0x6;
	[sflag:s14] =	ssyncadd.s32 $0xFFFFE000  }
0x1f: {  	_ =	swait.ge [sflag:s20], $0x2000  }
0x20: {  	[sflag:s20] =	ssyncset.done $0x0  }
0x21: {  	[sflag:s20] =	ssyncadd.s32 $0xFFFFE000  }
0x22: {  	_ =	swait.ge [sflag:s1], $0x2000  }
0x23: {  	[sflag:s1] =	ssyncset.done $0x0  }
0x24: {  	[sflag:s1] =	ssyncadd.s32 $0xFFFFE000  }
0x25: {  	_ =	swait.ge [sflag:s18], $0x2000  }
0x26: {  	[sflag:s18] =	ssyncset.done $0x0  }
0x27: {  	[sflag:s18] =	ssyncadd.s32 $0xFFFFE000  }
0x28: {  	s23 =	stileid.u32;
	[bflag:$0x0] =	sbarrier.arrive $0xFFFF  }
0x29: {  	s8 =	sshll.u32 s23, $0x6;
	s9 =	rddreg [dreg:$0x6]  }
0x2a: {  	s8 =	sor.u32 $0x1C09, s8;
	s11 =	rddreg [dreg:$0x7]  }
0x2b: {  	[hbm:s9], [sflag:s8] =	dma.local [spmem:s11], $0x1400  }
0x2c: {  	_ =	swait.ge [sflag:s13], $0x1400  }
0x2d: {  	s3 =	sadd.s32 $0x1, s3;
	s25 =	rddreg [dreg:$0x5]  }
0x2e: {  	p0 =	sne.s32 s3, s25  }
.Ltmp1:
0x2f: {  	_ = 	snop;
	(pc) =	sbr.rel @!p0 .LBB2_7-.Ltmp1, $3  }
0x30: {  	_ =	sdelay $0x1  }
0x31: {  	[sflag:s13] =	ssyncset.done $0x0  }
0x32: {  	[sflag:s13] =	ssyncadd.s32 $0xFFFFEC00  }
.LBB2_1:
0x33: {  	[tilespmem:$0x5000] =	vst v0  }
0x34: {  	[tilespmem:$0x5010] =	vst v0  }
0x35: {  	[tilespmem:$0x5020] =	vst v0  }
0x36: {  	[tilespmem:$0x5030] =	vst v0  }
0x37: {  	[tilespmem:$0x5040] =	vst v0  }
0x38: {  	[tilespmem:$0x5050] =	vst v0  }
0x39: {  	[tilespmem:$0x5060] =	vst v0  }
0x3a: {  	[tilespmem:$0x5070] =	vst v0  }
0x3b: {  	[tilespmem:$0x5080] =	vst v0  }
0x3c: {  	[tilespmem:$0x5090] =	vst v0  }
0x3d: {  	[tilespmem:$0x50A0] =	vst v0  }
0x3e: {  	[tilespmem:$0x50B0] =	vst v0  }
0x3f: {  	[tilespmem:$0x50C0] =	vst v0  }
0x40: {  	[tilespmem:$0x50D0] =	vst v0  }
0x41: {  	[tilespmem:$0x50E0] =	vst v0  }
0x42: {  	[tilespmem:$0x50F0] =	vst v0  }
0x43: {  	[tilespmem:$0x5100] =	vst v0  }
0x44: {  	[tilespmem:$0x5110] =	vst v0  }
0x45: {  	[tilespmem:$0x5120] =	vst v0  }
0x46: {  	[tilespmem:$0x5130] =	vst v0  }
0x47: {  	[tilespmem:$0x5140] =	vst v0  }
0x48: {  	[tilespmem:$0x5150] =	vst v0  }
0x49: {  	[tilespmem:$0x5160] =	vst v0  }
0x4a: {  	[tilespmem:$0x5170] =	vst v0  }
0x4b: {  	[tilespmem:$0x5180] =	vst v0  }
0x4c: {  	[tilespmem:$0x5190] =	vst v0  }
0x4d: {  	[tilespmem:$0x51A0] =	vst v0  }
0x4e: {  	[tilespmem:$0x51B0] =	vst v0  }
0x4f: {  	[tilespmem:$0x51C0] =	vst v0  }
0x50: {  	[tilespmem:$0x51D0] =	vst v0  }
0x51: {  	[tilespmem:$0x51E0] =	vst v0  }
0x52: {  	[tilespmem:$0x51F0] =	vst v0  }
0x53: {  	[tilespmem:$0x5200] =	vst v0  }
0x54: {  	[tilespmem:$0x5210] =	vst v0  }
0x55: {  	[tilespmem:$0x5220] =	vst v0  }
0x56: {  	[tilespmem:$0x5230] =	vst v0  }
0x57: {  	[tilespmem:$0x5240] =	vst v0  }
0x58: {  	[tilespmem:$0x5250] =	vst v0  }
0x59: {  	[tilespmem:$0x5260] =	vst v0  }
0x5a: {  	[tilespmem:$0x5270] =	vst v0  }
0x5b: {  	[tilespmem:$0x5280] =	vst v0  }
0x5c: {  	[tilespmem:$0x5290] =	vst v0  }
0x5d: {  	[tilespmem:$0x52A0] =	vst v0  }
0x5e: {  	[tilespmem:$0x52B0] =	vst v0  }
0x5f: {  	[tilespmem:$0x52C0] =	vst v0  }
0x60: {  	[tilespmem:$0x52D0] =	vst v0  }
0x61: {  	[tilespmem:$0x52E0] =	vst v0  }
0x62: {  	[tilespmem:$0x52F0] =	vst v0  }
0x63: {  	[tilespmem:$0x5300] =	vst v0  }
0x64: {  	[tilespmem:$0x5310] =	vst v0  }
0x65: {  	[tilespmem:$0x5320] =	vst v0  }
0x66: {  	[tilespmem:$0x5330] =	vst v0  }
0x67: {  	[tilespmem:$0x5340] =	vst v0  }
0x68: {  	[tilespmem:$0x5350] =	vst v0  }
0x69: {  	[tilespmem:$0x5360] =	vst v0  }
0x6a: {  	[tilespmem:$0x5370] =	vst v0  }
0x6b: {  	[tilespmem:$0x5380] =	vst v0  }
0x6c: {  	[tilespmem:$0x5390] =	vst v0  }
0x6d: {  	[tilespmem:$0x53A0] =	vst v0  }
0x6e: {  	[tilespmem:$0x53B0] =	vst v0  }
0x6f: {  	[tilespmem:$0x53C0] =	vst v0  }
0x70: {  	[tilespmem:$0x53D0] =	vst v0  }
0x71: {  	[tilespmem:$0x53E0] =	vst v0  }
0x72: {  	[tilespmem:$0x53F0] =	vst v0;
	s8 =	sadd.s32 $0x0, s7  }
0x73: {  	[spmem:s8] =	stream.linear.scatter [tilespmem:s12], [sflag:$0x9], $0x400, $0x38;
	[tilespmem:$0x1F400] =	vst v63  }
0x74: {  	s8 =	simm.s32 $0x1000;
	_ =	swait.ge [sflag:s13], $0x400  }
.LBB2_2:
0x75: {  	s9 =	sshra.s32 s8, $0x2;
	[sflag:s13] =	ssyncset.done $0x0;
	p0 =	sne.s32 s8, $0x27000  }
.Ltmp2:
0x76: {  	s9 =	sadd.s32 s9, s7;
	[sflag:s13] =	ssyncadd.s32 $0xFFFFFC00;
	(pc) =	sbr.rel @p0 .LBB2_2-.Ltmp2, $3  }
0x77: {  	[spmem:s9] =	stream.linear.scatter [tilespmem:s12], [sflag:$0x9], $0x400, $0x38;
	[tilespmem:$0x1F400] =	vst v63  }
0x78: {  	s8 =	sadd.s32 $0x1000, s8;
	_ =	sdelay $0x1  }
0x79: {  	_ =	swait.ge [sflag:s13], $0x400  }
0x7a: {  	[sflag:s13] =	ssyncset.done $0x0  }
0x7b: {  	[sflag:s13] =	ssyncadd.s32 $0xFFFFFC00  }
0x7c: {  	[bflag:$0x0] =	sbarrier.arrive $0xFFFF  }
0x7d: {  	s8 =	simm.s32 $0x0;
	s9 =	rddreg [dreg:$0x3]  }
0x7e: {  	[tilespmem:s8], [sflag:$0x9] =	stream.linear.gather [hbm4b:s9+s8], $0x2800, $0x38;
	[tilespmem:$0x1F400] =	vst v63  }
0x7f: {  	_ =	swait.ge [sflag:s13], $0x2800  }
0x80: {  	[sflag:s13] =	ssyncset.done $0x0  }
0x81: {  	s11 =	simm.s32 $0x2800;
	s20 =	rddreg [dreg:$0x4];
	[sflag:s13] =	ssyncadd.s32 $0xFFFFD800  }
0x82: {  	[tilespmem:s11], [sflag:$0x9] =	stream.linear.gather [hbm4b:s20+s8], $0x2800, $0x38;
	[tilespmem:$0x1F400] =	vst v63  }
0x83: {  	_ =	swait.ge [sflag:s13], $0x2800  }
0x84: {  	[sflag:s13] =	ssyncset.done $0x0  }
0x85: {  	[sflag:s13] =	ssyncadd.s32 $0xFFFFD800  }
0x86: {  	[tilespmem:s16], [sflag:$0x1] =	stream.indirect.gather [hbm4b:s10+s15], $0x40, s8, s15, $0xb8;
	[tilespmem:$0x1F400] =	vst v63  }
0x87: {  	_ = 	snop  }
0x88: {  	[tilespmem:s17], [sflag:$0x2] =	stream.indirect.gather [hbm4b:s10+s15], $0x40, s15, s15, $0xb8;
	[tilespmem:$0x1F400] =	vst v63  }
0x89: {  	s23 =	simm.s32 $0x100  }
0x8a: {  	[tilespmem:s19], [sflag:$0x3] =	stream.indirect.gather [hbm4b:s10+s15], $0x40, s23, s15, $0xb8;
	[tilespmem:$0x1F400] =	vst v63  }
0x8b: {  	s25 =	simm.s32 $0x180  }
0x8c: {  	[tilespmem:s21], [sflag:$0x4] =	stream.indirect.gather [hbm4b:s10+s15], $0x40, s25, s15, $0xb8;
	[tilespmem:$0x1F400] =	vst v63  }
.LBB2_4:
0x8d: {  	_ =	swait.ge [sflag:s22], $0x2000  }
0x8e: {  	s9 =	sshra.s32 s8, $0x2;
	[sflag:s22] =	ssyncset.done $0x0  }
0x8f: {  	p0 =	seq.s32 s8, $0x0;
	s11 =	sadd.s32 $0x2800, s9;
	[sflag:s22] =	ssyncadd.s32 $0xFFFFE000  }
0x90: {  	[spmem:s2] =	stream.indirect.scatter.add.f32 [tilespmem:s16], [sflag:$0x1], $0x40, s11, s15, $0xb8;
	[tilespmem:$0x1F400] =	vst v63  }
0x91: {  	s11 =	simm.s32 @!p0 $0x5  }
0x92: {  	_ =	swait.ge @!p0 [sflag:s11], $0x2000  }
0x93: {  	[sflag:s11] =	ssyncset.done @!p0 $0x0  }
0x94: {  	s20 =	sadd.s32 $0x200, s9;
	[sflag:s11] =	ssyncadd.s32 @!p0 $0xFFFFE000  }
0x95: {  	[tilespmem:s24], [sflag:$0x5] =	stream.indirect.gather [hbm4b:s10+s15], $0x40, s20, s15, $0xb8;
	[tilespmem:$0x1F400] =	vst v63  }
0x96: {  	_ =	swait.ge [sflag:s26], $0x2000  }
0x97: {  	[sflag:s26] =	ssyncset.done $0x0  }
0x98: {  	s23 =	sadd.s32 $0x2880, s9;
	s11 =	simm.s32 @!p0 $0x6;
	[sflag:s26] =	ssyncadd.s32 $0xFFFFE000  }
0x99: {  	[spmem:s2] =	stream.indirect.scatter.add.f32 [tilespmem:s17], [sflag:$0x2], $0x40, s23, s15, $0xb8;
	[tilespmem:$0x1F400] =	vst v63  }
0x9a: {  	_ =	swait.ge @!p0 [sflag:s11], $0x2000  }
0x9b: {  	[sflag:s11] =	ssyncset.done @!p0 $0x0  }
0x9c: {  	s25 =	sadd.s32 $0x280, s9;
	[sflag:s11] =	ssyncadd.s32 @!p0 $0xFFFFE000  }
0x9d: {  	[tilespmem:s28], [sflag:$0x6] =	stream.indirect.gather [hbm4b:s10+s15], $0x40, s25, s15, $0xb8;
	[tilespmem:$0x1F400] =	vst v63  }
0x9e: {  	_ =	swait.ge [sflag:s29], $0x2000  }
0x9f: {  	[sflag:s29] =	ssyncset.done $0x0  }
0xa0: {  	s20 =	sadd.s32 $0x2900, s9;
	s11 =	simm.s32 @!p0 $0x7;
	[sflag:s29] =	ssyncadd.s32 $0xFFFFE000  }
0xa1: {  	[spmem:s2] =	stream.indirect.scatter.add.f32 [tilespmem:s19], [sflag:$0x3], $0x40, s20, s15, $0xb8;
	[tilespmem:$0x1F400] =	vst v63  }
0xa2: {  	_ =	swait.ge @!p0 [sflag:s11], $0x2000  }
0xa3: {  	[sflag:s11] =	ssyncset.done @!p0 $0x0  }
0xa4: {  	s23 =	sadd.s32 $0x300, s9;
	[sflag:s11] =	ssyncadd.s32 @!p0 $0xFFFFE000  }
0xa5: {  	[tilespmem:s30], [sflag:$0x7] =	stream.indirect.gather [hbm4b:s10+s15], $0x40, s23, s15, $0xb8;
	[tilespmem:$0x1F400] =	vst v63  }
0xa6: {  	_ =	swait.ge [sflag:s31], $0x2000  }
0xa7: {  	[sflag:s31] =	ssyncset.done $0x0  }
0xa8: {  	s25 =	sadd.s32 $0x2980, s9;
	s11 =	simm.s32 @!p0 $0x8;
	[sflag:s31] =	ssyncadd.s32 $0xFFFFE000  }
0xa9: {  	[spmem:s2] =	stream.indirect.scatter.add.f32 [tilespmem:s21], [sflag:$0x4], $0x40, s25, s15, $0xb8;
	[tilespmem:$0x1F400] =	vst v63  }
0xaa: {  	_ =	swait.ge @!p0 [sflag:s11], $0x2000  }
0xab: {  	[sflag:s11] =	ssyncset.done @!p0 $0x0  }
0xac: {  	s20 =	sadd.s32 $0x380, s9;
	[sflag:s11] =	ssyncadd.s32 @!p0 $0xFFFFE000  }
0xad: {  	[tilespmem:s0], [sflag:$0x8] =	stream.indirect.gather [hbm4b:s10+s15], $0x40, s20, s15, $0xb8;
	[tilespmem:$0x1F400] =	vst v63  }
0xae: {  	_ =	swait.ge [sflag:s14], $0x2000  }
0xaf: {  	[sflag:s14] =	ssyncset.done $0x0  }
0xb0: {  	s23 =	sadd.s32 $0x2A00, s9;
	[sflag:s14] =	ssyncadd.s32 $0xFFFFE000  }
0xb1: {  	[spmem:s2] =	stream.indirect.scatter.add.f32 [tilespmem:s24], [sflag:$0x5], $0x40, s23, s15, $0xb8;
	[tilespmem:$0x1F400] =	vst v63  }
0xb2: {  	_ =	swait.ge [sflag:s22], $0x2000  }
0xb3: {  	p0 =	seq.s32 s8, $0x9000;
	[sflag:s22] =	ssyncset.done $0x0  }
0xb4: {  	s11 =	simm.s32 @p0 $0x6;
	[sflag:s22] =	ssyncadd.s32 $0xFFFFE000  }
0xb5: {  	_ =	swait.ge @p0 [sflag:s11], $0x2000  }
0xb6: {  	s25 =	simm.s32 @p0 $0xF400;
	[sflag:s11] =	ssyncset.done @p0 $0x0  }
0xb7: {  	s23 =	simm.s32 @p0 $0x4E80;
	[sflag:s11] =	ssyncadd.s32 @p0 $0xFFFFE000;
	s11 =	simm.s32 @p0 $0x80  }
0xb8: {  	[spmem:s2] =	stream.indirect.scatter.add.f32 @p0 [tilespmem:s25], [sflag:$0x6], $0x40, s23, s11, $0xb8;
	[tilespmem:$0x1F400] =	vst v63  }
0xb9: {  	s11 =	simm.s32 @p0 $0x2  }
0xba: {  	_ =	swait.ge @p0 [sflag:s11], $0x2000  }
0xbb: {  	[sflag:s11] =	ssyncset.done @p0 $0x0  }
0xbc: {  	[sflag:s11] =	ssyncadd.s32 @p0 $0xFFFFE000;
	s11 =	sshra.s32 @!p0 s8, $0x2  }
0xbd: {  	s20 =	simm.s32 @!p0 $0x5400;
	s25 =	simm.s32 @!p0 $0x80;
	s23 =	sadd.s32 @!p0 $0x400, s11  }
0xbe: {  	[tilespmem:s20], [sflag:$0x1] =	stream.indirect.gather @!p0 [hbm4b:s10+s25], $0x40, s23, s25, $0xb8;
	[tilespmem:$0x1F400] =	vst v63  }
0xbf: {  	s20 =	simm.s32 @!p0 $0x6  }
0xc0: {  	_ =	swait.ge @!p0 [sflag:s20], $0x2000  }
0xc1: {  	[sflag:s20] =	ssyncset.done @!p0 $0x0  }
0xc2: {  	s23 =	simm.s32 @!p0 $0xF400;
	[sflag:s20] =	ssyncadd.s32 @!p0 $0xFFFFE000;
	s20 =	sadd.s32 @!p0 $0x2A80, s11  }
0xc3: {  	[spmem:s2] =	stream.indirect.scatter.add.f32 @!p0 [tilespmem:s23], [sflag:$0x6], $0x40, s20, s25, $0xb8;
	[tilespmem:$0x1F400] =	vst v63  }
0xc4: {  	p1 =	sne.s32 @!p0 s4, $0x0;
	s20 =	simm.s32 @!p0 $0x2  }
0xc5: {  	p2 =	por !p1, p0;
	_ =	swait.ge @!p0 [sflag:s20], $0x2000  }
0xc6: {  	p1 =	por p1, p0;
	s11 =	sadd.s32 @!p0 $0x480, s11;
	[sflag:s20] =	ssyncset.done @!p0 $0x0  }
0xc7: {  	s23 =	simm.s32 @!p2 $0x7400;
	[sflag:s20] =	ssyncadd.s32 @!p0 $0xFFFFE000;
	s20 =	simm.s32 @!p2 $0x80  }
0xc8: {  	[tilespmem:s23], [sflag:$0x2] =	stream.indirect.gather @!p2 [hbm4b:s6+s20], $0x40, s11, s20, $0xb8;
	[tilespmem:$0x1F400] =	vst v63  }
0xc9: {  	s20 =	simm.s32 @!p1 $0x80;
	s23 =	simm.s32 @!p1 $0x7400  }
0xca: {  	[tilespmem:s23], [sflag:$0x2] =	stream.indirect.gather @!p1 [hbm4b:s5+s20], $0x40, s11, s20, $0xb8;
	[tilespmem:$0x1F400] =	vst v63  }
0xcb: {  	_ =	swait.ge [sflag:s1], $0x2000  }
0xcc: {  	[sflag:s1] =	ssyncset.done $0x0  }
.Ltmp3:
0xcd: {  	s25 =	sadd.s32 $0x2B00, s9;
	[sflag:s1] =	ssyncadd.s32 $0xFFFFE000;
	(pc) =	sbr.rel @p0 .LBB2_6-.Ltmp3, $4  }
0xce: {  	[spmem:s2] =	stream.indirect.scatter.add.f32 [tilespmem:s30], [sflag:$0x7], $0x40, s25, s15, $0xb8;
	[tilespmem:$0x1F400] =	vst v63  }
0xcf: {  	_ =	swait.ge [sflag:s29], $0x2000  }
0xd0: {  	[sflag:s29] =	ssyncset.done $0x0  }
0xd1: {  	[sflag:s29] =	ssyncadd.s32 $0xFFFFE000  }
0xd2: {  	s11 =	sadd.s32 $0x500, s9  }
0xd3: {  	[tilespmem:s19], [sflag:$0x3] =	stream.indirect.gather [hbm4b:s10+s15], $0x40, s11, s15, $0xb8;
	[tilespmem:$0x1F400] =	vst v63  }
0xd4: {  	_ =	swait.ge [sflag:s18], $0x2000  }
0xd5: {  	[sflag:s18] =	ssyncset.done $0x0  }
0xd6: {  	s23 =	sadd.s32 $0x2B80, s9;
	[sflag:s18] =	ssyncadd.s32 $0xFFFFE000  }
0xd7: {  	[spmem:s2] =	stream.indirect.scatter.add.f32 [tilespmem:s0], [sflag:$0x8], $0x40, s23, s15, $0xb8;
	[tilespmem:$0x1F400] =	vst v63  }
.Ltmp4:
0xd8: {  	_ = 	snop;
	(pc) =	sbr.rel .LBB2_4-.Ltmp4, $4  }
0xd9: {  	_ =	swait.ge [sflag:s31], $0x2000  }
0xda: {  	[sflag:s31] =	ssyncset.done $0x0  }
0xdb: {  	s25 =	sadd.s32 $0x580, s9;
	s8 =	sadd.s32 $0x1000, s8;
	[sflag:s31] =	ssyncadd.s32 $0xFFFFE000  }
0xdc: {  	[tilespmem:s21], [sflag:$0x4] =	stream.indirect.gather [hbm4b:s10+s15], $0x40, s25, s15, $0xb8;
	[tilespmem:$0x1F400] =	vst v63  }
.LBB2_7:
0xdd: {  	_ =	sfence.sel $0x180000  }
0xde: {  	[bflag:$0x0] =	sbarrier.arrive $0xFFFF  }
0xdf: {  	_ =	strace $0x9000004D  }
0xe0: {  	s0 =	stileid.u32;
	[bflag:$0x2] =	sbarrier.arrive $0xFFFF  }
0xe1: {  	p0 =	sne.s32 s0, $0x0;
	s0 =	rddreg [dreg:$0x2]  }
0xe2: {  	s0 =	sadd.s32 @!p0 $0x100000, s0  }
0xe3: {  	[sflag:s0] =	ssyncadd.tile.s32 @!p0 $0x1;
	_ =	shalt  }
.Lfunc_end2:
_tile_overlayer_lowered:
.L_overlay_start_2:
0xe4: {  	(tag) =	ssettag $0x2  }
0xe5: {  	s0 =	rddreg [dreg:$0x0];
	s2 =	stileid.u32  }
0xe6: {  	s1 =	rddreg [dreg:$0x1];
	p0 =	sne.s32 s2, $0x0  }
0xe7: {  	s3 =	rddreg [dreg:$0x2];
	[bflag:$0x3] =	sbarrier.arrive $0xFFFF;
	s2 =	simm.s32 @!p0 $0x1C09  }
0xe8: {  	[timem:s3], [sflag:s2] =	dma.local @!p0 [hbm:s0], s1  }
0xe9: {  	s0 =	simm.s32 @!p0 $0x9  }
0xea: {  	_ =	swait.ge @!p0 [sflag:s0], s1  }
0xeb: {  	s1 =	ssub.s32 @!p0 $0x0, s1;
	[sflag:s0] =	ssyncset.done @!p0 $0x0  }
0xec: {  	[sflag:s0] =	ssyncadd.s32 @!p0 s1  }
0xed: {  	[bflag:$0x3] =	sbarrier.arrive $0xFFFF  }
0xee: {  	_ =	shalt  }

// kernel: kernel.15.cloned.1.call-start
scs
__scs_entry_jumppad:
0x0: {  	(pc) =	sbr.rel $0x88, $3  }
0x1: {  	(tag) =	ssettag $0x0;
	lr =	simm.s32 $0x1  }
0x2: {  	[smem:$0x3F9B] =	sst lr;
	_ =	strace $0xD0000000  }
0x3: {  	_ = 	snop  }
0x4: {  	_ = 	snop  }
0x5: {  	_ = 	snop  }
0x6: {  	_ = 	snop  }
0x7: {  	_ = 	snop  }
__scs_overlays_trampoline_lowered:
0x8: {  	[smem:$0x3FAA] =	sst s0  }
0x9: {  	[smem:$0x3FAB] =	sst s1  }
0xa: {  	[smem:$0x3FAC] =	sst s2  }
0xb: {  	[smem:$0x3FAD] =	sst s3  }
0xc: {  	[smem:$0x3FAE] =	sst s4  }
0xd: {  	[smem:$0x3FAF] =	sst s5  }
0xe: {  	[smem:$0x3FB0] =	sst s6  }
0xf: {  	[smem:$0x3FB1] =	sst s7  }
0x10: {  	[smem:$0x3FB2] =	sst s8  }
0x11: {  	[smem:$0x3FB3] =	sst s9;
	s0 =	simm.s32 @!p0 $0x0  }
0x12: {  	s1 =	sld [smem:$0x3F99];
	s0 =	simm.s32 @p0 $0x1  }
0x13: {  	[smem:$0x3FB4] =	sst s0;
	s0 =	simm.s32 @!p1 $0x0  }
0x14: {  	s2 =	sld [smem:$0x3F98];
	s0 =	simm.s32 @p1 $0x1  }
0x15: {  	[smem:$0x3FB5] =	sst s0;
	s0 =	simm.s32 @!p2 $0x0  }
0x16: {  	s3 =	sld [smem:$0x3FDB];
	s0 =	simm.s32 @p2 $0x1  }
0x17: {  	s4 =	simm.s32 $0x1BF5;
	[smem:$0x3FB7] =	sst s0  }
0x18: {  	s0 =	sld [smem:$0x3F9A];
	_ =	swait.ge [sflag:s4], $0x0  }
0x19: {  	s7 =	sld [smem:$0x3F9B]  }
0x1a: {  	s8 =	sadd.s32 $0xFFFFE003, lr  }
0x1b: {  	s9 =	sadd.s32 $0xFFFFFEF7, lr;
	s5 =	simm.s32 $0xFFFFFFFF;
	p2 =	slt.u32 s8, $0xFFFFF086  }
0x1c: {  	p1 =	slt.u32 s9, $0xF7A;
	s5 =	simm.s32 @!p2 $0x0  }
0x1d: {  	s5 =	simm.s32 @p1 $0x1;
	p0 =	seq.s32 s7, s2  }
0x1e: {  	s7 =	smul.u32 @!p0 $0xF7A, s2;
	p2 =	seq.s32 @!p0 s5, $0x0  }
0x1f: {  	s9 =	smul.u32 $0xF7A, s1;
	s8 =	simm.s32 @!p0 $0x1BF5;
	p2 =	por !p2, p0  }
0x20: {  	[sflag:s8] =	ssyncset.s32 @!p0 $0xFFFFF086;
	s6 =	sadd.s32 @!p0 s3, s7;
	s7 =	simm.s32 @!p0 $0x108  }
0x21: {  	s3 =	sadd.s32 s3, s9;
	s6 =	sadd.s32 @!p0 $0x88, s6;
	s7 =	simm.s32 @p2 $0x1082  }
0x22: {  	[simem:s7], [sflag:s8] =	dma.local @!p0 [hbm:s6], $0xF7A  }
0x23: {  	s9 =	sor.u32 $0xD0000000, s2;
	s6 =	simm.s32 $0x108;
	_ =	swait.ge @!p0 [sflag:s8], $0x0  }
0x24: {  	s3 =	sadd.s32 $0x88, s3;
	s6 =	simm.s32 @!p1 $0x1082;
	[sflag:s4] =	ssyncset.s32 $0xFFFFF086  }
0x25: {  	[simem:s6], [sflag:s4] =	dma.local [hbm:s3], $0xF7A  }
0x26: {  	[smem:$0x3F9B] =	sst s1;
	(tag) =	ssettag s2;
	_ =	strace s9  }
0x27: {  	s1 =	sld [smem:$0x3FAB]  }
0x28: {  	s2 =	sld [smem:$0x3FAC]  }
0x29: {  	s4 =	sld [smem:$0x3FAE]  }
0x2a: {  	p0 =	seq.s32 s5, $0x0;
	s5 =	sld [smem:$0x3FAF]  }
0x2b: {  	s6 =	sld [smem:$0x3FB0]  }
0x2c: {  	s7 =	sld [smem:$0x3FB1]  }
0x2d: {  	s3 =	simm.s32 $0x108;
	s8 =	sld [smem:$0x3FB2]  }
0x2e: {  	s3 =	simm.s32 @!p0 $0x1082;
	s9 =	sld [smem:$0x3FB3]  }
0x2f: {  	lr =	sadd.s32 s0, s3;
	s0 =	sld [smem:$0x3FAA]  }
0x30: {  	s3 =	sld [smem:$0x3FAD]  }
0x31: {  	[smem:$0x3FB6] =	sst s10  }
0x32: {  	s10 =	sld [smem:$0x3FB4];
	_ =	sdelay $0x3  }
0x33: {  	p0 =	seq.s32 s10, $0x1;
	s10 =	sld [smem:$0x3FB6];
	_ =	sdelay $0x3  }
0x34: {  	[smem:$0x3FB6] =	sst s10  }
0x35: {  	s10 =	sld [smem:$0x3FB5];
	_ =	sdelay $0x3  }
0x36: {  	p1 =	seq.s32 s10, $0x1;
	s10 =	sld [smem:$0x3FB6];
	_ =	sdelay $0x3  }
0x37: {  	[smem:$0x3FB6] =	sst s10  }
0x38: {  	s10 =	sld [smem:$0x3FB7]  }
0x39: {  	_ = 	snop;
	(pc) =	sbr.ind lr, $3  }
0x3a: {  	_ = 	snop  }
0x3b: {  	_ = 	snop  }
0x3c: {  	p2 =	seq.s32 s10, $0x1;
	s10 =	sld [smem:$0x3FB6]  }
0x3d: {  	_ =	shalt  }
0x3e: {  	_ =	shalt  }
0x3f: {  	_ =	shalt  }
0x40: {  	_ =	shalt  }
0x41: {  	_ =	shalt  }
0x42: {  	_ =	shalt  }
0x43: {  	_ =	shalt  }
0x44: {  	_ =	shalt  }
0x45: {  	_ =	shalt  }
0x46: {  	_ =	shalt  }
0x47: {  	_ =	shalt  }
0x48: {  	_ =	shalt  }
0x49: {  	_ =	shalt  }
0x4a: {  	_ =	shalt  }
0x4b: {  	_ =	shalt  }
0x4c: {  	_ =	shalt  }
0x4d: {  	_ =	shalt  }
0x4e: {  	_ =	shalt  }
0x4f: {  	_ =	shalt  }
0x50: {  	_ =	shalt  }
0x51: {  	_ =	shalt  }
0x52: {  	_ =	shalt  }
0x53: {  	_ =	shalt  }
0x54: {  	_ =	shalt  }
0x55: {  	_ =	shalt  }
0x56: {  	_ =	shalt  }
0x57: {  	_ =	shalt  }
0x58: {  	_ =	shalt  }
0x59: {  	_ =	shalt  }
0x5a: {  	_ =	shalt  }
0x5b: {  	_ =	shalt  }
0x5c: {  	_ =	shalt  }
0x5d: {  	_ =	shalt  }
0x5e: {  	_ =	shalt  }
0x5f: {  	_ =	shalt  }
0x60: {  	_ =	shalt  }
0x61: {  	_ =	shalt  }
0x62: {  	_ =	shalt  }
0x63: {  	_ =	shalt  }
0x64: {  	_ =	shalt  }
0x65: {  	_ =	shalt  }
0x66: {  	_ =	shalt  }
0x67: {  	_ =	shalt  }
0x68: {  	_ =	shalt  }
0x69: {  	_ =	shalt  }
0x6a: {  	_ =	shalt  }
0x6b: {  	_ =	shalt  }
0x6c: {  	_ =	shalt  }
0x6d: {  	_ =	shalt  }
0x6e: {  	_ =	shalt  }
0x6f: {  	_ =	shalt  }
0x70: {  	_ =	shalt  }
0x71: {  	_ =	shalt  }
0x72: {  	_ =	shalt  }
0x73: {  	_ =	shalt  }
0x74: {  	_ =	shalt  }
0x75: {  	_ =	shalt  }
0x76: {  	_ =	shalt  }
0x77: {  	_ =	shalt  }
0x78: {  	_ =	shalt  }
0x79: {  	_ =	shalt  }
0x7a: {  	_ =	shalt  }
0x7b: {  	_ =	shalt  }
0x7c: {  	_ =	shalt  }
0x7d: {  	_ =	shalt  }
0x7e: {  	_ =	shalt  }
0x7f: {  	_ =	shalt  }
0x80: {  	_ =	shalt  }
0x81: {  	_ =	shalt  }
0x82: {  	_ =	shalt  }
0x83: {  	_ =	shalt  }
0x84: {  	_ =	shalt  }
0x85: {  	_ =	shalt  }
0x86: {  	_ =	shalt  }
0x87: {  	_ =	shalt  }
.Lfunc_end0:
.L_simem_size_0:
called_computation.2_lowered:
.L_overlay_start_0:
0x88: {  	s2 =	sld [smem:$0x3FD9]  }
0x89: {  	s3 =	sld [smem:$0x3FFE];
	_ =	sdelay $0x1  }
0x8a: {  	s1 =	srdreg.scid  }
0x8b: {  	s0 =	sand.u32 $0x1, s1  }
0x8c: {  	s16 =	sshll.u32 s0, $0xA;
	s2 =	sadd.s32 s3, s2  }
0x8d: {  	s2 =	sadd.s32 s2, s16  }
0x8e: {  	[smem:$0x3FC2] =	sst s2  }
0x8f: {  	_ = 	snop  }
0x90: {  	(tm) =	ssettm $0x1  }
0x91: {  	s17 =	sld [smem:$0x3FFB];
	_ =	sdelay $0x3  }
0x92: {  	_ =	strace s17  }
0x93: {  	s2 =	sld [smem:$0x3FFC];
	_ =	sdelay $0x3  }
0x94: {  	_ =	strace s2  }
0x95: {  	s2 =	sld [smem:$0x3FFD];
	_ =	sdelay $0x3  }
0x96: {  	_ =	strace s2  }
0x97: {  	_ =	strace $0x8FFFFFFF  }
0x98: {  	s18 =	sld [smem:$0x3FDB];
	_ =	sdelay $0x1  }
0x99: {  	s19 =	simm.s32 $_scs_section_size  }
0x9a: {  	s4 =	simm.s32 $_size__tile_overlayer_lowered;
	s5 =	simm.s32 $_tile_overlayer_lowered  }
0x9b: {  	s22 =	simm.s32 $0x1BFF;
	s21 =	sshll.u32 s5, $0x1;
	s2 =	sadd.s32 s19, s18  }
0x9c: {  	s6 =	simm.s32 $0x0;
	s20 =	sshll.u32 s4, $0x1;
	s4 =	sadd.s32 s21, s2  }
0x9d: {  	[timem:s6], [sflag:s22] =	dma.local [hbm:s4], s20  }
0x9e: {  	_ =	swait.ge [sflag:s22], s20  }
0x9f: {  	s3 =	ssub.s32 $0x0, s20;
	[sflag:s22] =	ssyncset.done $0x0  }
0xa0: {  	[sflag:s22] =	ssyncadd.s32 s3;
	_ =	sdelay $0x1  }
0xa1: {  	s23 =	simm.s32 $0x1B8B  }
0xa2: {  	_ =	swait.ge [sflag:s23], $0x1  }
0xa3: {  	[sflag:s23] =	ssyncset.done $0x0  }
0xa4: {  	s25 =	simm.s32 $0x1B8E;
	s24 =	sld [smem:$0x3FFE];
	[sflag:s23] =	ssyncadd.s32 $0xFFFFFFFF  }
0xa5: {  	s26 =	simm.s32 $execute0_lowered;
	[smem:$0x3FD2] =	sst s25  }
0xa6: {  	s4 =	sshll.u32 s26, $0x1;
	_ =	strace $0x80000049;
	[dreg:$0x1] =	wrdreg $0xFFFFFFFF  }
0xa7: {  	s28 =	simm.s32 $_size_execute0_lowered;
	s2 =	sadd.s32 s2, s4;
	[dreg:$0x0] =	wrdreg $0x0  }
0xa8: {  	s4 =	sshll.u32 s28, $0x1;
	[dreg:$0x2] =	wrdreg s2  }
0xa9: {  	[dreg:$0x3] =	wrdreg s4  }
0xaa: {  	[dreg:$0x4] =	wrdreg $0xC0  }
0xab: {  	_ =	task [dreg:s6], $0x5FFFF  }
0xac: {  	[dreg:$0x1] =	wrdreg $0xFFFFFFFF  }
0xad: {  	[dreg:$0x0] =	wrdreg $0x60  }
0xae: {  	[dreg:$0x2] =	wrdreg s24  }
0xaf: {  	[dreg:$0x3] =	wrdreg $0x154000  }
0xb0: {  	[dreg:$0x4] =	wrdreg $0xA  }
0xb1: {  	_ =	task.clear_ibuf [dreg:s6], $0x5FFFF;
	_ =	strace $0x90000049  }
0xb2: {  	s29 =	simm.s32 $0xA;
	_ =	strace $0x8000004B  }
0xb3: {  	_ =	swait.ge [sflag:s29], $0x1  }
0xb4: {  	[sflag:s29] =	ssyncadd.s32 $0xFFFFFFFF  }
0xb5: {  	_ =	strace $0x9000004B  }
0xb6: {  	_ =	sfence  }
0xb7: {  	s30 =	sld [smem:$0x0];
	_ =	sdelay $0x2  }
0xb8: {  	s31 =	sshll.u32 s1, $0xD;
	s1 =	sshrl.u32 s1, $0x2  }
0xb9: {  	s3 =	sand.u32 $0x4000, s31;
	s1 =	sadd.s32 s1, s30  }
0xba: {  	s0 =	sor.u32 s3, s0;
	s1 =	sshll.u32 s1, $0x11  }
0xbb: {  	s0 =	sor.u32 s1, s0  }
0xbc: {  	s0 =	sadd.s32 $0x8F2B, s0  }
0xbd: {  	[sflag:s0] =	ssyncadd.remote.s32 $0x1  }
0xbe: {  	_ =	sfence.sel $0xFFFF  }
0xbf: {  	[dreg:$0x0] =	wrdreg $0xFFFFFFFF;
	(pc) =	sbr.abs _section_cstart, $3  }
0xc0: {  	[dreg:$0x1] =	wrdreg $0xFFFFFFFF  }
0xc1: {  	_ =	task.clear_ibuf [dreg:s6], $0x2FFFF;
	_ =	strace $0x9FFFFFFF  }
0xc2: {  	(tm) =	ssettm $0x7FFFFFFF  }
0xc3: {  	_ =	shalt  }
tec
execute0_lowered:
.L_overlay_start_1:
0x0: {  	(tag) =	ssettag $0x1  }
0x1: {  	s0 =	rddreg [dreg:$0x0]  }
0x2: {  	s2 =	rddreg [dreg:$0x1]  }
0x3: {  	s10 =	stileid.u32;
	s1 =	srdreg.scid;
	s3 =	simm.s32 $0x0  }
0x4: {  	s12 =	simm.s32 $0x5000;
	s13 =	simm.s32 $0x9;
	s15 =	simm.s32 $0x80  }
0x5: {  	s16 =	simm.s32 $0x5400;
	s17 =	simm.s32 $0x7400;
	s19 =	simm.s32 $0x9400  }
0x6: {  	s28 =	simm.s32 $0xF400;
	s29 =	simm.s32 $0x3;
	s30 =	simm.s32 $0x11400  }
0x7: {  	s31 =	simm.s32 $0x4;
	s14 =	simm.s32 $0x5;
	s7 =	smul.u32 $0x500, s10  }
0x8: {  	s18 =	simm.s32 $0x8;
	s4 =	sand.u32 $0x1, s1;
	s8 =	smul.u32 $0x28000, s10  }
0x9: {  	[smem:$0x7FF] =	sst s3;
	s5 =	sadd.s32 $0xABA00, s0;
	s23 =	smul.u32 $0xA000, s10  }
0xa: {  	s6 =	sadd.s32 $0xBFA00, s0;
	s1 =	smul.u32 $0x14000, s4;
	_ =	strace $0x8000004A  }
0xb: {  	s21 =	ssub.s32 $0x2, s4;
	p0 =	seq.s32 s4, $0x0;
	s10 =	smov.u32 s6  }
0xc: {  	s9 =	sadd.s32 s7, s0;
	s22 =	sshrl.u32 s21, $0x1;
	s8 =	sshrl.u32 s8, $0x2  }
0xd: {  	s25 =	sshrl.u32 s23, $0x3;
	s10 =	smov.u32 @p0 s5;
	s0 =	sadd.s32 s1, s0  }
0xe: {  	s1 =	ssub.s32 s21, s22;
	s7 =	sadd.s32 s8, s2;
	s24 =	sadd.s32 $0x6A00, s9  }
0xf: {  	s9 =	sadd.s32 $0x1A00, s9;
	s8 =	sadd.s32 s23, s2;
	s21 =	simm.s32 $0xB400  }
.Ltmp0:
0x10: {  	s22 =	simm.s32 $0x1;
	[dreg:$0x3] =	wrdreg s24;
	(pc) =	sbr.rel .LBB2_1-.Ltmp0, $4  }
0x11: {  	[dreg:$0x4] =	wrdreg s9;
	s0 =	sadd.s32 $0xD3A00, s0;
	s1 =	smax.u32 s1, $0x1  }
0x12: {  	s24 =	simm.s32 $0xD400;
	s26 =	sshrl.u32 s8, $0x3;
	[dreg:$0x5] =	wrdreg s1  }
0x13: {  	s0 =	sadd.s32 s25, s0;
	[dreg:$0x7] =	wrdreg s26;
	s26 =	simm.s32 $0x2  }
0x14: {  	v0 =	vimm.f32 $0.0e+00;
	s1 =	simm.s32 $0x7;
	[dreg:$0x6] =	wrdreg s0;
	s0 =	simm.s32 $0x13400  }
.LBB2_6:
0x15: {  	_ =	swait.ge [sflag:s18], $0x2000  }
0x16: {  	[sflag:s18] =	ssyncset.done $0x0  }
0x17: {  	s8 =	simm.s32 $0x4F80;
	[sflag:s18] =	ssyncadd.s32 $0xFFFFE000  }
0x18: {  	[spmem:s2] =	stream.indirect.scatter.add.f32 [tilespmem:s0], [sflag:$0x8], $0x40, s8, s15, $0xb8;
	[tilespmem:$0x1F400] =	vst v63  }
0x19: {  	_ =	swait.ge [sflag:s31], $0x2000  }
0x1a: {  	[sflag:s31] =	ssyncset.done $0x0  }
0x1b: {  	[sflag:s31] =	ssyncadd.s32 $0xFFFFE000  }
0x1c: {  	_ =	swait.ge [sflag:s14], $0x2000  }
0x1d: {  	[sflag:s14] =	ssyncset.done $0x0  }
0x1e: {  	s20 =	simm.s32 $0x6;
	[sflag:s14] =	ssyncadd.s32 $0xFFFFE000  }
0x1f: {  	_ =	swait.ge [sflag:s20], $0x2000  }
0x20: {  	[sflag:s20] =	ssyncset.done $0x0  }
0x21: {  	[sflag:s20] =	ssyncadd.s32 $0xFFFFE000  }
0x22: {  	_ =	swait.ge [sflag:s1], $0x2000  }
0x23: {  	[sflag:s1] =	ssyncset.done $0x0  }
0x24: {  	[sflag:s1] =	ssyncadd.s32 $0xFFFFE000  }
0x25: {  	_ =	swait.ge [sflag:s18], $0x2000  }
0x26: {  	[sflag:s18] =	ssyncset.done $0x0  }
0x27: {  	[sflag:s18] =	ssyncadd.s32 $0xFFFFE000  }
0x28: {  	s23 =	stileid.u32;
	[bflag:$0x0] =	sbarrier.arrive $0xFFFF  }
0x29: {  	s8 =	sshll.u32 s23, $0x6;
	s9 =	rddreg [dreg:$0x6]  }
0x2a: {  	s8 =	sor.u32 $0x1C09, s8;
	s11 =	rddreg [dreg:$0x7]  }
0x2b: {  	[hbm:s9], [sflag:s8] =	dma.local [spmem:s11], $0x1400  }
0x2c: {  	_ =	swait.ge [sflag:s13], $0x1400  }
0x2d: {  	s3 =	sadd.s32 $0x1, s3;
	s25 =	rddreg [dreg:$0x5]  }
0x2e: {  	p0 =	sne.s32 s3, s25  }
.Ltmp1:
0x2f: {  	_ = 	snop;
	(pc) =	sbr.rel @!p0 .LBB2_7-.Ltmp1, $3  }
0x30: {  	_ =	sdelay $0x1  }
0x31: {  	[sflag:s13] =	ssyncset.done $0x0  }
0x32: {  	[sflag:s13] =	ssyncadd.s32 $0xFFFFEC00  }
.LBB2_1:
0x33: {  	[tilespmem:$0x5000] =	vst v0  }
0x34: {  	[tilespmem:$0x5010] =	vst v0  }
0x35: {  	[tilespmem:$0x5020] =	vst v0  }
0x36: {  	[tilespmem:$0x5030] =	vst v0  }
0x37: {  	[tilespmem:$0x5040] =	vst v0  }
0x38: {  	[tilespmem:$0x5050] =	vst v0  }
0x39: {  	[tilespmem:$0x5060] =	vst v0  }
0x3a: {  	[tilespmem:$0x5070] =	vst v0  }
0x3b: {  	[tilespmem:$0x5080] =	vst v0  }
0x3c: {  	[tilespmem:$0x5090] =	vst v0  }
0x3d: {  	[tilespmem:$0x50A0] =	vst v0  }
0x3e: {  	[tilespmem:$0x50B0] =	vst v0  }
0x3f: {  	[tilespmem:$0x50C0] =	vst v0  }
0x40: {  	[tilespmem:$0x50D0] =	vst v0  }
0x41: {  	[tilespmem:$0x50E0] =	vst v0  }
0x42: {  	[tilespmem:$0x50F0] =	vst v0  }
0x43: {  	[tilespmem:$0x5100] =	vst v0  }
0x44: {  	[tilespmem:$0x5110] =	vst v0  }
0x45: {  	[tilespmem:$0x5120] =	vst v0  }
0x46: {  	[tilespmem:$0x5130] =	vst v0  }
0x47: {  	[tilespmem:$0x5140] =	vst v0  }
0x48: {  	[tilespmem:$0x5150] =	vst v0  }
0x49: {  	[tilespmem:$0x5160] =	vst v0  }
0x4a: {  	[tilespmem:$0x5170] =	vst v0  }
0x4b: {  	[tilespmem:$0x5180] =	vst v0  }
0x4c: {  	[tilespmem:$0x5190] =	vst v0  }
0x4d: {  	[tilespmem:$0x51A0] =	vst v0  }
0x4e: {  	[tilespmem:$0x51B0] =	vst v0  }
0x4f: {  	[tilespmem:$0x51C0] =	vst v0  }
0x50: {  	[tilespmem:$0x51D0] =	vst v0  }
0x51: {  	[tilespmem:$0x51E0] =	vst v0  }
0x52: {  	[tilespmem:$0x51F0] =	vst v0  }
0x53: {  	[tilespmem:$0x5200] =	vst v0  }
0x54: {  	[tilespmem:$0x5210] =	vst v0  }
0x55: {  	[tilespmem:$0x5220] =	vst v0  }
0x56: {  	[tilespmem:$0x5230] =	vst v0  }
0x57: {  	[tilespmem:$0x5240] =	vst v0  }
0x58: {  	[tilespmem:$0x5250] =	vst v0  }
0x59: {  	[tilespmem:$0x5260] =	vst v0  }
0x5a: {  	[tilespmem:$0x5270] =	vst v0  }
0x5b: {  	[tilespmem:$0x5280] =	vst v0  }
0x5c: {  	[tilespmem:$0x5290] =	vst v0  }
0x5d: {  	[tilespmem:$0x52A0] =	vst v0  }
0x5e: {  	[tilespmem:$0x52B0] =	vst v0  }
0x5f: {  	[tilespmem:$0x52C0] =	vst v0  }
0x60: {  	[tilespmem:$0x52D0] =	vst v0  }
0x61: {  	[tilespmem:$0x52E0] =	vst v0  }
0x62: {  	[tilespmem:$0x52F0] =	vst v0  }
0x63: {  	[tilespmem:$0x5300] =	vst v0  }
0x64: {  	[tilespmem:$0x5310] =	vst v0  }
0x65: {  	[tilespmem:$0x5320] =	vst v0  }
0x66: {  	[tilespmem:$0x5330] =	vst v0  }
0x67: {  	[tilespmem:$0x5340] =	vst v0  }
0x68: {  	[tilespmem:$0x5350] =	vst v0  }
0x69: {  	[tilespmem:$0x5360] =	vst v0  }
0x6a: {  	[tilespmem:$0x5370] =	vst v0  }
0x6b: {  	[tilespmem:$0x5380] =	vst v0  }
0x6c: {  	[tilespmem:$0x5390] =	vst v0  }
0x6d: {  	[tilespmem:$0x53A0] =	vst v0  }
0x6e: {  	[tilespmem:$0x53B0] =	vst v0  }
0x6f: {  	[tilespmem:$0x53C0] =	vst v0  }
0x70: {  	[tilespmem:$0x53D0] =	vst v0  }
0x71: {  	[tilespmem:$0x53E0] =	vst v0  }
0x72: {  	[tilespmem:$0x53F0] =	vst v0;
	s8 =	sadd.s32 $0x0, s7  }
0x73: {  	[spmem:s8] =	stream.linear.scatter [tilespmem:s12], [sflag:$0x9], $0x400, $0x38;
	[tilespmem:$0x1F400] =	vst v63  }
0x74: {  	s8 =	simm.s32 $0x1000;
	_ =	swait.ge [sflag:s13], $0x400  }
.LBB2_2:
0x75: {  	s9 =	sshra.s32 s8, $0x2;
	[sflag:s13] =	ssyncset.done $0x0;
	p0 =	sne.s32 s8, $0x27000  }
.Ltmp2:
0x76: {  	s9 =	sadd.s32 s9, s7;
	[sflag:s13] =	ssyncadd.s32 $0xFFFFFC00;
	(pc) =	sbr.rel @p0 .LBB2_2-.Ltmp2, $3  }
0x77: {  	[spmem:s9] =	stream.linear.scatter [tilespmem:s12], [sflag:$0x9], $0x400, $0x38;
	[tilespmem:$0x1F400] =	vst v63  }
0x78: {  	s8 =	sadd.s32 $0x1000, s8;
	_ =	sdelay $0x1  }
0x79: {  	_ =	swait.ge [sflag:s13], $0x400  }
0x7a: {  	[sflag:s13] =	ssyncset.done $0x0  }
0x7b: {  	[sflag:s13] =	ssyncadd.s32 $0xFFFFFC00  }
0x7c: {  	[bflag:$0x0] =	sbarrier.arrive $0xFFFF  }
0x7d: {  	s8 =	simm.s32 $0x0;
	s9 =	rddreg [dreg:$0x3]  }
0x7e: {  	[tilespmem:s8], [sflag:$0x9] =	stream.linear.gather [hbm4b:s9+s8], $0x2800, $0x38;
	[tilespmem:$0x1F400] =	vst v63  }
0x7f: {  	_ =	swait.ge [sflag:s13], $0x2800  }
0x80: {  	[sflag:s13] =	ssyncset.done $0x0  }
0x81: {  	s11 =	simm.s32 $0x2800;
	s20 =	rddreg [dreg:$0x4];
	[sflag:s13] =	ssyncadd.s32 $0xFFFFD800  }
0x82: {  	[tilespmem:s11], [sflag:$0x9] =	stream.linear.gather [hbm4b:s20+s8], $0x2800, $0x38;
	[tilespmem:$0x1F400] =	vst v63  }
0x83: {  	_ =	swait.ge [sflag:s13], $0x2800  }
0x84: {  	[sflag:s13] =	ssyncset.done $0x0  }
0x85: {  	[sflag:s13] =	ssyncadd.s32 $0xFFFFD800  }
0x86: {  	[tilespmem:s16], [sflag:$0x1] =	stream.indirect.gather [hbm4b:s10+s15], $0x40, s8, s15, $0xb8;
	[tilespmem:$0x1F400] =	vst v63  }
0x87: {  	_ = 	snop  }
0x88: {  	[tilespmem:s17], [sflag:$0x2] =	stream.indirect.gather [hbm4b:s10+s15], $0x40, s15, s15, $0xb8;
	[tilespmem:$0x1F400] =	vst v63  }
0x89: {  	s23 =	simm.s32 $0x100  }
0x8a: {  	[tilespmem:s19], [sflag:$0x3] =	stream.indirect.gather [hbm4b:s10+s15], $0x40, s23, s15, $0xb8;
	[tilespmem:$0x1F400] =	vst v63  }
0x8b: {  	s25 =	simm.s32 $0x180  }
0x8c: {  	[tilespmem:s21], [sflag:$0x4] =	stream.indirect.gather [hbm4b:s10+s15], $0x40, s25, s15, $0xb8;
	[tilespmem:$0x1F400] =	vst v63  }
.LBB2_4:
0x8d: {  	_ =	swait.ge [sflag:s22], $0x2000  }
0x8e: {  	s9 =	sshra.s32 s8, $0x2;
	[sflag:s22] =	ssyncset.done $0x0  }
0x8f: {  	p0 =	seq.s32 s8, $0x0;
	s11 =	sadd.s32 $0x2800, s9;
	[sflag:s22] =	ssyncadd.s32 $0xFFFFE000  }
0x90: {  	[spmem:s2] =	stream.indirect.scatter.add.f32 [tilespmem:s16], [sflag:$0x1], $0x40, s11, s15, $0xb8;
	[tilespmem:$0x1F400] =	vst v63  }
0x91: {  	s11 =	simm.s32 @!p0 $0x5  }
0x92: {  	_ =	swait.ge @!p0 [sflag:s11], $0x2000  }
0x93: {  	[sflag:s11] =	ssyncset.done @!p0 $0x0  }
0x94: {  	s20 =	sadd.s32 $0x200, s9;
	[sflag:s11] =	ssyncadd.s32 @!p0 $0xFFFFE000  }
0x95: {  	[tilespmem:s24], [sflag:$0x5] =	stream.indirect.gather [hbm4b:s10+s15], $0x40, s20, s15, $0xb8;
	[tilespmem:$0x1F400] =	vst v63  }
0x96: {  	_ =	swait.ge [sflag:s26], $0x2000  }
0x97: {  	[sflag:s26] =	ssyncset.done $0x0  }
0x98: {  	s23 =	sadd.s32 $0x2880, s9;
	s11 =	simm.s32 @!p0 $0x6;
	[sflag:s26] =	ssyncadd.s32 $0xFFFFE000  }
0x99: {  	[spmem:s2] =	stream.indirect.scatter.add.f32 [tilespmem:s17], [sflag:$0x2], $0x40, s23, s15, $0xb8;
	[tilespmem:$0x1F400] =	vst v63  }
0x9a: {  	_ =	swait.ge @!p0 [sflag:s11], $0x2000  }
0x9b: {  	[sflag:s11] =	ssyncset.done @!p0 $0x0  }
0x9c: {  	s25 =	sadd.s32 $0x280, s9;
	[sflag:s11] =	ssyncadd.s32 @!p0 $0xFFFFE000  }
0x9d: {  	[tilespmem:s28], [sflag:$0x6] =	stream.indirect.gather [hbm4b:s10+s15], $0x40, s25, s15, $0xb8;
	[tilespmem:$0x1F400] =	vst v63  }
0x9e: {  	_ =	swait.ge [sflag:s29], $0x2000  }
0x9f: {  	[sflag:s29] =	ssyncset.done $0x0  }
0xa0: {  	s20 =	sadd.s32 $0x2900, s9;
	s11 =	simm.s32 @!p0 $0x7;
	[sflag:s29] =	ssyncadd.s32 $0xFFFFE000  }
0xa1: {  	[spmem:s2] =	stream.indirect.scatter.add.f32 [tilespmem:s19], [sflag:$0x3], $0x40, s20, s15, $0xb8;
	[tilespmem:$0x1F400] =	vst v63  }
0xa2: {  	_ =	swait.ge @!p0 [sflag:s11], $0x2000  }
0xa3: {  	[sflag:s11] =	ssyncset.done @!p0 $0x0  }
0xa4: {  	s23 =	sadd.s32 $0x300, s9;
	[sflag:s11] =	ssyncadd.s32 @!p0 $0xFFFFE000  }
0xa5: {  	[tilespmem:s30], [sflag:$0x7] =	stream.indirect.gather [hbm4b:s10+s15], $0x40, s23, s15, $0xb8;
	[tilespmem:$0x1F400] =	vst v63  }
0xa6: {  	_ =	swait.ge [sflag:s31], $0x2000  }
0xa7: {  	[sflag:s31] =	ssyncset.done $0x0  }
0xa8: {  	s25 =	sadd.s32 $0x2980, s9;
	s11 =	simm.s32 @!p0 $0x8;
	[sflag:s31] =	ssyncadd.s32 $0xFFFFE000  }
0xa9: {  	[spmem:s2] =	stream.indirect.scatter.add.f32 [tilespmem:s21], [sflag:$0x4], $0x40, s25, s15, $0xb8;
	[tilespmem:$0x1F400] =	vst v63  }
0xaa: {  	_ =	swait.ge @!p0 [sflag:s11], $0x2000  }
0xab: {  	[sflag:s11] =	ssyncset.done @!p0 $0x0  }
0xac: {  	s20 =	sadd.s32 $0x380, s9;
	[sflag:s11] =	ssyncadd.s32 @!p0 $0xFFFFE000  }
0xad: {  	[tilespmem:s0], [sflag:$0x8] =	stream.indirect.gather [hbm4b:s10+s15], $0x40, s20, s15, $0xb8;
	[tilespmem:$0x1F400] =	vst v63  }
0xae: {  	_ =	swait.ge [sflag:s14], $0x2000  }
0xaf: {  	[sflag:s14] =	ssyncset.done $0x0  }
0xb0: {  	s23 =	sadd.s32 $0x2A00, s9;
	[sflag:s14] =	ssyncadd.s32 $0xFFFFE000  }
0xb1: {  	[spmem:s2] =	stream.indirect.scatter.add.f32 [tilespmem:s24], [sflag:$0x5], $0x40, s23, s15, $0xb8;
	[tilespmem:$0x1F400] =	vst v63  }
0xb2: {  	_ =	swait.ge [sflag:s22], $0x2000  }
0xb3: {  	p0 =	seq.s32 s8, $0x9000;
	[sflag:s22] =	ssyncset.done $0x0  }
0xb4: {  	s11 =	simm.s32 @p0 $0x6;
	[sflag:s22] =	ssyncadd.s32 $0xFFFFE000  }
0xb5: {  	_ =	swait.ge @p0 [sflag:s11], $0x2000  }
0xb6: {  	s25 =	simm.s32 @p0 $0xF400;
	[sflag:s11] =	ssyncset.done @p0 $0x0  }
0xb7: {  	s23 =	simm.s32 @p0 $0x4E80;
	[sflag:s11] =	ssyncadd.s32 @p0 $0xFFFFE000;
	s11 =	simm.s32 @p0 $0x80  }
0xb8: {  	[spmem:s2] =	stream.indirect.scatter.add.f32 @p0 [tilespmem:s25], [sflag:$0x6], $0x40, s23, s11, $0xb8;
	[tilespmem:$0x1F400] =	vst v63  }
0xb9: {  	s11 =	simm.s32 @p0 $0x2  }
0xba: {  	_ =	swait.ge @p0 [sflag:s11], $0x2000  }
0xbb: {  	[sflag:s11] =	ssyncset.done @p0 $0x0  }
0xbc: {  	[sflag:s11] =	ssyncadd.s32 @p0 $0xFFFFE000;
	s11 =	sshra.s32 @!p0 s8, $0x2  }
0xbd: {  	s20 =	simm.s32 @!p0 $0x5400;
	s25 =	simm.s32 @!p0 $0x80;
	s23 =	sadd.s32 @!p0 $0x400, s11  }
0xbe: {  	[tilespmem:s20], [sflag:$0x1] =	stream.indirect.gather @!p0 [hbm4b:s10+s25], $0x40, s23, s25, $0xb8;
	[tilespmem:$0x1F400] =	vst v63  }
0xbf: {  	s20 =	simm.s32 @!p0 $0x6  }
0xc0: {  	_ =	swait.ge @!p0 [sflag:s20], $0x2000  }
0xc1: {  	[sflag:s20] =	ssyncset.done @!p0 $0x0  }
0xc2: {  	s23 =	simm.s32 @!p0 $0xF400;
	[sflag:s20] =	ssyncadd.s32 @!p0 $0xFFFFE000;
	s20 =	sadd.s32 @!p0 $0x2A80, s11  }
0xc3: {  	[spmem:s2] =	stream.indirect.scatter.add.f32 @!p0 [tilespmem:s23], [sflag:$0x6], $0x40, s20, s25, $0xb8;
	[tilespmem:$0x1F400] =	vst v63  }
0xc4: {  	p1 =	sne.s32 @!p0 s4, $0x0;
	s20 =	simm.s32 @!p0 $0x2  }
0xc5: {  	p2 =	por !p1, p0;
	_ =	swait.ge @!p0 [sflag:s20], $0x2000  }
0xc6: {  	p1 =	por p1, p0;
	s11 =	sadd.s32 @!p0 $0x480, s11;
	[sflag:s20] =	ssyncset.done @!p0 $0x0  }
0xc7: {  	s23 =	simm.s32 @!p2 $0x7400;
	[sflag:s20] =	ssyncadd.s32 @!p0 $0xFFFFE000;
	s20 =	simm.s32 @!p2 $0x80  }
0xc8: {  	[tilespmem:s23], [sflag:$0x2] =	stream.indirect.gather @!p2 [hbm4b:s6+s20], $0x40, s11, s20, $0xb8;
	[tilespmem:$0x1F400] =	vst v63  }
0xc9: {  	s20 =	simm.s32 @!p1 $0x80;
	s23 =	simm.s32 @!p1 $0x7400  }
0xca: {  	[tilespmem:s23], [sflag:$0x2] =	stream.indirect.gather @!p1 [hbm4b:s5+s20], $0x40, s11, s20, $0xb8;
	[tilespmem:$0x1F400] =	vst v63  }
0xcb: {  	_ =	swait.ge [sflag:s1], $0x2000  }
0xcc: {  	[sflag:s1] =	ssyncset.done $0x0  }
.Ltmp3:
0xcd: {  	s25 =	sadd.s32 $0x2B00, s9;
	[sflag:s1] =	ssyncadd.s32 $0xFFFFE000;
	(pc) =	sbr.rel @p0 .LBB2_6-.Ltmp3, $4  }
0xce: {  	[spmem:s2] =	stream.indirect.scatter.add.f32 [tilespmem:s30], [sflag:$0x7], $0x40, s25, s15, $0xb8;
	[tilespmem:$0x1F400] =	vst v63  }
0xcf: {  	_ =	swait.ge [sflag:s29], $0x2000  }
0xd0: {  	[sflag:s29] =	ssyncset.done $0x0  }
0xd1: {  	[sflag:s29] =	ssyncadd.s32 $0xFFFFE000  }
0xd2: {  	s11 =	sadd.s32 $0x500, s9  }
0xd3: {  	[tilespmem:s19], [sflag:$0x3] =	stream.indirect.gather [hbm4b:s10+s15], $0x40, s11, s15, $0xb8;
	[tilespmem:$0x1F400] =	vst v63  }
0xd4: {  	_ =	swait.ge [sflag:s18], $0x2000  }
0xd5: {  	[sflag:s18] =	ssyncset.done $0x0  }
0xd6: {  	s23 =	sadd.s32 $0x2B80, s9;
	[sflag:s18] =	ssyncadd.s32 $0xFFFFE000  }
0xd7: {  	[spmem:s2] =	stream.indirect.scatter.add.f32 [tilespmem:s0], [sflag:$0x8], $0x40, s23, s15, $0xb8;
	[tilespmem:$0x1F400] =	vst v63  }
.Ltmp4:
0xd8: {  	_ = 	snop;
	(pc) =	sbr.rel .LBB2_4-.Ltmp4, $4  }
0xd9: {  	_ =	swait.ge [sflag:s31], $0x2000  }
0xda: {  	[sflag:s31] =	ssyncset.done $0x0  }
0xdb: {  	s25 =	sadd.s32 $0x580, s9;
	s8 =	sadd.s32 $0x1000, s8;
	[sflag:s31] =	ssyncadd.s32 $0xFFFFE000  }
0xdc: {  	[tilespmem:s21], [sflag:$0x4] =	stream.indirect.gather [hbm4b:s10+s15], $0x40, s25, s15, $0xb8;
	[tilespmem:$0x1F400] =	vst v63  }
.LBB2_7:
0xdd: {  	_ =	sfence.sel $0x180000  }
0xde: {  	[bflag:$0x0] =	sbarrier.arrive $0xFFFF  }
0xdf: {  	_ =	strace $0x9000004A  }
0xe0: {  	s0 =	stileid.u32;
	[bflag:$0x2] =	sbarrier.arrive $0xFFFF  }
0xe1: {  	p0 =	sne.s32 s0, $0x0;
	s0 =	rddreg [dreg:$0x2]  }
0xe2: {  	s0 =	sadd.s32 @!p0 $0x100000, s0  }
0xe3: {  	[sflag:s0] =	ssyncadd.tile.s32 @!p0 $0x1;
	_ =	shalt  }
.Lfunc_end2:
_tile_overlayer_lowered:
.L_overlay_start_2:
0xe4: {  	(tag) =	ssettag $0x2  }
0xe5: {  	s0 =	rddreg [dreg:$0x0];
	s2 =	stileid.u32  }
0xe6: {  	s1 =	rddreg [dreg:$0x1];
	p0 =	sne.s32 s2, $0x0  }
0xe7: {  	s3 =	rddreg [dreg:$0x2];
	[bflag:$0x3] =	sbarrier.arrive $0xFFFF;
	s2 =	simm.s32 @!p0 $0x1C09  }
0xe8: {  	[timem:s3], [sflag:s2] =	dma.local @!p0 [hbm:s0], s1  }
0xe9: {  	s0 =	simm.s32 @!p0 $0x9  }
0xea: {  	_ =	swait.ge @!p0 [sflag:s0], s1  }
0xeb: {  	s1 =	ssub.s32 @!p0 $0x0, s1;
	[sflag:s0] =	ssyncset.done @!p0 $0x0  }
0xec: {  	[sflag:s0] =	ssyncadd.s32 @!p0 s1  }
0xed: {  	[bflag:$0x3] =	sbarrier.arrive $0xFFFF  }
0xee: {  	_ =	shalt  }

// kernel: kernel.18.cloned.1.call-start
scs
__scs_entry_jumppad:
0x0: {  	(pc) =	sbr.rel $0x88, $3  }
0x1: {  	(tag) =	ssettag $0x0;
	lr =	simm.s32 $0x1  }
0x2: {  	[smem:$0x3F9B] =	sst lr;
	_ =	strace $0xD0000000  }
0x3: {  	_ = 	snop  }
0x4: {  	_ = 	snop  }
0x5: {  	_ = 	snop  }
0x6: {  	_ = 	snop  }
0x7: {  	_ = 	snop  }
__scs_overlays_trampoline_lowered:
0x8: {  	[smem:$0x3FAA] =	sst s0  }
0x9: {  	[smem:$0x3FAB] =	sst s1  }
0xa: {  	[smem:$0x3FAC] =	sst s2  }
0xb: {  	[smem:$0x3FAD] =	sst s3  }
0xc: {  	[smem:$0x3FAE] =	sst s4  }
0xd: {  	[smem:$0x3FAF] =	sst s5  }
0xe: {  	[smem:$0x3FB0] =	sst s6  }
0xf: {  	[smem:$0x3FB1] =	sst s7  }
0x10: {  	[smem:$0x3FB2] =	sst s8  }
0x11: {  	[smem:$0x3FB3] =	sst s9;
	s0 =	simm.s32 @!p0 $0x0  }
0x12: {  	s1 =	sld [smem:$0x3F99];
	s0 =	simm.s32 @p0 $0x1  }
0x13: {  	[smem:$0x3FB4] =	sst s0;
	s0 =	simm.s32 @!p1 $0x0  }
0x14: {  	s2 =	sld [smem:$0x3F98];
	s0 =	simm.s32 @p1 $0x1  }
0x15: {  	[smem:$0x3FB5] =	sst s0;
	s0 =	simm.s32 @!p2 $0x0  }
0x16: {  	s3 =	sld [smem:$0x3FDB];
	s0 =	simm.s32 @p2 $0x1  }
0x17: {  	s4 =	simm.s32 $0x1BF5;
	[smem:$0x3FB7] =	sst s0  }
0x18: {  	s0 =	sld [smem:$0x3F9A];
	_ =	swait.ge [sflag:s4], $0x0  }
0x19: {  	s7 =	sld [smem:$0x3F9B]  }
0x1a: {  	s8 =	sadd.s32 $0xFFFFE003, lr  }
0x1b: {  	s9 =	sadd.s32 $0xFFFFFEF7, lr;
	s5 =	simm.s32 $0xFFFFFFFF;
	p2 =	slt.u32 s8, $0xFFFFF086  }
0x1c: {  	p1 =	slt.u32 s9, $0xF7A;
	s5 =	simm.s32 @!p2 $0x0  }
0x1d: {  	s5 =	simm.s32 @p1 $0x1;
	p0 =	seq.s32 s7, s2  }
0x1e: {  	s7 =	smul.u32 @!p0 $0xF7A, s2;
	p2 =	seq.s32 @!p0 s5, $0x0  }
0x1f: {  	s9 =	smul.u32 $0xF7A, s1;
	s8 =	simm.s32 @!p0 $0x1BF5;
	p2 =	por !p2, p0  }
0x20: {  	[sflag:s8] =	ssyncset.s32 @!p0 $0xFFFFF086;
	s6 =	sadd.s32 @!p0 s3, s7;
	s7 =	simm.s32 @!p0 $0x108  }
0x21: {  	s3 =	sadd.s32 s3, s9;
	s6 =	sadd.s32 @!p0 $0x88, s6;
	s7 =	simm.s32 @p2 $0x1082  }
0x22: {  	[simem:s7], [sflag:s8] =	dma.local @!p0 [hbm:s6], $0xF7A  }
0x23: {  	s9 =	sor.u32 $0xD0000000, s2;
	s6 =	simm.s32 $0x108;
	_ =	swait.ge @!p0 [sflag:s8], $0x0  }
0x24: {  	s3 =	sadd.s32 $0x88, s3;
	s6 =	simm.s32 @!p1 $0x1082;
	[sflag:s4] =	ssyncset.s32 $0xFFFFF086  }
0x25: {  	[simem:s6], [sflag:s4] =	dma.local [hbm:s3], $0xF7A  }
0x26: {  	[smem:$0x3F9B] =	sst s1;
	(tag) =	ssettag s2;
	_ =	strace s9  }
0x27: {  	s1 =	sld [smem:$0x3FAB]  }
0x28: {  	s2 =	sld [smem:$0x3FAC]  }
0x29: {  	s4 =	sld [smem:$0x3FAE]  }
0x2a: {  	p0 =	seq.s32 s5, $0x0;
	s5 =	sld [smem:$0x3FAF]  }
0x2b: {  	s6 =	sld [smem:$0x3FB0]  }
0x2c: {  	s7 =	sld [smem:$0x3FB1]  }
0x2d: {  	s3 =	simm.s32 $0x108;
	s8 =	sld [smem:$0x3FB2]  }
0x2e: {  	s3 =	simm.s32 @!p0 $0x1082;
	s9 =	sld [smem:$0x3FB3]  }
0x2f: {  	lr =	sadd.s32 s0, s3;
	s0 =	sld [smem:$0x3FAA]  }
0x30: {  	s3 =	sld [smem:$0x3FAD]  }
0x31: {  	[smem:$0x3FB6] =	sst s10  }
0x32: {  	s10 =	sld [smem:$0x3FB4];
	_ =	sdelay $0x3  }
0x33: {  	p0 =	seq.s32 s10, $0x1;
	s10 =	sld [smem:$0x3FB6];
	_ =	sdelay $0x3  }
0x34: {  	[smem:$0x3FB6] =	sst s10  }
0x35: {  	s10 =	sld [smem:$0x3FB5];
	_ =	sdelay $0x3  }
0x36: {  	p1 =	seq.s32 s10, $0x1;
	s10 =	sld [smem:$0x3FB6];
	_ =	sdelay $0x3  }
0x37: {  	[smem:$0x3FB6] =	sst s10  }
0x38: {  	s10 =	sld [smem:$0x3FB7]  }
0x39: {  	_ = 	snop;
	(pc) =	sbr.ind lr, $3  }
0x3a: {  	_ = 	snop  }
0x3b: {  	_ = 	snop  }
0x3c: {  	p2 =	seq.s32 s10, $0x1;
	s10 =	sld [smem:$0x3FB6]  }
0x3d: {  	_ =	shalt  }
0x3e: {  	_ =	shalt  }
0x3f: {  	_ =	shalt  }
0x40: {  	_ =	shalt  }
0x41: {  	_ =	shalt  }
0x42: {  	_ =	shalt  }
0x43: {  	_ =	shalt  }
0x44: {  	_ =	shalt  }
0x45: {  	_ =	shalt  }
0x46: {  	_ =	shalt  }
0x47: {  	_ =	shalt  }
0x48: {  	_ =	shalt  }
0x49: {  	_ =	shalt  }
0x4a: {  	_ =	shalt  }
0x4b: {  	_ =	shalt  }
0x4c: {  	_ =	shalt  }
0x4d: {  	_ =	shalt  }
0x4e: {  	_ =	shalt  }
0x4f: {  	_ =	shalt  }
0x50: {  	_ =	shalt  }
0x51: {  	_ =	shalt  }
0x52: {  	_ =	shalt  }
0x53: {  	_ =	shalt  }
0x54: {  	_ =	shalt  }
0x55: {  	_ =	shalt  }
0x56: {  	_ =	shalt  }
0x57: {  	_ =	shalt  }
0x58: {  	_ =	shalt  }
0x59: {  	_ =	shalt  }
0x5a: {  	_ =	shalt  }
0x5b: {  	_ =	shalt  }
0x5c: {  	_ =	shalt  }
0x5d: {  	_ =	shalt  }
0x5e: {  	_ =	shalt  }
0x5f: {  	_ =	shalt  }
0x60: {  	_ =	shalt  }
0x61: {  	_ =	shalt  }
0x62: {  	_ =	shalt  }
0x63: {  	_ =	shalt  }
0x64: {  	_ =	shalt  }
0x65: {  	_ =	shalt  }
0x66: {  	_ =	shalt  }
0x67: {  	_ =	shalt  }
0x68: {  	_ =	shalt  }
0x69: {  	_ =	shalt  }
0x6a: {  	_ =	shalt  }
0x6b: {  	_ =	shalt  }
0x6c: {  	_ =	shalt  }
0x6d: {  	_ =	shalt  }
0x6e: {  	_ =	shalt  }
0x6f: {  	_ =	shalt  }
0x70: {  	_ =	shalt  }
0x71: {  	_ =	shalt  }
0x72: {  	_ =	shalt  }
0x73: {  	_ =	shalt  }
0x74: {  	_ =	shalt  }
0x75: {  	_ =	shalt  }
0x76: {  	_ =	shalt  }
0x77: {  	_ =	shalt  }
0x78: {  	_ =	shalt  }
0x79: {  	_ =	shalt  }
0x7a: {  	_ =	shalt  }
0x7b: {  	_ =	shalt  }
0x7c: {  	_ =	shalt  }
0x7d: {  	_ =	shalt  }
0x7e: {  	_ =	shalt  }
0x7f: {  	_ =	shalt  }
0x80: {  	_ =	shalt  }
0x81: {  	_ =	shalt  }
0x82: {  	_ =	shalt  }
0x83: {  	_ =	shalt  }
0x84: {  	_ =	shalt  }
0x85: {  	_ =	shalt  }
0x86: {  	_ =	shalt  }
0x87: {  	_ =	shalt  }
.Lfunc_end0:
.L_simem_size_0:
called_computation.3_lowered:
.L_overlay_start_0:
0x88: {  	s2 =	sld [smem:$0x3FD9]  }
0x89: {  	s3 =	sld [smem:$0x3FFE];
	_ =	sdelay $0x1  }
0x8a: {  	s1 =	srdreg.scid  }
0x8b: {  	s0 =	sand.u32 $0x1, s1  }
0x8c: {  	s17 =	sshll.u32 s0, $0xA;
	s2 =	sadd.s32 s3, s2  }
0x8d: {  	s2 =	sadd.s32 s2, s17  }
0x8e: {  	[smem:$0x3FC2] =	sst s2  }
0x8f: {  	_ = 	snop  }
0x90: {  	s2 =	sld [smem:$0x3FD0];
	(tm) =	ssettm $0x1  }
0x91: {  	s18 =	sld [smem:$0x3FFB];
	_ =	sdelay $0x3  }
0x92: {  	_ =	strace s18  }
0x93: {  	s3 =	sld [smem:$0x3FFC];
	_ =	sdelay $0x3  }
0x94: {  	_ =	strace s3  }
0x95: {  	s3 =	sld [smem:$0x3FFD];
	_ =	sdelay $0x3  }
0x96: {  	_ =	strace s3  }
0x97: {  	_ =	strace $0x8FFFFFFF  }
0x98: {  	s19 =	sld [smem:$0x3FDB];
	_ =	sdelay $0x1  }
0x99: {  	s4 =	simm.s32 $_scs_section_size  }
0x9a: {  	s5 =	simm.s32 $_size__tile_overlayer_lowered;
	s6 =	simm.s32 $_tile_overlayer_lowered  }
0x9b: {  	s22 =	simm.s32 $0x1BFF;
	s21 =	sshll.u32 s6, $0x1;
	s3 =	sadd.s32 s4, s19  }
0x9c: {  	s7 =	simm.s32 $0x0;
	s20 =	sshll.u32 s5, $0x1;
	s5 =	sadd.s32 s21, s3  }
0x9d: {  	[timem:s7], [sflag:s22] =	dma.local [hbm:s5], s20  }
0x9e: {  	_ =	swait.ge [sflag:s22], s20  }
0x9f: {  	s4 =	ssub.s32 $0x0, s20;
	[sflag:s22] =	ssyncset.done $0x0  }
0xa0: {  	[sflag:s22] =	ssyncadd.s32 s4;
	_ =	sdelay $0x1  }
0xa1: {  	s23 =	simm.s32 $0x1B8B  }
0xa2: {  	_ =	swait.ge [sflag:s23], $0x1  }
0xa3: {  	[sflag:s23] =	ssyncset.done $0x0  }
0xa4: {  	s25 =	simm.s32 $0x1B8E;
	s24 =	sld [smem:$0x3FFE];
	[sflag:s23] =	ssyncadd.s32 $0xFFFFFFFF  }
0xa5: {  	s26 =	simm.s32 $execute0_lowered;
	[smem:$0x3FD2] =	sst s25  }
0xa6: {  	s5 =	sshll.u32 s26, $0x1;
	_ =	strace $0x8000004F;
	[dreg:$0x1] =	wrdreg $0xFFFFFFFF  }
0xa7: {  	s28 =	simm.s32 $_size_execute0_lowered;
	s3 =	sadd.s32 s3, s5;
	[dreg:$0x0] =	wrdreg $0x0  }
0xa8: {  	s5 =	sshll.u32 s28, $0x1;
	[dreg:$0x2] =	wrdreg s3  }
0xa9: {  	[dreg:$0x3] =	wrdreg s5  }
0xaa: {  	[dreg:$0x4] =	wrdreg $0xC0  }
0xab: {  	_ =	task [dreg:s7], $0x5FFFF  }
0xac: {  	[dreg:$0x1] =	wrdreg $0xFFFFFFFF  }
0xad: {  	[dreg:$0x0] =	wrdreg $0x60  }
0xae: {  	[dreg:$0x2] =	wrdreg s2  }
0xaf: {  	[dreg:$0x3] =	wrdreg s24  }
0xb0: {  	[dreg:$0x4] =	wrdreg $0xD2000  }
0xb1: {  	[dreg:$0x5] =	wrdreg $0x9  }
0xb2: {  	_ =	task.clear_ibuf [dreg:s7], $0x6FFFF;
	_ =	strace $0x9000004F  }
0xb3: {  	s29 =	simm.s32 $0x9;
	_ =	strace $0x80000051  }
0xb4: {  	_ =	swait.ge [sflag:s29], $0x1  }
0xb5: {  	[sflag:s29] =	ssyncadd.s32 $0xFFFFFFFF  }
0xb6: {  	_ =	strace $0x90000051  }
0xb7: {  	_ =	sfence  }
0xb8: {  	s30 =	sld [smem:$0x0];
	_ =	sdelay $0x2  }
0xb9: {  	s31 =	sshll.u32 s1, $0xD;
	s1 =	sshrl.u32 s1, $0x2  }
0xba: {  	s3 =	sand.u32 $0x4000, s31;
	s1 =	sadd.s32 s1, s30  }
0xbb: {  	s0 =	sor.u32 s3, s0;
	s1 =	sshll.u32 s1, $0x11  }
0xbc: {  	s0 =	sor.u32 s1, s0  }
0xbd: {  	s0 =	sadd.s32 $0x8F2B, s0  }
0xbe: {  	[sflag:s0] =	ssyncadd.remote.s32 $0x1  }
0xbf: {  	_ =	sfence.sel $0xFFFF  }
0xc0: {  	[dreg:$0x0] =	wrdreg $0xFFFFFFFF;
	(pc) =	sbr.abs _section_cstart, $3  }
0xc1: {  	[dreg:$0x1] =	wrdreg $0xFFFFFFFF  }
0xc2: {  	_ =	task.clear_ibuf [dreg:s7], $0x2FFFF;
	_ =	strace $0x9FFFFFFF  }
0xc3: {  	(tm) =	ssettm $0x7FFFFFFF  }
tec
execute0_lowered:
.L_overlay_start_1:
0x0: {  	(tag) =	ssettag $0x1  }
0x1: {  	s2 =	rddreg [dreg:$0x0]  }
0x2: {  	s0 =	rddreg [dreg:$0x1]  }
0x3: {  	s3 =	rddreg [dreg:$0x2]  }
0x4: {  	s10 =	stileid.u32;
	s1 =	srdreg.scid  }
0x5: {  	s4 =	simm.s32 $0x0;
	s12 =	simm.s32 $0x5000;
	s13 =	simm.s32 $0x9  }
0x6: {  	s15 =	simm.s32 $0x80;
	s16 =	simm.s32 $0x5200;
	s17 =	simm.s32 $0x6200  }
0x7: {  	s19 =	simm.s32 $0x7200;
	s28 =	simm.s32 $0xA200;
	s29 =	simm.s32 $0x3  }
0x8: {  	s30 =	simm.s32 $0xB200;
	s31 =	simm.s32 $0x4;
	s7 =	smul.u32 $0x500, s10  }
0x9: {  	s14 =	simm.s32 $0x7;
	s18 =	simm.s32 $0x8;
	s8 =	smul.u32 $0x14000, s10  }
0xa: {  	s5 =	sand.u32 $0x1, s1;
	[smem:$0x7FF] =	sst s4;
	s23 =	smul.u32 $0x5000, s10  }
0xb: {  	s6 =	sadd.s32 $0xBA00, s0;
	s1 =	smul.u32 $0xA000, s5;
	_ =	strace $0x80000050  }
0xc: {  	s21 =	ssub.s32 $0x2, s5;
	p0 =	seq.s32 s5, $0x0;
	s10 =	smov.u32 s6  }
0xd: {  	s9 =	sadd.s32 s7, s0;
	s22 =	sshrl.u32 s21, $0x1;
	s8 =	sshrl.u32 s8, $0x2  }
0xe: {  	s25 =	sshrl.u32 s23, $0x3;
	s10 =	smov.u32 @p0 s2;
	s0 =	sadd.s32 s1, s0  }
0xf: {  	s1 =	ssub.s32 s21, s22;
	s7 =	sadd.s32 s8, s3;
	s24 =	sadd.s32 $0x6A00, s9  }
0x10: {  	s9 =	sadd.s32 $0x1A00, s9;
	s8 =	sadd.s32 s23, s3;
	s21 =	simm.s32 $0x8200  }
.Ltmp0:
0x11: {  	s22 =	simm.s32 $0x1;
	[dreg:$0x4] =	wrdreg s24;
	(pc) =	sbr.rel .LBB2_1-.Ltmp0, $4  }
0x12: {  	[dreg:$0x5] =	wrdreg s9;
	s0 =	sadd.s32 $0x15A00, s0;
	s1 =	smax.u32 s1, $0x1  }
0x13: {  	s24 =	simm.s32 $0x9200;
	s26 =	sshrl.u32 s8, $0x3;
	[dreg:$0x6] =	wrdreg s1  }
0x14: {  	s0 =	sadd.s32 s25, s0;
	[dreg:$0x8] =	wrdreg s26;
	s26 =	simm.s32 $0x2  }
0x15: {  	v0 =	vimm.f32 $0.0e+00;
	s1 =	simm.s32 $0x5;
	[dreg:$0x7] =	wrdreg s0;
	s0 =	simm.s32 $0xC200  }
.LBB2_6:
0x16: {  	_ =	swait.ge [sflag:s18], $0x1000  }
0x17: {  	[sflag:s18] =	ssyncset.done $0x0  }
0x18: {  	s8 =	simm.s32 $0x4F80;
	[sflag:s18] =	ssyncadd.s32 $0xFFFFF000  }
0x19: {  	[spmem:s3] =	stream.indirect.scatter.add.f32 [tilespmem:s0], [sflag:$0x8], $0x20, s8, s15, $0xb8;
	[tilespmem:$0x12200] =	vst v63  }
0x1a: {  	_ =	swait.ge [sflag:s31], $0x1000  }
0x1b: {  	[sflag:s31] =	ssyncset.done $0x0  }
0x1c: {  	[sflag:s31] =	ssyncadd.s32 $0xFFFFF000  }
0x1d: {  	_ =	swait.ge [sflag:s1], $0x1000  }
0x1e: {  	[sflag:s1] =	ssyncset.done $0x0  }
0x1f: {  	s20 =	simm.s32 $0x6;
	[sflag:s1] =	ssyncadd.s32 $0xFFFFF000  }
0x20: {  	_ =	swait.ge [sflag:s20], $0x1000  }
0x21: {  	[sflag:s20] =	ssyncset.done $0x0  }
0x22: {  	[sflag:s20] =	ssyncadd.s32 $0xFFFFF000  }
0x23: {  	_ =	swait.ge [sflag:s14], $0x1000  }
0x24: {  	[sflag:s14] =	ssyncset.done $0x0  }
0x25: {  	[sflag:s14] =	ssyncadd.s32 $0xFFFFF000  }
0x26: {  	_ =	swait.ge [sflag:s18], $0x1000  }
0x27: {  	[sflag:s18] =	ssyncset.done $0x0  }
0x28: {  	[sflag:s18] =	ssyncadd.s32 $0xFFFFF000  }
0x29: {  	s23 =	stileid.u32;
	[bflag:$0x0] =	sbarrier.arrive $0xFFFF  }
0x2a: {  	s8 =	sshll.u32 s23, $0x6;
	s9 =	rddreg [dreg:$0x7]  }
0x2b: {  	s8 =	sor.u32 $0x1C09, s8;
	s11 =	rddreg [dreg:$0x8]  }
0x2c: {  	[hbm:s9], [sflag:s8] =	dma.local [spmem:s11], $0xA00  }
0x2d: {  	_ =	swait.ge [sflag:s13], $0xA00  }
0x2e: {  	s4 =	sadd.s32 $0x1, s4;
	s25 =	rddreg [dreg:$0x6]  }
0x2f: {  	p0 =	sne.s32 s4, s25  }
.Ltmp1:
0x30: {  	_ = 	snop;
	(pc) =	sbr.rel @!p0 .LBB2_7-.Ltmp1, $3  }
0x31: {  	_ =	sdelay $0x1  }
0x32: {  	[sflag:s13] =	ssyncset.done $0x0  }
0x33: {  	[sflag:s13] =	ssyncadd.s32 $0xFFFFF600  }
.LBB2_1:
0x34: {  	[tilespmem:$0x5000] =	vst v0  }
0x35: {  	[tilespmem:$0x5010] =	vst v0  }
0x36: {  	[tilespmem:$0x5020] =	vst v0  }
0x37: {  	[tilespmem:$0x5030] =	vst v0  }
0x38: {  	[tilespmem:$0x5040] =	vst v0  }
0x39: {  	[tilespmem:$0x5050] =	vst v0  }
0x3a: {  	[tilespmem:$0x5060] =	vst v0  }
0x3b: {  	[tilespmem:$0x5070] =	vst v0  }
0x3c: {  	[tilespmem:$0x5080] =	vst v0  }
0x3d: {  	[tilespmem:$0x5090] =	vst v0  }
0x3e: {  	[tilespmem:$0x50A0] =	vst v0  }
0x3f: {  	[tilespmem:$0x50B0] =	vst v0  }
0x40: {  	[tilespmem:$0x50C0] =	vst v0  }
0x41: {  	[tilespmem:$0x50D0] =	vst v0  }
0x42: {  	[tilespmem:$0x50E0] =	vst v0  }
0x43: {  	[tilespmem:$0x50F0] =	vst v0  }
0x44: {  	[tilespmem:$0x5100] =	vst v0  }
0x45: {  	[tilespmem:$0x5110] =	vst v0  }
0x46: {  	[tilespmem:$0x5120] =	vst v0  }
0x47: {  	[tilespmem:$0x5130] =	vst v0  }
0x48: {  	[tilespmem:$0x5140] =	vst v0  }
0x49: {  	[tilespmem:$0x5150] =	vst v0  }
0x4a: {  	[tilespmem:$0x5160] =	vst v0  }
0x4b: {  	[tilespmem:$0x5170] =	vst v0  }
0x4c: {  	[tilespmem:$0x5180] =	vst v0  }
0x4d: {  	[tilespmem:$0x5190] =	vst v0  }
0x4e: {  	[tilespmem:$0x51A0] =	vst v0  }
0x4f: {  	[tilespmem:$0x51B0] =	vst v0  }
0x50: {  	[tilespmem:$0x51C0] =	vst v0  }
0x51: {  	[tilespmem:$0x51D0] =	vst v0  }
0x52: {  	[tilespmem:$0x51E0] =	vst v0  }
0x53: {  	[tilespmem:$0x51F0] =	vst v0;
	s8 =	sadd.s32 $0x0, s7  }
0x54: {  	[spmem:s8] =	stream.linear.scatter [tilespmem:s12], [sflag:$0x9], $0x200, $0x38;
	[tilespmem:$0x12200] =	vst v63  }
0x55: {  	s8 =	simm.s32 $0x800;
	_ =	swait.ge [sflag:s13], $0x200  }
.LBB2_2:
0x56: {  	s9 =	sshra.s32 s8, $0x2;
	[sflag:s13] =	ssyncset.done $0x0;
	p0 =	sne.s32 s8, $0x13800  }
.Ltmp2:
0x57: {  	s9 =	sadd.s32 s9, s7;
	[sflag:s13] =	ssyncadd.s32 $0xFFFFFE00;
	(pc) =	sbr.rel @p0 .LBB2_2-.Ltmp2, $3  }
0x58: {  	[spmem:s9] =	stream.linear.scatter [tilespmem:s12], [sflag:$0x9], $0x200, $0x38;
	[tilespmem:$0x12200] =	vst v63  }
0x59: {  	s8 =	sadd.s32 $0x800, s8;
	_ =	sdelay $0x1  }
0x5a: {  	_ =	swait.ge [sflag:s13], $0x200  }
0x5b: {  	[sflag:s13] =	ssyncset.done $0x0  }
0x5c: {  	[sflag:s13] =	ssyncadd.s32 $0xFFFFFE00  }
0x5d: {  	[bflag:$0x0] =	sbarrier.arrive $0xFFFF  }
0x5e: {  	s8 =	simm.s32 $0x0;
	s9 =	rddreg [dreg:$0x4]  }
0x5f: {  	[tilespmem:s8], [sflag:$0x9] =	stream.linear.gather [hbm4b:s9+s8], $0x2800, $0x38;
	[tilespmem:$0x12200] =	vst v63  }
0x60: {  	_ =	swait.ge [sflag:s13], $0x2800  }
0x61: {  	[sflag:s13] =	ssyncset.done $0x0  }
0x62: {  	s11 =	simm.s32 $0x2800;
	s20 =	rddreg [dreg:$0x5];
	[sflag:s13] =	ssyncadd.s32 $0xFFFFD800  }
0x63: {  	[tilespmem:s11], [sflag:$0x9] =	stream.linear.gather [hbm4b:s20+s8], $0x2800, $0x38;
	[tilespmem:$0x12200] =	vst v63  }
0x64: {  	_ =	swait.ge [sflag:s13], $0x2800  }
0x65: {  	[sflag:s13] =	ssyncset.done $0x0  }
0x66: {  	[sflag:s13] =	ssyncadd.s32 $0xFFFFD800  }
0x67: {  	[tilespmem:s16], [sflag:$0x1] =	stream.indirect.gather [hbm4b:s10+s15], $0x20, s8, s15, $0xb8;
	[tilespmem:$0x12200] =	vst v63  }
0x68: {  	_ = 	snop  }
0x69: {  	[tilespmem:s17], [sflag:$0x2] =	stream.indirect.gather [hbm4b:s10+s15], $0x20, s15, s15, $0xb8;
	[tilespmem:$0x12200] =	vst v63  }
0x6a: {  	s23 =	simm.s32 $0x100  }
0x6b: {  	[tilespmem:s19], [sflag:$0x3] =	stream.indirect.gather [hbm4b:s10+s15], $0x20, s23, s15, $0xb8;
	[tilespmem:$0x12200] =	vst v63  }
0x6c: {  	s25 =	simm.s32 $0x180  }
0x6d: {  	[tilespmem:s21], [sflag:$0x4] =	stream.indirect.gather [hbm4b:s10+s15], $0x20, s25, s15, $0xb8;
	[tilespmem:$0x12200] =	vst v63  }
.LBB2_4:
0x6e: {  	_ =	swait.ge [sflag:s22], $0x1000  }
0x6f: {  	s9 =	sshra.s32 s8, $0x2;
	[sflag:s22] =	ssyncset.done $0x0  }
0x70: {  	p0 =	seq.s32 s8, $0x0;
	s11 =	sadd.s32 $0x2800, s9;
	[sflag:s22] =	ssyncadd.s32 $0xFFFFF000  }
0x71: {  	[spmem:s3] =	stream.indirect.scatter.add.f32 [tilespmem:s16], [sflag:$0x1], $0x20, s11, s15, $0xb8;
	[tilespmem:$0x12200] =	vst v63  }
0x72: {  	s11 =	simm.s32 @!p0 $0x5  }
0x73: {  	_ =	swait.ge @!p0 [sflag:s11], $0x1000  }
0x74: {  	[sflag:s11] =	ssyncset.done @!p0 $0x0  }
0x75: {  	s20 =	sadd.s32 $0x200, s9;
	[sflag:s11] =	ssyncadd.s32 @!p0 $0xFFFFF000  }
0x76: {  	[tilespmem:s24], [sflag:$0x5] =	stream.indirect.gather [hbm4b:s10+s15], $0x20, s20, s15, $0xb8;
	[tilespmem:$0x12200] =	vst v63  }
0x77: {  	_ =	swait.ge [sflag:s26], $0x1000  }
0x78: {  	[sflag:s26] =	ssyncset.done $0x0  }
0x79: {  	s23 =	sadd.s32 $0x2880, s9;
	s11 =	simm.s32 @!p0 $0x6;
	[sflag:s26] =	ssyncadd.s32 $0xFFFFF000  }
0x7a: {  	[spmem:s3] =	stream.indirect.scatter.add.f32 [tilespmem:s17], [sflag:$0x2], $0x20, s23, s15, $0xb8;
	[tilespmem:$0x12200] =	vst v63  }
0x7b: {  	_ =	swait.ge @!p0 [sflag:s11], $0x1000  }
0x7c: {  	[sflag:s11] =	ssyncset.done @!p0 $0x0  }
0x7d: {  	s25 =	sadd.s32 $0x280, s9;
	[sflag:s11] =	ssyncadd.s32 @!p0 $0xFFFFF000  }
0x7e: {  	[tilespmem:s28], [sflag:$0x6] =	stream.indirect.gather [hbm4b:s10+s15], $0x20, s25, s15, $0xb8;
	[tilespmem:$0x12200] =	vst v63  }
0x7f: {  	_ =	swait.ge [sflag:s29], $0x1000  }
0x80: {  	[sflag:s29] =	ssyncset.done $0x0  }
0x81: {  	s20 =	sadd.s32 $0x2900, s9;
	s11 =	simm.s32 @!p0 $0x7;
	[sflag:s29] =	ssyncadd.s32 $0xFFFFF000  }
0x82: {  	[spmem:s3] =	stream.indirect.scatter.add.f32 [tilespmem:s19], [sflag:$0x3], $0x20, s20, s15, $0xb8;
	[tilespmem:$0x12200] =	vst v63  }
0x83: {  	_ =	swait.ge @!p0 [sflag:s11], $0x1000  }
0x84: {  	[sflag:s11] =	ssyncset.done @!p0 $0x0  }
0x85: {  	s23 =	sadd.s32 $0x300, s9;
	[sflag:s11] =	ssyncadd.s32 @!p0 $0xFFFFF000  }
0x86: {  	[tilespmem:s30], [sflag:$0x7] =	stream.indirect.gather [hbm4b:s10+s15], $0x20, s23, s15, $0xb8;
	[tilespmem:$0x12200] =	vst v63  }
0x87: {  	_ =	swait.ge [sflag:s31], $0x1000  }
0x88: {  	[sflag:s31] =	ssyncset.done $0x0  }
0x89: {  	s25 =	sadd.s32 $0x2980, s9;
	s11 =	simm.s32 @!p0 $0x8;
	[sflag:s31] =	ssyncadd.s32 $0xFFFFF000  }
0x8a: {  	[spmem:s3] =	stream.indirect.scatter.add.f32 [tilespmem:s21], [sflag:$0x4], $0x20, s25, s15, $0xb8;
	[tilespmem:$0x12200] =	vst v63  }
0x8b: {  	_ =	swait.ge @!p0 [sflag:s11], $0x1000  }
0x8c: {  	[sflag:s11] =	ssyncset.done @!p0 $0x0  }
0x8d: {  	s20 =	sadd.s32 $0x380, s9;
	[sflag:s11] =	ssyncadd.s32 @!p0 $0xFFFFF000  }
0x8e: {  	[tilespmem:s0], [sflag:$0x8] =	stream.indirect.gather [hbm4b:s10+s15], $0x20, s20, s15, $0xb8;
	[tilespmem:$0x12200] =	vst v63  }
0x8f: {  	_ =	swait.ge [sflag:s1], $0x1000  }
0x90: {  	[sflag:s1] =	ssyncset.done $0x0  }
0x91: {  	s23 =	sadd.s32 $0x2A00, s9;
	[sflag:s1] =	ssyncadd.s32 $0xFFFFF000  }
0x92: {  	[spmem:s3] =	stream.indirect.scatter.add.f32 [tilespmem:s24], [sflag:$0x5], $0x20, s23, s15, $0xb8;
	[tilespmem:$0x12200] =	vst v63  }
0x93: {  	_ =	swait.ge [sflag:s22], $0x1000  }
0x94: {  	p0 =	seq.s32 s8, $0x9000;
	[sflag:s22] =	ssyncset.done $0x0  }
0x95: {  	s11 =	simm.s32 @p0 $0x6;
	[sflag:s22] =	ssyncadd.s32 $0xFFFFF000  }
0x96: {  	_ =	swait.ge @p0 [sflag:s11], $0x1000  }
0x97: {  	s25 =	simm.s32 @p0 $0xA200;
	[sflag:s11] =	ssyncset.done @p0 $0x0  }
0x98: {  	s23 =	simm.s32 @p0 $0x4E80;
	[sflag:s11] =	ssyncadd.s32 @p0 $0xFFFFF000;
	s11 =	simm.s32 @p0 $0x80  }
0x99: {  	[spmem:s3] =	stream.indirect.scatter.add.f32 @p0 [tilespmem:s25], [sflag:$0x6], $0x20, s23, s11, $0xb8;
	[tilespmem:$0x12200] =	vst v63  }
0x9a: {  	s11 =	simm.s32 @p0 $0x2  }
0x9b: {  	_ =	swait.ge @p0 [sflag:s11], $0x1000  }
0x9c: {  	[sflag:s11] =	ssyncset.done @p0 $0x0  }
0x9d: {  	[sflag:s11] =	ssyncadd.s32 @p0 $0xFFFFF000;
	s11 =	sshra.s32 @!p0 s8, $0x2  }
0x9e: {  	s20 =	simm.s32 @!p0 $0x5200;
	s25 =	simm.s32 @!p0 $0x80;
	s23 =	sadd.s32 @!p0 $0x400, s11  }
0x9f: {  	[tilespmem:s20], [sflag:$0x1] =	stream.indirect.gather @!p0 [hbm4b:s10+s25], $0x20, s23, s25, $0xb8;
	[tilespmem:$0x12200] =	vst v63  }
0xa0: {  	s20 =	simm.s32 @!p0 $0x6  }
0xa1: {  	_ =	swait.ge @!p0 [sflag:s20], $0x1000  }
0xa2: {  	[sflag:s20] =	ssyncset.done @!p0 $0x0  }
0xa3: {  	s23 =	simm.s32 @!p0 $0xA200;
	[sflag:s20] =	ssyncadd.s32 @!p0 $0xFFFFF000;
	s20 =	sadd.s32 @!p0 $0x2A80, s11  }
0xa4: {  	[spmem:s3] =	stream.indirect.scatter.add.f32 @!p0 [tilespmem:s23], [sflag:$0x6], $0x20, s20, s25, $0xb8;
	[tilespmem:$0x12200] =	vst v63  }
0xa5: {  	p1 =	sne.s32 @!p0 s5, $0x0;
	s20 =	simm.s32 @!p0 $0x2  }
0xa6: {  	p2 =	por !p1, p0;
	_ =	swait.ge @!p0 [sflag:s20], $0x1000  }
0xa7: {  	p1 =	por p1, p0;
	s11 =	sadd.s32 @!p0 $0x480, s11;
	[sflag:s20] =	ssyncset.done @!p0 $0x0  }
0xa8: {  	s23 =	simm.s32 @!p2 $0x6200;
	[sflag:s20] =	ssyncadd.s32 @!p0 $0xFFFFF000;
	s20 =	simm.s32 @!p2 $0x80  }
0xa9: {  	[tilespmem:s23], [sflag:$0x2] =	stream.indirect.gather @!p2 [hbm4b:s6+s20], $0x20, s11, s20, $0xb8;
	[tilespmem:$0x12200] =	vst v63  }
0xaa: {  	s20 =	simm.s32 @!p1 $0x80;
	s23 =	simm.s32 @!p1 $0x6200  }
0xab: {  	[tilespmem:s23], [sflag:$0x2] =	stream.indirect.gather @!p1 [hbm4b:s2+s20], $0x20, s11, s20, $0xb8;
	[tilespmem:$0x12200] =	vst v63  }
0xac: {  	_ =	swait.ge [sflag:s14], $0x1000  }
0xad: {  	[sflag:s14] =	ssyncset.done $0x0  }
.Ltmp3:
0xae: {  	s25 =	sadd.s32 $0x2B00, s9;
	[sflag:s14] =	ssyncadd.s32 $0xFFFFF000;
	(pc) =	sbr.rel @p0 .LBB2_6-.Ltmp3, $4  }
0xaf: {  	[spmem:s3] =	stream.indirect.scatter.add.f32 [tilespmem:s30], [sflag:$0x7], $0x20, s25, s15, $0xb8;
	[tilespmem:$0x12200] =	vst v63  }
0xb0: {  	_ =	swait.ge [sflag:s29], $0x1000  }
0xb1: {  	[sflag:s29] =	ssyncset.done $0x0  }
0xb2: {  	[sflag:s29] =	ssyncadd.s32 $0xFFFFF000  }
0xb3: {  	s11 =	sadd.s32 $0x500, s9  }
0xb4: {  	[tilespmem:s19], [sflag:$0x3] =	stream.indirect.gather [hbm4b:s10+s15], $0x20, s11, s15, $0xb8;
	[tilespmem:$0x12200] =	vst v63  }
0xb5: {  	_ =	swait.ge [sflag:s18], $0x1000  }
0xb6: {  	[sflag:s18] =	ssyncset.done $0x0  }
0xb7: {  	s23 =	sadd.s32 $0x2B80, s9;
	[sflag:s18] =	ssyncadd.s32 $0xFFFFF000  }
0xb8: {  	[spmem:s3] =	stream.indirect.scatter.add.f32 [tilespmem:s0], [sflag:$0x8], $0x20, s23, s15, $0xb8;
	[tilespmem:$0x12200] =	vst v63  }
.Ltmp4:
0xb9: {  	_ = 	snop;
	(pc) =	sbr.rel .LBB2_4-.Ltmp4, $4  }
0xba: {  	_ =	swait.ge [sflag:s31], $0x1000  }
0xbb: {  	[sflag:s31] =	ssyncset.done $0x0  }
0xbc: {  	s25 =	sadd.s32 $0x580, s9;
	s8 =	sadd.s32 $0x1000, s8;
	[sflag:s31] =	ssyncadd.s32 $0xFFFFF000  }
0xbd: {  	[tilespmem:s21], [sflag:$0x4] =	stream.indirect.gather [hbm4b:s10+s15], $0x20, s25, s15, $0xb8;
	[tilespmem:$0x12200] =	vst v63  }
.LBB2_7:
0xbe: {  	_ =	sfence.sel $0x180000  }
0xbf: {  	[bflag:$0x0] =	sbarrier.arrive $0xFFFF  }
0xc0: {  	_ =	strace $0x90000050  }
0xc1: {  	s0 =	stileid.u32;
	[bflag:$0x2] =	sbarrier.arrive $0xFFFF  }
0xc2: {  	p0 =	sne.s32 s0, $0x0;
	s0 =	rddreg [dreg:$0x3]  }
0xc3: {  	s0 =	sadd.s32 @!p0 $0x100000, s0  }
0xc4: {  	[sflag:s0] =	ssyncadd.tile.s32 @!p0 $0x1;
	_ =	shalt  }
.Lfunc_end2:
_tile_overlayer_lowered:
.L_overlay_start_2:
0xc5: {  	(tag) =	ssettag $0x2  }
0xc6: {  	s0 =	rddreg [dreg:$0x0];
	s2 =	stileid.u32  }
0xc7: {  	s1 =	rddreg [dreg:$0x1];
	p0 =	sne.s32 s2, $0x0  }
0xc8: {  	s3 =	rddreg [dreg:$0x2];
	[bflag:$0x3] =	sbarrier.arrive $0xFFFF;
	s2 =	simm.s32 @!p0 $0x1C09  }
0xc9: {  	[timem:s3], [sflag:s2] =	dma.local @!p0 [hbm:s0], s1  }
0xca: {  	s0 =	simm.s32 @!p0 $0x9  }
0xcb: {  	_ =	swait.ge @!p0 [sflag:s0], s1  }
0xcc: {  	s1 =	ssub.s32 @!p0 $0x0, s1;
	[sflag:s0] =	ssyncset.done @!p0 $0x0  }
0xcd: {  	[sflag:s0] =	ssyncadd.s32 @!p0 s1  }
0xce: {  	[bflag:$0x3] =	sbarrier.arrive $0xFFFF  }
0xcf: {  	_ =	shalt  }

// kernel: kernel.9.cloned.1.call-start
scs
__scs_entry_jumppad:
0x0: {  	(pc) =	sbr.rel $0x88, $3  }
0x1: {  	(tag) =	ssettag $0x0;
	lr =	simm.s32 $0x1  }
0x2: {  	[smem:$0x3F9B] =	sst lr;
	_ =	strace $0xD0000000  }
0x3: {  	_ = 	snop  }
0x4: {  	_ = 	snop  }
0x5: {  	_ = 	snop  }
0x6: {  	_ = 	snop  }
0x7: {  	_ = 	snop  }
__scs_overlays_trampoline_lowered:
0x8: {  	[smem:$0x3FAA] =	sst s0  }
0x9: {  	[smem:$0x3FAB] =	sst s1  }
0xa: {  	[smem:$0x3FAC] =	sst s2  }
0xb: {  	[smem:$0x3FAD] =	sst s3  }
0xc: {  	[smem:$0x3FAE] =	sst s4  }
0xd: {  	[smem:$0x3FAF] =	sst s5  }
0xe: {  	[smem:$0x3FB0] =	sst s6  }
0xf: {  	[smem:$0x3FB1] =	sst s7  }
0x10: {  	[smem:$0x3FB2] =	sst s8  }
0x11: {  	[smem:$0x3FB3] =	sst s9;
	s0 =	simm.s32 @!p0 $0x0  }
0x12: {  	s1 =	sld [smem:$0x3F99];
	s0 =	simm.s32 @p0 $0x1  }
0x13: {  	[smem:$0x3FB4] =	sst s0;
	s0 =	simm.s32 @!p1 $0x0  }
0x14: {  	s2 =	sld [smem:$0x3F98];
	s0 =	simm.s32 @p1 $0x1  }
0x15: {  	[smem:$0x3FB5] =	sst s0;
	s0 =	simm.s32 @!p2 $0x0  }
0x16: {  	s3 =	sld [smem:$0x3FDB];
	s0 =	simm.s32 @p2 $0x1  }
0x17: {  	s4 =	simm.s32 $0x1BF5;
	[smem:$0x3FB7] =	sst s0  }
0x18: {  	s0 =	sld [smem:$0x3F9A];
	_ =	swait.ge [sflag:s4], $0x0  }
0x19: {  	s7 =	sld [smem:$0x3F9B]  }
0x1a: {  	s8 =	sadd.s32 $0xFFFFE003, lr  }
0x1b: {  	s9 =	sadd.s32 $0xFFFFFEF7, lr;
	s5 =	simm.s32 $0xFFFFFFFF;
	p2 =	slt.u32 s8, $0xFFFFF086  }
0x1c: {  	p1 =	slt.u32 s9, $0xF7A;
	s5 =	simm.s32 @!p2 $0x0  }
0x1d: {  	s5 =	simm.s32 @p1 $0x1;
	p0 =	seq.s32 s7, s2  }
0x1e: {  	s7 =	smul.u32 @!p0 $0xF7A, s2;
	p2 =	seq.s32 @!p0 s5, $0x0  }
0x1f: {  	s9 =	smul.u32 $0xF7A, s1;
	s8 =	simm.s32 @!p0 $0x1BF5;
	p2 =	por !p2, p0  }
0x20: {  	[sflag:s8] =	ssyncset.s32 @!p0 $0xFFFFF086;
	s6 =	sadd.s32 @!p0 s3, s7;
	s7 =	simm.s32 @!p0 $0x108  }
0x21: {  	s3 =	sadd.s32 s3, s9;
	s6 =	sadd.s32 @!p0 $0x88, s6;
	s7 =	simm.s32 @p2 $0x1082  }
0x22: {  	[simem:s7], [sflag:s8] =	dma.local @!p0 [hbm:s6], $0xF7A  }
0x23: {  	s9 =	sor.u32 $0xD0000000, s2;
	s6 =	simm.s32 $0x108;
	_ =	swait.ge @!p0 [sflag:s8], $0x0  }
0x24: {  	s3 =	sadd.s32 $0x88, s3;
	s6 =	simm.s32 @!p1 $0x1082;
	[sflag:s4] =	ssyncset.s32 $0xFFFFF086  }
0x25: {  	[simem:s6], [sflag:s4] =	dma.local [hbm:s3], $0xF7A  }
0x26: {  	[smem:$0x3F9B] =	sst s1;
	(tag) =	ssettag s2;
	_ =	strace s9  }
0x27: {  	s1 =	sld [smem:$0x3FAB]  }
0x28: {  	s2 =	sld [smem:$0x3FAC]  }
0x29: {  	s4 =	sld [smem:$0x3FAE]  }
0x2a: {  	p0 =	seq.s32 s5, $0x0;
	s5 =	sld [smem:$0x3FAF]  }
0x2b: {  	s6 =	sld [smem:$0x3FB0]  }
0x2c: {  	s7 =	sld [smem:$0x3FB1]  }
0x2d: {  	s3 =	simm.s32 $0x108;
	s8 =	sld [smem:$0x3FB2]  }
0x2e: {  	s3 =	simm.s32 @!p0 $0x1082;
	s9 =	sld [smem:$0x3FB3]  }
0x2f: {  	lr =	sadd.s32 s0, s3;
	s0 =	sld [smem:$0x3FAA]  }
0x30: {  	s3 =	sld [smem:$0x3FAD]  }
0x31: {  	[smem:$0x3FB6] =	sst s10  }
0x32: {  	s10 =	sld [smem:$0x3FB4];
	_ =	sdelay $0x3  }
0x33: {  	p0 =	seq.s32 s10, $0x1;
	s10 =	sld [smem:$0x3FB6];
	_ =	sdelay $0x3  }
0x34: {  	[smem:$0x3FB6] =	sst s10  }
0x35: {  	s10 =	sld [smem:$0x3FB5];
	_ =	sdelay $0x3  }
0x36: {  	p1 =	seq.s32 s10, $0x1;
	s10 =	sld [smem:$0x3FB6];
	_ =	sdelay $0x3  }
0x37: {  	[smem:$0x3FB6] =	sst s10  }
0x38: {  	s10 =	sld [smem:$0x3FB7]  }
0x39: {  	_ = 	snop;
	(pc) =	sbr.ind lr, $3  }
0x3a: {  	_ = 	snop  }
0x3b: {  	_ = 	snop  }
0x3c: {  	p2 =	seq.s32 s10, $0x1;
	s10 =	sld [smem:$0x3FB6]  }
0x3d: {  	_ =	shalt  }
0x3e: {  	_ =	shalt  }
0x3f: {  	_ =	shalt  }
0x40: {  	_ =	shalt  }
0x41: {  	_ =	shalt  }
0x42: {  	_ =	shalt  }
0x43: {  	_ =	shalt  }
0x44: {  	_ =	shalt  }
0x45: {  	_ =	shalt  }
0x46: {  	_ =	shalt  }
0x47: {  	_ =	shalt  }
0x48: {  	_ =	shalt  }
0x49: {  	_ =	shalt  }
0x4a: {  	_ =	shalt  }
0x4b: {  	_ =	shalt  }
0x4c: {  	_ =	shalt  }
0x4d: {  	_ =	shalt  }
0x4e: {  	_ =	shalt  }
0x4f: {  	_ =	shalt  }
0x50: {  	_ =	shalt  }
0x51: {  	_ =	shalt  }
0x52: {  	_ =	shalt  }
0x53: {  	_ =	shalt  }
0x54: {  	_ =	shalt  }
0x55: {  	_ =	shalt  }
0x56: {  	_ =	shalt  }
0x57: {  	_ =	shalt  }
0x58: {  	_ =	shalt  }
0x59: {  	_ =	shalt  }
0x5a: {  	_ =	shalt  }
0x5b: {  	_ =	shalt  }
0x5c: {  	_ =	shalt  }
0x5d: {  	_ =	shalt  }
0x5e: {  	_ =	shalt  }
0x5f: {  	_ =	shalt  }
0x60: {  	_ =	shalt  }
0x61: {  	_ =	shalt  }
0x62: {  	_ =	shalt  }
0x63: {  	_ =	shalt  }
0x64: {  	_ =	shalt  }
0x65: {  	_ =	shalt  }
0x66: {  	_ =	shalt  }
0x67: {  	_ =	shalt  }
0x68: {  	_ =	shalt  }
0x69: {  	_ =	shalt  }
0x6a: {  	_ =	shalt  }
0x6b: {  	_ =	shalt  }
0x6c: {  	_ =	shalt  }
0x6d: {  	_ =	shalt  }
0x6e: {  	_ =	shalt  }
0x6f: {  	_ =	shalt  }
0x70: {  	_ =	shalt  }
0x71: {  	_ =	shalt  }
0x72: {  	_ =	shalt  }
0x73: {  	_ =	shalt  }
0x74: {  	_ =	shalt  }
0x75: {  	_ =	shalt  }
0x76: {  	_ =	shalt  }
0x77: {  	_ =	shalt  }
0x78: {  	_ =	shalt  }
0x79: {  	_ =	shalt  }
0x7a: {  	_ =	shalt  }
0x7b: {  	_ =	shalt  }
0x7c: {  	_ =	shalt  }
0x7d: {  	_ =	shalt  }
0x7e: {  	_ =	shalt  }
0x7f: {  	_ =	shalt  }
0x80: {  	_ =	shalt  }
0x81: {  	_ =	shalt  }
0x82: {  	_ =	shalt  }
0x83: {  	_ =	shalt  }
0x84: {  	_ =	shalt  }
0x85: {  	_ =	shalt  }
0x86: {  	_ =	shalt  }
0x87: {  	_ =	shalt  }
.Lfunc_end0:
.L_simem_size_0:
called_computation_lowered:
.L_overlay_start_0:
0x88: {  	s2 =	sld [smem:$0x3FD9]  }
0x89: {  	s3 =	sld [smem:$0x3FFE];
	_ =	sdelay $0x1  }
0x8a: {  	s1 =	srdreg.scid  }
0x8b: {  	s0 =	sand.u32 $0x1, s1  }
0x8c: {  	s17 =	sshll.u32 s0, $0xA;
	s2 =	sadd.s32 s3, s2  }
0x8d: {  	s2 =	sadd.s32 s2, s17  }
0x8e: {  	[smem:$0x3FC2] =	sst s2  }
0x8f: {  	_ = 	snop  }
0x90: {  	s2 =	sld [smem:$0x3FD0];
	(tm) =	ssettm $0x1  }
0x91: {  	s18 =	sld [smem:$0x3FFB];
	_ =	sdelay $0x3  }
0x92: {  	_ =	strace s18  }
0x93: {  	s3 =	sld [smem:$0x3FFC];
	_ =	sdelay $0x3  }
0x94: {  	_ =	strace s3  }
0x95: {  	s3 =	sld [smem:$0x3FFD];
	_ =	sdelay $0x3  }
0x96: {  	_ =	strace s3  }
0x97: {  	_ =	strace $0x8FFFFFFF  }
0x98: {  	s19 =	sld [smem:$0x3FDB];
	_ =	sdelay $0x1  }
0x99: {  	s4 =	simm.s32 $_scs_section_size  }
0x9a: {  	s5 =	simm.s32 $_size__tile_overlayer_lowered;
	s6 =	simm.s32 $_tile_overlayer_lowered  }
0x9b: {  	s22 =	simm.s32 $0x1BFF;
	s21 =	sshll.u32 s6, $0x1;
	s3 =	sadd.s32 s4, s19  }
0x9c: {  	s7 =	simm.s32 $0x0;
	s20 =	sshll.u32 s5, $0x1;
	s5 =	sadd.s32 s21, s3  }
0x9d: {  	[timem:s7], [sflag:s22] =	dma.local [hbm:s5], s20  }
0x9e: {  	_ =	swait.ge [sflag:s22], s20  }
0x9f: {  	s4 =	ssub.s32 $0x0, s20;
	[sflag:s22] =	ssyncset.done $0x0  }
0xa0: {  	[sflag:s22] =	ssyncadd.s32 s4;
	_ =	sdelay $0x1  }
0xa1: {  	s23 =	simm.s32 $0x1B8B  }
0xa2: {  	_ =	swait.ge [sflag:s23], $0x1  }
0xa3: {  	[sflag:s23] =	ssyncset.done $0x0  }
0xa4: {  	s25 =	simm.s32 $0x1B8E;
	s24 =	sld [smem:$0x3FFE];
	[sflag:s23] =	ssyncadd.s32 $0xFFFFFFFF  }
0xa5: {  	s26 =	simm.s32 $execute0_lowered;
	[smem:$0x3FD2] =	sst s25  }
0xa6: {  	s5 =	sshll.u32 s26, $0x1;
	_ =	strace $0x80000046;
	[dreg:$0x1] =	wrdreg $0xFFFFFFFF  }
0xa7: {  	s28 =	simm.s32 $_size_execute0_lowered;
	s3 =	sadd.s32 s3, s5;
	[dreg:$0x0] =	wrdreg $0x0  }
0xa8: {  	s5 =	sshll.u32 s28, $0x1;
	[dreg:$0x2] =	wrdreg s3  }
0xa9: {  	[dreg:$0x3] =	wrdreg s5  }
0xaa: {  	[dreg:$0x4] =	wrdreg $0xC0  }
0xab: {  	_ =	task [dreg:s7], $0x5FFFF  }
0xac: {  	[dreg:$0x1] =	wrdreg $0xFFFFFFFF  }
0xad: {  	[dreg:$0x0] =	wrdreg $0x60  }
0xae: {  	[dreg:$0x2] =	wrdreg s24  }
0xaf: {  	[dreg:$0x3] =	wrdreg s2  }
0xb0: {  	[dreg:$0x4] =	wrdreg $0x24000  }
0xb1: {  	[dreg:$0x5] =	wrdreg $0x9  }
0xb2: {  	_ =	task.clear_ibuf [dreg:s7], $0x6FFFF;
	_ =	strace $0x90000046  }
0xb3: {  	s29 =	simm.s32 $0x9;
	_ =	strace $0x80000048  }
0xb4: {  	_ =	swait.ge [sflag:s29], $0x1  }
0xb5: {  	[sflag:s29] =	ssyncadd.s32 $0xFFFFFFFF  }
0xb6: {  	_ =	strace $0x90000048  }
0xb7: {  	_ =	sfence  }
0xb8: {  	s30 =	sld [smem:$0x0];
	_ =	sdelay $0x2  }
0xb9: {  	s31 =	sshll.u32 s1, $0xD;
	s1 =	sshrl.u32 s1, $0x2  }
0xba: {  	s3 =	sand.u32 $0x4000, s31;
	s1 =	sadd.s32 s1, s30  }
0xbb: {  	s0 =	sor.u32 s3, s0;
	s1 =	sshll.u32 s1, $0x11  }
0xbc: {  	s0 =	sor.u32 s1, s0  }
0xbd: {  	s0 =	sadd.s32 $0x8F2B, s0  }
0xbe: {  	[sflag:s0] =	ssyncadd.remote.s32 $0x1  }
0xbf: {  	_ =	sfence.sel $0xFFFF  }
0xc0: {  	[dreg:$0x0] =	wrdreg $0xFFFFFFFF;
	(pc) =	sbr.abs _section_cstart, $3  }
0xc1: {  	[dreg:$0x1] =	wrdreg $0xFFFFFFFF  }
0xc2: {  	_ =	task.clear_ibuf [dreg:s7], $0x2FFFF;
	_ =	strace $0x9FFFFFFF  }
0xc3: {  	(tm) =	ssettm $0x7FFFFFFF  }
tec
execute0_lowered:
.L_overlay_start_1:
0x0: {  	(tag) =	ssettag $0x1  }
0x1: {  	s4 =	rddreg [dreg:$0x0]  }
0x2: {  	s6 =	rddreg [dreg:$0x1];
	s1 =	srdreg.scid  }
0x3: {  	s0 =	stileid.u32;
	s2 =	rddreg [dreg:$0x2];
	s3 =	simm.s32 $0x0  }
0x4: {  	s11 =	simm.s32 $0x1C00;
	s12 =	simm.s32 $0x1;
	s13 =	simm.s32 $0x80  }
0x5: {  	s5 =	sand.u32 $0x1, s1;
	s1 =	rddreg [dreg:$0x3];
	s9 =	smul.u32 $0xA000, s0  }
0x6: {  	s7 =	sshll.u32 s0, $0x1;
	[smem:$0x7FF] =	sst s3;
	s31 =	smul.u32 $0x2800, s0  }
0x7: {  	s16 =	sshll.u32 s0, $0x6;
	s7 =	sor.u32 s5, s7;
	_ =	strace $0x80000047  }
0x8: {  	s8 =	ssub.s32 $0x2, s5;
	s10 =	smul.u32 $0x5000, s5;
	s16 =	sor.u32 $0x1C01, s16  }
0x9: {  	s7 =	smul.u32 $0x280, s7;
	s29 =	sshrl.u32 s8, $0x1;
	s30 =	sshrl.u32 s9, $0x2  }
0xa: {  	s15 =	sshrl.u32 s31, $0x3;
	s17 =	sadd.s32 s31, s2;
	s8 =	ssub.s32 s8, s29  }
0xb: {  	s14 =	sadd.s32 s6, s10;
	s17 =	sshrl.u32 s17, $0x3;
	s7 =	sadd.s32 s7, s4  }
0xc: {  	s4 =	sadd.s32 s30, s2;
	s6 =	smax.u32 s8, $0x1;
	s14 =	sadd.s32 s15, s14  }
0xd: {  	s15 =	simm.s32 $0x1400;
	s5 =	sadd.s32 $0x1A00, s7;
	s7 =	sadd.s32 $0x800, s4  }
0xe: {  	v0 =	vimm.f32 $1.000000000e+00;
	v1 =	vimm.f32 $0.0e+00;
	s8 =	sadd.s32 $0x1000, s4;
	s9 =	sadd.s32 $0x1800, s4;
	s10 =	sadd.s32 $0x2000, s4  }
.LBB2_1:
0xf: {  	s18 =	simm.s32 $0x0  }
.LBB2_2:
0x10: {  	p0 =	sne.s32 s18, $0x1FC0  }
.Ltmp0:
0x11: {  	_ = 	snop;
	(pc) =	sbr.rel @p0 .LBB2_2-.Ltmp0, $3  }
0x12: {  	_ =	sdelay $0x1  }
0x13: {  	s19 =	sshra.s32 s18, $0x2  }
0x14: {  	s18 =	sadd.s32 $0x40, s18;
	[tilespmem:s19+$0x1400] =	vst v0  }
0x15: {  	s18 =	simm.s32 $0x40;
	s19 =	simm.s32 $0x0  }
.LBB2_4:
0x16: {  	p0 =	sne.s32 s18, $0x1FC0;
	[tilespmem:s19+$0x1C00] =	vst v1;
	s19 =	smov.u32 s18;
	s18 =	sadd.s32 $0x40, s18  }
.Ltmp1:
0x17: {  	(pc) =	sbr.rel @p0 .LBB2_4-.Ltmp1, $2  }
0x18: {  	_ =	sdelay $0x2  }
0x19: {  	s19 =	sshra.s32 s19, $0x2  }
0x1a: {  	[tilespmem:s19+$0x1C00] =	vst v1  }
0x1b: {  	[spmem:s4] =	stream.linear.scatter [tilespmem:s11], [sflag:$0x1], $0x800, $0x38;
	[tilespmem:$0x4C00] =	vst v63  }
0x1c: {  	_ =	swait.ge [sflag:s12], $0x800  }
0x1d: {  	[sflag:s12] =	ssyncset.done $0x0  }
0x1e: {  	[sflag:s12] =	ssyncadd.s32 $0xFFFFF800  }
0x1f: {  	[spmem:s7] =	stream.linear.scatter [tilespmem:s11], [sflag:$0x1], $0x800, $0x38;
	[tilespmem:$0x4C00] =	vst v63  }
0x20: {  	_ =	swait.ge [sflag:s12], $0x800  }
0x21: {  	[sflag:s12] =	ssyncset.done $0x0  }
0x22: {  	[sflag:s12] =	ssyncadd.s32 $0xFFFFF800  }
0x23: {  	[spmem:s8] =	stream.linear.scatter [tilespmem:s11], [sflag:$0x1], $0x800, $0x38;
	[tilespmem:$0x4C00] =	vst v63  }
0x24: {  	_ =	swait.ge [sflag:s12], $0x800  }
0x25: {  	[sflag:s12] =	ssyncset.done $0x0  }
0x26: {  	[sflag:s12] =	ssyncadd.s32 $0xFFFFF800  }
0x27: {  	[spmem:s9] =	stream.linear.scatter [tilespmem:s11], [sflag:$0x1], $0x800, $0x38;
	[tilespmem:$0x4C00] =	vst v63  }
0x28: {  	_ =	swait.ge [sflag:s12], $0x800  }
0x29: {  	[sflag:s12] =	ssyncset.done $0x0  }
0x2a: {  	[sflag:s12] =	ssyncadd.s32 $0xFFFFF800  }
0x2b: {  	[spmem:s10] =	stream.linear.scatter [tilespmem:s11], [sflag:$0x1], $0x800, $0x38;
	[tilespmem:$0x4C00] =	vst v63  }
0x2c: {  	_ =	swait.ge [sflag:s12], $0x800  }
0x2d: {  	[sflag:s12] =	ssyncset.done $0x0  }
0x2e: {  	[sflag:s12] =	ssyncadd.s32 $0xFFFFF800  }
0x2f: {  	s18 =	simm.s32 $0x0;
	[bflag:$0x0] =	sbarrier.arrive $0xFFFF  }
0x30: {  	[tilespmem:s18], [sflag:$0x1] =	stream.linear.gather [hbm4b:s5+s18], $0x1400, $0x38;
	[tilespmem:$0x4C00] =	vst v63  }
0x31: {  	_ =	swait.ge [sflag:s12], $0x1400  }
0x32: {  	[sflag:s12] =	ssyncset.done $0x0  }
0x33: {  	s31 =	simm.s32 $0x0;
	[sflag:s12] =	ssyncadd.s32 $0xFFFFEC00  }
0x34: {  	[spmem:s2] =	stream.indirect.scatter.add.f32 [tilespmem:s15], [sflag:$0x1], $0x10, s31, s13, $0xb8;
	[tilespmem:$0x4C00] =	vst v63  }
0x35: {  	_ =	swait.ge [sflag:s12], $0x800  }
0x36: {  	s18 =	simm.s32 $0x200;
	[sflag:s12] =	ssyncset.done $0x0  }
.LBB2_6:
0x37: {  	s19 =	sshra.s32 s18, $0x2;
	[sflag:s12] =	ssyncadd.s32 $0xFFFFF800;
	p0 =	sne.s32 s18, $0x4E00  }
0x38: {  	[spmem:s2] =	stream.indirect.scatter.add.f32 [tilespmem:s15], [sflag:$0x1], $0x10, s19, s13, $0xb8;
	[tilespmem:$0x4C00] =	vst v63  }
.Ltmp2:
0x39: {  	_ = 	snop;
	(pc) =	sbr.rel @p0 .LBB2_6-.Ltmp2, $4  }
0x3a: {  	_ = 	snop  }
0x3b: {  	s18 =	sadd.s32 $0x200, s18  }
0x3c: {  	_ =	swait.ge [sflag:s12], $0x800  }
0x3d: {  	[sflag:s12] =	ssyncset.done $0x0  }
0x3e: {  	s3 =	sadd.s32 $0x1, s3  }
0x3f: {  	[sflag:s12] =	ssyncadd.s32 $0xFFFFF800;
	p0 =	sne.s32 s3, s6  }
.Ltmp3:
0x40: {  	[bflag:$0x0] =	sbarrier.arrive $0xFFFF;
	(pc) =	sbr.rel @p0 .LBB2_1-.Ltmp3, $4  }
0x41: {  	[hbm:s14], [sflag:s16] =	dma.local [spmem:s17], $0x500  }
0x42: {  	_ =	swait.ge [sflag:s12], $0x500  }
0x43: {  	[sflag:s12] =	ssyncset.done $0x0  }
0x44: {  	[sflag:s12] =	ssyncadd.s32 $0xFFFFFB00  }
0x45: {  	_ =	sfence.sel $0x180000  }
0x46: {  	[bflag:$0x0] =	sbarrier.arrive $0xFFFF  }
0x47: {  	p0 =	sne.s32 s0, $0x0;
	_ =	strace $0x90000047  }
0x48: {  	s0 =	sadd.s32 @!p0 $0x100000, s1;
	[bflag:$0x2] =	sbarrier.arrive $0xFFFF  }
0x49: {  	[sflag:s0] =	ssyncadd.tile.s32 @!p0 $0x1;
	_ =	shalt  }
.Lfunc_end2:
_tile_overlayer_lowered:
.L_overlay_start_2:
0x4a: {  	(tag) =	ssettag $0x2  }
0x4b: {  	s0 =	rddreg [dreg:$0x0];
	s2 =	stileid.u32  }
0x4c: {  	s1 =	rddreg [dreg:$0x1];
	p0 =	sne.s32 s2, $0x0  }
0x4d: {  	s3 =	rddreg [dreg:$0x2];
	[bflag:$0x3] =	sbarrier.arrive $0xFFFF;
	s2 =	simm.s32 @!p0 $0x1C01  }
0x4e: {  	[timem:s3], [sflag:s2] =	dma.local @!p0 [hbm:s0], s1  }
0x4f: {  	s0 =	simm.s32 @!p0 $0x1  }
0x50: {  	_ =	swait.ge @!p0 [sflag:s0], s1  }
0x51: {  	s1 =	ssub.s32 @!p0 $0x0, s1;
	[sflag:s0] =	ssyncset.done @!p0 $0x0  }
0x52: {  	[sflag:s0] =	ssyncadd.s32 @!p0 s1  }
0x53: {  	[bflag:$0x3] =	sbarrier.arrive $0xFFFF  }
0x54: {  	_ =	shalt  }

</sc_bundles>
